<compile_context>
chip_gen: v7x
topology: tpu7x:2x2x1
jax: 0.10.2.dev20260603
libtpu: 0.0.44.dev20260713+nightly
codegen_flags: <defaults>
</compile_context>

<pallas_src>
import functools

import jax
import jax.numpy as jnp
from jax import lax
from jax.experimental import pallas as pl
from jax.experimental.pallas import tpu as pltpu
from jax.experimental.pallas import tpu_sc as plsc

_N_FIELDS = 26
_FIELD_DIM = 100000
_UNIFIED_DIM = 32
_BATCH = 4096
_TOTAL = _BATCH * _N_FIELDS
_NC, _NS = 2, 16
_NW = _NC * _NS
_PER_W = _TOTAL // _NW
_CHUNK = 128
_N_CHUNK = _PER_W // _CHUNK
_SUB = _CHUNK // 16


def _build_sc_kernel():
    mesh = plsc.VectorSubcoreMesh(core_axis_name="c", subcore_axis_name="s")

    @functools.partial(
        pl.kernel,
        mesh=mesh,
        out_type=jax.ShapeDtypeStruct((_TOTAL, _UNIFIED_DIM), jnp.float32),
        scratch_types=[
            pltpu.VMEM((_N_CHUNK, _CHUNK), jnp.int32),
            pltpu.VMEM((_N_CHUNK, _CHUNK), jnp.int32),
            pltpu.VMEM((_PER_W, _UNIFIED_DIM), jnp.float32),
            pltpu.SemaphoreType.DMA,
        ],
        compiler_params=pltpu.CompilerParams(use_tc_tiling_on_sc=False),
    )
    def sc_gather(x_hbm, w_hbm, off_hbm, out_hbm, idx_v, off_v, rows_v, sem):
        wid = lax.axis_index("s") * _NC + lax.axis_index("c")
        pltpu.sync_copy(x_hbm.at[wid], idx_v)
        pltpu.sync_copy(off_hbm, off_v)
        copies = []
        for i in range(_N_CHUNK):
            for j in range(_SUB):
                sl = pl.ds(j * 16, 16)
                idx_v[i, sl] = idx_v[i, sl] + off_v[i, sl]
            c = pltpu.make_async_copy(
                w_hbm.at[idx_v.at[i]],
                rows_v.at[pl.ds(i * _CHUNK, _CHUNK)],
                sem,
            )
            c.start()
            copies.append(c)
        for c in copies:
            c.wait()
        pltpu.sync_copy(rows_v, out_hbm.at[pl.ds(wid * _PER_W, _PER_W)])

    return sc_gather


_SC_GATHER = _build_sc_kernel()


@jax.jit
def kernel(x_batch, W, embed_offsets):
    x_view = x_batch.reshape(_NW, _N_CHUNK, _CHUNK)
    off_pad = jnp.concatenate(
        [jnp.zeros((1,), jnp.int32), embed_offsets.astype(jnp.int32)]
    )
    off_pattern = jnp.tile(off_pad, _PER_W // _N_FIELDS).reshape(
        _N_CHUNK, _CHUNK
    )
    out = _SC_GATHER(x_view, W, off_pattern)
    return out.reshape(_BATCH, _N_FIELDS * _UNIFIED_DIM)

# --- scband reference (transcript-rebuilt; emitter-appended) ---
"""Pipeline reference for scband-encoder-36438502539605 (READ-ONLY COPY).

The authoritative reference and input builder live on the scoring server;
editing this copy changes nothing except your own understanding.
"""

import jax, jax.numpy as jnp
import numpy as np

N_FIELDS = 26
FIELD_DIM = 100000
UNIFIED_DIM = 32
BATCH = 4096
TOTAL_ROWS = N_FIELDS * FIELD_DIM


def setup_inputs(seed: int = 0) -> dict:
    key = jax.random.key(seed)
    k1, k2 = jax.random.split(key)
    # categorical indices, each column in [0, FIELD_DIM)
    x_batch = jax.random.randint(k1, (BATCH, N_FIELDS), 0, FIELD_DIM, dtype=jnp.int32)
    # unified fast-embed table: Embedding(sum(input_dims), unified_dim), default normal init
    W = jax.random.normal(k2, (TOTAL_ROWS, UNIFIED_DIM), dtype=jnp.float32)
    # embed_dims_cumsum buffer: input_dims.cumsum()[:-1] -> offsets added to columns 1..F-1
    embed_offsets = jnp.cumsum(jnp.full((N_FIELDS,), FIELD_DIM, dtype=jnp.int32))[:-1]
    return {"x_batch": x_batch, "W": W, "embed_offsets": embed_offsets}


def reference(x_batch, W, embed_offsets):
    # Encoder.forward, fast-embed path, no one-hot columns, no cache, no dropout.
    # categorical_columns = x_batch[..., tgt_columns]  (all columns here)
    # indices[..., 1:] += embed_dims_cumsum  -> shift each field into its row range of the unified table
    idx = x_batch.at[..., 1:].add(embed_offsets)
    # F.embedding(column, weights) on the unified table
    emb = jnp.take(W, idx, axis=0)  # [B, F, D]
    # flatten field embeddings to merged embedding_dim = F * D
    embedding = emb.reshape(emb.shape[0], N_FIELDS * UNIFIED_DIM)
    # EncodingResult(one_hot=None, embedding=embedding).merged == embedding
    return embedding

if __name__ == "__main__":
    import jax
    _d = setup_inputs()
    print(jax.jit(kernel)(*tuple(_d.values())))

</pallas_src>

<mosaic_0001>
#map = affine_map<(d0, d1) -> (0, 0, 0)>
#map1 = affine_map<(d0, d1) -> (0, 0)>
module attributes {stable_mosaic.version = 14 : i64} {
  func.func @sc_gather(%arg0: i32, %arg1: i32, %arg2: memref<32x26x128xi32, #tpu.memory_space<hbm>>, %arg3: memref<2600000x32xf32, #tpu.memory_space<hbm>>, %arg4: memref<26x128xi32, #tpu.memory_space<hbm>>, %arg5: memref<106496x32xf32, #tpu.memory_space<hbm>>, %arg6: memref<26x128xi32, #tpu.memory_space<vmem>>, %arg7: memref<26x128xi32, #tpu.memory_space<vmem>>, %arg8: memref<3328x32xf32, #tpu.memory_space<vmem>>, %arg9: memref<!tpu.dma_semaphore, #tpu.memory_space<semaphore_mem>>) attributes {dimension_semantics = [#tpu.dimension_semantics<core_parallel>, #tpu.dimension_semantics<subcore_parallel>], iteration_bounds = array<i64: 2, 16>, scalar_prefetch = 0 : i64, scratch_operands = 4 : i64, tpu.core_type = #tpu.core_type<sc_vector_subcore>, window_params = [{transform_indices = #map}, {transform_indices = #map1}, {transform_indices = #map1}, {transform_indices = #map1}]} {
    %mul3A = arith.constant 2 : i32
    %mul3A_0 = arith.muli %arg1, %mul3A : i32
    %add3A = arith.addi %mul3A_0, %arg0 : i32
    "tpu.region"() ({
      %run_scoped3A = tpu.sem_alloc : memref<!tpu.dma_semaphore, #tpu.memory_space<semaphore_mem>>
      %dma_start3A_4055 = arith.constant 0 : i32
      %dma_start3A_4056 = arith.constant 0 : i32
      %dma_start3A_4057 = tpu.memref_slice %arg2[%add3A, %dma_start3A_4055, %dma_start3A_4056] : memref<32x26x128xi32, #tpu.memory_space<hbm>> -> memref<1x26x128xi32, #tpu.memory_space<hbm>>
      %dma_start3A_4058 = tpu.memref_squeeze %dma_start3A_4057 : memref<1x26x128xi32, #tpu.memory_space<hbm>> -> memref<26x128xi32, #tpu.memory_space<hbm>>
      %dma_start3A_4059 = arith.constant 0 : i32
      %dma_start3A_4060 = arith.constant 0 : i32
      %dma_start3A_4061 = tpu.memref_slice %arg2[%add3A, %dma_start3A_4059, %dma_start3A_4060] : memref<32x26x128xi32, #tpu.memory_space<hbm>> -> memref<1x26x128xi32, #tpu.memory_space<hbm>>
      %dma_start3A_4062 = tpu.memref_squeeze %dma_start3A_4061 : memref<1x26x128xi32, #tpu.memory_space<hbm>> -> memref<26x128xi32, #tpu.memory_space<hbm>>
      tpu.enqueue_dma source(%dma_start3A_4062 : memref<26x128xi32, #tpu.memory_space<hbm>>) target(%arg6 : memref<26x128xi32, #tpu.memory_space<vmem>>) target_semaphore(%run_scoped3A : memref<!tpu.dma_semaphore, #tpu.memory_space<semaphore_mem>>)
      %dma_wait3A_4063 = arith.constant 0 : i32
      %dma_wait3A_4064 = arith.constant 0 : i32
      %dma_wait3A_4065 = tpu.memref_slice %arg2[%add3A, %dma_wait3A_4063, %dma_wait3A_4064] : memref<32x26x128xi32, #tpu.memory_space<hbm>> -> memref<1x26x128xi32, #tpu.memory_space<hbm>>
      %dma_wait3A_4066 = tpu.memref_squeeze %dma_wait3A_4065 : memref<1x26x128xi32, #tpu.memory_space<hbm>> -> memref<26x128xi32, #tpu.memory_space<hbm>>
      %dma_wait3A_4067 = arith.constant 0 : i32
      %dma_wait3A_4068 = arith.constant 0 : i32
      %dma_wait3A_4069 = tpu.memref_slice %arg2[%add3A, %dma_wait3A_4067, %dma_wait3A_4068] : memref<32x26x128xi32, #tpu.memory_space<hbm>> -> memref<1x26x128xi32, #tpu.memory_space<hbm>>
      %dma_wait3A_4070 = tpu.memref_squeeze %dma_wait3A_4069 : memref<1x26x128xi32, #tpu.memory_space<hbm>> -> memref<26x128xi32, #tpu.memory_space<hbm>>
      tpu.wait_dma2 semaphore(%run_scoped3A : memref<!tpu.dma_semaphore, #tpu.memory_space<semaphore_mem>>) src(%dma_wait3A_4070 : memref<26x128xi32, #tpu.memory_space<hbm>>) dst(%arg6 : memref<26x128xi32, #tpu.memory_space<vmem>>)
      tpu.yield
    }) : () -> ()
    "tpu.region"() ({
      %run_scoped3A = tpu.sem_alloc : memref<!tpu.dma_semaphore, #tpu.memory_space<semaphore_mem>>
      tpu.enqueue_dma source(%arg4 : memref<26x128xi32, #tpu.memory_space<hbm>>) target(%arg7 : memref<26x128xi32, #tpu.memory_space<vmem>>) target_semaphore(%run_scoped3A : memref<!tpu.dma_semaphore, #tpu.memory_space<semaphore_mem>>)
      tpu.wait_dma2 semaphore(%run_scoped3A : memref<!tpu.dma_semaphore, #tpu.memory_space<semaphore_mem>>) src(%arg4 : memref<26x128xi32, #tpu.memory_space<hbm>>) dst(%arg7 : memref<26x128xi32, #tpu.memory_space<vmem>>)
      tpu.yield
    }) : () -> ()
    %get3A = arith.constant 0 : i32
    %get3A_1 = arith.index_cast %get3A : i32 to index
    %get3A_2 = arith.constant 0 : index
    %get3A_3 = tpu.vector_load %arg6[%get3A_1, %get3A_2] {strides = array<i32>} : memref<26x128xi32, #tpu.memory_space<vmem>>, vector<1x16xi32>,
    %get3A_4 = vector.shape_cast %get3A_3 : vector<1x16xi32> to vector<16xi32>
    %get3A_5 = arith.constant 0 : i32
    %get3A_6 = arith.index_cast %get3A_5 : i32 to index
    %get3A_7 = arith.constant 0 : index
    %get3A_8 = tpu.vector_load %arg7[%get3A_6, %get3A_7] {strides = array<i32>} : memref<26x128xi32, #tpu.memory_space<vmem>>, vector<1x16xi32>,
    %get3A_9 = vector.shape_cast %get3A_8 : vector<1x16xi32> to vector<16xi32>
    %add3A_10 = arith.addi %get3A_4, %get3A_9 : vector<16xi32>
    %swap3A = arith.constant 0 : i32
    %swap3A_11 = arith.index_cast %swap3A : i32 to index
    %swap3A_12 = arith.constant 0 : index
    %swap3A_13 = tpu.vector_load %arg6[%swap3A_11, %swap3A_12] {strides = array<i32>} : memref<26x128xi32, #tpu.memory_space<vmem>>, vector<1x16xi32>,
    %swap3A_14 = vector.shape_cast %swap3A_13 : vector<1x16xi32> to vector<16xi32>
    %swap3A_15 = vector.shape_cast %add3A_10 : vector<16xi32> to vector<1x16xi32>
    tpu.vector_store %arg6[%swap3A_11, %swap3A_12], %swap3A_15 {strides = array<i32>} : memref<26x128xi32, #tpu.memory_space<vmem>>, vector<1x16xi32>,
    %get3A_16 = arith.constant 0 : i32
    %get3A_17 = arith.index_cast %get3A_16 : i32 to index
    %get3A_18 = arith.constant 16 : index
    %get3A_19 = tpu.vector_load %arg6[%get3A_17, %get3A_18] {strides = array<i32>} : memref<26x128xi32, #tpu.memory_space<vmem>>, vector<1x16xi32>,
    %get3A_20 = vector.shape_cast %get3A_19 : vector<1x16xi32> to vector<16xi32>
    %get3A_21 = arith.constant 0 : i32
    %get3A_22 = arith.index_cast %get3A_21 : i32 to index
    %get3A_23 = arith.constant 16 : index
    %get3A_24 = tpu.vector_load %arg7[%get3A_22, %get3A_23] {strides = array<i32>} : memref<26x128xi32, #tpu.memory_space<vmem>>, vector<1x16xi32>,
    %get3A_25 = vector.shape_cast %get3A_24 : vector<1x16xi32> to vector<16xi32>
    %add3A_26 = arith.addi %get3A_20, %get3A_25 : vector<16xi32>
    %swap3A_27 = arith.constant 0 : i32
    %swap3A_28 = arith.index_cast %swap3A_27 : i32 to index
    %swap3A_29 = arith.constant 16 : index
    %swap3A_30 = tpu.vector_load %arg6[%swap3A_28, %swap3A_29] {strides = array<i32>} : memref<26x128xi32, #tpu.memory_space<vmem>>, vector<1x16xi32>,
    %swap3A_31 = vector.shape_cast %swap3A_30 : vector<1x16xi32> to vector<16xi32>
    %swap3A_32 = vector.shape_cast %add3A_26 : vector<16xi32> to vector<1x16xi32>
    tpu.vector_store %arg6[%swap3A_28, %swap3A_29], %swap3A_32 {strides = array<i32>} : memref<26x128xi32, #tpu.memory_space<vmem>>, vector<1x16xi32>,
    %get3A_33 = arith.constant 0 : i32
    %get3A_34 = arith.index_cast %get3A_33 : i32 to index
    %get3A_35 = arith.constant 32 : index
    %get3A_36 = tpu.vector_load %arg6[%get3A_34, %get3A_35] {strides = array<i32>} : memref<26x128xi32, #tpu.memory_space<vmem>>, vector<1x16xi32>,
    %get3A_37 = vector.shape_cast %get3A_36 : vector<1x16xi32> to vector<16xi32>
    %get3A_38 = arith.constant 0 : i32
    %get3A_39 = arith.index_cast %get3A_38 : i32 to index
    %get3A_40 = arith.constant 32 : index
    %get3A_41 = tpu.vector_load %arg7[%get3A_39, %get3A_40] {strides = array<i32>} : memref<26x128xi32, #tpu.memory_space<vmem>>, vector<1x16xi32>,
    %get3A_42 = vector.shape_cast %get3A_41 : vector<1x16xi32> to vector<16xi32>
    %add3A_43 = arith.addi %get3A_37, %get3A_42 : vector<16xi32>
    %swap3A_44 = arith.constant 0 : i32
    %swap3A_45 = arith.index_cast %swap3A_44 : i32 to index
    %swap3A_46 = arith.constant 32 : index
    %swap3A_47 = tpu.vector_load %arg6[%swap3A_45, %swap3A_46] {strides = array<i32>} : memref<26x128xi32, #tpu.memory_space<vmem>>, vector<1x16xi32>,
    %swap3A_48 = vector.shape_cast %swap3A_47 : vector<1x16xi32> to vector<16xi32>
    %swap3A_49 = vector.shape_cast %add3A_43 : vector<16xi32> to vector<1x16xi32>
    tpu.vector_store %arg6[%swap3A_45, %swap3A_46], %swap3A_49 {strides = array<i32>} : memref<26x128xi32, #tpu.memory_space<vmem>>, vector<1x16xi32>,
    %get3A_50 = arith.constant 0 : i32
    %get3A_51 = arith.index_cast %get3A_50 : i32 to index
    %get3A_52 = arith.constant 48 : index
    %get3A_53 = tpu.vector_load %arg6[%get3A_51, %get3A_52] {strides = array<i32>} : memref<26x128xi32, #tpu.memory_space<vmem>>, vector<1x16xi32>,
    %get3A_54 = vector.shape_cast %get3A_53 : vector<1x16xi32> to vector<16xi32>
    %get3A_55 = arith.constant 0 : i32
    %get3A_56 = arith.index_cast %get3A_55 : i32 to index
    %get3A_57 = arith.constant 48 : index
    %get3A_58 = tpu.vector_load %arg7[%get3A_56, %get3A_57] {strides = array<i32>} : memref<26x128xi32, #tpu.memory_space<vmem>>, vector<1x16xi32>,
    %get3A_59 = vector.shape_cast %get3A_58 : vector<1x16xi32> to vector<16xi32>
    %add3A_60 = arith.addi %get3A_54, %get3A_59 : vector<16xi32>
    %swap3A_61 = arith.constant 0 : i32
    %swap3A_62 = arith.index_cast %swap3A_61 : i32 to index
    %swap3A_63 = arith.constant 48 : index
    %swap3A_64 = tpu.vector_load %arg6[%swap3A_62, %swap3A_63] {strides = array<i32>} : memref<26x128xi32, #tpu.memory_space<vmem>>, vector<1x16xi32>,
    %swap3A_65 = vector.shape_cast %swap3A_64 : vector<1x16xi32> to vector<16xi32>
    %swap3A_66 = vector.shape_cast %add3A_60 : vector<16xi32> to vector<1x16xi32>
    tpu.vector_store %arg6[%swap3A_62, %swap3A_63], %swap3A_66 {strides = array<i32>} : memref<26x128xi32, #tpu.memory_space<vmem>>, vector<1x16xi32>,
    %get3A_67 = arith.constant 0 : i32
    %get3A_68 = arith.index_cast %get3A_67 : i32 to index
    %get3A_69 = arith.constant 64 : index
    %get3A_70 = tpu.vector_load %arg6[%get3A_68, %get3A_69] {strides = array<i32>} : memref<26x128xi32, #tpu.memory_space<vmem>>, vector<1x16xi32>,
    %get3A_71 = vector.shape_cast %get3A_70 : vector<1x16xi32> to vector<16xi32>
    %get3A_72 = arith.constant 0 : i32
    %get3A_73 = arith.index_cast %get3A_72 : i32 to index
    %get3A_74 = arith.constant 64 : index
    %get3A_75 = tpu.vector_load %arg7[%get3A_73, %get3A_74] {strides = array<i32>} : memref<26x128xi32, #tpu.memory_space<vmem>>, vector<1x16xi32>,
    %get3A_76 = vector.shape_cast %get3A_75 : vector<1x16xi32> to vector<16xi32>
    %add3A_77 = arith.addi %get3A_71, %get3A_76 : vector<16xi32>
    %swap3A_78 = arith.constant 0 : i32
    %swap3A_79 = arith.index_cast %swap3A_78 : i32 to index
    %swap3A_80 = arith.constant 64 : index
    %swap3A_81 = tpu.vector_load %arg6[%swap3A_79, %swap3A_80] {strides = array<i32>} : memref<26x128xi32, #tpu.memory_space<vmem>>, vector<1x16xi32>,
    %swap3A_82 = vector.shape_cast %swap3A_81 : vector<1x16xi32> to vector<16xi32>
    %swap3A_83 = vector.shape_cast %add3A_77 : vector<16xi32> to vector<1x16xi32>
    tpu.vector_store %arg6[%swap3A_79, %swap3A_80], %swap3A_83 {strides = array<i32>} : memref<26x128xi32, #tpu.memory_space<vmem>>, vector<1x16xi32>,
    %get3A_84 = arith.constant 0 : i32
    %get3A_85 = arith.index_cast %get3A_84 : i32 to index
    %get3A_86 = arith.constant 80 : index
    %get3A_87 = tpu.vector_load %arg6[%get3A_85, %get3A_86] {strides = array<i32>} : memref<26x128xi32, #tpu.memory_space<vmem>>, vector<1x16xi32>,
    %get3A_88 = vector.shape_cast %get3A_87 : vector<1x16xi32> to vector<16xi32>
    %get3A_89 = arith.constant 0 : i32
    %get3A_90 = arith.index_cast %get3A_89 : i32 to index
    %get3A_91 = arith.constant 80 : index
    %get3A_92 = tpu.vector_load %arg7[%get3A_90, %get3A_91] {strides = array<i32>} : memref<26x128xi32, #tpu.memory_space<vmem>>, vector<1x16xi32>,
    %get3A_93 = vector.shape_cast %get3A_92 : vector<1x16xi32> to vector<16xi32>
    %add3A_94 = arith.addi %get3A_88, %get3A_93 : vector<16xi32>
    %swap3A_95 = arith.constant 0 : i32
    %swap3A_96 = arith.index_cast %swap3A_95 : i32 to index
    %swap3A_97 = arith.constant 80 : index
    %swap3A_98 = tpu.vector_load %arg6[%swap3A_96, %swap3A_97] {strides = array<i32>} : memref<26x128xi32, #tpu.memory_space<vmem>>, vector<1x16xi32>,
    %swap3A_99 = vector.shape_cast %swap3A_98 : vector<1x16xi32> to vector<16xi32>
    %swap3A_100 = vector.shape_cast %add3A_94 : vector<16xi32> to vector<1x16xi32>
    tpu.vector_store %arg6[%swap3A_96, %swap3A_97], %swap3A_100 {strides = array<i32>} : memref<26x128xi32, #tpu.memory_space<vmem>>, vector<1x16xi32>,
    %get3A_101 = arith.constant 0 : i32
    %get3A_102 = arith.index_cast %get3A_101 : i32 to index
    %get3A_103 = arith.constant 96 : index
    %get3A_104 = tpu.vector_load %arg6[%get3A_102, %get3A_103] {strides = array<i32>} : memref<26x128xi32, #tpu.memory_space<vmem>>, vector<1x16xi32>,
    %get3A_105 = vector.shape_cast %get3A_104 : vector<1x16xi32> to vector<16xi32>
    %get3A_106 = arith.constant 0 : i32
    %get3A_107 = arith.index_cast %get3A_106 : i32 to index
    %get3A_108 = arith.constant 96 : index
    %get3A_109 = tpu.vector_load %arg7[%get3A_107, %get3A_108] {strides = array<i32>} : memref<26x128xi32, #tpu.memory_space<vmem>>, vector<1x16xi32>,
    %get3A_110 = vector.shape_cast %get3A_109 : vector<1x16xi32> to vector<16xi32>
    %add3A_111 = arith.addi %get3A_105, %get3A_110 : vector<16xi32>
    %swap3A_112 = arith.constant 0 : i32
    %swap3A_113 = arith.index_cast %swap3A_112 : i32 to index
    %swap3A_114 = arith.constant 96 : index
    %swap3A_115 = tpu.vector_load %arg6[%swap3A_113, %swap3A_114] {strides = array<i32>} : memref<26x128xi32, #tpu.memory_space<vmem>>, vector<1x16xi32>,
    %swap3A_116 = vector.shape_cast %swap3A_115 : vector<1x16xi32> to vector<16xi32>
    %swap3A_117 = vector.shape_cast %add3A_111 : vector<16xi32> to vector<1x16xi32>
    tpu.vector_store %arg6[%swap3A_113, %swap3A_114], %swap3A_117 {strides = array<i32>} : memref<26x128xi32, #tpu.memory_space<vmem>>, vector<1x16xi32>,
    %get3A_118 = arith.constant 0 : i32
    %get3A_119 = arith.index_cast %get3A_118 : i32 to index
    %get3A_120 = arith.constant 112 : index
    %get3A_121 = tpu.vector_load %arg6[%get3A_119, %get3A_120] {strides = array<i32>} : memref<26x128xi32, #tpu.memory_space<vmem>>, vector<1x16xi32>,
    %get3A_122 = vector.shape_cast %get3A_121 : vector<1x16xi32> to vector<16xi32>
    %get3A_123 = arith.constant 0 : i32
    %get3A_124 = arith.index_cast %get3A_123 : i32 to index
    %get3A_125 = arith.constant 112 : index
    %get3A_126 = tpu.vector_load %arg7[%get3A_124, %get3A_125] {strides = array<i32>} : memref<26x128xi32, #tpu.memory_space<vmem>>, vector<1x16xi32>,
    %get3A_127 = vector.shape_cast %get3A_126 : vector<1x16xi32> to vector<16xi32>
    %add3A_128 = arith.addi %get3A_122, %get3A_127 : vector<16xi32>
    %swap3A_129 = arith.constant 0 : i32
    %swap3A_130 = arith.index_cast %swap3A_129 : i32 to index
    %swap3A_131 = arith.constant 112 : index
    %swap3A_132 = tpu.vector_load %arg6[%swap3A_130, %swap3A_131] {strides = array<i32>} : memref<26x128xi32, #tpu.memory_space<vmem>>, vector<1x16xi32>,
    %swap3A_133 = vector.shape_cast %swap3A_132 : vector<1x16xi32> to vector<16xi32>
    %swap3A_134 = vector.shape_cast %add3A_128 : vector<16xi32> to vector<1x16xi32>
    tpu.vector_store %arg6[%swap3A_130, %swap3A_131], %swap3A_134 {strides = array<i32>} : memref<26x128xi32, #tpu.memory_space<vmem>>, vector<1x16xi32>,
    %dma_start3A = arith.constant 0 : i32
    %dma_start3A_135 = arith.constant 0 : i32
    %dma_start3A_136 = arith.constant 0 : i32
    %dma_start3A_137 = tpu.memref_slice %arg8[%dma_start3A_135, %dma_start3A_136] : memref<3328x32xf32, #tpu.memory_space<vmem>> -> memref<128x32xf32, #tpu.memory_space<vmem>>
    %dma_start3A_138 = arith.constant 0 : i32
    %dma_start3A_139 = tpu.memref_slice %arg6[%dma_start3A, %dma_start3A_138] : memref<26x128xi32, #tpu.memory_space<vmem>> -> memref<1x128xi32, #tpu.memory_space<vmem>>
    %dma_start3A_140 = tpu.memref_squeeze %dma_start3A_139 : memref<1x128xi32, #tpu.memory_space<vmem>> -> memref<128xi32, #tpu.memory_space<vmem>>
    %dma_start3A_141 = arith.constant 0 : i32
    %dma_start3A_142 = arith.constant 0 : i32
    %dma_start3A_143 = tpu.memref_slice %arg3[%dma_start3A_141, %dma_start3A_142] : memref<2600000x32xf32, #tpu.memory_space<hbm>> -> memref<2600000x32xf32, #tpu.memory_space<hbm>>
    tpu.enqueue_indirect_dma source(%dma_start3A_143 : memref<2600000x32xf32, #tpu.memory_space<hbm>>) target(%dma_start3A_137 : memref<128x32xf32, #tpu.memory_space<vmem>>) offsets(%dma_start3A_140 : memref<128xi32, #tpu.memory_space<vmem>>) semaphore(%arg9 : memref<!tpu.dma_semaphore, #tpu.memory_space<semaphore_mem>>)
    %get3A_144 = arith.constant 1 : i32
    %get3A_145 = arith.index_cast %get3A_144 : i32 to index
    %get3A_146 = arith.constant 0 : index
    %get3A_147 = tpu.vector_load %arg6[%get3A_145, %get3A_146] {strides = array<i32>} : memref<26x128xi32, #tpu.memory_space<vmem>>, vector<1x16xi32>,
    %get3A_148 = vector.shape_cast %get3A_147 : vector<1x16xi32> to vector<16xi32>
    %get3A_149 = arith.constant 1 : i32
    %get3A_150 = arith.index_cast %get3A_149 : i32 to index
    %get3A_151 = arith.constant 0 : index
    %get3A_152 = tpu.vector_load %arg7[%get3A_150, %get3A_151] {strides = array<i32>} : memref<26x128xi32, #tpu.memory_space<vmem>>, vector<1x16xi32>,
    %get3A_153 = vector.shape_cast %get3A_152 : vector<1x16xi32> to vector<16xi32>
    %add3A_154 = arith.addi %get3A_148, %get3A_153 : vector<16xi32>
    %swap3A_155 = arith.constant 1 : i32
    %swap3A_156 = arith.index_cast %swap3A_155 : i32 to index
    %swap3A_157 = arith.constant 0 : index
    %swap3A_158 = tpu.vector_load %arg6[%swap3A_156, %swap3A_157] {strides = array<i32>} : memref<26x128xi32, #tpu.memory_space<vmem>>, vector<1x16xi32>,
    %swap3A_159 = vector.shape_cast %swap3A_158 : vector<1x16xi32> to vector<16xi32>
    %swap3A_160 = vector.shape_cast %add3A_154 : vector<16xi32> to vector<1x16xi32>
    tpu.vector_store %arg6[%swap3A_156, %swap3A_157], %swap3A_160 {strides = array<i32>} : memref<26x128xi32, #tpu.memory_space<vmem>>, vector<1x16xi32>,
    %get3A_161 = arith.constant 1 : i32
    %get3A_162 = arith.index_cast %get3A_161 : i32 to index
    %get3A_163 = arith.constant 16 : index
    %get3A_164 = tpu.vector_load %arg6[%get3A_162, %get3A_163] {strides = array<i32>} : memref<26x128xi32, #tpu.memory_space<vmem>>, vector<1x16xi32>,
    %get3A_165 = vector.shape_cast %get3A_164 : vector<1x16xi32> to vector<16xi32>
    %get3A_166 = arith.constant 1 : i32
    %get3A_167 = arith.index_cast %get3A_166 : i32 to index
    %get3A_168 = arith.constant 16 : index
    %get3A_169 = tpu.vector_load %arg7[%get3A_167, %get3A_168] {strides = array<i32>} : memref<26x128xi32, #tpu.memory_space<vmem>>, vector<1x16xi32>,
    %get3A_170 = vector.shape_cast %get3A_169 : vector<1x16xi32> to vector<16xi32>
    %add3A_171 = arith.addi %get3A_165, %get3A_170 : vector<16xi32>
    %swap3A_172 = arith.constant 1 : i32
    %swap3A_173 = arith.index_cast %swap3A_172 : i32 to index
    %swap3A_174 = arith.constant 16 : index
    %swap3A_175 = tpu.vector_load %arg6[%swap3A_173, %swap3A_174] {strides = array<i32>} : memref<26x128xi32, #tpu.memory_space<vmem>>, vector<1x16xi32>,
    %swap3A_176 = vector.shape_cast %swap3A_175 : vector<1x16xi32> to vector<16xi32>
    %swap3A_177 = vector.shape_cast %add3A_171 : vector<16xi32> to vector<1x16xi32>
    tpu.vector_store %arg6[%swap3A_173, %swap3A_174], %swap3A_177 {strides = array<i32>} : memref<26x128xi32, #tpu.memory_space<vmem>>, vector<1x16xi32>,
    %get3A_178 = arith.constant 1 : i32
    %get3A_179 = arith.index_cast %get3A_178 : i32 to index
    %get3A_180 = arith.constant 32 : index
    %get3A_181 = tpu.vector_load %arg6[%get3A_179, %get3A_180] {strides = array<i32>} : memref<26x128xi32, #tpu.memory_space<vmem>>, vector<1x16xi32>,
    %get3A_182 = vector.shape_cast %get3A_181 : vector<1x16xi32> to vector<16xi32>
    %get3A_183 = arith.constant 1 : i32
    %get3A_184 = arith.index_cast %get3A_183 : i32 to index
    %get3A_185 = arith.constant 32 : index
    %get3A_186 = tpu.vector_load %arg7[%get3A_184, %get3A_185] {strides = array<i32>} : memref<26x128xi32, #tpu.memory_space<vmem>>, vector<1x16xi32>,
    %get3A_187 = vector.shape_cast %get3A_186 : vector<1x16xi32> to vector<16xi32>
    %add3A_188 = arith.addi %get3A_182, %get3A_187 : vector<16xi32>
    %swap3A_189 = arith.constant 1 : i32
    %swap3A_190 = arith.index_cast %swap3A_189 : i32 to index
    %swap3A_191 = arith.constant 32 : index
    %swap3A_192 = tpu.vector_load %arg6[%swap3A_190, %swap3A_191] {strides = array<i32>} : memref<26x128xi32, #tpu.memory_space<vmem>>, vector<1x16xi32>,
    %swap3A_193 = vector.shape_cast %swap3A_192 : vector<1x16xi32> to vector<16xi32>
    %swap3A_194 = vector.shape_cast %add3A_188 : vector<16xi32> to vector<1x16xi32>
    tpu.vector_store %arg6[%swap3A_190, %swap3A_191], %swap3A_194 {strides = array<i32>} : memref<26x128xi32, #tpu.memory_space<vmem>>, vector<1x16xi32>,
    %get3A_195 = arith.constant 1 : i32
    %get3A_196 = arith.index_cast %get3A_195 : i32 to index
    %get3A_197 = arith.constant 48 : index
    %get3A_198 = tpu.vector_load %arg6[%get3A_196, %get3A_197] {strides = array<i32>} : memref<26x128xi32, #tpu.memory_space<vmem>>, vector<1x16xi32>,
    %get3A_199 = vector.shape_cast %get3A_198 : vector<1x16xi32> to vector<16xi32>
    %get3A_200 = arith.constant 1 : i32
    %get3A_201 = arith.index_cast %get3A_200 : i32 to index
    %get3A_202 = arith.constant 48 : index
    %get3A_203 = tpu.vector_load %arg7[%get3A_201, %get3A_202] {strides = array<i32>} : memref<26x128xi32, #tpu.memory_space<vmem>>, vector<1x16xi32>,
    %get3A_204 = vector.shape_cast %get3A_203 : vector<1x16xi32> to vector<16xi32>
    %add3A_205 = arith.addi %get3A_199, %get3A_204 : vector<16xi32>
    %swap3A_206 = arith.constant 1 : i32
    %swap3A_207 = arith.index_cast %swap3A_206 : i32 to index
    %swap3A_208 = arith.constant 48 : index
    %swap3A_209 = tpu.vector_load %arg6[%swap3A_207, %swap3A_208] {strides = array<i32>} : memref<26x128xi32, #tpu.memory_space<vmem>>, vector<1x16xi32>,
    %swap3A_210 = vector.shape_cast %swap3A_209 : vector<1x16xi32> to vector<16xi32>
    %swap3A_211 = vector.shape_cast %add3A_205 : vector<16xi32> to vector<1x16xi32>
    tpu.vector_store %arg6[%swap3A_207, %swap3A_208], %swap3A_211 {strides = array<i32>} : memref<26x128xi32, #tpu.memory_space<vmem>>, vector<1x16xi32>,
    %get3A_212 = arith.constant 1 : i32
    %get3A_213 = arith.index_cast %get3A_212 : i32 to index
    %get3A_214 = arith.constant 64 : index
    %get3A_215 = tpu.vector_load %arg6[%get3A_213, %get3A_214] {strides = array<i32>} : memref<26x128xi32, #tpu.memory_space<vmem>>, vector<1x16xi32>,
    %get3A_216 = vector.shape_cast %get3A_215 : vector<1x16xi32> to vector<16xi32>
    %get3A_217 = arith.constant 1 : i32
    %get3A_218 = arith.index_cast %get3A_217 : i32 to index
    %get3A_219 = arith.constant 64 : index
    %get3A_220 = tpu.vector_load %arg7[%get3A_218, %get3A_219] {strides = array<i32>} : memref<26x128xi32, #tpu.memory_space<vmem>>, vector<1x16xi32>,
    %get3A_221 = vector.shape_cast %get3A_220 : vector<1x16xi32> to vector<16xi32>
    %add3A_222 = arith.addi %get3A_216, %get3A_221 : vector<16xi32>
    %swap3A_223 = arith.constant 1 : i32
    %swap3A_224 = arith.index_cast %swap3A_223 : i32 to index
    %swap3A_225 = arith.constant 64 : index
    %swap3A_226 = tpu.vector_load %arg6[%swap3A_224, %swap3A_225] {strides = array<i32>} : memref<26x128xi32, #tpu.memory_space<vmem>>, vector<1x16xi32>,
    %swap3A_227 = vector.shape_cast %swap3A_226 : vector<1x16xi32> to vector<16xi32>
    %swap3A_228 = vector.shape_cast %add3A_222 : vector<16xi32> to vector<1x16xi32>
    tpu.vector_store %arg6[%swap3A_224, %swap3A_225], %swap3A_228 {strides = array<i32>} : memref<26x128xi32, #tpu.memory_space<vmem>>, vector<1x16xi32>,
    %get3A_229 = arith.constant 1 : i32
    %get3A_230 = arith.index_cast %get3A_229 : i32 to index
    %get3A_231 = arith.constant 80 : index
    %get3A_232 = tpu.vector_load %arg6[%get3A_230, %get3A_231] {strides = array<i32>} : memref<26x128xi32, #tpu.memory_space<vmem>>, vector<1x16xi32>,
    %get3A_233 = vector.shape_cast %get3A_232 : vector<1x16xi32> to vector<16xi32>
    %get3A_234 = arith.constant 1 : i32
    %get3A_235 = arith.index_cast %get3A_234 : i32 to index
    %get3A_236 = arith.constant 80 : index
    %get3A_237 = tpu.vector_load %arg7[%get3A_235, %get3A_236] {strides = array<i32>} : memref<26x128xi32, #tpu.memory_space<vmem>>, vector<1x16xi32>,
    %get3A_238 = vector.shape_cast %get3A_237 : vector<1x16xi32> to vector<16xi32>
    %add3A_239 = arith.addi %get3A_233, %get3A_238 : vector<16xi32>
    %swap3A_240 = arith.constant 1 : i32
    %swap3A_241 = arith.index_cast %swap3A_240 : i32 to index
    %swap3A_242 = arith.constant 80 : index
    %swap3A_243 = tpu.vector_load %arg6[%swap3A_241, %swap3A_242] {strides = array<i32>} : memref<26x128xi32, #tpu.memory_space<vmem>>, vector<1x16xi32>,
    %swap3A_244 = vector.shape_cast %swap3A_243 : vector<1x16xi32> to vector<16xi32>
    %swap3A_245 = vector.shape_cast %add3A_239 : vector<16xi32> to vector<1x16xi32>
    tpu.vector_store %arg6[%swap3A_241, %swap3A_242], %swap3A_245 {strides = array<i32>} : memref<26x128xi32, #tpu.memory_space<vmem>>, vector<1x16xi32>,
    %get3A_246 = arith.constant 1 : i32
    %get3A_247 = arith.index_cast %get3A_246 : i32 to index
    %get3A_248 = arith.constant 96 : index
    %get3A_249 = tpu.vector_load %arg6[%get3A_247, %get3A_248] {strides = array<i32>} : memref<26x128xi32, #tpu.memory_space<vmem>>, vector<1x16xi32>,
    %get3A_250 = vector.shape_cast %get3A_249 : vector<1x16xi32> to vector<16xi32>
    %get3A_251 = arith.constant 1 : i32
    %get3A_252 = arith.index_cast %get3A_251 : i32 to index
    %get3A_253 = arith.constant 96 : index
    %get3A_254 = tpu.vector_load %arg7[%get3A_252, %get3A_253] {strides = array<i32>} : memref<26x128xi32, #tpu.memory_space<vmem>>, vector<1x16xi32>,
    %get3A_255 = vector.shape_cast %get3A_254 : vector<1x16xi32> to vector<16xi32>
    %add3A_256 = arith.addi %get3A_250, %get3A_255 : vector<16xi32>
    %swap3A_257 = arith.constant 1 : i32
    %swap3A_258 = arith.index_cast %swap3A_257 : i32 to index
    %swap3A_259 = arith.constant 96 : index
    %swap3A_260 = tpu.vector_load %arg6[%swap3A_258, %swap3A_259] {strides = array<i32>} : memref<26x128xi32, #tpu.memory_space<vmem>>, vector<1x16xi32>,
    %swap3A_261 = vector.shape_cast %swap3A_260 : vector<1x16xi32> to vector<16xi32>
    %swap3A_262 = vector.shape_cast %add3A_256 : vector<16xi32> to vector<1x16xi32>
    tpu.vector_store %arg6[%swap3A_258, %swap3A_259], %swap3A_262 {strides = array<i32>} : memref<26x128xi32, #tpu.memory_space<vmem>>, vector<1x16xi32>,
    %get3A_263 = arith.constant 1 : i32
    %get3A_264 = arith.index_cast %get3A_263 : i32 to index
    %get3A_265 = arith.constant 112 : index
    %get3A_266 = tpu.vector_load %arg6[%get3A_264, %get3A_265] {strides = array<i32>} : memref<26x128xi32, #tpu.memory_space<vmem>>, vector<1x16xi32>,
    %get3A_267 = vector.shape_cast %get3A_266 : vector<1x16xi32> to vector<16xi32>
    %get3A_268 = arith.constant 1 : i32
    %get3A_269 = arith.index_cast %get3A_268 : i32 to index
    %get3A_270 = arith.constant 112 : index
    %get3A_271 = tpu.vector_load %arg7[%get3A_269, %get3A_270] {strides = array<i32>} : memref<26x128xi32, #tpu.memory_space<vmem>>, vector<1x16xi32>,
    %get3A_272 = vector.shape_cast %get3A_271 : vector<1x16xi32> to vector<16xi32>
    %add3A_273 = arith.addi %get3A_267, %get3A_272 : vector<16xi32>
    %swap3A_274 = arith.constant 1 : i32
    %swap3A_275 = arith.index_cast %swap3A_274 : i32 to index
    %swap3A_276 = arith.constant 112 : index
    %swap3A_277 = tpu.vector_load %arg6[%swap3A_275, %swap3A_276] {strides = array<i32>} : memref<26x128xi32, #tpu.memory_space<vmem>>, vector<1x16xi32>,
    %swap3A_278 = vector.shape_cast %swap3A_277 : vector<1x16xi32> to vector<16xi32>
    %swap3A_279 = vector.shape_cast %add3A_273 : vector<16xi32> to vector<1x16xi32>
    tpu.vector_store %arg6[%swap3A_275, %swap3A_276], %swap3A_279 {strides = array<i32>} : memref<26x128xi32, #tpu.memory_space<vmem>>, vector<1x16xi32>,
    %dma_start3A_280 = arith.constant 1 : i32
    %dma_start3A_281 = arith.constant 128 : i32
    %dma_start3A_282 = arith.constant 0 : i32
    %dma_start3A_283 = tpu.memref_slice %arg8[%dma_start3A_281, %dma_start3A_282] : memref<3328x32xf32, #tpu.memory_space<vmem>> -> memref<128x32xf32, #tpu.memory_space<vmem>>
    %dma_start3A_284 = arith.constant 0 : i32
    %dma_start3A_285 = tpu.memref_slice %arg6[%dma_start3A_280, %dma_start3A_284] : memref<26x128xi32, #tpu.memory_space<vmem>> -> memref<1x128xi32, #tpu.memory_space<vmem>>
    %dma_start3A_286 = tpu.memref_squeeze %dma_start3A_285 : memref<1x128xi32, #tpu.memory_space<vmem>> -> memref<128xi32, #tpu.memory_space<vmem>>
    %dma_start3A_287 = arith.constant 0 : i32
    %dma_start3A_288 = arith.constant 0 : i32
    %dma_start3A_289 = tpu.memref_slice %arg3[%dma_start3A_287, %dma_start3A_288] : memref<2600000x32xf32, #tpu.memory_space<hbm>> -> memref<2600000x32xf32, #tpu.memory_space<hbm>>
    tpu.enqueue_indirect_dma source(%dma_start3A_289 : memref<2600000x32xf32, #tpu.memory_space<hbm>>) target(%dma_start3A_283 : memref<128x32xf32, #tpu.memory_space<vmem>>) offsets(%dma_start3A_286 : memref<128xi32, #tpu.memory_space<vmem>>) semaphore(%arg9 : memref<!tpu.dma_semaphore, #tpu.memory_space<semaphore_mem>>)
    %get3A_290 = arith.constant 2 : i32
    %get3A_291 = arith.index_cast %get3A_290 : i32 to index
    %get3A_292 = arith.constant 0 : index
    %get3A_293 = tpu.vector_load %arg6[%get3A_291, %get3A_292] {strides = array<i32>} : memref<26x128xi32, #tpu.memory_space<vmem>>, vector<1x16xi32>,
    %get3A_294 = vector.shape_cast %get3A_293 : vector<1x16xi32> to vector<16xi32>
    %get3A_295 = arith.constant 2 : i32
    %get3A_296 = arith.index_cast %get3A_295 : i32 to index
    %get3A_297 = arith.constant 0 : index
    %get3A_298 = tpu.vector_load %arg7[%get3A_296, %get3A_297] {strides = array<i32>} : memref<26x128xi32, #tpu.memory_space<vmem>>, vector<1x16xi32>,
    %get3A_299 = vector.shape_cast %get3A_298 : vector<1x16xi32> to vector<16xi32>
    %add3A_300 = arith.addi %get3A_294, %get3A_299 : vector<16xi32>
    %swap3A_301 = arith.constant 2 : i32
    %swap3A_302 = arith.index_cast %swap3A_301 : i32 to index
    %swap3A_303 = arith.constant 0 : index
    %swap3A_304 = tpu.vector_load %arg6[%swap3A_302, %swap3A_303] {strides = array<i32>} : memref<26x128xi32, #tpu.memory_space<vmem>>, vector<1x16xi32>,
    %swap3A_305 = vector.shape_cast %swap3A_304 : vector<1x16xi32> to vector<16xi32>
    %swap3A_306 = vector.shape_cast %add3A_300 : vector<16xi32> to vector<1x16xi32>
    tpu.vector_store %arg6[%swap3A_302, %swap3A_303], %swap3A_306 {strides = array<i32>} : memref<26x128xi32, #tpu.memory_space<vmem>>, vector<1x16xi32>,
    %get3A_307 = arith.constant 2 : i32
    %get3A_308 = arith.index_cast %get3A_307 : i32 to index
    %get3A_309 = arith.constant 16 : index
    %get3A_310 = tpu.vector_load %arg6[%get3A_308, %get3A_309] {strides = array<i32>} : memref<26x128xi32, #tpu.memory_space<vmem>>, vector<1x16xi32>,
    %get3A_311 = vector.shape_cast %get3A_310 : vector<1x16xi32> to vector<16xi32>
    %get3A_312 = arith.constant 2 : i32
    %get3A_313 = arith.index_cast %get3A_312 : i32 to index
    %get3A_314 = arith.constant 16 : index
    %get3A_315 = tpu.vector_load %arg7[%get3A_313, %get3A_314] {strides = array<i32>} : memref<26x128xi32, #tpu.memory_space<vmem>>, vector<1x16xi32>,
    %get3A_316 = vector.shape_cast %get3A_315 : vector<1x16xi32> to vector<16xi32>
    %add3A_317 = arith.addi %get3A_311, %get3A_316 : vector<16xi32>
    %swap3A_318 = arith.constant 2 : i32
    %swap3A_319 = arith.index_cast %swap3A_318 : i32 to index
    %swap3A_320 = arith.constant 16 : index
    %swap3A_321 = tpu.vector_load %arg6[%swap3A_319, %swap3A_320] {strides = array<i32>} : memref<26x128xi32, #tpu.memory_space<vmem>>, vector<1x16xi32>,
    %swap3A_322 = vector.shape_cast %swap3A_321 : vector<1x16xi32> to vector<16xi32>
    %swap3A_323 = vector.shape_cast %add3A_317 : vector<16xi32> to vector<1x16xi32>
    tpu.vector_store %arg6[%swap3A_319, %swap3A_320], %swap3A_323 {strides = array<i32>} : memref<26x128xi32, #tpu.memory_space<vmem>>, vector<1x16xi32>,
    %get3A_324 = arith.constant 2 : i32
    %get3A_325 = arith.index_cast %get3A_324 : i32 to index
    %get3A_326 = arith.constant 32 : index
    %get3A_327 = tpu.vector_load %arg6[%get3A_325, %get3A_326] {strides = array<i32>} : memref<26x128xi32, #tpu.memory_space<vmem>>, vector<1x16xi32>,
    %get3A_328 = vector.shape_cast %get3A_327 : vector<1x16xi32> to vector<16xi32>
    %get3A_329 = arith.constant 2 : i32
    %get3A_330 = arith.index_cast %get3A_329 : i32 to index
    %get3A_331 = arith.constant 32 : index
    %get3A_332 = tpu.vector_load %arg7[%get3A_330, %get3A_331] {strides = array<i32>} : memref<26x128xi32, #tpu.memory_space<vmem>>, vector<1x16xi32>,
    %get3A_333 = vector.shape_cast %get3A_332 : vector<1x16xi32> to vector<16xi32>
    %add3A_334 = arith.addi %get3A_328, %get3A_333 : vector<16xi32>
    %swap3A_335 = arith.constant 2 : i32
    %swap3A_336 = arith.index_cast %swap3A_335 : i32 to index
    %swap3A_337 = arith.constant 32 : index
    %swap3A_338 = tpu.vector_load %arg6[%swap3A_336, %swap3A_337] {strides = array<i32>} : memref<26x128xi32, #tpu.memory_space<vmem>>, vector<1x16xi32>,
    %swap3A_339 = vector.shape_cast %swap3A_338 : vector<1x16xi32> to vector<16xi32>
    %swap3A_340 = vector.shape_cast %add3A_334 : vector<16xi32> to vector<1x16xi32>
    tpu.vector_store %arg6[%swap3A_336, %swap3A_337], %swap3A_340 {strides = array<i32>} : memref<26x128xi32, #tpu.memory_space<vmem>>, vector<1x16xi32>,
    %get3A_341 = arith.constant 2 : i32
    %get3A_342 = arith.index_cast %get3A_341 : i32 to index
    %get3A_343 = arith.constant 48 : index
    %get3A_344 = tpu.vector_load %arg6[%get3A_342, %get3A_343] {strides = array<i32>} : memref<26x128xi32, #tpu.memory_space<vmem>>, vector<1x16xi32>,
    %get3A_345 = vector.shape_cast %get3A_344 : vector<1x16xi32> to vector<16xi32>
    %get3A_346 = arith.constant 2 : i32
    %get3A_347 = arith.index_cast %get3A_346 : i32 to index
    %get3A_348 = arith.constant 48 : index
    %get3A_349 = tpu.vector_load %arg7[%get3A_347, %get3A_348] {strides = array<i32>} : memref<26x128xi32, #tpu.memory_space<vmem>>, vector<1x16xi32>,
    %get3A_350 = vector.shape_cast %get3A_349 : vector<1x16xi32> to vector<16xi32>
    %add3A_351 = arith.addi %get3A_345, %get3A_350 : vector<16xi32>
    %swap3A_352 = arith.constant 2 : i32
    %swap3A_353 = arith.index_cast %swap3A_352 : i32 to index
    %swap3A_354 = arith.constant 48 : index
    %swap3A_355 = tpu.vector_load %arg6[%swap3A_353, %swap3A_354] {strides = array<i32>} : memref<26x128xi32, #tpu.memory_space<vmem>>, vector<1x16xi32>,
    %swap3A_356 = vector.shape_cast %swap3A_355 : vector<1x16xi32> to vector<16xi32>
    %swap3A_357 = vector.shape_cast %add3A_351 : vector<16xi32> to vector<1x16xi32>
    tpu.vector_store %arg6[%swap3A_353, %swap3A_354], %swap3A_357 {strides = array<i32>} : memref<26x128xi32, #tpu.memory_space<vmem>>, vector<1x16xi32>,
    %get3A_358 = arith.constant 2 : i32
    %get3A_359 = arith.index_cast %get3A_358 : i32 to index
    %get3A_360 = arith.constant 64 : index
    %get3A_361 = tpu.vector_load %arg6[%get3A_359, %get3A_360] {strides = array<i32>} : memref<26x128xi32, #tpu.memory_space<vmem>>, vector<1x16xi32>,
    %get3A_362 = vector.shape_cast %get3A_361 : vector<1x16xi32> to vector<16xi32>
    %get3A_363 = arith.constant 2 : i32
    %get3A_364 = arith.index_cast %get3A_363 : i32 to index
    %get3A_365 = arith.constant 64 : index
    %get3A_366 = tpu.vector_load %arg7[%get3A_364, %get3A_365] {strides = array<i32>} : memref<26x128xi32, #tpu.memory_space<vmem>>, vector<1x16xi32>,
    %get3A_367 = vector.shape_cast %get3A_366 : vector<1x16xi32> to vector<16xi32>
    %add3A_368 = arith.addi %get3A_362, %get3A_367 : vector<16xi32>
    %swap3A_369 = arith.constant 2 : i32
    %swap3A_370 = arith.index_cast %swap3A_369 : i32 to index
    %swap3A_371 = arith.constant 64 : index
    %swap3A_372 = tpu.vector_load %arg6[%swap3A_370, %swap3A_371] {strides = array<i32>} : memref<26x128xi32, #tpu.memory_space<vmem>>, vector<1x16xi32>,
    %swap3A_373 = vector.shape_cast %swap3A_372 : vector<1x16xi32> to vector<16xi32>
    %swap3A_374 = vector.shape_cast %add3A_368 : vector<16xi32> to vector<1x16xi32>
    tpu.vector_store %arg6[%swap3A_370, %swap3A_371], %swap3A_374 {strides = array<i32>} : memref<26x128xi32, #tpu.memory_space<vmem>>, vector<1x16xi32>,
    %get3A_375 = arith.constant 2 : i32
    %get3A_376 = arith.index_cast %get3A_375 : i32 to index
    %get3A_377 = arith.constant 80 : index
    %get3A_378 = tpu.vector_load %arg6[%get3A_376, %get3A_377] {strides = array<i32>} : memref<26x128xi32, #tpu.memory_space<vmem>>, vector<1x16xi32>,
    %get3A_379 = vector.shape_cast %get3A_378 : vector<1x16xi32> to vector<16xi32>
    %get3A_380 = arith.constant 2 : i32
    %get3A_381 = arith.index_cast %get3A_380 : i32 to index
    %get3A_382 = arith.constant 80 : index
    %get3A_383 = tpu.vector_load %arg7[%get3A_381, %get3A_382] {strides = array<i32>} : memref<26x128xi32, #tpu.memory_space<vmem>>, vector<1x16xi32>,
    %get3A_384 = vector.shape_cast %get3A_383 : vector<1x16xi32> to vector<16xi32>
    %add3A_385 = arith.addi %get3A_379, %get3A_384 : vector<16xi32>
    %swap3A_386 = arith.constant 2 : i32
    %swap3A_387 = arith.index_cast %swap3A_386 : i32 to index
    %swap3A_388 = arith.constant 80 : index
    %swap3A_389 = tpu.vector_load %arg6[%swap3A_387, %swap3A_388] {strides = array<i32>} : memref<26x128xi32, #tpu.memory_space<vmem>>, vector<1x16xi32>,
    %swap3A_390 = vector.shape_cast %swap3A_389 : vector<1x16xi32> to vector<16xi32>
    %swap3A_391 = vector.shape_cast %add3A_385 : vector<16xi32> to vector<1x16xi32>
    tpu.vector_store %arg6[%swap3A_387, %swap3A_388], %swap3A_391 {strides = array<i32>} : memref<26x128xi32, #tpu.memory_space<vmem>>, vector<1x16xi32>,
    %get3A_392 = arith.constant 2 : i32
    %get3A_393 = arith.index_cast %get3A_392 : i32 to index
    %get3A_394 = arith.constant 96 : index
    %get3A_395 = tpu.vector_load %arg6[%get3A_393, %get3A_394] {strides = array<i32>} : memref<26x128xi32, #tpu.memory_space<vmem>>, vector<1x16xi32>,
    %get3A_396 = vector.shape_cast %get3A_395 : vector<1x16xi32> to vector<16xi32>
    %get3A_397 = arith.constant 2 : i32
    %get3A_398 = arith.index_cast %get3A_397 : i32 to index
    %get3A_399 = arith.constant 96 : index
    %get3A_400 = tpu.vector_load %arg7[%get3A_398, %get3A_399] {strides = array<i32>} : memref<26x128xi32, #tpu.memory_space<vmem>>, vector<1x16xi32>,
    %get3A_401 = vector.shape_cast %get3A_400 : vector<1x16xi32> to vector<16xi32>
    %add3A_402 = arith.addi %get3A_396, %get3A_401 : vector<16xi32>
    %swap3A_403 = arith.constant 2 : i32
    %swap3A_404 = arith.index_cast %swap3A_403 : i32 to index
    %swap3A_405 = arith.constant 96 : index
    %swap3A_406 = tpu.vector_load %arg6[%swap3A_404, %swap3A_405] {strides = array<i32>} : memref<26x128xi32, #tpu.memory_space<vmem>>, vector<1x16xi32>,
    %swap3A_407 = vector.shape_cast %swap3A_406 : vector<1x16xi32> to vector<16xi32>
    %swap3A_408 = vector.shape_cast %add3A_402 : vector<16xi32> to vector<1x16xi32>
    tpu.vector_store %arg6[%swap3A_404, %swap3A_405], %swap3A_408 {strides = array<i32>} : memref<26x128xi32, #tpu.memory_space<vmem>>, vector<1x16xi32>,
    %get3A_409 = arith.constant 2 : i32
    %get3A_410 = arith.index_cast %get3A_409 : i32 to index
    %get3A_411 = arith.constant 112 : index
    %get3A_412 = tpu.vector_load %arg6[%get3A_410, %get3A_411] {strides = array<i32>} : memref<26x128xi32, #tpu.memory_space<vmem>>, vector<1x16xi32>,
    %get3A_413 = vector.shape_cast %get3A_412 : vector<1x16xi32> to vector<16xi32>
    %get3A_414 = arith.constant 2 : i32
    %get3A_415 = arith.index_cast %get3A_414 : i32 to index
    %get3A_416 = arith.constant 112 : index
    %get3A_417 = tpu.vector_load %arg7[%get3A_415, %get3A_416] {strides = array<i32>} : memref<26x128xi32, #tpu.memory_space<vmem>>, vector<1x16xi32>,
    %get3A_418 = vector.shape_cast %get3A_417 : vector<1x16xi32> to vector<16xi32>
    %add3A_419 = arith.addi %get3A_413, %get3A_418 : vector<16xi32>
    %swap3A_420 = arith.constant 2 : i32
    %swap3A_421 = arith.index_cast %swap3A_420 : i32 to index
    %swap3A_422 = arith.constant 112 : index
    %swap3A_423 = tpu.vector_load %arg6[%swap3A_421, %swap3A_422] {strides = array<i32>} : memref<26x128xi32, #tpu.memory_space<vmem>>, vector<1x16xi32>,
    %swap3A_424 = vector.shape_cast %swap3A_423 : vector<1x16xi32> to vector<16xi32>
    %swap3A_425 = vector.shape_cast %add3A_419 : vector<16xi32> to vector<1x16xi32>
    tpu.vector_store %arg6[%swap3A_421, %swap3A_422], %swap3A_425 {strides = array<i32>} : memref<26x128xi32, #tpu.memory_space<vmem>>, vector<1x16xi32>,
    %dma_start3A_426 = arith.constant 2 : i32
    %dma_start3A_427 = arith.constant 256 : i32
    %dma_start3A_428 = arith.constant 0 : i32
    %dma_start3A_429 = tpu.memref_slice %arg8[%dma_start3A_427, %dma_start3A_428] : memref<3328x32xf32, #tpu.memory_space<vmem>> -> memref<128x32xf32, #tpu.memory_space<vmem>>
    %dma_start3A_430 = arith.constant 0 : i32
    %dma_start3A_431 = tpu.memref_slice %arg6[%dma_start3A_426, %dma_start3A_430] : memref<26x128xi32, #tpu.memory_space<vmem>> -> memref<1x128xi32, #tpu.memory_space<vmem>>
    %dma_start3A_432 = tpu.memref_squeeze %dma_start3A_431 : memref<1x128xi32, #tpu.memory_space<vmem>> -> memref<128xi32, #tpu.memory_space<vmem>>
    %dma_start3A_433 = arith.constant 0 : i32
    %dma_start3A_434 = arith.constant 0 : i32
    %dma_start3A_435 = tpu.memref_slice %arg3[%dma_start3A_433, %dma_start3A_434] : memref<2600000x32xf32, #tpu.memory_space<hbm>> -> memref<2600000x32xf32, #tpu.memory_space<hbm>>
    tpu.enqueue_indirect_dma source(%dma_start3A_435 : memref<2600000x32xf32, #tpu.memory_space<hbm>>) target(%dma_start3A_429 : memref<128x32xf32, #tpu.memory_space<vmem>>) offsets(%dma_start3A_432 : memref<128xi32, #tpu.memory_space<vmem>>) semaphore(%arg9 : memref<!tpu.dma_semaphore, #tpu.memory_space<semaphore_mem>>)
    %get3A_436 = arith.constant 3 : i32
    %get3A_437 = arith.index_cast %get3A_436 : i32 to index
    %get3A_438 = arith.constant 0 : index
    %get3A_439 = tpu.vector_load %arg6[%get3A_437, %get3A_438] {strides = array<i32>} : memref<26x128xi32, #tpu.memory_space<vmem>>, vector<1x16xi32>,
    %get3A_440 = vector.shape_cast %get3A_439 : vector<1x16xi32> to vector<16xi32>
    %get3A_441 = arith.constant 3 : i32
    %get3A_442 = arith.index_cast %get3A_441 : i32 to index
    %get3A_443 = arith.constant 0 : index
    %get3A_444 = tpu.vector_load %arg7[%get3A_442, %get3A_443] {strides = array<i32>} : memref<26x128xi32, #tpu.memory_space<vmem>>, vector<1x16xi32>,
    %get3A_445 = vector.shape_cast %get3A_444 : vector<1x16xi32> to vector<16xi32>
    %add3A_446 = arith.addi %get3A_440, %get3A_445 : vector<16xi32>
    %swap3A_447 = arith.constant 3 : i32
    %swap3A_448 = arith.index_cast %swap3A_447 : i32 to index
    %swap3A_449 = arith.constant 0 : index
    %swap3A_450 = tpu.vector_load %arg6[%swap3A_448, %swap3A_449] {strides = array<i32>} : memref<26x128xi32, #tpu.memory_space<vmem>>, vector<1x16xi32>,
    %swap3A_451 = vector.shape_cast %swap3A_450 : vector<1x16xi32> to vector<16xi32>
    %swap3A_452 = vector.shape_cast %add3A_446 : vector<16xi32> to vector<1x16xi32>
    tpu.vector_store %arg6[%swap3A_448, %swap3A_449], %swap3A_452 {strides = array<i32>} : memref<26x128xi32, #tpu.memory_space<vmem>>, vector<1x16xi32>,
    %get3A_453 = arith.constant 3 : i32
    %get3A_454 = arith.index_cast %get3A_453 : i32 to index
    %get3A_455 = arith.constant 16 : index
    %get3A_456 = tpu.vector_load %arg6[%get3A_454, %get3A_455] {strides = array<i32>} : memref<26x128xi32, #tpu.memory_space<vmem>>, vector<1x16xi32>,
    %get3A_457 = vector.shape_cast %get3A_456 : vector<1x16xi32> to vector<16xi32>
    %get3A_458 = arith.constant 3 : i32
    %get3A_459 = arith.index_cast %get3A_458 : i32 to index
    %get3A_460 = arith.constant 16 : index
    %get3A_461 = tpu.vector_load %arg7[%get3A_459, %get3A_460] {strides = array<i32>} : memref<26x128xi32, #tpu.memory_space<vmem>>, vector<1x16xi32>,
    %get3A_462 = vector.shape_cast %get3A_461 : vector<1x16xi32> to vector<16xi32>
    %add3A_463 = arith.addi %get3A_457, %get3A_462 : vector<16xi32>
    %swap3A_464 = arith.constant 3 : i32
    %swap3A_465 = arith.index_cast %swap3A_464 : i32 to index
    %swap3A_466 = arith.constant 16 : index
    %swap3A_467 = tpu.vector_load %arg6[%swap3A_465, %swap3A_466] {strides = array<i32>} : memref<26x128xi32, #tpu.memory_space<vmem>>, vector<1x16xi32>,
    %swap3A_468 = vector.shape_cast %swap3A_467 : vector<1x16xi32> to vector<16xi32>
    %swap3A_469 = vector.shape_cast %add3A_463 : vector<16xi32> to vector<1x16xi32>
    tpu.vector_store %arg6[%swap3A_465, %swap3A_466], %swap3A_469 {strides = array<i32>} : memref<26x128xi32, #tpu.memory_space<vmem>>, vector<1x16xi32>,
    %get3A_470 = arith.constant 3 : i32
    %get3A_471 = arith.index_cast %get3A_470 : i32 to index
    %get3A_472 = arith.constant 32 : index
    %get3A_473 = tpu.vector_load %arg6[%get3A_471, %get3A_472] {strides = array<i32>} : memref<26x128xi32, #tpu.memory_space<vmem>>, vector<1x16xi32>,
    %get3A_474 = vector.shape_cast %get3A_473 : vector<1x16xi32> to vector<16xi32>
    %get3A_475 = arith.constant 3 : i32
    %get3A_476 = arith.index_cast %get3A_475 : i32 to index
    %get3A_477 = arith.constant 32 : index
    %get3A_478 = tpu.vector_load %arg7[%get3A_476, %get3A_477] {strides = array<i32>} : memref<26x128xi32, #tpu.memory_space<vmem>>, vector<1x16xi32>,
    %get3A_479 = vector.shape_cast %get3A_478 : vector<1x16xi32> to vector<16xi32>
    %add3A_480 = arith.addi %get3A_474, %get3A_479 : vector<16xi32>
    %swap3A_481 = arith.constant 3 : i32
    %swap3A_482 = arith.index_cast %swap3A_481 : i32 to index
    %swap3A_483 = arith.constant 32 : index
    %swap3A_484 = tpu.vector_load %arg6[%swap3A_482, %swap3A_483] {strides = array<i32>} : memref<26x128xi32, #tpu.memory_space<vmem>>, vector<1x16xi32>,
    %swap3A_485 = vector.shape_cast %swap3A_484 : vector<1x16xi32> to vector<16xi32>
    %swap3A_486 = vector.shape_cast %add3A_480 : vector<16xi32> to vector<1x16xi32>
    tpu.vector_store %arg6[%swap3A_482, %swap3A_483], %swap3A_486 {strides = array<i32>} : memref<26x128xi32, #tpu.memory_space<vmem>>, vector<1x16xi32>,
    %get3A_487 = arith.constant 3 : i32
    %get3A_488 = arith.index_cast %get3A_487 : i32 to index
    %get3A_489 = arith.constant 48 : index
    %get3A_490 = tpu.vector_load %arg6[%get3A_488, %get3A_489] {strides = array<i32>} : memref<26x128xi32, #tpu.memory_space<vmem>>, vector<1x16xi32>,
    %get3A_491 = vector.shape_cast %get3A_490 : vector<1x16xi32> to vector<16xi32>
    %get3A_492 = arith.constant 3 : i32
    %get3A_493 = arith.index_cast %get3A_492 : i32 to index
    %get3A_494 = arith.constant 48 : index
    %get3A_495 = tpu.vector_load %arg7[%get3A_493, %get3A_494] {strides = array<i32>} : memref<26x128xi32, #tpu.memory_space<vmem>>, vector<1x16xi32>,
    %get3A_496 = vector.shape_cast %get3A_495 : vector<1x16xi32> to vector<16xi32>
    %add3A_497 = arith.addi %get3A_491, %get3A_496 : vector<16xi32>
    %swap3A_498 = arith.constant 3 : i32
    %swap3A_499 = arith.index_cast %swap3A_498 : i32 to index
    %swap3A_500 = arith.constant 48 : index
    %swap3A_501 = tpu.vector_load %arg6[%swap3A_499, %swap3A_500] {strides = array<i32>} : memref<26x128xi32, #tpu.memory_space<vmem>>, vector<1x16xi32>,
    %swap3A_502 = vector.shape_cast %swap3A_501 : vector<1x16xi32> to vector<16xi32>
    %swap3A_503 = vector.shape_cast %add3A_497 : vector<16xi32> to vector<1x16xi32>
    tpu.vector_store %arg6[%swap3A_499, %swap3A_500], %swap3A_503 {strides = array<i32>} : memref<26x128xi32, #tpu.memory_space<vmem>>, vector<1x16xi32>,
    %get3A_504 = arith.constant 3 : i32
    %get3A_505 = arith.index_cast %get3A_504 : i32 to index
    %get3A_506 = arith.constant 64 : index
    %get3A_507 = tpu.vector_load %arg6[%get3A_505, %get3A_506] {strides = array<i32>} : memref<26x128xi32, #tpu.memory_space<vmem>>, vector<1x16xi32>,
    %get3A_508 = vector.shape_cast %get3A_507 : vector<1x16xi32> to vector<16xi32>
    %get3A_509 = arith.constant 3 : i32
    %get3A_510 = arith.index_cast %get3A_509 : i32 to index
    %get3A_511 = arith.constant 64 : index
    %get3A_512 = tpu.vector_load %arg7[%get3A_510, %get3A_511] {strides = array<i32>} : memref<26x128xi32, #tpu.memory_space<vmem>>, vector<1x16xi32>,
    %get3A_513 = vector.shape_cast %get3A_512 : vector<1x16xi32> to vector<16xi32>
    %add3A_514 = arith.addi %get3A_508, %get3A_513 : vector<16xi32>
    %swap3A_515 = arith.constant 3 : i32
    %swap3A_516 = arith.index_cast %swap3A_515 : i32 to index
    %swap3A_517 = arith.constant 64 : index
    %swap3A_518 = tpu.vector_load %arg6[%swap3A_516, %swap3A_517] {strides = array<i32>} : memref<26x128xi32, #tpu.memory_space<vmem>>, vector<1x16xi32>,
    %swap3A_519 = vector.shape_cast %swap3A_518 : vector<1x16xi32> to vector<16xi32>
    %swap3A_520 = vector.shape_cast %add3A_514 : vector<16xi32> to vector<1x16xi32>
    tpu.vector_store %arg6[%swap3A_516, %swap3A_517], %swap3A_520 {strides = array<i32>} : memref<26x128xi32, #tpu.memory_space<vmem>>, vector<1x16xi32>,
    %get3A_521 = arith.constant 3 : i32
    %get3A_522 = arith.index_cast %get3A_521 : i32 to index
    %get3A_523 = arith.constant 80 : index
    %get3A_524 = tpu.vector_load %arg6[%get3A_522, %get3A_523] {strides = array<i32>} : memref<26x128xi32, #tpu.memory_space<vmem>>, vector<1x16xi32>,
    %get3A_525 = vector.shape_cast %get3A_524 : vector<1x16xi32> to vector<16xi32>
    %get3A_526 = arith.constant 3 : i32
    %get3A_527 = arith.index_cast %get3A_526 : i32 to index
    %get3A_528 = arith.constant 80 : index
    %get3A_529 = tpu.vector_load %arg7[%get3A_527, %get3A_528] {strides = array<i32>} : memref<26x128xi32, #tpu.memory_space<vmem>>, vector<1x16xi32>,
    %get3A_530 = vector.shape_cast %get3A_529 : vector<1x16xi32> to vector<16xi32>
    %add3A_531 = arith.addi %get3A_525, %get3A_530 : vector<16xi32>
    %swap3A_532 = arith.constant 3 : i32
    %swap3A_533 = arith.index_cast %swap3A_532 : i32 to index
    %swap3A_534 = arith.constant 80 : index
    %swap3A_535 = tpu.vector_load %arg6[%swap3A_533, %swap3A_534] {strides = array<i32>} : memref<26x128xi32, #tpu.memory_space<vmem>>, vector<1x16xi32>,
    %swap3A_536 = vector.shape_cast %swap3A_535 : vector<1x16xi32> to vector<16xi32>
    %swap3A_537 = vector.shape_cast %add3A_531 : vector<16xi32> to vector<1x16xi32>
    tpu.vector_store %arg6[%swap3A_533, %swap3A_534], %swap3A_537 {strides = array<i32>} : memref<26x128xi32, #tpu.memory_space<vmem>>, vector<1x16xi32>,
    %get3A_538 = arith.constant 3 : i32
    %get3A_539 = arith.index_cast %get3A_538 : i32 to index
    %get3A_540 = arith.constant 96 : index
    %get3A_541 = tpu.vector_load %arg6[%get3A_539, %get3A_540] {strides = array<i32>} : memref<26x128xi32, #tpu.memory_space<vmem>>, vector<1x16xi32>,
    %get3A_542 = vector.shape_cast %get3A_541 : vector<1x16xi32> to vector<16xi32>
    %get3A_543 = arith.constant 3 : i32
    %get3A_544 = arith.index_cast %get3A_543 : i32 to index
    %get3A_545 = arith.constant 96 : index
    %get3A_546 = tpu.vector_load %arg7[%get3A_544, %get3A_545] {strides = array<i32>} : memref<26x128xi32, #tpu.memory_space<vmem>>, vector<1x16xi32>,
    %get3A_547 = vector.shape_cast %get3A_546 : vector<1x16xi32> to vector<16xi32>
    %add3A_548 = arith.addi %get3A_542, %get3A_547 : vector<16xi32>
    %swap3A_549 = arith.constant 3 : i32
    %swap3A_550 = arith.index_cast %swap3A_549 : i32 to index
    %swap3A_551 = arith.constant 96 : index
    %swap3A_552 = tpu.vector_load %arg6[%swap3A_550, %swap3A_551] {strides = array<i32>} : memref<26x128xi32, #tpu.memory_space<vmem>>, vector<1x16xi32>,
    %swap3A_553 = vector.shape_cast %swap3A_552 : vector<1x16xi32> to vector<16xi32>
    %swap3A_554 = vector.shape_cast %add3A_548 : vector<16xi32> to vector<1x16xi32>
    tpu.vector_store %arg6[%swap3A_550, %swap3A_551], %swap3A_554 {strides = array<i32>} : memref<26x128xi32, #tpu.memory_space<vmem>>, vector<1x16xi32>,
    %get3A_555 = arith.constant 3 : i32
    %get3A_556 = arith.index_cast %get3A_555 : i32 to index
    %get3A_557 = arith.constant 112 : index
    %get3A_558 = tpu.vector_load %arg6[%get3A_556, %get3A_557] {strides = array<i32>} : memref<26x128xi32, #tpu.memory_space<vmem>>, vector<1x16xi32>,
    %get3A_559 = vector.shape_cast %get3A_558 : vector<1x16xi32> to vector<16xi32>
    %get3A_560 = arith.constant 3 : i32
    %get3A_561 = arith.index_cast %get3A_560 : i32 to index
    %get3A_562 = arith.constant 112 : index
    %get3A_563 = tpu.vector_load %arg7[%get3A_561, %get3A_562] {strides = array<i32>} : memref<26x128xi32, #tpu.memory_space<vmem>>, vector<1x16xi32>,
    %get3A_564 = vector.shape_cast %get3A_563 : vector<1x16xi32> to vector<16xi32>
    %add3A_565 = arith.addi %get3A_559, %get3A_564 : vector<16xi32>
    %swap3A_566 = arith.constant 3 : i32
    %swap3A_567 = arith.index_cast %swap3A_566 : i32 to index
    %swap3A_568 = arith.constant 112 : index
    %swap3A_569 = tpu.vector_load %arg6[%swap3A_567, %swap3A_568] {strides = array<i32>} : memref<26x128xi32, #tpu.memory_space<vmem>>, vector<1x16xi32>,
    %swap3A_570 = vector.shape_cast %swap3A_569 : vector<1x16xi32> to vector<16xi32>
    %swap3A_571 = vector.shape_cast %add3A_565 : vector<16xi32> to vector<1x16xi32>
    tpu.vector_store %arg6[%swap3A_567, %swap3A_568], %swap3A_571 {strides = array<i32>} : memref<26x128xi32, #tpu.memory_space<vmem>>, vector<1x16xi32>,
    %dma_start3A_572 = arith.constant 3 : i32
    %dma_start3A_573 = arith.constant 384 : i32
    %dma_start3A_574 = arith.constant 0 : i32
    %dma_start3A_575 = tpu.memref_slice %arg8[%dma_start3A_573, %dma_start3A_574] : memref<3328x32xf32, #tpu.memory_space<vmem>> -> memref<128x32xf32, #tpu.memory_space<vmem>>
    %dma_start3A_576 = arith.constant 0 : i32
    %dma_start3A_577 = tpu.memref_slice %arg6[%dma_start3A_572, %dma_start3A_576] : memref<26x128xi32, #tpu.memory_space<vmem>> -> memref<1x128xi32, #tpu.memory_space<vmem>>
    %dma_start3A_578 = tpu.memref_squeeze %dma_start3A_577 : memref<1x128xi32, #tpu.memory_space<vmem>> -> memref<128xi32, #tpu.memory_space<vmem>>
    %dma_start3A_579 = arith.constant 0 : i32
    %dma_start3A_580 = arith.constant 0 : i32
    %dma_start3A_581 = tpu.memref_slice %arg3[%dma_start3A_579, %dma_start3A_580] : memref<2600000x32xf32, #tpu.memory_space<hbm>> -> memref<2600000x32xf32, #tpu.memory_space<hbm>>
    tpu.enqueue_indirect_dma source(%dma_start3A_581 : memref<2600000x32xf32, #tpu.memory_space<hbm>>) target(%dma_start3A_575 : memref<128x32xf32, #tpu.memory_space<vmem>>) offsets(%dma_start3A_578 : memref<128xi32, #tpu.memory_space<vmem>>) semaphore(%arg9 : memref<!tpu.dma_semaphore, #tpu.memory_space<semaphore_mem>>)
    %get3A_582 = arith.constant 4 : i32
    %get3A_583 = arith.index_cast %get3A_582 : i32 to index
    %get3A_584 = arith.constant 0 : index
    %get3A_585 = tpu.vector_load %arg6[%get3A_583, %get3A_584] {strides = array<i32>} : memref<26x128xi32, #tpu.memory_space<vmem>>, vector<1x16xi32>,
    %get3A_586 = vector.shape_cast %get3A_585 : vector<1x16xi32> to vector<16xi32>
    %get3A_587 = arith.constant 4 : i32
    %get3A_588 = arith.index_cast %get3A_587 : i32 to index
    %get3A_589 = arith.constant 0 : index
    %get3A_590 = tpu.vector_load %arg7[%get3A_588, %get3A_589] {strides = array<i32>} : memref<26x128xi32, #tpu.memory_space<vmem>>, vector<1x16xi32>,
    %get3A_591 = vector.shape_cast %get3A_590 : vector<1x16xi32> to vector<16xi32>
    %add3A_592 = arith.addi %get3A_586, %get3A_591 : vector<16xi32>
    %swap3A_593 = arith.constant 4 : i32
    %swap3A_594 = arith.index_cast %swap3A_593 : i32 to index
    %swap3A_595 = arith.constant 0 : index
    %swap3A_596 = tpu.vector_load %arg6[%swap3A_594, %swap3A_595] {strides = array<i32>} : memref<26x128xi32, #tpu.memory_space<vmem>>, vector<1x16xi32>,
    %swap3A_597 = vector.shape_cast %swap3A_596 : vector<1x16xi32> to vector<16xi32>
    %swap3A_598 = vector.shape_cast %add3A_592 : vector<16xi32> to vector<1x16xi32>
    tpu.vector_store %arg6[%swap3A_594, %swap3A_595], %swap3A_598 {strides = array<i32>} : memref<26x128xi32, #tpu.memory_space<vmem>>, vector<1x16xi32>,
    %get3A_599 = arith.constant 4 : i32
    %get3A_600 = arith.index_cast %get3A_599 : i32 to index
    %get3A_601 = arith.constant 16 : index
    %get3A_602 = tpu.vector_load %arg6[%get3A_600, %get3A_601] {strides = array<i32>} : memref<26x128xi32, #tpu.memory_space<vmem>>, vector<1x16xi32>,
    %get3A_603 = vector.shape_cast %get3A_602 : vector<1x16xi32> to vector<16xi32>
    %get3A_604 = arith.constant 4 : i32
    %get3A_605 = arith.index_cast %get3A_604 : i32 to index
    %get3A_606 = arith.constant 16 : index
    %get3A_607 = tpu.vector_load %arg7[%get3A_605, %get3A_606] {strides = array<i32>} : memref<26x128xi32, #tpu.memory_space<vmem>>, vector<1x16xi32>,
    %get3A_608 = vector.shape_cast %get3A_607 : vector<1x16xi32> to vector<16xi32>
    %add3A_609 = arith.addi %get3A_603, %get3A_608 : vector<16xi32>
    %swap3A_610 = arith.constant 4 : i32
    %swap3A_611 = arith.index_cast %swap3A_610 : i32 to index
    %swap3A_612 = arith.constant 16 : index
    %swap3A_613 = tpu.vector_load %arg6[%swap3A_611, %swap3A_612] {strides = array<i32>} : memref<26x128xi32, #tpu.memory_space<vmem>>, vector<1x16xi32>,
    %swap3A_614 = vector.shape_cast %swap3A_613 : vector<1x16xi32> to vector<16xi32>
    %swap3A_615 = vector.shape_cast %add3A_609 : vector<16xi32> to vector<1x16xi32>
    tpu.vector_store %arg6[%swap3A_611, %swap3A_612], %swap3A_615 {strides = array<i32>} : memref<26x128xi32, #tpu.memory_space<vmem>>, vector<1x16xi32>,
    %get3A_616 = arith.constant 4 : i32
    %get3A_617 = arith.index_cast %get3A_616 : i32 to index
    %get3A_618 = arith.constant 32 : index
    %get3A_619 = tpu.vector_load %arg6[%get3A_617, %get3A_618] {strides = array<i32>} : memref<26x128xi32, #tpu.memory_space<vmem>>, vector<1x16xi32>,
    %get3A_620 = vector.shape_cast %get3A_619 : vector<1x16xi32> to vector<16xi32>
    %get3A_621 = arith.constant 4 : i32
    %get3A_622 = arith.index_cast %get3A_621 : i32 to index
    %get3A_623 = arith.constant 32 : index
    %get3A_624 = tpu.vector_load %arg7[%get3A_622, %get3A_623] {strides = array<i32>} : memref<26x128xi32, #tpu.memory_space<vmem>>, vector<1x16xi32>,
    %get3A_625 = vector.shape_cast %get3A_624 : vector<1x16xi32> to vector<16xi32>
    %add3A_626 = arith.addi %get3A_620, %get3A_625 : vector<16xi32>
    %swap3A_627 = arith.constant 4 : i32
    %swap3A_628 = arith.index_cast %swap3A_627 : i32 to index
    %swap3A_629 = arith.constant 32 : index
    %swap3A_630 = tpu.vector_load %arg6[%swap3A_628, %swap3A_629] {strides = array<i32>} : memref<26x128xi32, #tpu.memory_space<vmem>>, vector<1x16xi32>,
    %swap3A_631 = vector.shape_cast %swap3A_630 : vector<1x16xi32> to vector<16xi32>
    %swap3A_632 = vector.shape_cast %add3A_626 : vector<16xi32> to vector<1x16xi32>
    tpu.vector_store %arg6[%swap3A_628, %swap3A_629], %swap3A_632 {strides = array<i32>} : memref<26x128xi32, #tpu.memory_space<vmem>>, vector<1x16xi32>,
    %get3A_633 = arith.constant 4 : i32
    %get3A_634 = arith.index_cast %get3A_633 : i32 to index
    %get3A_635 = arith.constant 48 : index
    %get3A_636 = tpu.vector_load %arg6[%get3A_634, %get3A_635] {strides = array<i32>} : memref<26x128xi32, #tpu.memory_space<vmem>>, vector<1x16xi32>,
    %get3A_637 = vector.shape_cast %get3A_636 : vector<1x16xi32> to vector<16xi32>
    %get3A_638 = arith.constant 4 : i32
    %get3A_639 = arith.index_cast %get3A_638 : i32 to index
    %get3A_640 = arith.constant 48 : index
    %get3A_641 = tpu.vector_load %arg7[%get3A_639, %get3A_640] {strides = array<i32>} : memref<26x128xi32, #tpu.memory_space<vmem>>, vector<1x16xi32>,
    %get3A_642 = vector.shape_cast %get3A_641 : vector<1x16xi32> to vector<16xi32>
    %add3A_643 = arith.addi %get3A_637, %get3A_642 : vector<16xi32>
    %swap3A_644 = arith.constant 4 : i32
    %swap3A_645 = arith.index_cast %swap3A_644 : i32 to index
    %swap3A_646 = arith.constant 48 : index
    %swap3A_647 = tpu.vector_load %arg6[%swap3A_645, %swap3A_646] {strides = array<i32>} : memref<26x128xi32, #tpu.memory_space<vmem>>, vector<1x16xi32>,
    %swap3A_648 = vector.shape_cast %swap3A_647 : vector<1x16xi32> to vector<16xi32>
    %swap3A_649 = vector.shape_cast %add3A_643 : vector<16xi32> to vector<1x16xi32>
    tpu.vector_store %arg6[%swap3A_645, %swap3A_646], %swap3A_649 {strides = array<i32>} : memref<26x128xi32, #tpu.memory_space<vmem>>, vector<1x16xi32>,
    %get3A_650 = arith.constant 4 : i32
    %get3A_651 = arith.index_cast %get3A_650 : i32 to index
    %get3A_652 = arith.constant 64 : index
    %get3A_653 = tpu.vector_load %arg6[%get3A_651, %get3A_652] {strides = array<i32>} : memref<26x128xi32, #tpu.memory_space<vmem>>, vector<1x16xi32>,
    %get3A_654 = vector.shape_cast %get3A_653 : vector<1x16xi32> to vector<16xi32>
    %get3A_655 = arith.constant 4 : i32
    %get3A_656 = arith.index_cast %get3A_655 : i32 to index
    %get3A_657 = arith.constant 64 : index
    %get3A_658 = tpu.vector_load %arg7[%get3A_656, %get3A_657] {strides = array<i32>} : memref<26x128xi32, #tpu.memory_space<vmem>>, vector<1x16xi32>,
    %get3A_659 = vector.shape_cast %get3A_658 : vector<1x16xi32> to vector<16xi32>
    %add3A_660 = arith.addi %get3A_654, %get3A_659 : vector<16xi32>
    %swap3A_661 = arith.constant 4 : i32
    %swap3A_662 = arith.index_cast %swap3A_661 : i32 to index
    %swap3A_663 = arith.constant 64 : index
    %swap3A_664 = tpu.vector_load %arg6[%swap3A_662, %swap3A_663] {strides = array<i32>} : memref<26x128xi32, #tpu.memory_space<vmem>>, vector<1x16xi32>,
    %swap3A_665 = vector.shape_cast %swap3A_664 : vector<1x16xi32> to vector<16xi32>
    %swap3A_666 = vector.shape_cast %add3A_660 : vector<16xi32> to vector<1x16xi32>
    tpu.vector_store %arg6[%swap3A_662, %swap3A_663], %swap3A_666 {strides = array<i32>} : memref<26x128xi32, #tpu.memory_space<vmem>>, vector<1x16xi32>,
    %get3A_667 = arith.constant 4 : i32
    %get3A_668 = arith.index_cast %get3A_667 : i32 to index
    %get3A_669 = arith.constant 80 : index
    %get3A_670 = tpu.vector_load %arg6[%get3A_668, %get3A_669] {strides = array<i32>} : memref<26x128xi32, #tpu.memory_space<vmem>>, vector<1x16xi32>,
    %get3A_671 = vector.shape_cast %get3A_670 : vector<1x16xi32> to vector<16xi32>
    %get3A_672 = arith.constant 4 : i32
    %get3A_673 = arith.index_cast %get3A_672 : i32 to index
    %get3A_674 = arith.constant 80 : index
    %get3A_675 = tpu.vector_load %arg7[%get3A_673, %get3A_674] {strides = array<i32>} : memref<26x128xi32, #tpu.memory_space<vmem>>, vector<1x16xi32>,
    %get3A_676 = vector.shape_cast %get3A_675 : vector<1x16xi32> to vector<16xi32>
    %add3A_677 = arith.addi %get3A_671, %get3A_676 : vector<16xi32>
    %swap3A_678 = arith.constant 4 : i32
    %swap3A_679 = arith.index_cast %swap3A_678 : i32 to index
    %swap3A_680 = arith.constant 80 : index
    %swap3A_681 = tpu.vector_load %arg6[%swap3A_679, %swap3A_680] {strides = array<i32>} : memref<26x128xi32, #tpu.memory_space<vmem>>, vector<1x16xi32>,
    %swap3A_682 = vector.shape_cast %swap3A_681 : vector<1x16xi32> to vector<16xi32>
    %swap3A_683 = vector.shape_cast %add3A_677 : vector<16xi32> to vector<1x16xi32>
    tpu.vector_store %arg6[%swap3A_679, %swap3A_680], %swap3A_683 {strides = array<i32>} : memref<26x128xi32, #tpu.memory_space<vmem>>, vector<1x16xi32>,
    %get3A_684 = arith.constant 4 : i32
    %get3A_685 = arith.index_cast %get3A_684 : i32 to index
    %get3A_686 = arith.constant 96 : index
    %get3A_687 = tpu.vector_load %arg6[%get3A_685, %get3A_686] {strides = array<i32>} : memref<26x128xi32, #tpu.memory_space<vmem>>, vector<1x16xi32>,
    %get3A_688 = vector.shape_cast %get3A_687 : vector<1x16xi32> to vector<16xi32>
    %get3A_689 = arith.constant 4 : i32
    %get3A_690 = arith.index_cast %get3A_689 : i32 to index
    %get3A_691 = arith.constant 96 : index
    %get3A_692 = tpu.vector_load %arg7[%get3A_690, %get3A_691] {strides = array<i32>} : memref<26x128xi32, #tpu.memory_space<vmem>>, vector<1x16xi32>,
    %get3A_693 = vector.shape_cast %get3A_692 : vector<1x16xi32> to vector<16xi32>
    %add3A_694 = arith.addi %get3A_688, %get3A_693 : vector<16xi32>
    %swap3A_695 = arith.constant 4 : i32
    %swap3A_696 = arith.index_cast %swap3A_695 : i32 to index
    %swap3A_697 = arith.constant 96 : index
    %swap3A_698 = tpu.vector_load %arg6[%swap3A_696, %swap3A_697] {strides = array<i32>} : memref<26x128xi32, #tpu.memory_space<vmem>>, vector<1x16xi32>,
    %swap3A_699 = vector.shape_cast %swap3A_698 : vector<1x16xi32> to vector<16xi32>
    %swap3A_700 = vector.shape_cast %add3A_694 : vector<16xi32> to vector<1x16xi32>
    tpu.vector_store %arg6[%swap3A_696, %swap3A_697], %swap3A_700 {strides = array<i32>} : memref<26x128xi32, #tpu.memory_space<vmem>>, vector<1x16xi32>,
    %get3A_701 = arith.constant 4 : i32
    %get3A_702 = arith.index_cast %get3A_701 : i32 to index
    %get3A_703 = arith.constant 112 : index
    %get3A_704 = tpu.vector_load %arg6[%get3A_702, %get3A_703] {strides = array<i32>} : memref<26x128xi32, #tpu.memory_space<vmem>>, vector<1x16xi32>,
    %get3A_705 = vector.shape_cast %get3A_704 : vector<1x16xi32> to vector<16xi32>
    %get3A_706 = arith.constant 4 : i32
    %get3A_707 = arith.index_cast %get3A_706 : i32 to index
    %get3A_708 = arith.constant 112 : index
    %get3A_709 = tpu.vector_load %arg7[%get3A_707, %get3A_708] {strides = array<i32>} : memref<26x128xi32, #tpu.memory_space<vmem>>, vector<1x16xi32>,
    %get3A_710 = vector.shape_cast %get3A_709 : vector<1x16xi32> to vector<16xi32>
    %add3A_711 = arith.addi %get3A_705, %get3A_710 : vector<16xi32>
    %swap3A_712 = arith.constant 4 : i32
    %swap3A_713 = arith.index_cast %swap3A_712 : i32 to index
    %swap3A_714 = arith.constant 112 : index
    %swap3A_715 = tpu.vector_load %arg6[%swap3A_713, %swap3A_714] {strides = array<i32>} : memref<26x128xi32, #tpu.memory_space<vmem>>, vector<1x16xi32>,
    %swap3A_716 = vector.shape_cast %swap3A_715 : vector<1x16xi32> to vector<16xi32>
    %swap3A_717 = vector.shape_cast %add3A_711 : vector<16xi32> to vector<1x16xi32>
    tpu.vector_store %arg6[%swap3A_713, %swap3A_714], %swap3A_717 {strides = array<i32>} : memref<26x128xi32, #tpu.memory_space<vmem>>, vector<1x16xi32>,
    %dma_start3A_718 = arith.constant 4 : i32
    %dma_start3A_719 = arith.constant 512 : i32
    %dma_start3A_720 = arith.constant 0 : i32
    %dma_start3A_721 = tpu.memref_slice %arg8[%dma_start3A_719, %dma_start3A_720] : memref<3328x32xf32, #tpu.memory_space<vmem>> -> memref<128x32xf32, #tpu.memory_space<vmem>>
    %dma_start3A_722 = arith.constant 0 : i32
    %dma_start3A_723 = tpu.memref_slice %arg6[%dma_start3A_718, %dma_start3A_722] : memref<26x128xi32, #tpu.memory_space<vmem>> -> memref<1x128xi32, #tpu.memory_space<vmem>>
    %dma_start3A_724 = tpu.memref_squeeze %dma_start3A_723 : memref<1x128xi32, #tpu.memory_space<vmem>> -> memref<128xi32, #tpu.memory_space<vmem>>
    %dma_start3A_725 = arith.constant 0 : i32
    %dma_start3A_726 = arith.constant 0 : i32
    %dma_start3A_727 = tpu.memref_slice %arg3[%dma_start3A_725, %dma_start3A_726] : memref<2600000x32xf32, #tpu.memory_space<hbm>> -> memref<2600000x32xf32, #tpu.memory_space<hbm>>
    tpu.enqueue_indirect_dma source(%dma_start3A_727 : memref<2600000x32xf32, #tpu.memory_space<hbm>>) target(%dma_start3A_721 : memref<128x32xf32, #tpu.memory_space<vmem>>) offsets(%dma_start3A_724 : memref<128xi32, #tpu.memory_space<vmem>>) semaphore(%arg9 : memref<!tpu.dma_semaphore, #tpu.memory_space<semaphore_mem>>)
    %get3A_728 = arith.constant 5 : i32
    %get3A_729 = arith.index_cast %get3A_728 : i32 to index
    %get3A_730 = arith.constant 0 : index
    %get3A_731 = tpu.vector_load %arg6[%get3A_729, %get3A_730] {strides = array<i32>} : memref<26x128xi32, #tpu.memory_space<vmem>>, vector<1x16xi32>,
    %get3A_732 = vector.shape_cast %get3A_731 : vector<1x16xi32> to vector<16xi32>
    %get3A_733 = arith.constant 5 : i32
    %get3A_734 = arith.index_cast %get3A_733 : i32 to index
    %get3A_735 = arith.constant 0 : index
    %get3A_736 = tpu.vector_load %arg7[%get3A_734, %get3A_735] {strides = array<i32>} : memref<26x128xi32, #tpu.memory_space<vmem>>, vector<1x16xi32>,
    %get3A_737 = vector.shape_cast %get3A_736 : vector<1x16xi32> to vector<16xi32>
    %add3A_738 = arith.addi %get3A_732, %get3A_737 : vector<16xi32>
    %swap3A_739 = arith.constant 5 : i32
    %swap3A_740 = arith.index_cast %swap3A_739 : i32 to index
    %swap3A_741 = arith.constant 0 : index
    %swap3A_742 = tpu.vector_load %arg6[%swap3A_740, %swap3A_741] {strides = array<i32>} : memref<26x128xi32, #tpu.memory_space<vmem>>, vector<1x16xi32>,
    %swap3A_743 = vector.shape_cast %swap3A_742 : vector<1x16xi32> to vector<16xi32>
    %swap3A_744 = vector.shape_cast %add3A_738 : vector<16xi32> to vector<1x16xi32>
    tpu.vector_store %arg6[%swap3A_740, %swap3A_741], %swap3A_744 {strides = array<i32>} : memref<26x128xi32, #tpu.memory_space<vmem>>, vector<1x16xi32>,
    %get3A_745 = arith.constant 5 : i32
    %get3A_746 = arith.index_cast %get3A_745 : i32 to index
    %get3A_747 = arith.constant 16 : index
    %get3A_748 = tpu.vector_load %arg6[%get3A_746, %get3A_747] {strides = array<i32>} : memref<26x128xi32, #tpu.memory_space<vmem>>, vector<1x16xi32>,
    %get3A_749 = vector.shape_cast %get3A_748 : vector<1x16xi32> to vector<16xi32>
    %get3A_750 = arith.constant 5 : i32
    %get3A_751 = arith.index_cast %get3A_750 : i32 to index
    %get3A_752 = arith.constant 16 : index
    %get3A_753 = tpu.vector_load %arg7[%get3A_751, %get3A_752] {strides = array<i32>} : memref<26x128xi32, #tpu.memory_space<vmem>>, vector<1x16xi32>,
    %get3A_754 = vector.shape_cast %get3A_753 : vector<1x16xi32> to vector<16xi32>
    %add3A_755 = arith.addi %get3A_749, %get3A_754 : vector<16xi32>
    %swap3A_756 = arith.constant 5 : i32
    %swap3A_757 = arith.index_cast %swap3A_756 : i32 to index
    %swap3A_758 = arith.constant 16 : index
    %swap3A_759 = tpu.vector_load %arg6[%swap3A_757, %swap3A_758] {strides = array<i32>} : memref<26x128xi32, #tpu.memory_space<vmem>>, vector<1x16xi32>,
    %swap3A_760 = vector.shape_cast %swap3A_759 : vector<1x16xi32> to vector<16xi32>
    %swap3A_761 = vector.shape_cast %add3A_755 : vector<16xi32> to vector<1x16xi32>
    tpu.vector_store %arg6[%swap3A_757, %swap3A_758], %swap3A_761 {strides = array<i32>} : memref<26x128xi32, #tpu.memory_space<vmem>>, vector<1x16xi32>,
    %get3A_762 = arith.constant 5 : i32
    %get3A_763 = arith.index_cast %get3A_762 : i32 to index
    %get3A_764 = arith.constant 32 : index
    %get3A_765 = tpu.vector_load %arg6[%get3A_763, %get3A_764] {strides = array<i32>} : memref<26x128xi32, #tpu.memory_space<vmem>>, vector<1x16xi32>,
    %get3A_766 = vector.shape_cast %get3A_765 : vector<1x16xi32> to vector<16xi32>
    %get3A_767 = arith.constant 5 : i32
    %get3A_768 = arith.index_cast %get3A_767 : i32 to index
    %get3A_769 = arith.constant 32 : index
    %get3A_770 = tpu.vector_load %arg7[%get3A_768, %get3A_769] {strides = array<i32>} : memref<26x128xi32, #tpu.memory_space<vmem>>, vector<1x16xi32>,
    %get3A_771 = vector.shape_cast %get3A_770 : vector<1x16xi32> to vector<16xi32>
    %add3A_772 = arith.addi %get3A_766, %get3A_771 : vector<16xi32>
    %swap3A_773 = arith.constant 5 : i32
    %swap3A_774 = arith.index_cast %swap3A_773 : i32 to index
    %swap3A_775 = arith.constant 32 : index
    %swap3A_776 = tpu.vector_load %arg6[%swap3A_774, %swap3A_775] {strides = array<i32>} : memref<26x128xi32, #tpu.memory_space<vmem>>, vector<1x16xi32>,
    %swap3A_777 = vector.shape_cast %swap3A_776 : vector<1x16xi32> to vector<16xi32>
    %swap3A_778 = vector.shape_cast %add3A_772 : vector<16xi32> to vector<1x16xi32>
    tpu.vector_store %arg6[%swap3A_774, %swap3A_775], %swap3A_778 {strides = array<i32>} : memref<26x128xi32, #tpu.memory_space<vmem>>, vector<1x16xi32>,
    %get3A_779 = arith.constant 5 : i32
    %get3A_780 = arith.index_cast %get3A_779 : i32 to index
    %get3A_781 = arith.constant 48 : index
    %get3A_782 = tpu.vector_load %arg6[%get3A_780, %get3A_781] {strides = array<i32>} : memref<26x128xi32, #tpu.memory_space<vmem>>, vector<1x16xi32>,
    %get3A_783 = vector.shape_cast %get3A_782 : vector<1x16xi32> to vector<16xi32>
    %get3A_784 = arith.constant 5 : i32
    %get3A_785 = arith.index_cast %get3A_784 : i32 to index
    %get3A_786 = arith.constant 48 : index
    %get3A_787 = tpu.vector_load %arg7[%get3A_785, %get3A_786] {strides = array<i32>} : memref<26x128xi32, #tpu.memory_space<vmem>>, vector<1x16xi32>,
    %get3A_788 = vector.shape_cast %get3A_787 : vector<1x16xi32> to vector<16xi32>
    %add3A_789 = arith.addi %get3A_783, %get3A_788 : vector<16xi32>
    %swap3A_790 = arith.constant 5 : i32
    %swap3A_791 = arith.index_cast %swap3A_790 : i32 to index
    %swap3A_792 = arith.constant 48 : index
    %swap3A_793 = tpu.vector_load %arg6[%swap3A_791, %swap3A_792] {strides = array<i32>} : memref<26x128xi32, #tpu.memory_space<vmem>>, vector<1x16xi32>,
    %swap3A_794 = vector.shape_cast %swap3A_793 : vector<1x16xi32> to vector<16xi32>
    %swap3A_795 = vector.shape_cast %add3A_789 : vector<16xi32> to vector<1x16xi32>
    tpu.vector_store %arg6[%swap3A_791, %swap3A_792], %swap3A_795 {strides = array<i32>} : memref<26x128xi32, #tpu.memory_space<vmem>>, vector<1x16xi32>,
    %get3A_796 = arith.constant 5 : i32
    %get3A_797 = arith.index_cast %get3A_796 : i32 to index
    %get3A_798 = arith.constant 64 : index
    %get3A_799 = tpu.vector_load %arg6[%get3A_797, %get3A_798] {strides = array<i32>} : memref<26x128xi32, #tpu.memory_space<vmem>>, vector<1x16xi32>,
    %get3A_800 = vector.shape_cast %get3A_799 : vector<1x16xi32> to vector<16xi32>
    %get3A_801 = arith.constant 5 : i32
    %get3A_802 = arith.index_cast %get3A_801 : i32 to index
    %get3A_803 = arith.constant 64 : index
    %get3A_804 = tpu.vector_load %arg7[%get3A_802, %get3A_803] {strides = array<i32>} : memref<26x128xi32, #tpu.memory_space<vmem>>, vector<1x16xi32>,
    %get3A_805 = vector.shape_cast %get3A_804 : vector<1x16xi32> to vector<16xi32>
    %add3A_806 = arith.addi %get3A_800, %get3A_805 : vector<16xi32>
    %swap3A_807 = arith.constant 5 : i32
    %swap3A_808 = arith.index_cast %swap3A_807 : i32 to index
    %swap3A_809 = arith.constant 64 : index
    %swap3A_810 = tpu.vector_load %arg6[%swap3A_808, %swap3A_809] {strides = array<i32>} : memref<26x128xi32, #tpu.memory_space<vmem>>, vector<1x16xi32>,
    %swap3A_811 = vector.shape_cast %swap3A_810 : vector<1x16xi32> to vector<16xi32>
    %swap3A_812 = vector.shape_cast %add3A_806 : vector<16xi32> to vector<1x16xi32>
    tpu.vector_store %arg6[%swap3A_808, %swap3A_809], %swap3A_812 {strides = array<i32>} : memref<26x128xi32, #tpu.memory_space<vmem>>, vector<1x16xi32>,
    %get3A_813 = arith.constant 5 : i32
    %get3A_814 = arith.index_cast %get3A_813 : i32 to index
    %get3A_815 = arith.constant 80 : index
    %get3A_816 = tpu.vector_load %arg6[%get3A_814, %get3A_815] {strides = array<i32>} : memref<26x128xi32, #tpu.memory_space<vmem>>, vector<1x16xi32>,
    %get3A_817 = vector.shape_cast %get3A_816 : vector<1x16xi32> to vector<16xi32>
    %get3A_818 = arith.constant 5 : i32
    %get3A_819 = arith.index_cast %get3A_818 : i32 to index
    %get3A_820 = arith.constant 80 : index
    %get3A_821 = tpu.vector_load %arg7[%get3A_819, %get3A_820] {strides = array<i32>} : memref<26x128xi32, #tpu.memory_space<vmem>>, vector<1x16xi32>,
    %get3A_822 = vector.shape_cast %get3A_821 : vector<1x16xi32> to vector<16xi32>
    %add3A_823 = arith.addi %get3A_817, %get3A_822 : vector<16xi32>
    %swap3A_824 = arith.constant 5 : i32
    %swap3A_825 = arith.index_cast %swap3A_824 : i32 to index
    %swap3A_826 = arith.constant 80 : index
    %swap3A_827 = tpu.vector_load %arg6[%swap3A_825, %swap3A_826] {strides = array<i32>} : memref<26x128xi32, #tpu.memory_space<vmem>>, vector<1x16xi32>,
    %swap3A_828 = vector.shape_cast %swap3A_827 : vector<1x16xi32> to vector<16xi32>
    %swap3A_829 = vector.shape_cast %add3A_823 : vector<16xi32> to vector<1x16xi32>
    tpu.vector_store %arg6[%swap3A_825, %swap3A_826], %swap3A_829 {strides = array<i32>} : memref<26x128xi32, #tpu.memory_space<vmem>>, vector<1x16xi32>,
    %get3A_830 = arith.constant 5 : i32
    %get3A_831 = arith.index_cast %get3A_830 : i32 to index
    %get3A_832 = arith.constant 96 : index
    %get3A_833 = tpu.vector_load %arg6[%get3A_831, %get3A_832] {strides = array<i32>} : memref<26x128xi32, #tpu.memory_space<vmem>>, vector<1x16xi32>,
    %get3A_834 = vector.shape_cast %get3A_833 : vector<1x16xi32> to vector<16xi32>
    %get3A_835 = arith.constant 5 : i32
    %get3A_836 = arith.index_cast %get3A_835 : i32 to index
    %get3A_837 = arith.constant 96 : index
    %get3A_838 = tpu.vector_load %arg7[%get3A_836, %get3A_837] {strides = array<i32>} : memref<26x128xi32, #tpu.memory_space<vmem>>, vector<1x16xi32>,
    %get3A_839 = vector.shape_cast %get3A_838 : vector<1x16xi32> to vector<16xi32>
    %add3A_840 = arith.addi %get3A_834, %get3A_839 : vector<16xi32>
    %swap3A_841 = arith.constant 5 : i32
    %swap3A_842 = arith.index_cast %swap3A_841 : i32 to index
    %swap3A_843 = arith.constant 96 : index
    %swap3A_844 = tpu.vector_load %arg6[%swap3A_842, %swap3A_843] {strides = array<i32>} : memref<26x128xi32, #tpu.memory_space<vmem>>, vector<1x16xi32>,
    %swap3A_845 = vector.shape_cast %swap3A_844 : vector<1x16xi32> to vector<16xi32>
    %swap3A_846 = vector.shape_cast %add3A_840 : vector<16xi32> to vector<1x16xi32>
    tpu.vector_store %arg6[%swap3A_842, %swap3A_843], %swap3A_846 {strides = array<i32>} : memref<26x128xi32, #tpu.memory_space<vmem>>, vector<1x16xi32>,
    %get3A_847 = arith.constant 5 : i32
    %get3A_848 = arith.index_cast %get3A_847 : i32 to index
    %get3A_849 = arith.constant 112 : index
    %get3A_850 = tpu.vector_load %arg6[%get3A_848, %get3A_849] {strides = array<i32>} : memref<26x128xi32, #tpu.memory_space<vmem>>, vector<1x16xi32>,
    %get3A_851 = vector.shape_cast %get3A_850 : vector<1x16xi32> to vector<16xi32>
    %get3A_852 = arith.constant 5 : i32
    %get3A_853 = arith.index_cast %get3A_852 : i32 to index
    %get3A_854 = arith.constant 112 : index
    %get3A_855 = tpu.vector_load %arg7[%get3A_853, %get3A_854] {strides = array<i32>} : memref<26x128xi32, #tpu.memory_space<vmem>>, vector<1x16xi32>,
    %get3A_856 = vector.shape_cast %get3A_855 : vector<1x16xi32> to vector<16xi32>
    %add3A_857 = arith.addi %get3A_851, %get3A_856 : vector<16xi32>
    %swap3A_858 = arith.constant 5 : i32
    %swap3A_859 = arith.index_cast %swap3A_858 : i32 to index
    %swap3A_860 = arith.constant 112 : index
    %swap3A_861 = tpu.vector_load %arg6[%swap3A_859, %swap3A_860] {strides = array<i32>} : memref<26x128xi32, #tpu.memory_space<vmem>>, vector<1x16xi32>,
    %swap3A_862 = vector.shape_cast %swap3A_861 : vector<1x16xi32> to vector<16xi32>
    %swap3A_863 = vector.shape_cast %add3A_857 : vector<16xi32> to vector<1x16xi32>
    tpu.vector_store %arg6[%swap3A_859, %swap3A_860], %swap3A_863 {strides = array<i32>} : memref<26x128xi32, #tpu.memory_space<vmem>>, vector<1x16xi32>,
    %dma_start3A_864 = arith.constant 5 : i32
    %dma_start3A_865 = arith.constant 640 : i32
    %dma_start3A_866 = arith.constant 0 : i32
    %dma_start3A_867 = tpu.memref_slice %arg8[%dma_start3A_865, %dma_start3A_866] : memref<3328x32xf32, #tpu.memory_space<vmem>> -> memref<128x32xf32, #tpu.memory_space<vmem>>
    %dma_start3A_868 = arith.constant 0 : i32
    %dma_start3A_869 = tpu.memref_slice %arg6[%dma_start3A_864, %dma_start3A_868] : memref<26x128xi32, #tpu.memory_space<vmem>> -> memref<1x128xi32, #tpu.memory_space<vmem>>
    %dma_start3A_870 = tpu.memref_squeeze %dma_start3A_869 : memref<1x128xi32, #tpu.memory_space<vmem>> -> memref<128xi32, #tpu.memory_space<vmem>>
    %dma_start3A_871 = arith.constant 0 : i32
    %dma_start3A_872 = arith.constant 0 : i32
    %dma_start3A_873 = tpu.memref_slice %arg3[%dma_start3A_871, %dma_start3A_872] : memref<2600000x32xf32, #tpu.memory_space<hbm>> -> memref<2600000x32xf32, #tpu.memory_space<hbm>>
    tpu.enqueue_indirect_dma source(%dma_start3A_873 : memref<2600000x32xf32, #tpu.memory_space<hbm>>) target(%dma_start3A_867 : memref<128x32xf32, #tpu.memory_space<vmem>>) offsets(%dma_start3A_870 : memref<128xi32, #tpu.memory_space<vmem>>) semaphore(%arg9 : memref<!tpu.dma_semaphore, #tpu.memory_space<semaphore_mem>>)
    %get3A_874 = arith.constant 6 : i32
    %get3A_875 = arith.index_cast %get3A_874 : i32 to index
    %get3A_876 = arith.constant 0 : index
    %get3A_877 = tpu.vector_load %arg6[%get3A_875, %get3A_876] {strides = array<i32>} : memref<26x128xi32, #tpu.memory_space<vmem>>, vector<1x16xi32>,
    %get3A_878 = vector.shape_cast %get3A_877 : vector<1x16xi32> to vector<16xi32>
    %get3A_879 = arith.constant 6 : i32
    %get3A_880 = arith.index_cast %get3A_879 : i32 to index
    %get3A_881 = arith.constant 0 : index
    %get3A_882 = tpu.vector_load %arg7[%get3A_880, %get3A_881] {strides = array<i32>} : memref<26x128xi32, #tpu.memory_space<vmem>>, vector<1x16xi32>,
    %get3A_883 = vector.shape_cast %get3A_882 : vector<1x16xi32> to vector<16xi32>
    %add3A_884 = arith.addi %get3A_878, %get3A_883 : vector<16xi32>
    %swap3A_885 = arith.constant 6 : i32
    %swap3A_886 = arith.index_cast %swap3A_885 : i32 to index
    %swap3A_887 = arith.constant 0 : index
    %swap3A_888 = tpu.vector_load %arg6[%swap3A_886, %swap3A_887] {strides = array<i32>} : memref<26x128xi32, #tpu.memory_space<vmem>>, vector<1x16xi32>,
    %swap3A_889 = vector.shape_cast %swap3A_888 : vector<1x16xi32> to vector<16xi32>
    %swap3A_890 = vector.shape_cast %add3A_884 : vector<16xi32> to vector<1x16xi32>
    tpu.vector_store %arg6[%swap3A_886, %swap3A_887], %swap3A_890 {strides = array<i32>} : memref<26x128xi32, #tpu.memory_space<vmem>>, vector<1x16xi32>,
    %get3A_891 = arith.constant 6 : i32
    %get3A_892 = arith.index_cast %get3A_891 : i32 to index
    %get3A_893 = arith.constant 16 : index
    %get3A_894 = tpu.vector_load %arg6[%get3A_892, %get3A_893] {strides = array<i32>} : memref<26x128xi32, #tpu.memory_space<vmem>>, vector<1x16xi32>,
    %get3A_895 = vector.shape_cast %get3A_894 : vector<1x16xi32> to vector<16xi32>
    %get3A_896 = arith.constant 6 : i32
    %get3A_897 = arith.index_cast %get3A_896 : i32 to index
    %get3A_898 = arith.constant 16 : index
    %get3A_899 = tpu.vector_load %arg7[%get3A_897, %get3A_898] {strides = array<i32>} : memref<26x128xi32, #tpu.memory_space<vmem>>, vector<1x16xi32>,
    %get3A_900 = vector.shape_cast %get3A_899 : vector<1x16xi32> to vector<16xi32>
    %add3A_901 = arith.addi %get3A_895, %get3A_900 : vector<16xi32>
    %swap3A_902 = arith.constant 6 : i32
    %swap3A_903 = arith.index_cast %swap3A_902 : i32 to index
    %swap3A_904 = arith.constant 16 : index
    %swap3A_905 = tpu.vector_load %arg6[%swap3A_903, %swap3A_904] {strides = array<i32>} : memref<26x128xi32, #tpu.memory_space<vmem>>, vector<1x16xi32>,
    %swap3A_906 = vector.shape_cast %swap3A_905 : vector<1x16xi32> to vector<16xi32>
    %swap3A_907 = vector.shape_cast %add3A_901 : vector<16xi32> to vector<1x16xi32>
    tpu.vector_store %arg6[%swap3A_903, %swap3A_904], %swap3A_907 {strides = array<i32>} : memref<26x128xi32, #tpu.memory_space<vmem>>, vector<1x16xi32>,
    %get3A_908 = arith.constant 6 : i32
    %get3A_909 = arith.index_cast %get3A_908 : i32 to index
    %get3A_910 = arith.constant 32 : index
    %get3A_911 = tpu.vector_load %arg6[%get3A_909, %get3A_910] {strides = array<i32>} : memref<26x128xi32, #tpu.memory_space<vmem>>, vector<1x16xi32>,
    %get3A_912 = vector.shape_cast %get3A_911 : vector<1x16xi32> to vector<16xi32>
    %get3A_913 = arith.constant 6 : i32
    %get3A_914 = arith.index_cast %get3A_913 : i32 to index
    %get3A_915 = arith.constant 32 : index
    %get3A_916 = tpu.vector_load %arg7[%get3A_914, %get3A_915] {strides = array<i32>} : memref<26x128xi32, #tpu.memory_space<vmem>>, vector<1x16xi32>,
    %get3A_917 = vector.shape_cast %get3A_916 : vector<1x16xi32> to vector<16xi32>
    %add3A_918 = arith.addi %get3A_912, %get3A_917 : vector<16xi32>
    %swap3A_919 = arith.constant 6 : i32
    %swap3A_920 = arith.index_cast %swap3A_919 : i32 to index
    %swap3A_921 = arith.constant 32 : index
    %swap3A_922 = tpu.vector_load %arg6[%swap3A_920, %swap3A_921] {strides = array<i32>} : memref<26x128xi32, #tpu.memory_space<vmem>>, vector<1x16xi32>,
    %swap3A_923 = vector.shape_cast %swap3A_922 : vector<1x16xi32> to vector<16xi32>
    %swap3A_924 = vector.shape_cast %add3A_918 : vector<16xi32> to vector<1x16xi32>
    tpu.vector_store %arg6[%swap3A_920, %swap3A_921], %swap3A_924 {strides = array<i32>} : memref<26x128xi32, #tpu.memory_space<vmem>>, vector<1x16xi32>,
    %get3A_925 = arith.constant 6 : i32
    %get3A_926 = arith.index_cast %get3A_925 : i32 to index
    %get3A_927 = arith.constant 48 : index
    %get3A_928 = tpu.vector_load %arg6[%get3A_926, %get3A_927] {strides = array<i32>} : memref<26x128xi32, #tpu.memory_space<vmem>>, vector<1x16xi32>,
    %get3A_929 = vector.shape_cast %get3A_928 : vector<1x16xi32> to vector<16xi32>
    %get3A_930 = arith.constant 6 : i32
    %get3A_931 = arith.index_cast %get3A_930 : i32 to index
    %get3A_932 = arith.constant 48 : index
    %get3A_933 = tpu.vector_load %arg7[%get3A_931, %get3A_932] {strides = array<i32>} : memref<26x128xi32, #tpu.memory_space<vmem>>, vector<1x16xi32>,
    %get3A_934 = vector.shape_cast %get3A_933 : vector<1x16xi32> to vector<16xi32>
    %add3A_935 = arith.addi %get3A_929, %get3A_934 : vector<16xi32>
    %swap3A_936 = arith.constant 6 : i32
    %swap3A_937 = arith.index_cast %swap3A_936 : i32 to index
    %swap3A_938 = arith.constant 48 : index
    %swap3A_939 = tpu.vector_load %arg6[%swap3A_937, %swap3A_938] {strides = array<i32>} : memref<26x128xi32, #tpu.memory_space<vmem>>, vector<1x16xi32>,
    %swap3A_940 = vector.shape_cast %swap3A_939 : vector<1x16xi32> to vector<16xi32>
    %swap3A_941 = vector.shape_cast %add3A_935 : vector<16xi32> to vector<1x16xi32>
    tpu.vector_store %arg6[%swap3A_937, %swap3A_938], %swap3A_941 {strides = array<i32>} : memref<26x128xi32, #tpu.memory_space<vmem>>, vector<1x16xi32>,
    %get3A_942 = arith.constant 6 : i32
    %get3A_943 = arith.index_cast %get3A_942 : i32 to index
    %get3A_944 = arith.constant 64 : index
    %get3A_945 = tpu.vector_load %arg6[%get3A_943, %get3A_944] {strides = array<i32>} : memref<26x128xi32, #tpu.memory_space<vmem>>, vector<1x16xi32>,
    %get3A_946 = vector.shape_cast %get3A_945 : vector<1x16xi32> to vector<16xi32>
    %get3A_947 = arith.constant 6 : i32
    %get3A_948 = arith.index_cast %get3A_947 : i32 to index
    %get3A_949 = arith.constant 64 : index
    %get3A_950 = tpu.vector_load %arg7[%get3A_948, %get3A_949] {strides = array<i32>} : memref<26x128xi32, #tpu.memory_space<vmem>>, vector<1x16xi32>,
    %get3A_951 = vector.shape_cast %get3A_950 : vector<1x16xi32> to vector<16xi32>
    %add3A_952 = arith.addi %get3A_946, %get3A_951 : vector<16xi32>
    %swap3A_953 = arith.constant 6 : i32
    %swap3A_954 = arith.index_cast %swap3A_953 : i32 to index
    %swap3A_955 = arith.constant 64 : index
    %swap3A_956 = tpu.vector_load %arg6[%swap3A_954, %swap3A_955] {strides = array<i32>} : memref<26x128xi32, #tpu.memory_space<vmem>>, vector<1x16xi32>,
    %swap3A_957 = vector.shape_cast %swap3A_956 : vector<1x16xi32> to vector<16xi32>
    %swap3A_958 = vector.shape_cast %add3A_952 : vector<16xi32> to vector<1x16xi32>
    tpu.vector_store %arg6[%swap3A_954, %swap3A_955], %swap3A_958 {strides = array<i32>} : memref<26x128xi32, #tpu.memory_space<vmem>>, vector<1x16xi32>,
    %get3A_959 = arith.constant 6 : i32
    %get3A_960 = arith.index_cast %get3A_959 : i32 to index
    %get3A_961 = arith.constant 80 : index
    %get3A_962 = tpu.vector_load %arg6[%get3A_960, %get3A_961] {strides = array<i32>} : memref<26x128xi32, #tpu.memory_space<vmem>>, vector<1x16xi32>,
    %get3A_963 = vector.shape_cast %get3A_962 : vector<1x16xi32> to vector<16xi32>
    %get3A_964 = arith.constant 6 : i32
    %get3A_965 = arith.index_cast %get3A_964 : i32 to index
    %get3A_966 = arith.constant 80 : index
    %get3A_967 = tpu.vector_load %arg7[%get3A_965, %get3A_966] {strides = array<i32>} : memref<26x128xi32, #tpu.memory_space<vmem>>, vector<1x16xi32>,
    %get3A_968 = vector.shape_cast %get3A_967 : vector<1x16xi32> to vector<16xi32>
    %add3A_969 = arith.addi %get3A_963, %get3A_968 : vector<16xi32>
    %swap3A_970 = arith.constant 6 : i32
    %swap3A_971 = arith.index_cast %swap3A_970 : i32 to index
    %swap3A_972 = arith.constant 80 : index
    %swap3A_973 = tpu.vector_load %arg6[%swap3A_971, %swap3A_972] {strides = array<i32>} : memref<26x128xi32, #tpu.memory_space<vmem>>, vector<1x16xi32>,
    %swap3A_974 = vector.shape_cast %swap3A_973 : vector<1x16xi32> to vector<16xi32>
    %swap3A_975 = vector.shape_cast %add3A_969 : vector<16xi32> to vector<1x16xi32>
    tpu.vector_store %arg6[%swap3A_971, %swap3A_972], %swap3A_975 {strides = array<i32>} : memref<26x128xi32, #tpu.memory_space<vmem>>, vector<1x16xi32>,
    %get3A_976 = arith.constant 6 : i32
    %get3A_977 = arith.index_cast %get3A_976 : i32 to index
    %get3A_978 = arith.constant 96 : index
    %get3A_979 = tpu.vector_load %arg6[%get3A_977, %get3A_978] {strides = array<i32>} : memref<26x128xi32, #tpu.memory_space<vmem>>, vector<1x16xi32>,
    %get3A_980 = vector.shape_cast %get3A_979 : vector<1x16xi32> to vector<16xi32>
    %get3A_981 = arith.constant 6 : i32
    %get3A_982 = arith.index_cast %get3A_981 : i32 to index
    %get3A_983 = arith.constant 96 : index
    %get3A_984 = tpu.vector_load %arg7[%get3A_982, %get3A_983] {strides = array<i32>} : memref<26x128xi32, #tpu.memory_space<vmem>>, vector<1x16xi32>,
    %get3A_985 = vector.shape_cast %get3A_984 : vector<1x16xi32> to vector<16xi32>
    %add3A_986 = arith.addi %get3A_980, %get3A_985 : vector<16xi32>
    %swap3A_987 = arith.constant 6 : i32
    %swap3A_988 = arith.index_cast %swap3A_987 : i32 to index
    %swap3A_989 = arith.constant 96 : index
    %swap3A_990 = tpu.vector_load %arg6[%swap3A_988, %swap3A_989] {strides = array<i32>} : memref<26x128xi32, #tpu.memory_space<vmem>>, vector<1x16xi32>,
    %swap3A_991 = vector.shape_cast %swap3A_990 : vector<1x16xi32> to vector<16xi32>
    %swap3A_992 = vector.shape_cast %add3A_986 : vector<16xi32> to vector<1x16xi32>
    tpu.vector_store %arg6[%swap3A_988, %swap3A_989], %swap3A_992 {strides = array<i32>} : memref<26x128xi32, #tpu.memory_space<vmem>>, vector<1x16xi32>,
    %get3A_993 = arith.constant 6 : i32
    %get3A_994 = arith.index_cast %get3A_993 : i32 to index
    %get3A_995 = arith.constant 112 : index
    %get3A_996 = tpu.vector_load %arg6[%get3A_994, %get3A_995] {strides = array<i32>} : memref<26x128xi32, #tpu.memory_space<vmem>>, vector<1x16xi32>,
    %get3A_997 = vector.shape_cast %get3A_996 : vector<1x16xi32> to vector<16xi32>
    %get3A_998 = arith.constant 6 : i32
    %get3A_999 = arith.index_cast %get3A_998 : i32 to index
    %get3A_1000 = arith.constant 112 : index
    %get3A_1001 = tpu.vector_load %arg7[%get3A_999, %get3A_1000] {strides = array<i32>} : memref<26x128xi32, #tpu.memory_space<vmem>>, vector<1x16xi32>,
    %get3A_1002 = vector.shape_cast %get3A_1001 : vector<1x16xi32> to vector<16xi32>
    %add3A_1003 = arith.addi %get3A_997, %get3A_1002 : vector<16xi32>
    %swap3A_1004 = arith.constant 6 : i32
    %swap3A_1005 = arith.index_cast %swap3A_1004 : i32 to index
    %swap3A_1006 = arith.constant 112 : index
    %swap3A_1007 = tpu.vector_load %arg6[%swap3A_1005, %swap3A_1006] {strides = array<i32>} : memref<26x128xi32, #tpu.memory_space<vmem>>, vector<1x16xi32>,
    %swap3A_1008 = vector.shape_cast %swap3A_1007 : vector<1x16xi32> to vector<16xi32>
    %swap3A_1009 = vector.shape_cast %add3A_1003 : vector<16xi32> to vector<1x16xi32>
    tpu.vector_store %arg6[%swap3A_1005, %swap3A_1006], %swap3A_1009 {strides = array<i32>} : memref<26x128xi32, #tpu.memory_space<vmem>>, vector<1x16xi32>,
    %dma_start3A_1010 = arith.constant 6 : i32
    %dma_start3A_1011 = arith.constant 768 : i32
    %dma_start3A_1012 = arith.constant 0 : i32
    %dma_start3A_1013 = tpu.memref_slice %arg8[%dma_start3A_1011, %dma_start3A_1012] : memref<3328x32xf32, #tpu.memory_space<vmem>> -> memref<128x32xf32, #tpu.memory_space<vmem>>
    %dma_start3A_1014 = arith.constant 0 : i32
    %dma_start3A_1015 = tpu.memref_slice %arg6[%dma_start3A_1010, %dma_start3A_1014] : memref<26x128xi32, #tpu.memory_space<vmem>> -> memref<1x128xi32, #tpu.memory_space<vmem>>
    %dma_start3A_1016 = tpu.memref_squeeze %dma_start3A_1015 : memref<1x128xi32, #tpu.memory_space<vmem>> -> memref<128xi32, #tpu.memory_space<vmem>>
    %dma_start3A_1017 = arith.constant 0 : i32
    %dma_start3A_1018 = arith.constant 0 : i32
    %dma_start3A_1019 = tpu.memref_slice %arg3[%dma_start3A_1017, %dma_start3A_1018] : memref<2600000x32xf32, #tpu.memory_space<hbm>> -> memref<2600000x32xf32, #tpu.memory_space<hbm>>
    tpu.enqueue_indirect_dma source(%dma_start3A_1019 : memref<2600000x32xf32, #tpu.memory_space<hbm>>) target(%dma_start3A_1013 : memref<128x32xf32, #tpu.memory_space<vmem>>) offsets(%dma_start3A_1016 : memref<128xi32, #tpu.memory_space<vmem>>) semaphore(%arg9 : memref<!tpu.dma_semaphore, #tpu.memory_space<semaphore_mem>>)
    %get3A_1020 = arith.constant 7 : i32
    %get3A_1021 = arith.index_cast %get3A_1020 : i32 to index
    %get3A_1022 = arith.constant 0 : index
    %get3A_1023 = tpu.vector_load %arg6[%get3A_1021, %get3A_1022] {strides = array<i32>} : memref<26x128xi32, #tpu.memory_space<vmem>>, vector<1x16xi32>,
    %get3A_1024 = vector.shape_cast %get3A_1023 : vector<1x16xi32> to vector<16xi32>
    %get3A_1025 = arith.constant 7 : i32
    %get3A_1026 = arith.index_cast %get3A_1025 : i32 to index
    %get3A_1027 = arith.constant 0 : index
    %get3A_1028 = tpu.vector_load %arg7[%get3A_1026, %get3A_1027] {strides = array<i32>} : memref<26x128xi32, #tpu.memory_space<vmem>>, vector<1x16xi32>,
    %get3A_1029 = vector.shape_cast %get3A_1028 : vector<1x16xi32> to vector<16xi32>
    %add3A_1030 = arith.addi %get3A_1024, %get3A_1029 : vector<16xi32>
    %swap3A_1031 = arith.constant 7 : i32
    %swap3A_1032 = arith.index_cast %swap3A_1031 : i32 to index
    %swap3A_1033 = arith.constant 0 : index
    %swap3A_1034 = tpu.vector_load %arg6[%swap3A_1032, %swap3A_1033] {strides = array<i32>} : memref<26x128xi32, #tpu.memory_space<vmem>>, vector<1x16xi32>,
    %swap3A_1035 = vector.shape_cast %swap3A_1034 : vector<1x16xi32> to vector<16xi32>
    %swap3A_1036 = vector.shape_cast %add3A_1030 : vector<16xi32> to vector<1x16xi32>
    tpu.vector_store %arg6[%swap3A_1032, %swap3A_1033], %swap3A_1036 {strides = array<i32>} : memref<26x128xi32, #tpu.memory_space<vmem>>, vector<1x16xi32>,
    %get3A_1037 = arith.constant 7 : i32
    %get3A_1038 = arith.index_cast %get3A_1037 : i32 to index
    %get3A_1039 = arith.constant 16 : index
    %get3A_1040 = tpu.vector_load %arg6[%get3A_1038, %get3A_1039] {strides = array<i32>} : memref<26x128xi32, #tpu.memory_space<vmem>>, vector<1x16xi32>,
    %get3A_1041 = vector.shape_cast %get3A_1040 : vector<1x16xi32> to vector<16xi32>
    %get3A_1042 = arith.constant 7 : i32
    %get3A_1043 = arith.index_cast %get3A_1042 : i32 to index
    %get3A_1044 = arith.constant 16 : index
    %get3A_1045 = tpu.vector_load %arg7[%get3A_1043, %get3A_1044] {strides = array<i32>} : memref<26x128xi32, #tpu.memory_space<vmem>>, vector<1x16xi32>,
    %get3A_1046 = vector.shape_cast %get3A_1045 : vector<1x16xi32> to vector<16xi32>
    %add3A_1047 = arith.addi %get3A_1041, %get3A_1046 : vector<16xi32>
    %swap3A_1048 = arith.constant 7 : i32
    %swap3A_1049 = arith.index_cast %swap3A_1048 : i32 to index
    %swap3A_1050 = arith.constant 16 : index
    %swap3A_1051 = tpu.vector_load %arg6[%swap3A_1049, %swap3A_1050] {strides = array<i32>} : memref<26x128xi32, #tpu.memory_space<vmem>>, vector<1x16xi32>,
    %swap3A_1052 = vector.shape_cast %swap3A_1051 : vector<1x16xi32> to vector<16xi32>
    %swap3A_1053 = vector.shape_cast %add3A_1047 : vector<16xi32> to vector<1x16xi32>
    tpu.vector_store %arg6[%swap3A_1049, %swap3A_1050], %swap3A_1053 {strides = array<i32>} : memref<26x128xi32, #tpu.memory_space<vmem>>, vector<1x16xi32>,
    %get3A_1054 = arith.constant 7 : i32
    %get3A_1055 = arith.index_cast %get3A_1054 : i32 to index
    %get3A_1056 = arith.constant 32 : index
    %get3A_1057 = tpu.vector_load %arg6[%get3A_1055, %get3A_1056] {strides = array<i32>} : memref<26x128xi32, #tpu.memory_space<vmem>>, vector<1x16xi32>,
    %get3A_1058 = vector.shape_cast %get3A_1057 : vector<1x16xi32> to vector<16xi32>
    %get3A_1059 = arith.constant 7 : i32
    %get3A_1060 = arith.index_cast %get3A_1059 : i32 to index
    %get3A_1061 = arith.constant 32 : index
    %get3A_1062 = tpu.vector_load %arg7[%get3A_1060, %get3A_1061] {strides = array<i32>} : memref<26x128xi32, #tpu.memory_space<vmem>>, vector<1x16xi32>,
    %get3A_1063 = vector.shape_cast %get3A_1062 : vector<1x16xi32> to vector<16xi32>
    %add3A_1064 = arith.addi %get3A_1058, %get3A_1063 : vector<16xi32>
    %swap3A_1065 = arith.constant 7 : i32
    %swap3A_1066 = arith.index_cast %swap3A_1065 : i32 to index
    %swap3A_1067 = arith.constant 32 : index
    %swap3A_1068 = tpu.vector_load %arg6[%swap3A_1066, %swap3A_1067] {strides = array<i32>} : memref<26x128xi32, #tpu.memory_space<vmem>>, vector<1x16xi32>,
    %swap3A_1069 = vector.shape_cast %swap3A_1068 : vector<1x16xi32> to vector<16xi32>
    %swap3A_1070 = vector.shape_cast %add3A_1064 : vector<16xi32> to vector<1x16xi32>
    tpu.vector_store %arg6[%swap3A_1066, %swap3A_1067], %swap3A_1070 {strides = array<i32>} : memref<26x128xi32, #tpu.memory_space<vmem>>, vector<1x16xi32>,
    %get3A_1071 = arith.constant 7 : i32
    %get3A_1072 = arith.index_cast %get3A_1071 : i32 to index
    %get3A_1073 = arith.constant 48 : index
    %get3A_1074 = tpu.vector_load %arg6[%get3A_1072, %get3A_1073] {strides = array<i32>} : memref<26x128xi32, #tpu.memory_space<vmem>>, vector<1x16xi32>,
    %get3A_1075 = vector.shape_cast %get3A_1074 : vector<1x16xi32> to vector<16xi32>
    %get3A_1076 = arith.constant 7 : i32
    %get3A_1077 = arith.index_cast %get3A_1076 : i32 to index
    %get3A_1078 = arith.constant 48 : index
    %get3A_1079 = tpu.vector_load %arg7[%get3A_1077, %get3A_1078] {strides = array<i32>} : memref<26x128xi32, #tpu.memory_space<vmem>>, vector<1x16xi32>,
    %get3A_1080 = vector.shape_cast %get3A_1079 : vector<1x16xi32> to vector<16xi32>
    %add3A_1081 = arith.addi %get3A_1075, %get3A_1080 : vector<16xi32>
    %swap3A_1082 = arith.constant 7 : i32
    %swap3A_1083 = arith.index_cast %swap3A_1082 : i32 to index
    %swap3A_1084 = arith.constant 48 : index
    %swap3A_1085 = tpu.vector_load %arg6[%swap3A_1083, %swap3A_1084] {strides = array<i32>} : memref<26x128xi32, #tpu.memory_space<vmem>>, vector<1x16xi32>,
    %swap3A_1086 = vector.shape_cast %swap3A_1085 : vector<1x16xi32> to vector<16xi32>
    %swap3A_1087 = vector.shape_cast %add3A_1081 : vector<16xi32> to vector<1x16xi32>
    tpu.vector_store %arg6[%swap3A_1083, %swap3A_1084], %swap3A_1087 {strides = array<i32>} : memref<26x128xi32, #tpu.memory_space<vmem>>, vector<1x16xi32>,
    %get3A_1088 = arith.constant 7 : i32
    %get3A_1089 = arith.index_cast %get3A_1088 : i32 to index
    %get3A_1090 = arith.constant 64 : index
    %get3A_1091 = tpu.vector_load %arg6[%get3A_1089, %get3A_1090] {strides = array<i32>} : memref<26x128xi32, #tpu.memory_space<vmem>>, vector<1x16xi32>,
    %get3A_1092 = vector.shape_cast %get3A_1091 : vector<1x16xi32> to vector<16xi32>
    %get3A_1093 = arith.constant 7 : i32
    %get3A_1094 = arith.index_cast %get3A_1093 : i32 to index
    %get3A_1095 = arith.constant 64 : index
    %get3A_1096 = tpu.vector_load %arg7[%get3A_1094, %get3A_1095] {strides = array<i32>} : memref<26x128xi32, #tpu.memory_space<vmem>>, vector<1x16xi32>,
    %get3A_1097 = vector.shape_cast %get3A_1096 : vector<1x16xi32> to vector<16xi32>
    %add3A_1098 = arith.addi %get3A_1092, %get3A_1097 : vector<16xi32>
    %swap3A_1099 = arith.constant 7 : i32
    %swap3A_1100 = arith.index_cast %swap3A_1099 : i32 to index
    %swap3A_1101 = arith.constant 64 : index
    %swap3A_1102 = tpu.vector_load %arg6[%swap3A_1100, %swap3A_1101] {strides = array<i32>} : memref<26x128xi32, #tpu.memory_space<vmem>>, vector<1x16xi32>,
    %swap3A_1103 = vector.shape_cast %swap3A_1102 : vector<1x16xi32> to vector<16xi32>
    %swap3A_1104 = vector.shape_cast %add3A_1098 : vector<16xi32> to vector<1x16xi32>
    tpu.vector_store %arg6[%swap3A_1100, %swap3A_1101], %swap3A_1104 {strides = array<i32>} : memref<26x128xi32, #tpu.memory_space<vmem>>, vector<1x16xi32>,
    %get3A_1105 = arith.constant 7 : i32
    %get3A_1106 = arith.index_cast %get3A_1105 : i32 to index
    %get3A_1107 = arith.constant 80 : index
    %get3A_1108 = tpu.vector_load %arg6[%get3A_1106, %get3A_1107] {strides = array<i32>} : memref<26x128xi32, #tpu.memory_space<vmem>>, vector<1x16xi32>,
    %get3A_1109 = vector.shape_cast %get3A_1108 : vector<1x16xi32> to vector<16xi32>
    %get3A_1110 = arith.constant 7 : i32
    %get3A_1111 = arith.index_cast %get3A_1110 : i32 to index
    %get3A_1112 = arith.constant 80 : index
    %get3A_1113 = tpu.vector_load %arg7[%get3A_1111, %get3A_1112] {strides = array<i32>} : memref<26x128xi32, #tpu.memory_space<vmem>>, vector<1x16xi32>,
    %get3A_1114 = vector.shape_cast %get3A_1113 : vector<1x16xi32> to vector<16xi32>
    %add3A_1115 = arith.addi %get3A_1109, %get3A_1114 : vector<16xi32>
    %swap3A_1116 = arith.constant 7 : i32
    %swap3A_1117 = arith.index_cast %swap3A_1116 : i32 to index
    %swap3A_1118 = arith.constant 80 : index
    %swap3A_1119 = tpu.vector_load %arg6[%swap3A_1117, %swap3A_1118] {strides = array<i32>} : memref<26x128xi32, #tpu.memory_space<vmem>>, vector<1x16xi32>,
    %swap3A_1120 = vector.shape_cast %swap3A_1119 : vector<1x16xi32> to vector<16xi32>
    %swap3A_1121 = vector.shape_cast %add3A_1115 : vector<16xi32> to vector<1x16xi32>
    tpu.vector_store %arg6[%swap3A_1117, %swap3A_1118], %swap3A_1121 {strides = array<i32>} : memref<26x128xi32, #tpu.memory_space<vmem>>, vector<1x16xi32>,
    %get3A_1122 = arith.constant 7 : i32
    %get3A_1123 = arith.index_cast %get3A_1122 : i32 to index
    %get3A_1124 = arith.constant 96 : index
    %get3A_1125 = tpu.vector_load %arg6[%get3A_1123, %get3A_1124] {strides = array<i32>} : memref<26x128xi32, #tpu.memory_space<vmem>>, vector<1x16xi32>,
    %get3A_1126 = vector.shape_cast %get3A_1125 : vector<1x16xi32> to vector<16xi32>
    %get3A_1127 = arith.constant 7 : i32
    %get3A_1128 = arith.index_cast %get3A_1127 : i32 to index
    %get3A_1129 = arith.constant 96 : index
    %get3A_1130 = tpu.vector_load %arg7[%get3A_1128, %get3A_1129] {strides = array<i32>} : memref<26x128xi32, #tpu.memory_space<vmem>>, vector<1x16xi32>,
    %get3A_1131 = vector.shape_cast %get3A_1130 : vector<1x16xi32> to vector<16xi32>
    %add3A_1132 = arith.addi %get3A_1126, %get3A_1131 : vector<16xi32>
    %swap3A_1133 = arith.constant 7 : i32
    %swap3A_1134 = arith.index_cast %swap3A_1133 : i32 to index
    %swap3A_1135 = arith.constant 96 : index
    %swap3A_1136 = tpu.vector_load %arg6[%swap3A_1134, %swap3A_1135] {strides = array<i32>} : memref<26x128xi32, #tpu.memory_space<vmem>>, vector<1x16xi32>,
    %swap3A_1137 = vector.shape_cast %swap3A_1136 : vector<1x16xi32> to vector<16xi32>
    %swap3A_1138 = vector.shape_cast %add3A_1132 : vector<16xi32> to vector<1x16xi32>
    tpu.vector_store %arg6[%swap3A_1134, %swap3A_1135], %swap3A_1138 {strides = array<i32>} : memref<26x128xi32, #tpu.memory_space<vmem>>, vector<1x16xi32>,
    %get3A_1139 = arith.constant 7 : i32
    %get3A_1140 = arith.index_cast %get3A_1139 : i32 to index
    %get3A_1141 = arith.constant 112 : index
    %get3A_1142 = tpu.vector_load %arg6[%get3A_1140, %get3A_1141] {strides = array<i32>} : memref<26x128xi32, #tpu.memory_space<vmem>>, vector<1x16xi32>,
    %get3A_1143 = vector.shape_cast %get3A_1142 : vector<1x16xi32> to vector<16xi32>
    %get3A_1144 = arith.constant 7 : i32
    %get3A_1145 = arith.index_cast %get3A_1144 : i32 to index
    %get3A_1146 = arith.constant 112 : index
    %get3A_1147 = tpu.vector_load %arg7[%get3A_1145, %get3A_1146] {strides = array<i32>} : memref<26x128xi32, #tpu.memory_space<vmem>>, vector<1x16xi32>,
    %get3A_1148 = vector.shape_cast %get3A_1147 : vector<1x16xi32> to vector<16xi32>
    %add3A_1149 = arith.addi %get3A_1143, %get3A_1148 : vector<16xi32>
    %swap3A_1150 = arith.constant 7 : i32
    %swap3A_1151 = arith.index_cast %swap3A_1150 : i32 to index
    %swap3A_1152 = arith.constant 112 : index
    %swap3A_1153 = tpu.vector_load %arg6[%swap3A_1151, %swap3A_1152] {strides = array<i32>} : memref<26x128xi32, #tpu.memory_space<vmem>>, vector<1x16xi32>,
    %swap3A_1154 = vector.shape_cast %swap3A_1153 : vector<1x16xi32> to vector<16xi32>
    %swap3A_1155 = vector.shape_cast %add3A_1149 : vector<16xi32> to vector<1x16xi32>
    tpu.vector_store %arg6[%swap3A_1151, %swap3A_1152], %swap3A_1155 {strides = array<i32>} : memref<26x128xi32, #tpu.memory_space<vmem>>, vector<1x16xi32>,
    %dma_start3A_1156 = arith.constant 7 : i32
    %dma_start3A_1157 = arith.constant 896 : i32
    %dma_start3A_1158 = arith.constant 0 : i32
    %dma_start3A_1159 = tpu.memref_slice %arg8[%dma_start3A_1157, %dma_start3A_1158] : memref<3328x32xf32, #tpu.memory_space<vmem>> -> memref<128x32xf32, #tpu.memory_space<vmem>>
    %dma_start3A_1160 = arith.constant 0 : i32
    %dma_start3A_1161 = tpu.memref_slice %arg6[%dma_start3A_1156, %dma_start3A_1160] : memref<26x128xi32, #tpu.memory_space<vmem>> -> memref<1x128xi32, #tpu.memory_space<vmem>>
    %dma_start3A_1162 = tpu.memref_squeeze %dma_start3A_1161 : memref<1x128xi32, #tpu.memory_space<vmem>> -> memref<128xi32, #tpu.memory_space<vmem>>
    %dma_start3A_1163 = arith.constant 0 : i32
    %dma_start3A_1164 = arith.constant 0 : i32
    %dma_start3A_1165 = tpu.memref_slice %arg3[%dma_start3A_1163, %dma_start3A_1164] : memref<2600000x32xf32, #tpu.memory_space<hbm>> -> memref<2600000x32xf32, #tpu.memory_space<hbm>>
    tpu.enqueue_indirect_dma source(%dma_start3A_1165 : memref<2600000x32xf32, #tpu.memory_space<hbm>>) target(%dma_start3A_1159 : memref<128x32xf32, #tpu.memory_space<vmem>>) offsets(%dma_start3A_1162 : memref<128xi32, #tpu.memory_space<vmem>>) semaphore(%arg9 : memref<!tpu.dma_semaphore, #tpu.memory_space<semaphore_mem>>)
    %get3A_1166 = arith.constant 8 : i32
    %get3A_1167 = arith.index_cast %get3A_1166 : i32 to index
    %get3A_1168 = arith.constant 0 : index
    %get3A_1169 = tpu.vector_load %arg6[%get3A_1167, %get3A_1168] {strides = array<i32>} : memref<26x128xi32, #tpu.memory_space<vmem>>, vector<1x16xi32>,
    %get3A_1170 = vector.shape_cast %get3A_1169 : vector<1x16xi32> to vector<16xi32>
    %get3A_1171 = arith.constant 8 : i32
    %get3A_1172 = arith.index_cast %get3A_1171 : i32 to index
    %get3A_1173 = arith.constant 0 : index
    %get3A_1174 = tpu.vector_load %arg7[%get3A_1172, %get3A_1173] {strides = array<i32>} : memref<26x128xi32, #tpu.memory_space<vmem>>, vector<1x16xi32>,
    %get3A_1175 = vector.shape_cast %get3A_1174 : vector<1x16xi32> to vector<16xi32>
    %add3A_1176 = arith.addi %get3A_1170, %get3A_1175 : vector<16xi32>
    %swap3A_1177 = arith.constant 8 : i32
    %swap3A_1178 = arith.index_cast %swap3A_1177 : i32 to index
    %swap3A_1179 = arith.constant 0 : index
    %swap3A_1180 = tpu.vector_load %arg6[%swap3A_1178, %swap3A_1179] {strides = array<i32>} : memref<26x128xi32, #tpu.memory_space<vmem>>, vector<1x16xi32>,
    %swap3A_1181 = vector.shape_cast %swap3A_1180 : vector<1x16xi32> to vector<16xi32>
    %swap3A_1182 = vector.shape_cast %add3A_1176 : vector<16xi32> to vector<1x16xi32>
    tpu.vector_store %arg6[%swap3A_1178, %swap3A_1179], %swap3A_1182 {strides = array<i32>} : memref<26x128xi32, #tpu.memory_space<vmem>>, vector<1x16xi32>,
    %get3A_1183 = arith.constant 8 : i32
    %get3A_1184 = arith.index_cast %get3A_1183 : i32 to index
    %get3A_1185 = arith.constant 16 : index
    %get3A_1186 = tpu.vector_load %arg6[%get3A_1184, %get3A_1185] {strides = array<i32>} : memref<26x128xi32, #tpu.memory_space<vmem>>, vector<1x16xi32>,
    %get3A_1187 = vector.shape_cast %get3A_1186 : vector<1x16xi32> to vector<16xi32>
    %get3A_1188 = arith.constant 8 : i32
    %get3A_1189 = arith.index_cast %get3A_1188 : i32 to index
    %get3A_1190 = arith.constant 16 : index
    %get3A_1191 = tpu.vector_load %arg7[%get3A_1189, %get3A_1190] {strides = array<i32>} : memref<26x128xi32, #tpu.memory_space<vmem>>, vector<1x16xi32>,
    %get3A_1192 = vector.shape_cast %get3A_1191 : vector<1x16xi32> to vector<16xi32>
    %add3A_1193 = arith.addi %get3A_1187, %get3A_1192 : vector<16xi32>
    %swap3A_1194 = arith.constant 8 : i32
    %swap3A_1195 = arith.index_cast %swap3A_1194 : i32 to index
    %swap3A_1196 = arith.constant 16 : index
    %swap3A_1197 = tpu.vector_load %arg6[%swap3A_1195, %swap3A_1196] {strides = array<i32>} : memref<26x128xi32, #tpu.memory_space<vmem>>, vector<1x16xi32>,
    %swap3A_1198 = vector.shape_cast %swap3A_1197 : vector<1x16xi32> to vector<16xi32>
    %swap3A_1199 = vector.shape_cast %add3A_1193 : vector<16xi32> to vector<1x16xi32>
    tpu.vector_store %arg6[%swap3A_1195, %swap3A_1196], %swap3A_1199 {strides = array<i32>} : memref<26x128xi32, #tpu.memory_space<vmem>>, vector<1x16xi32>,
    %get3A_1200 = arith.constant 8 : i32
    %get3A_1201 = arith.index_cast %get3A_1200 : i32 to index
    %get3A_1202 = arith.constant 32 : index
    %get3A_1203 = tpu.vector_load %arg6[%get3A_1201, %get3A_1202] {strides = array<i32>} : memref<26x128xi32, #tpu.memory_space<vmem>>, vector<1x16xi32>,
    %get3A_1204 = vector.shape_cast %get3A_1203 : vector<1x16xi32> to vector<16xi32>
    %get3A_1205 = arith.constant 8 : i32
    %get3A_1206 = arith.index_cast %get3A_1205 : i32 to index
    %get3A_1207 = arith.constant 32 : index
    %get3A_1208 = tpu.vector_load %arg7[%get3A_1206, %get3A_1207] {strides = array<i32>} : memref<26x128xi32, #tpu.memory_space<vmem>>, vector<1x16xi32>,
    %get3A_1209 = vector.shape_cast %get3A_1208 : vector<1x16xi32> to vector<16xi32>
    %add3A_1210 = arith.addi %get3A_1204, %get3A_1209 : vector<16xi32>
    %swap3A_1211 = arith.constant 8 : i32
    %swap3A_1212 = arith.index_cast %swap3A_1211 : i32 to index
    %swap3A_1213 = arith.constant 32 : index
    %swap3A_1214 = tpu.vector_load %arg6[%swap3A_1212, %swap3A_1213] {strides = array<i32>} : memref<26x128xi32, #tpu.memory_space<vmem>>, vector<1x16xi32>,
    %swap3A_1215 = vector.shape_cast %swap3A_1214 : vector<1x16xi32> to vector<16xi32>
    %swap3A_1216 = vector.shape_cast %add3A_1210 : vector<16xi32> to vector<1x16xi32>
    tpu.vector_store %arg6[%swap3A_1212, %swap3A_1213], %swap3A_1216 {strides = array<i32>} : memref<26x128xi32, #tpu.memory_space<vmem>>, vector<1x16xi32>,
    %get3A_1217 = arith.constant 8 : i32
    %get3A_1218 = arith.index_cast %get3A_1217 : i32 to index
    %get3A_1219 = arith.constant 48 : index
    %get3A_1220 = tpu.vector_load %arg6[%get3A_1218, %get3A_1219] {strides = array<i32>} : memref<26x128xi32, #tpu.memory_space<vmem>>, vector<1x16xi32>,
    %get3A_1221 = vector.shape_cast %get3A_1220 : vector<1x16xi32> to vector<16xi32>
    %get3A_1222 = arith.constant 8 : i32
    %get3A_1223 = arith.index_cast %get3A_1222 : i32 to index
    %get3A_1224 = arith.constant 48 : index
    %get3A_1225 = tpu.vector_load %arg7[%get3A_1223, %get3A_1224] {strides = array<i32>} : memref<26x128xi32, #tpu.memory_space<vmem>>, vector<1x16xi32>,
    %get3A_1226 = vector.shape_cast %get3A_1225 : vector<1x16xi32> to vector<16xi32>
    %add3A_1227 = arith.addi %get3A_1221, %get3A_1226 : vector<16xi32>
    %swap3A_1228 = arith.constant 8 : i32
    %swap3A_1229 = arith.index_cast %swap3A_1228 : i32 to index
    %swap3A_1230 = arith.constant 48 : index
    %swap3A_1231 = tpu.vector_load %arg6[%swap3A_1229, %swap3A_1230] {strides = array<i32>} : memref<26x128xi32, #tpu.memory_space<vmem>>, vector<1x16xi32>,
    %swap3A_1232 = vector.shape_cast %swap3A_1231 : vector<1x16xi32> to vector<16xi32>
    %swap3A_1233 = vector.shape_cast %add3A_1227 : vector<16xi32> to vector<1x16xi32>
    tpu.vector_store %arg6[%swap3A_1229, %swap3A_1230], %swap3A_1233 {strides = array<i32>} : memref<26x128xi32, #tpu.memory_space<vmem>>, vector<1x16xi32>,
    %get3A_1234 = arith.constant 8 : i32
    %get3A_1235 = arith.index_cast %get3A_1234 : i32 to index
    %get3A_1236 = arith.constant 64 : index
    %get3A_1237 = tpu.vector_load %arg6[%get3A_1235, %get3A_1236] {strides = array<i32>} : memref<26x128xi32, #tpu.memory_space<vmem>>, vector<1x16xi32>,
    %get3A_1238 = vector.shape_cast %get3A_1237 : vector<1x16xi32> to vector<16xi32>
    %get3A_1239 = arith.constant 8 : i32
    %get3A_1240 = arith.index_cast %get3A_1239 : i32 to index
    %get3A_1241 = arith.constant 64 : index
    %get3A_1242 = tpu.vector_load %arg7[%get3A_1240, %get3A_1241] {strides = array<i32>} : memref<26x128xi32, #tpu.memory_space<vmem>>, vector<1x16xi32>,
    %get3A_1243 = vector.shape_cast %get3A_1242 : vector<1x16xi32> to vector<16xi32>
    %add3A_1244 = arith.addi %get3A_1238, %get3A_1243 : vector<16xi32>
    %swap3A_1245 = arith.constant 8 : i32
    %swap3A_1246 = arith.index_cast %swap3A_1245 : i32 to index
    %swap3A_1247 = arith.constant 64 : index
    %swap3A_1248 = tpu.vector_load %arg6[%swap3A_1246, %swap3A_1247] {strides = array<i32>} : memref<26x128xi32, #tpu.memory_space<vmem>>, vector<1x16xi32>,
    %swap3A_1249 = vector.shape_cast %swap3A_1248 : vector<1x16xi32> to vector<16xi32>
    %swap3A_1250 = vector.shape_cast %add3A_1244 : vector<16xi32> to vector<1x16xi32>
    tpu.vector_store %arg6[%swap3A_1246, %swap3A_1247], %swap3A_1250 {strides = array<i32>} : memref<26x128xi32, #tpu.memory_space<vmem>>, vector<1x16xi32>,
    %get3A_1251 = arith.constant 8 : i32
    %get3A_1252 = arith.index_cast %get3A_1251 : i32 to index
    %get3A_1253 = arith.constant 80 : index
    %get3A_1254 = tpu.vector_load %arg6[%get3A_1252, %get3A_1253] {strides = array<i32>} : memref<26x128xi32, #tpu.memory_space<vmem>>, vector<1x16xi32>,
    %get3A_1255 = vector.shape_cast %get3A_1254 : vector<1x16xi32> to vector<16xi32>
    %get3A_1256 = arith.constant 8 : i32
    %get3A_1257 = arith.index_cast %get3A_1256 : i32 to index
    %get3A_1258 = arith.constant 80 : index
    %get3A_1259 = tpu.vector_load %arg7[%get3A_1257, %get3A_1258] {strides = array<i32>} : memref<26x128xi32, #tpu.memory_space<vmem>>, vector<1x16xi32>,
    %get3A_1260 = vector.shape_cast %get3A_1259 : vector<1x16xi32> to vector<16xi32>
    %add3A_1261 = arith.addi %get3A_1255, %get3A_1260 : vector<16xi32>
    %swap3A_1262 = arith.constant 8 : i32
    %swap3A_1263 = arith.index_cast %swap3A_1262 : i32 to index
    %swap3A_1264 = arith.constant 80 : index
    %swap3A_1265 = tpu.vector_load %arg6[%swap3A_1263, %swap3A_1264] {strides = array<i32>} : memref<26x128xi32, #tpu.memory_space<vmem>>, vector<1x16xi32>,
    %swap3A_1266 = vector.shape_cast %swap3A_1265 : vector<1x16xi32> to vector<16xi32>
    %swap3A_1267 = vector.shape_cast %add3A_1261 : vector<16xi32> to vector<1x16xi32>
    tpu.vector_store %arg6[%swap3A_1263, %swap3A_1264], %swap3A_1267 {strides = array<i32>} : memref<26x128xi32, #tpu.memory_space<vmem>>, vector<1x16xi32>,
    %get3A_1268 = arith.constant 8 : i32
    %get3A_1269 = arith.index_cast %get3A_1268 : i32 to index
    %get3A_1270 = arith.constant 96 : index
    %get3A_1271 = tpu.vector_load %arg6[%get3A_1269, %get3A_1270] {strides = array<i32>} : memref<26x128xi32, #tpu.memory_space<vmem>>, vector<1x16xi32>,
    %get3A_1272 = vector.shape_cast %get3A_1271 : vector<1x16xi32> to vector<16xi32>
    %get3A_1273 = arith.constant 8 : i32
    %get3A_1274 = arith.index_cast %get3A_1273 : i32 to index
    %get3A_1275 = arith.constant 96 : index
    %get3A_1276 = tpu.vector_load %arg7[%get3A_1274, %get3A_1275] {strides = array<i32>} : memref<26x128xi32, #tpu.memory_space<vmem>>, vector<1x16xi32>,
    %get3A_1277 = vector.shape_cast %get3A_1276 : vector<1x16xi32> to vector<16xi32>
    %add3A_1278 = arith.addi %get3A_1272, %get3A_1277 : vector<16xi32>
    %swap3A_1279 = arith.constant 8 : i32
    %swap3A_1280 = arith.index_cast %swap3A_1279 : i32 to index
    %swap3A_1281 = arith.constant 96 : index
    %swap3A_1282 = tpu.vector_load %arg6[%swap3A_1280, %swap3A_1281] {strides = array<i32>} : memref<26x128xi32, #tpu.memory_space<vmem>>, vector<1x16xi32>,
    %swap3A_1283 = vector.shape_cast %swap3A_1282 : vector<1x16xi32> to vector<16xi32>
    %swap3A_1284 = vector.shape_cast %add3A_1278 : vector<16xi32> to vector<1x16xi32>
    tpu.vector_store %arg6[%swap3A_1280, %swap3A_1281], %swap3A_1284 {strides = array<i32>} : memref<26x128xi32, #tpu.memory_space<vmem>>, vector<1x16xi32>,
    %get3A_1285 = arith.constant 8 : i32
    %get3A_1286 = arith.index_cast %get3A_1285 : i32 to index
    %get3A_1287 = arith.constant 112 : index
    %get3A_1288 = tpu.vector_load %arg6[%get3A_1286, %get3A_1287] {strides = array<i32>} : memref<26x128xi32, #tpu.memory_space<vmem>>, vector<1x16xi32>,
    %get3A_1289 = vector.shape_cast %get3A_1288 : vector<1x16xi32> to vector<16xi32>
    %get3A_1290 = arith.constant 8 : i32
    %get3A_1291 = arith.index_cast %get3A_1290 : i32 to index
    %get3A_1292 = arith.constant 112 : index
    %get3A_1293 = tpu.vector_load %arg7[%get3A_1291, %get3A_1292] {strides = array<i32>} : memref<26x128xi32, #tpu.memory_space<vmem>>, vector<1x16xi32>,
    %get3A_1294 = vector.shape_cast %get3A_1293 : vector<1x16xi32> to vector<16xi32>
    %add3A_1295 = arith.addi %get3A_1289, %get3A_1294 : vector<16xi32>
    %swap3A_1296 = arith.constant 8 : i32
    %swap3A_1297 = arith.index_cast %swap3A_1296 : i32 to index
    %swap3A_1298 = arith.constant 112 : index
    %swap3A_1299 = tpu.vector_load %arg6[%swap3A_1297, %swap3A_1298] {strides = array<i32>} : memref<26x128xi32, #tpu.memory_space<vmem>>, vector<1x16xi32>,
    %swap3A_1300 = vector.shape_cast %swap3A_1299 : vector<1x16xi32> to vector<16xi32>
    %swap3A_1301 = vector.shape_cast %add3A_1295 : vector<16xi32> to vector<1x16xi32>
    tpu.vector_store %arg6[%swap3A_1297, %swap3A_1298], %swap3A_1301 {strides = array<i32>} : memref<26x128xi32, #tpu.memory_space<vmem>>, vector<1x16xi32>,
    %dma_start3A_1302 = arith.constant 8 : i32
    %dma_start3A_1303 = arith.constant 1024 : i32
    %dma_start3A_1304 = arith.constant 0 : i32
    %dma_start3A_1305 = tpu.memref_slice %arg8[%dma_start3A_1303, %dma_start3A_1304] : memref<3328x32xf32, #tpu.memory_space<vmem>> -> memref<128x32xf32, #tpu.memory_space<vmem>>
    %dma_start3A_1306 = arith.constant 0 : i32
    %dma_start3A_1307 = tpu.memref_slice %arg6[%dma_start3A_1302, %dma_start3A_1306] : memref<26x128xi32, #tpu.memory_space<vmem>> -> memref<1x128xi32, #tpu.memory_space<vmem>>
    %dma_start3A_1308 = tpu.memref_squeeze %dma_start3A_1307 : memref<1x128xi32, #tpu.memory_space<vmem>> -> memref<128xi32, #tpu.memory_space<vmem>>
    %dma_start3A_1309 = arith.constant 0 : i32
    %dma_start3A_1310 = arith.constant 0 : i32
    %dma_start3A_1311 = tpu.memref_slice %arg3[%dma_start3A_1309, %dma_start3A_1310] : memref<2600000x32xf32, #tpu.memory_space<hbm>> -> memref<2600000x32xf32, #tpu.memory_space<hbm>>
    tpu.enqueue_indirect_dma source(%dma_start3A_1311 : memref<2600000x32xf32, #tpu.memory_space<hbm>>) target(%dma_start3A_1305 : memref<128x32xf32, #tpu.memory_space<vmem>>) offsets(%dma_start3A_1308 : memref<128xi32, #tpu.memory_space<vmem>>) semaphore(%arg9 : memref<!tpu.dma_semaphore, #tpu.memory_space<semaphore_mem>>)
    %get3A_1312 = arith.constant 9 : i32
    %get3A_1313 = arith.index_cast %get3A_1312 : i32 to index
    %get3A_1314 = arith.constant 0 : index
    %get3A_1315 = tpu.vector_load %arg6[%get3A_1313, %get3A_1314] {strides = array<i32>} : memref<26x128xi32, #tpu.memory_space<vmem>>, vector<1x16xi32>,
    %get3A_1316 = vector.shape_cast %get3A_1315 : vector<1x16xi32> to vector<16xi32>
    %get3A_1317 = arith.constant 9 : i32
    %get3A_1318 = arith.index_cast %get3A_1317 : i32 to index
    %get3A_1319 = arith.constant 0 : index
    %get3A_1320 = tpu.vector_load %arg7[%get3A_1318, %get3A_1319] {strides = array<i32>} : memref<26x128xi32, #tpu.memory_space<vmem>>, vector<1x16xi32>,
    %get3A_1321 = vector.shape_cast %get3A_1320 : vector<1x16xi32> to vector<16xi32>
    %add3A_1322 = arith.addi %get3A_1316, %get3A_1321 : vector<16xi32>
    %swap3A_1323 = arith.constant 9 : i32
    %swap3A_1324 = arith.index_cast %swap3A_1323 : i32 to index
    %swap3A_1325 = arith.constant 0 : index
    %swap3A_1326 = tpu.vector_load %arg6[%swap3A_1324, %swap3A_1325] {strides = array<i32>} : memref<26x128xi32, #tpu.memory_space<vmem>>, vector<1x16xi32>,
    %swap3A_1327 = vector.shape_cast %swap3A_1326 : vector<1x16xi32> to vector<16xi32>
    %swap3A_1328 = vector.shape_cast %add3A_1322 : vector<16xi32> to vector<1x16xi32>
    tpu.vector_store %arg6[%swap3A_1324, %swap3A_1325], %swap3A_1328 {strides = array<i32>} : memref<26x128xi32, #tpu.memory_space<vmem>>, vector<1x16xi32>,
    %get3A_1329 = arith.constant 9 : i32
    %get3A_1330 = arith.index_cast %get3A_1329 : i32 to index
    %get3A_1331 = arith.constant 16 : index
    %get3A_1332 = tpu.vector_load %arg6[%get3A_1330, %get3A_1331] {strides = array<i32>} : memref<26x128xi32, #tpu.memory_space<vmem>>, vector<1x16xi32>,
    %get3A_1333 = vector.shape_cast %get3A_1332 : vector<1x16xi32> to vector<16xi32>
    %get3A_1334 = arith.constant 9 : i32
    %get3A_1335 = arith.index_cast %get3A_1334 : i32 to index
    %get3A_1336 = arith.constant 16 : index
    %get3A_1337 = tpu.vector_load %arg7[%get3A_1335, %get3A_1336] {strides = array<i32>} : memref<26x128xi32, #tpu.memory_space<vmem>>, vector<1x16xi32>,
    %get3A_1338 = vector.shape_cast %get3A_1337 : vector<1x16xi32> to vector<16xi32>
    %add3A_1339 = arith.addi %get3A_1333, %get3A_1338 : vector<16xi32>
    %swap3A_1340 = arith.constant 9 : i32
    %swap3A_1341 = arith.index_cast %swap3A_1340 : i32 to index
    %swap3A_1342 = arith.constant 16 : index
    %swap3A_1343 = tpu.vector_load %arg6[%swap3A_1341, %swap3A_1342] {strides = array<i32>} : memref<26x128xi32, #tpu.memory_space<vmem>>, vector<1x16xi32>,
    %swap3A_1344 = vector.shape_cast %swap3A_1343 : vector<1x16xi32> to vector<16xi32>
    %swap3A_1345 = vector.shape_cast %add3A_1339 : vector<16xi32> to vector<1x16xi32>
    tpu.vector_store %arg6[%swap3A_1341, %swap3A_1342], %swap3A_1345 {strides = array<i32>} : memref<26x128xi32, #tpu.memory_space<vmem>>, vector<1x16xi32>,
    %get3A_1346 = arith.constant 9 : i32
    %get3A_1347 = arith.index_cast %get3A_1346 : i32 to index
    %get3A_1348 = arith.constant 32 : index
    %get3A_1349 = tpu.vector_load %arg6[%get3A_1347, %get3A_1348] {strides = array<i32>} : memref<26x128xi32, #tpu.memory_space<vmem>>, vector<1x16xi32>,
    %get3A_1350 = vector.shape_cast %get3A_1349 : vector<1x16xi32> to vector<16xi32>
    %get3A_1351 = arith.constant 9 : i32
    %get3A_1352 = arith.index_cast %get3A_1351 : i32 to index
    %get3A_1353 = arith.constant 32 : index
    %get3A_1354 = tpu.vector_load %arg7[%get3A_1352, %get3A_1353] {strides = array<i32>} : memref<26x128xi32, #tpu.memory_space<vmem>>, vector<1x16xi32>,
    %get3A_1355 = vector.shape_cast %get3A_1354 : vector<1x16xi32> to vector<16xi32>
    %add3A_1356 = arith.addi %get3A_1350, %get3A_1355 : vector<16xi32>
    %swap3A_1357 = arith.constant 9 : i32
    %swap3A_1358 = arith.index_cast %swap3A_1357 : i32 to index
    %swap3A_1359 = arith.constant 32 : index
    %swap3A_1360 = tpu.vector_load %arg6[%swap3A_1358, %swap3A_1359] {strides = array<i32>} : memref<26x128xi32, #tpu.memory_space<vmem>>, vector<1x16xi32>,
    %swap3A_1361 = vector.shape_cast %swap3A_1360 : vector<1x16xi32> to vector<16xi32>
    %swap3A_1362 = vector.shape_cast %add3A_1356 : vector<16xi32> to vector<1x16xi32>
    tpu.vector_store %arg6[%swap3A_1358, %swap3A_1359], %swap3A_1362 {strides = array<i32>} : memref<26x128xi32, #tpu.memory_space<vmem>>, vector<1x16xi32>,
    %get3A_1363 = arith.constant 9 : i32
    %get3A_1364 = arith.index_cast %get3A_1363 : i32 to index
    %get3A_1365 = arith.constant 48 : index
    %get3A_1366 = tpu.vector_load %arg6[%get3A_1364, %get3A_1365] {strides = array<i32>} : memref<26x128xi32, #tpu.memory_space<vmem>>, vector<1x16xi32>,
    %get3A_1367 = vector.shape_cast %get3A_1366 : vector<1x16xi32> to vector<16xi32>
    %get3A_1368 = arith.constant 9 : i32
    %get3A_1369 = arith.index_cast %get3A_1368 : i32 to index
    %get3A_1370 = arith.constant 48 : index
    %get3A_1371 = tpu.vector_load %arg7[%get3A_1369, %get3A_1370] {strides = array<i32>} : memref<26x128xi32, #tpu.memory_space<vmem>>, vector<1x16xi32>,
    %get3A_1372 = vector.shape_cast %get3A_1371 : vector<1x16xi32> to vector<16xi32>
    %add3A_1373 = arith.addi %get3A_1367, %get3A_1372 : vector<16xi32>
    %swap3A_1374 = arith.constant 9 : i32
    %swap3A_1375 = arith.index_cast %swap3A_1374 : i32 to index
    %swap3A_1376 = arith.constant 48 : index
    %swap3A_1377 = tpu.vector_load %arg6[%swap3A_1375, %swap3A_1376] {strides = array<i32>} : memref<26x128xi32, #tpu.memory_space<vmem>>, vector<1x16xi32>,
    %swap3A_1378 = vector.shape_cast %swap3A_1377 : vector<1x16xi32> to vector<16xi32>
    %swap3A_1379 = vector.shape_cast %add3A_1373 : vector<16xi32> to vector<1x16xi32>
    tpu.vector_store %arg6[%swap3A_1375, %swap3A_1376], %swap3A_1379 {strides = array<i32>} : memref<26x128xi32, #tpu.memory_space<vmem>>, vector<1x16xi32>,
    %get3A_1380 = arith.constant 9 : i32
    %get3A_1381 = arith.index_cast %get3A_1380 : i32 to index
    %get3A_1382 = arith.constant 64 : index
    %get3A_1383 = tpu.vector_load %arg6[%get3A_1381, %get3A_1382] {strides = array<i32>} : memref<26x128xi32, #tpu.memory_space<vmem>>, vector<1x16xi32>,
    %get3A_1384 = vector.shape_cast %get3A_1383 : vector<1x16xi32> to vector<16xi32>
    %get3A_1385 = arith.constant 9 : i32
    %get3A_1386 = arith.index_cast %get3A_1385 : i32 to index
    %get3A_1387 = arith.constant 64 : index
    %get3A_1388 = tpu.vector_load %arg7[%get3A_1386, %get3A_1387] {strides = array<i32>} : memref<26x128xi32, #tpu.memory_space<vmem>>, vector<1x16xi32>,
    %get3A_1389 = vector.shape_cast %get3A_1388 : vector<1x16xi32> to vector<16xi32>
    %add3A_1390 = arith.addi %get3A_1384, %get3A_1389 : vector<16xi32>
    %swap3A_1391 = arith.constant 9 : i32
    %swap3A_1392 = arith.index_cast %swap3A_1391 : i32 to index
    %swap3A_1393 = arith.constant 64 : index
    %swap3A_1394 = tpu.vector_load %arg6[%swap3A_1392, %swap3A_1393] {strides = array<i32>} : memref<26x128xi32, #tpu.memory_space<vmem>>, vector<1x16xi32>,
    %swap3A_1395 = vector.shape_cast %swap3A_1394 : vector<1x16xi32> to vector<16xi32>
    %swap3A_1396 = vector.shape_cast %add3A_1390 : vector<16xi32> to vector<1x16xi32>
    tpu.vector_store %arg6[%swap3A_1392, %swap3A_1393], %swap3A_1396 {strides = array<i32>} : memref<26x128xi32, #tpu.memory_space<vmem>>, vector<1x16xi32>,
    %get3A_1397 = arith.constant 9 : i32
    %get3A_1398 = arith.index_cast %get3A_1397 : i32 to index
    %get3A_1399 = arith.constant 80 : index
    %get3A_1400 = tpu.vector_load %arg6[%get3A_1398, %get3A_1399] {strides = array<i32>} : memref<26x128xi32, #tpu.memory_space<vmem>>, vector<1x16xi32>,
    %get3A_1401 = vector.shape_cast %get3A_1400 : vector<1x16xi32> to vector<16xi32>
    %get3A_1402 = arith.constant 9 : i32
    %get3A_1403 = arith.index_cast %get3A_1402 : i32 to index
    %get3A_1404 = arith.constant 80 : index
    %get3A_1405 = tpu.vector_load %arg7[%get3A_1403, %get3A_1404] {strides = array<i32>} : memref<26x128xi32, #tpu.memory_space<vmem>>, vector<1x16xi32>,
    %get3A_1406 = vector.shape_cast %get3A_1405 : vector<1x16xi32> to vector<16xi32>
    %add3A_1407 = arith.addi %get3A_1401, %get3A_1406 : vector<16xi32>
    %swap3A_1408 = arith.constant 9 : i32
    %swap3A_1409 = arith.index_cast %swap3A_1408 : i32 to index
    %swap3A_1410 = arith.constant 80 : index
    %swap3A_1411 = tpu.vector_load %arg6[%swap3A_1409, %swap3A_1410] {strides = array<i32>} : memref<26x128xi32, #tpu.memory_space<vmem>>, vector<1x16xi32>,
    %swap3A_1412 = vector.shape_cast %swap3A_1411 : vector<1x16xi32> to vector<16xi32>
    %swap3A_1413 = vector.shape_cast %add3A_1407 : vector<16xi32> to vector<1x16xi32>
    tpu.vector_store %arg6[%swap3A_1409, %swap3A_1410], %swap3A_1413 {strides = array<i32>} : memref<26x128xi32, #tpu.memory_space<vmem>>, vector<1x16xi32>,
    %get3A_1414 = arith.constant 9 : i32
    %get3A_1415 = arith.index_cast %get3A_1414 : i32 to index
    %get3A_1416 = arith.constant 96 : index
    %get3A_1417 = tpu.vector_load %arg6[%get3A_1415, %get3A_1416] {strides = array<i32>} : memref<26x128xi32, #tpu.memory_space<vmem>>, vector<1x16xi32>,
    %get3A_1418 = vector.shape_cast %get3A_1417 : vector<1x16xi32> to vector<16xi32>
    %get3A_1419 = arith.constant 9 : i32
    %get3A_1420 = arith.index_cast %get3A_1419 : i32 to index
    %get3A_1421 = arith.constant 96 : index
    %get3A_1422 = tpu.vector_load %arg7[%get3A_1420, %get3A_1421] {strides = array<i32>} : memref<26x128xi32, #tpu.memory_space<vmem>>, vector<1x16xi32>,
    %get3A_1423 = vector.shape_cast %get3A_1422 : vector<1x16xi32> to vector<16xi32>
    %add3A_1424 = arith.addi %get3A_1418, %get3A_1423 : vector<16xi32>
    %swap3A_1425 = arith.constant 9 : i32
    %swap3A_1426 = arith.index_cast %swap3A_1425 : i32 to index
    %swap3A_1427 = arith.constant 96 : index
    %swap3A_1428 = tpu.vector_load %arg6[%swap3A_1426, %swap3A_1427] {strides = array<i32>} : memref<26x128xi32, #tpu.memory_space<vmem>>, vector<1x16xi32>,
    %swap3A_1429 = vector.shape_cast %swap3A_1428 : vector<1x16xi32> to vector<16xi32>
    %swap3A_1430 = vector.shape_cast %add3A_1424 : vector<16xi32> to vector<1x16xi32>
    tpu.vector_store %arg6[%swap3A_1426, %swap3A_1427], %swap3A_1430 {strides = array<i32>} : memref<26x128xi32, #tpu.memory_space<vmem>>, vector<1x16xi32>,
    %get3A_1431 = arith.constant 9 : i32
    %get3A_1432 = arith.index_cast %get3A_1431 : i32 to index
    %get3A_1433 = arith.constant 112 : index
    %get3A_1434 = tpu.vector_load %arg6[%get3A_1432, %get3A_1433] {strides = array<i32>} : memref<26x128xi32, #tpu.memory_space<vmem>>, vector<1x16xi32>,
    %get3A_1435 = vector.shape_cast %get3A_1434 : vector<1x16xi32> to vector<16xi32>
    %get3A_1436 = arith.constant 9 : i32
    %get3A_1437 = arith.index_cast %get3A_1436 : i32 to index
    %get3A_1438 = arith.constant 112 : index
    %get3A_1439 = tpu.vector_load %arg7[%get3A_1437, %get3A_1438] {strides = array<i32>} : memref<26x128xi32, #tpu.memory_space<vmem>>, vector<1x16xi32>,
    %get3A_1440 = vector.shape_cast %get3A_1439 : vector<1x16xi32> to vector<16xi32>
    %add3A_1441 = arith.addi %get3A_1435, %get3A_1440 : vector<16xi32>
    %swap3A_1442 = arith.constant 9 : i32
    %swap3A_1443 = arith.index_cast %swap3A_1442 : i32 to index
    %swap3A_1444 = arith.constant 112 : index
    %swap3A_1445 = tpu.vector_load %arg6[%swap3A_1443, %swap3A_1444] {strides = array<i32>} : memref<26x128xi32, #tpu.memory_space<vmem>>, vector<1x16xi32>,
    %swap3A_1446 = vector.shape_cast %swap3A_1445 : vector<1x16xi32> to vector<16xi32>
    %swap3A_1447 = vector.shape_cast %add3A_1441 : vector<16xi32> to vector<1x16xi32>
    tpu.vector_store %arg6[%swap3A_1443, %swap3A_1444], %swap3A_1447 {strides = array<i32>} : memref<26x128xi32, #tpu.memory_space<vmem>>, vector<1x16xi32>,
    %dma_start3A_1448 = arith.constant 9 : i32
    %dma_start3A_1449 = arith.constant 1152 : i32
    %dma_start3A_1450 = arith.constant 0 : i32
    %dma_start3A_1451 = tpu.memref_slice %arg8[%dma_start3A_1449, %dma_start3A_1450] : memref<3328x32xf32, #tpu.memory_space<vmem>> -> memref<128x32xf32, #tpu.memory_space<vmem>>
    %dma_start3A_1452 = arith.constant 0 : i32
    %dma_start3A_1453 = tpu.memref_slice %arg6[%dma_start3A_1448, %dma_start3A_1452] : memref<26x128xi32, #tpu.memory_space<vmem>> -> memref<1x128xi32, #tpu.memory_space<vmem>>
    %dma_start3A_1454 = tpu.memref_squeeze %dma_start3A_1453 : memref<1x128xi32, #tpu.memory_space<vmem>> -> memref<128xi32, #tpu.memory_space<vmem>>
    %dma_start3A_1455 = arith.constant 0 : i32
    %dma_start3A_1456 = arith.constant 0 : i32
    %dma_start3A_1457 = tpu.memref_slice %arg3[%dma_start3A_1455, %dma_start3A_1456] : memref<2600000x32xf32, #tpu.memory_space<hbm>> -> memref<2600000x32xf32, #tpu.memory_space<hbm>>
    tpu.enqueue_indirect_dma source(%dma_start3A_1457 : memref<2600000x32xf32, #tpu.memory_space<hbm>>) target(%dma_start3A_1451 : memref<128x32xf32, #tpu.memory_space<vmem>>) offsets(%dma_start3A_1454 : memref<128xi32, #tpu.memory_space<vmem>>) semaphore(%arg9 : memref<!tpu.dma_semaphore, #tpu.memory_space<semaphore_mem>>)
    %get3A_1458 = arith.constant 10 : i32
    %get3A_1459 = arith.index_cast %get3A_1458 : i32 to index
    %get3A_1460 = arith.constant 0 : index
    %get3A_1461 = tpu.vector_load %arg6[%get3A_1459, %get3A_1460] {strides = array<i32>} : memref<26x128xi32, #tpu.memory_space<vmem>>, vector<1x16xi32>,
    %get3A_1462 = vector.shape_cast %get3A_1461 : vector<1x16xi32> to vector<16xi32>
    %get3A_1463 = arith.constant 10 : i32
    %get3A_1464 = arith.index_cast %get3A_1463 : i32 to index
    %get3A_1465 = arith.constant 0 : index
    %get3A_1466 = tpu.vector_load %arg7[%get3A_1464, %get3A_1465] {strides = array<i32>} : memref<26x128xi32, #tpu.memory_space<vmem>>, vector<1x16xi32>,
    %get3A_1467 = vector.shape_cast %get3A_1466 : vector<1x16xi32> to vector<16xi32>
    %add3A_1468 = arith.addi %get3A_1462, %get3A_1467 : vector<16xi32>
    %swap3A_1469 = arith.constant 10 : i32
    %swap3A_1470 = arith.index_cast %swap3A_1469 : i32 to index
    %swap3A_1471 = arith.constant 0 : index
    %swap3A_1472 = tpu.vector_load %arg6[%swap3A_1470, %swap3A_1471] {strides = array<i32>} : memref<26x128xi32, #tpu.memory_space<vmem>>, vector<1x16xi32>,
    %swap3A_1473 = vector.shape_cast %swap3A_1472 : vector<1x16xi32> to vector<16xi32>
    %swap3A_1474 = vector.shape_cast %add3A_1468 : vector<16xi32> to vector<1x16xi32>
    tpu.vector_store %arg6[%swap3A_1470, %swap3A_1471], %swap3A_1474 {strides = array<i32>} : memref<26x128xi32, #tpu.memory_space<vmem>>, vector<1x16xi32>,
    %get3A_1475 = arith.constant 10 : i32
    %get3A_1476 = arith.index_cast %get3A_1475 : i32 to index
    %get3A_1477 = arith.constant 16 : index
    %get3A_1478 = tpu.vector_load %arg6[%get3A_1476, %get3A_1477] {strides = array<i32>} : memref<26x128xi32, #tpu.memory_space<vmem>>, vector<1x16xi32>,
    %get3A_1479 = vector.shape_cast %get3A_1478 : vector<1x16xi32> to vector<16xi32>
    %get3A_1480 = arith.constant 10 : i32
    %get3A_1481 = arith.index_cast %get3A_1480 : i32 to index
    %get3A_1482 = arith.constant 16 : index
    %get3A_1483 = tpu.vector_load %arg7[%get3A_1481, %get3A_1482] {strides = array<i32>} : memref<26x128xi32, #tpu.memory_space<vmem>>, vector<1x16xi32>,
    %get3A_1484 = vector.shape_cast %get3A_1483 : vector<1x16xi32> to vector<16xi32>
    %add3A_1485 = arith.addi %get3A_1479, %get3A_1484 : vector<16xi32>
    %swap3A_1486 = arith.constant 10 : i32
    %swap3A_1487 = arith.index_cast %swap3A_1486 : i32 to index
    %swap3A_1488 = arith.constant 16 : index
    %swap3A_1489 = tpu.vector_load %arg6[%swap3A_1487, %swap3A_1488] {strides = array<i32>} : memref<26x128xi32, #tpu.memory_space<vmem>>, vector<1x16xi32>,
    %swap3A_1490 = vector.shape_cast %swap3A_1489 : vector<1x16xi32> to vector<16xi32>
    %swap3A_1491 = vector.shape_cast %add3A_1485 : vector<16xi32> to vector<1x16xi32>
    tpu.vector_store %arg6[%swap3A_1487, %swap3A_1488], %swap3A_1491 {strides = array<i32>} : memref<26x128xi32, #tpu.memory_space<vmem>>, vector<1x16xi32>,
    %get3A_1492 = arith.constant 10 : i32
    %get3A_1493 = arith.index_cast %get3A_1492 : i32 to index
    %get3A_1494 = arith.constant 32 : index
    %get3A_1495 = tpu.vector_load %arg6[%get3A_1493, %get3A_1494] {strides = array<i32>} : memref<26x128xi32, #tpu.memory_space<vmem>>, vector<1x16xi32>,
    %get3A_1496 = vector.shape_cast %get3A_1495 : vector<1x16xi32> to vector<16xi32>
    %get3A_1497 = arith.constant 10 : i32
    %get3A_1498 = arith.index_cast %get3A_1497 : i32 to index
    %get3A_1499 = arith.constant 32 : index
    %get3A_1500 = tpu.vector_load %arg7[%get3A_1498, %get3A_1499] {strides = array<i32>} : memref<26x128xi32, #tpu.memory_space<vmem>>, vector<1x16xi32>,
    %get3A_1501 = vector.shape_cast %get3A_1500 : vector<1x16xi32> to vector<16xi32>
    %add3A_1502 = arith.addi %get3A_1496, %get3A_1501 : vector<16xi32>
    %swap3A_1503 = arith.constant 10 : i32
    %swap3A_1504 = arith.index_cast %swap3A_1503 : i32 to index
    %swap3A_1505 = arith.constant 32 : index
    %swap3A_1506 = tpu.vector_load %arg6[%swap3A_1504, %swap3A_1505] {strides = array<i32>} : memref<26x128xi32, #tpu.memory_space<vmem>>, vector<1x16xi32>,
    %swap3A_1507 = vector.shape_cast %swap3A_1506 : vector<1x16xi32> to vector<16xi32>
    %swap3A_1508 = vector.shape_cast %add3A_1502 : vector<16xi32> to vector<1x16xi32>
    tpu.vector_store %arg6[%swap3A_1504, %swap3A_1505], %swap3A_1508 {strides = array<i32>} : memref<26x128xi32, #tpu.memory_space<vmem>>, vector<1x16xi32>,
    %get3A_1509 = arith.constant 10 : i32
    %get3A_1510 = arith.index_cast %get3A_1509 : i32 to index
    %get3A_1511 = arith.constant 48 : index
    %get3A_1512 = tpu.vector_load %arg6[%get3A_1510, %get3A_1511] {strides = array<i32>} : memref<26x128xi32, #tpu.memory_space<vmem>>, vector<1x16xi32>,
    %get3A_1513 = vector.shape_cast %get3A_1512 : vector<1x16xi32> to vector<16xi32>
    %get3A_1514 = arith.constant 10 : i32
    %get3A_1515 = arith.index_cast %get3A_1514 : i32 to index
    %get3A_1516 = arith.constant 48 : index
    %get3A_1517 = tpu.vector_load %arg7[%get3A_1515, %get3A_1516] {strides = array<i32>} : memref<26x128xi32, #tpu.memory_space<vmem>>, vector<1x16xi32>,
    %get3A_1518 = vector.shape_cast %get3A_1517 : vector<1x16xi32> to vector<16xi32>
    %add3A_1519 = arith.addi %get3A_1513, %get3A_1518 : vector<16xi32>
    %swap3A_1520 = arith.constant 10 : i32
    %swap3A_1521 = arith.index_cast %swap3A_1520 : i32 to index
    %swap3A_1522 = arith.constant 48 : index
    %swap3A_1523 = tpu.vector_load %arg6[%swap3A_1521, %swap3A_1522] {strides = array<i32>} : memref<26x128xi32, #tpu.memory_space<vmem>>, vector<1x16xi32>,
    %swap3A_1524 = vector.shape_cast %swap3A_1523 : vector<1x16xi32> to vector<16xi32>
    %swap3A_1525 = vector.shape_cast %add3A_1519 : vector<16xi32> to vector<1x16xi32>
    tpu.vector_store %arg6[%swap3A_1521, %swap3A_1522], %swap3A_1525 {strides = array<i32>} : memref<26x128xi32, #tpu.memory_space<vmem>>, vector<1x16xi32>,
    %get3A_1526 = arith.constant 10 : i32
    %get3A_1527 = arith.index_cast %get3A_1526 : i32 to index
    %get3A_1528 = arith.constant 64 : index
    %get3A_1529 = tpu.vector_load %arg6[%get3A_1527, %get3A_1528] {strides = array<i32>} : memref<26x128xi32, #tpu.memory_space<vmem>>, vector<1x16xi32>,
    %get3A_1530 = vector.shape_cast %get3A_1529 : vector<1x16xi32> to vector<16xi32>
    %get3A_1531 = arith.constant 10 : i32
    %get3A_1532 = arith.index_cast %get3A_1531 : i32 to index
    %get3A_1533 = arith.constant 64 : index
    %get3A_1534 = tpu.vector_load %arg7[%get3A_1532, %get3A_1533] {strides = array<i32>} : memref<26x128xi32, #tpu.memory_space<vmem>>, vector<1x16xi32>,
    %get3A_1535 = vector.shape_cast %get3A_1534 : vector<1x16xi32> to vector<16xi32>
    %add3A_1536 = arith.addi %get3A_1530, %get3A_1535 : vector<16xi32>
    %swap3A_1537 = arith.constant 10 : i32
    %swap3A_1538 = arith.index_cast %swap3A_1537 : i32 to index
    %swap3A_1539 = arith.constant 64 : index
    %swap3A_1540 = tpu.vector_load %arg6[%swap3A_1538, %swap3A_1539] {strides = array<i32>} : memref<26x128xi32, #tpu.memory_space<vmem>>, vector<1x16xi32>,
    %swap3A_1541 = vector.shape_cast %swap3A_1540 : vector<1x16xi32> to vector<16xi32>
    %swap3A_1542 = vector.shape_cast %add3A_1536 : vector<16xi32> to vector<1x16xi32>
    tpu.vector_store %arg6[%swap3A_1538, %swap3A_1539], %swap3A_1542 {strides = array<i32>} : memref<26x128xi32, #tpu.memory_space<vmem>>, vector<1x16xi32>,
    %get3A_1543 = arith.constant 10 : i32
    %get3A_1544 = arith.index_cast %get3A_1543 : i32 to index
    %get3A_1545 = arith.constant 80 : index
    %get3A_1546 = tpu.vector_load %arg6[%get3A_1544, %get3A_1545] {strides = array<i32>} : memref<26x128xi32, #tpu.memory_space<vmem>>, vector<1x16xi32>,
    %get3A_1547 = vector.shape_cast %get3A_1546 : vector<1x16xi32> to vector<16xi32>
    %get3A_1548 = arith.constant 10 : i32
    %get3A_1549 = arith.index_cast %get3A_1548 : i32 to index
    %get3A_1550 = arith.constant 80 : index
    %get3A_1551 = tpu.vector_load %arg7[%get3A_1549, %get3A_1550] {strides = array<i32>} : memref<26x128xi32, #tpu.memory_space<vmem>>, vector<1x16xi32>,
    %get3A_1552 = vector.shape_cast %get3A_1551 : vector<1x16xi32> to vector<16xi32>
    %add3A_1553 = arith.addi %get3A_1547, %get3A_1552 : vector<16xi32>
    %swap3A_1554 = arith.constant 10 : i32
    %swap3A_1555 = arith.index_cast %swap3A_1554 : i32 to index
    %swap3A_1556 = arith.constant 80 : index
    %swap3A_1557 = tpu.vector_load %arg6[%swap3A_1555, %swap3A_1556] {strides = array<i32>} : memref<26x128xi32, #tpu.memory_space<vmem>>, vector<1x16xi32>,
    %swap3A_1558 = vector.shape_cast %swap3A_1557 : vector<1x16xi32> to vector<16xi32>
    %swap3A_1559 = vector.shape_cast %add3A_1553 : vector<16xi32> to vector<1x16xi32>
    tpu.vector_store %arg6[%swap3A_1555, %swap3A_1556], %swap3A_1559 {strides = array<i32>} : memref<26x128xi32, #tpu.memory_space<vmem>>, vector<1x16xi32>,
    %get3A_1560 = arith.constant 10 : i32
    %get3A_1561 = arith.index_cast %get3A_1560 : i32 to index
    %get3A_1562 = arith.constant 96 : index
    %get3A_1563 = tpu.vector_load %arg6[%get3A_1561, %get3A_1562] {strides = array<i32>} : memref<26x128xi32, #tpu.memory_space<vmem>>, vector<1x16xi32>,
    %get3A_1564 = vector.shape_cast %get3A_1563 : vector<1x16xi32> to vector<16xi32>
    %get3A_1565 = arith.constant 10 : i32
    %get3A_1566 = arith.index_cast %get3A_1565 : i32 to index
    %get3A_1567 = arith.constant 96 : index
    %get3A_1568 = tpu.vector_load %arg7[%get3A_1566, %get3A_1567] {strides = array<i32>} : memref<26x128xi32, #tpu.memory_space<vmem>>, vector<1x16xi32>,
    %get3A_1569 = vector.shape_cast %get3A_1568 : vector<1x16xi32> to vector<16xi32>
    %add3A_1570 = arith.addi %get3A_1564, %get3A_1569 : vector<16xi32>
    %swap3A_1571 = arith.constant 10 : i32
    %swap3A_1572 = arith.index_cast %swap3A_1571 : i32 to index
    %swap3A_1573 = arith.constant 96 : index
    %swap3A_1574 = tpu.vector_load %arg6[%swap3A_1572, %swap3A_1573] {strides = array<i32>} : memref<26x128xi32, #tpu.memory_space<vmem>>, vector<1x16xi32>,
    %swap3A_1575 = vector.shape_cast %swap3A_1574 : vector<1x16xi32> to vector<16xi32>
    %swap3A_1576 = vector.shape_cast %add3A_1570 : vector<16xi32> to vector<1x16xi32>
    tpu.vector_store %arg6[%swap3A_1572, %swap3A_1573], %swap3A_1576 {strides = array<i32>} : memref<26x128xi32, #tpu.memory_space<vmem>>, vector<1x16xi32>,
    %get3A_1577 = arith.constant 10 : i32
    %get3A_1578 = arith.index_cast %get3A_1577 : i32 to index
    %get3A_1579 = arith.constant 112 : index
    %get3A_1580 = tpu.vector_load %arg6[%get3A_1578, %get3A_1579] {strides = array<i32>} : memref<26x128xi32, #tpu.memory_space<vmem>>, vector<1x16xi32>,
    %get3A_1581 = vector.shape_cast %get3A_1580 : vector<1x16xi32> to vector<16xi32>
    %get3A_1582 = arith.constant 10 : i32
    %get3A_1583 = arith.index_cast %get3A_1582 : i32 to index
    %get3A_1584 = arith.constant 112 : index
    %get3A_1585 = tpu.vector_load %arg7[%get3A_1583, %get3A_1584] {strides = array<i32>} : memref<26x128xi32, #tpu.memory_space<vmem>>, vector<1x16xi32>,
    %get3A_1586 = vector.shape_cast %get3A_1585 : vector<1x16xi32> to vector<16xi32>
    %add3A_1587 = arith.addi %get3A_1581, %get3A_1586 : vector<16xi32>
    %swap3A_1588 = arith.constant 10 : i32
    %swap3A_1589 = arith.index_cast %swap3A_1588 : i32 to index
    %swap3A_1590 = arith.constant 112 : index
    %swap3A_1591 = tpu.vector_load %arg6[%swap3A_1589, %swap3A_1590] {strides = array<i32>} : memref<26x128xi32, #tpu.memory_space<vmem>>, vector<1x16xi32>,
    %swap3A_1592 = vector.shape_cast %swap3A_1591 : vector<1x16xi32> to vector<16xi32>
    %swap3A_1593 = vector.shape_cast %add3A_1587 : vector<16xi32> to vector<1x16xi32>
    tpu.vector_store %arg6[%swap3A_1589, %swap3A_1590], %swap3A_1593 {strides = array<i32>} : memref<26x128xi32, #tpu.memory_space<vmem>>, vector<1x16xi32>,
    %dma_start3A_1594 = arith.constant 10 : i32
    %dma_start3A_1595 = arith.constant 1280 : i32
    %dma_start3A_1596 = arith.constant 0 : i32
    %dma_start3A_1597 = tpu.memref_slice %arg8[%dma_start3A_1595, %dma_start3A_1596] : memref<3328x32xf32, #tpu.memory_space<vmem>> -> memref<128x32xf32, #tpu.memory_space<vmem>>
    %dma_start3A_1598 = arith.constant 0 : i32
    %dma_start3A_1599 = tpu.memref_slice %arg6[%dma_start3A_1594, %dma_start3A_1598] : memref<26x128xi32, #tpu.memory_space<vmem>> -> memref<1x128xi32, #tpu.memory_space<vmem>>
    %dma_start3A_1600 = tpu.memref_squeeze %dma_start3A_1599 : memref<1x128xi32, #tpu.memory_space<vmem>> -> memref<128xi32, #tpu.memory_space<vmem>>
    %dma_start3A_1601 = arith.constant 0 : i32
    %dma_start3A_1602 = arith.constant 0 : i32
    %dma_start3A_1603 = tpu.memref_slice %arg3[%dma_start3A_1601, %dma_start3A_1602] : memref<2600000x32xf32, #tpu.memory_space<hbm>> -> memref<2600000x32xf32, #tpu.memory_space<hbm>>
    tpu.enqueue_indirect_dma source(%dma_start3A_1603 : memref<2600000x32xf32, #tpu.memory_space<hbm>>) target(%dma_start3A_1597 : memref<128x32xf32, #tpu.memory_space<vmem>>) offsets(%dma_start3A_1600 : memref<128xi32, #tpu.memory_space<vmem>>) semaphore(%arg9 : memref<!tpu.dma_semaphore, #tpu.memory_space<semaphore_mem>>)
    %get3A_1604 = arith.constant 11 : i32
    %get3A_1605 = arith.index_cast %get3A_1604 : i32 to index
    %get3A_1606 = arith.constant 0 : index
    %get3A_1607 = tpu.vector_load %arg6[%get3A_1605, %get3A_1606] {strides = array<i32>} : memref<26x128xi32, #tpu.memory_space<vmem>>, vector<1x16xi32>,
    %get3A_1608 = vector.shape_cast %get3A_1607 : vector<1x16xi32> to vector<16xi32>
    %get3A_1609 = arith.constant 11 : i32
    %get3A_1610 = arith.index_cast %get3A_1609 : i32 to index
    %get3A_1611 = arith.constant 0 : index
    %get3A_1612 = tpu.vector_load %arg7[%get3A_1610, %get3A_1611] {strides = array<i32>} : memref<26x128xi32, #tpu.memory_space<vmem>>, vector<1x16xi32>,
    %get3A_1613 = vector.shape_cast %get3A_1612 : vector<1x16xi32> to vector<16xi32>
    %add3A_1614 = arith.addi %get3A_1608, %get3A_1613 : vector<16xi32>
    %swap3A_1615 = arith.constant 11 : i32
    %swap3A_1616 = arith.index_cast %swap3A_1615 : i32 to index
    %swap3A_1617 = arith.constant 0 : index
    %swap3A_1618 = tpu.vector_load %arg6[%swap3A_1616, %swap3A_1617] {strides = array<i32>} : memref<26x128xi32, #tpu.memory_space<vmem>>, vector<1x16xi32>,
    %swap3A_1619 = vector.shape_cast %swap3A_1618 : vector<1x16xi32> to vector<16xi32>
    %swap3A_1620 = vector.shape_cast %add3A_1614 : vector<16xi32> to vector<1x16xi32>
    tpu.vector_store %arg6[%swap3A_1616, %swap3A_1617], %swap3A_1620 {strides = array<i32>} : memref<26x128xi32, #tpu.memory_space<vmem>>, vector<1x16xi32>,
    %get3A_1621 = arith.constant 11 : i32
    %get3A_1622 = arith.index_cast %get3A_1621 : i32 to index
    %get3A_1623 = arith.constant 16 : index
    %get3A_1624 = tpu.vector_load %arg6[%get3A_1622, %get3A_1623] {strides = array<i32>} : memref<26x128xi32, #tpu.memory_space<vmem>>, vector<1x16xi32>,
    %get3A_1625 = vector.shape_cast %get3A_1624 : vector<1x16xi32> to vector<16xi32>
    %get3A_1626 = arith.constant 11 : i32
    %get3A_1627 = arith.index_cast %get3A_1626 : i32 to index
    %get3A_1628 = arith.constant 16 : index
    %get3A_1629 = tpu.vector_load %arg7[%get3A_1627, %get3A_1628] {strides = array<i32>} : memref<26x128xi32, #tpu.memory_space<vmem>>, vector<1x16xi32>,
    %get3A_1630 = vector.shape_cast %get3A_1629 : vector<1x16xi32> to vector<16xi32>
    %add3A_1631 = arith.addi %get3A_1625, %get3A_1630 : vector<16xi32>
    %swap3A_1632 = arith.constant 11 : i32
    %swap3A_1633 = arith.index_cast %swap3A_1632 : i32 to index
    %swap3A_1634 = arith.constant 16 : index
    %swap3A_1635 = tpu.vector_load %arg6[%swap3A_1633, %swap3A_1634] {strides = array<i32>} : memref<26x128xi32, #tpu.memory_space<vmem>>, vector<1x16xi32>,
    %swap3A_1636 = vector.shape_cast %swap3A_1635 : vector<1x16xi32> to vector<16xi32>
    %swap3A_1637 = vector.shape_cast %add3A_1631 : vector<16xi32> to vector<1x16xi32>
    tpu.vector_store %arg6[%swap3A_1633, %swap3A_1634], %swap3A_1637 {strides = array<i32>} : memref<26x128xi32, #tpu.memory_space<vmem>>, vector<1x16xi32>,
    %get3A_1638 = arith.constant 11 : i32
    %get3A_1639 = arith.index_cast %get3A_1638 : i32 to index
    %get3A_1640 = arith.constant 32 : index
    %get3A_1641 = tpu.vector_load %arg6[%get3A_1639, %get3A_1640] {strides = array<i32>} : memref<26x128xi32, #tpu.memory_space<vmem>>, vector<1x16xi32>,
    %get3A_1642 = vector.shape_cast %get3A_1641 : vector<1x16xi32> to vector<16xi32>
    %get3A_1643 = arith.constant 11 : i32
    %get3A_1644 = arith.index_cast %get3A_1643 : i32 to index
    %get3A_1645 = arith.constant 32 : index
    %get3A_1646 = tpu.vector_load %arg7[%get3A_1644, %get3A_1645] {strides = array<i32>} : memref<26x128xi32, #tpu.memory_space<vmem>>, vector<1x16xi32>,
    %get3A_1647 = vector.shape_cast %get3A_1646 : vector<1x16xi32> to vector<16xi32>
    %add3A_1648 = arith.addi %get3A_1642, %get3A_1647 : vector<16xi32>
    %swap3A_1649 = arith.constant 11 : i32
    %swap3A_1650 = arith.index_cast %swap3A_1649 : i32 to index
    %swap3A_1651 = arith.constant 32 : index
    %swap3A_1652 = tpu.vector_load %arg6[%swap3A_1650, %swap3A_1651] {strides = array<i32>} : memref<26x128xi32, #tpu.memory_space<vmem>>, vector<1x16xi32>,
    %swap3A_1653 = vector.shape_cast %swap3A_1652 : vector<1x16xi32> to vector<16xi32>
    %swap3A_1654 = vector.shape_cast %add3A_1648 : vector<16xi32> to vector<1x16xi32>
    tpu.vector_store %arg6[%swap3A_1650, %swap3A_1651], %swap3A_1654 {strides = array<i32>} : memref<26x128xi32, #tpu.memory_space<vmem>>, vector<1x16xi32>,
    %get3A_1655 = arith.constant 11 : i32
    %get3A_1656 = arith.index_cast %get3A_1655 : i32 to index
    %get3A_1657 = arith.constant 48 : index
    %get3A_1658 = tpu.vector_load %arg6[%get3A_1656, %get3A_1657] {strides = array<i32>} : memref<26x128xi32, #tpu.memory_space<vmem>>, vector<1x16xi32>,
    %get3A_1659 = vector.shape_cast %get3A_1658 : vector<1x16xi32> to vector<16xi32>
    %get3A_1660 = arith.constant 11 : i32
    %get3A_1661 = arith.index_cast %get3A_1660 : i32 to index
    %get3A_1662 = arith.constant 48 : index
    %get3A_1663 = tpu.vector_load %arg7[%get3A_1661, %get3A_1662] {strides = array<i32>} : memref<26x128xi32, #tpu.memory_space<vmem>>, vector<1x16xi32>,
    %get3A_1664 = vector.shape_cast %get3A_1663 : vector<1x16xi32> to vector<16xi32>
    %add3A_1665 = arith.addi %get3A_1659, %get3A_1664 : vector<16xi32>
    %swap3A_1666 = arith.constant 11 : i32
    %swap3A_1667 = arith.index_cast %swap3A_1666 : i32 to index
    %swap3A_1668 = arith.constant 48 : index
    %swap3A_1669 = tpu.vector_load %arg6[%swap3A_1667, %swap3A_1668] {strides = array<i32>} : memref<26x128xi32, #tpu.memory_space<vmem>>, vector<1x16xi32>,
    %swap3A_1670 = vector.shape_cast %swap3A_1669 : vector<1x16xi32> to vector<16xi32>
    %swap3A_1671 = vector.shape_cast %add3A_1665 : vector<16xi32> to vector<1x16xi32>
    tpu.vector_store %arg6[%swap3A_1667, %swap3A_1668], %swap3A_1671 {strides = array<i32>} : memref<26x128xi32, #tpu.memory_space<vmem>>, vector<1x16xi32>,
    %get3A_1672 = arith.constant 11 : i32
    %get3A_1673 = arith.index_cast %get3A_1672 : i32 to index
    %get3A_1674 = arith.constant 64 : index
    %get3A_1675 = tpu.vector_load %arg6[%get3A_1673, %get3A_1674] {strides = array<i32>} : memref<26x128xi32, #tpu.memory_space<vmem>>, vector<1x16xi32>,
    %get3A_1676 = vector.shape_cast %get3A_1675 : vector<1x16xi32> to vector<16xi32>
    %get3A_1677 = arith.constant 11 : i32
    %get3A_1678 = arith.index_cast %get3A_1677 : i32 to index
    %get3A_1679 = arith.constant 64 : index
    %get3A_1680 = tpu.vector_load %arg7[%get3A_1678, %get3A_1679] {strides = array<i32>} : memref<26x128xi32, #tpu.memory_space<vmem>>, vector<1x16xi32>,
    %get3A_1681 = vector.shape_cast %get3A_1680 : vector<1x16xi32> to vector<16xi32>
    %add3A_1682 = arith.addi %get3A_1676, %get3A_1681 : vector<16xi32>
    %swap3A_1683 = arith.constant 11 : i32
    %swap3A_1684 = arith.index_cast %swap3A_1683 : i32 to index
    %swap3A_1685 = arith.constant 64 : index
    %swap3A_1686 = tpu.vector_load %arg6[%swap3A_1684, %swap3A_1685] {strides = array<i32>} : memref<26x128xi32, #tpu.memory_space<vmem>>, vector<1x16xi32>,
    %swap3A_1687 = vector.shape_cast %swap3A_1686 : vector<1x16xi32> to vector<16xi32>
    %swap3A_1688 = vector.shape_cast %add3A_1682 : vector<16xi32> to vector<1x16xi32>
    tpu.vector_store %arg6[%swap3A_1684, %swap3A_1685], %swap3A_1688 {strides = array<i32>} : memref<26x128xi32, #tpu.memory_space<vmem>>, vector<1x16xi32>,
    %get3A_1689 = arith.constant 11 : i32
    %get3A_1690 = arith.index_cast %get3A_1689 : i32 to index
    %get3A_1691 = arith.constant 80 : index
    %get3A_1692 = tpu.vector_load %arg6[%get3A_1690, %get3A_1691] {strides = array<i32>} : memref<26x128xi32, #tpu.memory_space<vmem>>, vector<1x16xi32>,
    %get3A_1693 = vector.shape_cast %get3A_1692 : vector<1x16xi32> to vector<16xi32>
    %get3A_1694 = arith.constant 11 : i32
    %get3A_1695 = arith.index_cast %get3A_1694 : i32 to index
    %get3A_1696 = arith.constant 80 : index
    %get3A_1697 = tpu.vector_load %arg7[%get3A_1695, %get3A_1696] {strides = array<i32>} : memref<26x128xi32, #tpu.memory_space<vmem>>, vector<1x16xi32>,
    %get3A_1698 = vector.shape_cast %get3A_1697 : vector<1x16xi32> to vector<16xi32>
    %add3A_1699 = arith.addi %get3A_1693, %get3A_1698 : vector<16xi32>
    %swap3A_1700 = arith.constant 11 : i32
    %swap3A_1701 = arith.index_cast %swap3A_1700 : i32 to index
    %swap3A_1702 = arith.constant 80 : index
    %swap3A_1703 = tpu.vector_load %arg6[%swap3A_1701, %swap3A_1702] {strides = array<i32>} : memref<26x128xi32, #tpu.memory_space<vmem>>, vector<1x16xi32>,
    %swap3A_1704 = vector.shape_cast %swap3A_1703 : vector<1x16xi32> to vector<16xi32>
    %swap3A_1705 = vector.shape_cast %add3A_1699 : vector<16xi32> to vector<1x16xi32>
    tpu.vector_store %arg6[%swap3A_1701, %swap3A_1702], %swap3A_1705 {strides = array<i32>} : memref<26x128xi32, #tpu.memory_space<vmem>>, vector<1x16xi32>,
    %get3A_1706 = arith.constant 11 : i32
    %get3A_1707 = arith.index_cast %get3A_1706 : i32 to index
    %get3A_1708 = arith.constant 96 : index
    %get3A_1709 = tpu.vector_load %arg6[%get3A_1707, %get3A_1708] {strides = array<i32>} : memref<26x128xi32, #tpu.memory_space<vmem>>, vector<1x16xi32>,
    %get3A_1710 = vector.shape_cast %get3A_1709 : vector<1x16xi32> to vector<16xi32>
    %get3A_1711 = arith.constant 11 : i32
    %get3A_1712 = arith.index_cast %get3A_1711 : i32 to index
    %get3A_1713 = arith.constant 96 : index
    %get3A_1714 = tpu.vector_load %arg7[%get3A_1712, %get3A_1713] {strides = array<i32>} : memref<26x128xi32, #tpu.memory_space<vmem>>, vector<1x16xi32>,
    %get3A_1715 = vector.shape_cast %get3A_1714 : vector<1x16xi32> to vector<16xi32>
    %add3A_1716 = arith.addi %get3A_1710, %get3A_1715 : vector<16xi32>
    %swap3A_1717 = arith.constant 11 : i32
    %swap3A_1718 = arith.index_cast %swap3A_1717 : i32 to index
    %swap3A_1719 = arith.constant 96 : index
    %swap3A_1720 = tpu.vector_load %arg6[%swap3A_1718, %swap3A_1719] {strides = array<i32>} : memref<26x128xi32, #tpu.memory_space<vmem>>, vector<1x16xi32>,
    %swap3A_1721 = vector.shape_cast %swap3A_1720 : vector<1x16xi32> to vector<16xi32>
    %swap3A_1722 = vector.shape_cast %add3A_1716 : vector<16xi32> to vector<1x16xi32>
    tpu.vector_store %arg6[%swap3A_1718, %swap3A_1719], %swap3A_1722 {strides = array<i32>} : memref<26x128xi32, #tpu.memory_space<vmem>>, vector<1x16xi32>,
    %get3A_1723 = arith.constant 11 : i32
    %get3A_1724 = arith.index_cast %get3A_1723 : i32 to index
    %get3A_1725 = arith.constant 112 : index
    %get3A_1726 = tpu.vector_load %arg6[%get3A_1724, %get3A_1725] {strides = array<i32>} : memref<26x128xi32, #tpu.memory_space<vmem>>, vector<1x16xi32>,
    %get3A_1727 = vector.shape_cast %get3A_1726 : vector<1x16xi32> to vector<16xi32>
    %get3A_1728 = arith.constant 11 : i32
    %get3A_1729 = arith.index_cast %get3A_1728 : i32 to index
    %get3A_1730 = arith.constant 112 : index
    %get3A_1731 = tpu.vector_load %arg7[%get3A_1729, %get3A_1730] {strides = array<i32>} : memref<26x128xi32, #tpu.memory_space<vmem>>, vector<1x16xi32>,
    %get3A_1732 = vector.shape_cast %get3A_1731 : vector<1x16xi32> to vector<16xi32>
    %add3A_1733 = arith.addi %get3A_1727, %get3A_1732 : vector<16xi32>
    %swap3A_1734 = arith.constant 11 : i32
    %swap3A_1735 = arith.index_cast %swap3A_1734 : i32 to index
    %swap3A_1736 = arith.constant 112 : index
    %swap3A_1737 = tpu.vector_load %arg6[%swap3A_1735, %swap3A_1736] {strides = array<i32>} : memref<26x128xi32, #tpu.memory_space<vmem>>, vector<1x16xi32>,
    %swap3A_1738 = vector.shape_cast %swap3A_1737 : vector<1x16xi32> to vector<16xi32>
    %swap3A_1739 = vector.shape_cast %add3A_1733 : vector<16xi32> to vector<1x16xi32>
    tpu.vector_store %arg6[%swap3A_1735, %swap3A_1736], %swap3A_1739 {strides = array<i32>} : memref<26x128xi32, #tpu.memory_space<vmem>>, vector<1x16xi32>,
    %dma_start3A_1740 = arith.constant 11 : i32
    %dma_start3A_1741 = arith.constant 1408 : i32
    %dma_start3A_1742 = arith.constant 0 : i32
    %dma_start3A_1743 = tpu.memref_slice %arg8[%dma_start3A_1741, %dma_start3A_1742] : memref<3328x32xf32, #tpu.memory_space<vmem>> -> memref<128x32xf32, #tpu.memory_space<vmem>>
    %dma_start3A_1744 = arith.constant 0 : i32
    %dma_start3A_1745 = tpu.memref_slice %arg6[%dma_start3A_1740, %dma_start3A_1744] : memref<26x128xi32, #tpu.memory_space<vmem>> -> memref<1x128xi32, #tpu.memory_space<vmem>>
    %dma_start3A_1746 = tpu.memref_squeeze %dma_start3A_1745 : memref<1x128xi32, #tpu.memory_space<vmem>> -> memref<128xi32, #tpu.memory_space<vmem>>
    %dma_start3A_1747 = arith.constant 0 : i32
    %dma_start3A_1748 = arith.constant 0 : i32
    %dma_start3A_1749 = tpu.memref_slice %arg3[%dma_start3A_1747, %dma_start3A_1748] : memref<2600000x32xf32, #tpu.memory_space<hbm>> -> memref<2600000x32xf32, #tpu.memory_space<hbm>>
    tpu.enqueue_indirect_dma source(%dma_start3A_1749 : memref<2600000x32xf32, #tpu.memory_space<hbm>>) target(%dma_start3A_1743 : memref<128x32xf32, #tpu.memory_space<vmem>>) offsets(%dma_start3A_1746 : memref<128xi32, #tpu.memory_space<vmem>>) semaphore(%arg9 : memref<!tpu.dma_semaphore, #tpu.memory_space<semaphore_mem>>)
    %get3A_1750 = arith.constant 12 : i32
    %get3A_1751 = arith.index_cast %get3A_1750 : i32 to index
    %get3A_1752 = arith.constant 0 : index
    %get3A_1753 = tpu.vector_load %arg6[%get3A_1751, %get3A_1752] {strides = array<i32>} : memref<26x128xi32, #tpu.memory_space<vmem>>, vector<1x16xi32>,
    %get3A_1754 = vector.shape_cast %get3A_1753 : vector<1x16xi32> to vector<16xi32>
    %get3A_1755 = arith.constant 12 : i32
    %get3A_1756 = arith.index_cast %get3A_1755 : i32 to index
    %get3A_1757 = arith.constant 0 : index
    %get3A_1758 = tpu.vector_load %arg7[%get3A_1756, %get3A_1757] {strides = array<i32>} : memref<26x128xi32, #tpu.memory_space<vmem>>, vector<1x16xi32>,
    %get3A_1759 = vector.shape_cast %get3A_1758 : vector<1x16xi32> to vector<16xi32>
    %add3A_1760 = arith.addi %get3A_1754, %get3A_1759 : vector<16xi32>
    %swap3A_1761 = arith.constant 12 : i32
    %swap3A_1762 = arith.index_cast %swap3A_1761 : i32 to index
    %swap3A_1763 = arith.constant 0 : index
    %swap3A_1764 = tpu.vector_load %arg6[%swap3A_1762, %swap3A_1763] {strides = array<i32>} : memref<26x128xi32, #tpu.memory_space<vmem>>, vector<1x16xi32>,
    %swap3A_1765 = vector.shape_cast %swap3A_1764 : vector<1x16xi32> to vector<16xi32>
    %swap3A_1766 = vector.shape_cast %add3A_1760 : vector<16xi32> to vector<1x16xi32>
    tpu.vector_store %arg6[%swap3A_1762, %swap3A_1763], %swap3A_1766 {strides = array<i32>} : memref<26x128xi32, #tpu.memory_space<vmem>>, vector<1x16xi32>,
    %get3A_1767 = arith.constant 12 : i32
    %get3A_1768 = arith.index_cast %get3A_1767 : i32 to index
    %get3A_1769 = arith.constant 16 : index
    %get3A_1770 = tpu.vector_load %arg6[%get3A_1768, %get3A_1769] {strides = array<i32>} : memref<26x128xi32, #tpu.memory_space<vmem>>, vector<1x16xi32>,
    %get3A_1771 = vector.shape_cast %get3A_1770 : vector<1x16xi32> to vector<16xi32>
    %get3A_1772 = arith.constant 12 : i32
    %get3A_1773 = arith.index_cast %get3A_1772 : i32 to index
    %get3A_1774 = arith.constant 16 : index
    %get3A_1775 = tpu.vector_load %arg7[%get3A_1773, %get3A_1774] {strides = array<i32>} : memref<26x128xi32, #tpu.memory_space<vmem>>, vector<1x16xi32>,
    %get3A_1776 = vector.shape_cast %get3A_1775 : vector<1x16xi32> to vector<16xi32>
    %add3A_1777 = arith.addi %get3A_1771, %get3A_1776 : vector<16xi32>
    %swap3A_1778 = arith.constant 12 : i32
    %swap3A_1779 = arith.index_cast %swap3A_1778 : i32 to index
    %swap3A_1780 = arith.constant 16 : index
    %swap3A_1781 = tpu.vector_load %arg6[%swap3A_1779, %swap3A_1780] {strides = array<i32>} : memref<26x128xi32, #tpu.memory_space<vmem>>, vector<1x16xi32>,
    %swap3A_1782 = vector.shape_cast %swap3A_1781 : vector<1x16xi32> to vector<16xi32>
    %swap3A_1783 = vector.shape_cast %add3A_1777 : vector<16xi32> to vector<1x16xi32>
    tpu.vector_store %arg6[%swap3A_1779, %swap3A_1780], %swap3A_1783 {strides = array<i32>} : memref<26x128xi32, #tpu.memory_space<vmem>>, vector<1x16xi32>,
    %get3A_1784 = arith.constant 12 : i32
    %get3A_1785 = arith.index_cast %get3A_1784 : i32 to index
    %get3A_1786 = arith.constant 32 : index
    %get3A_1787 = tpu.vector_load %arg6[%get3A_1785, %get3A_1786] {strides = array<i32>} : memref<26x128xi32, #tpu.memory_space<vmem>>, vector<1x16xi32>,
    %get3A_1788 = vector.shape_cast %get3A_1787 : vector<1x16xi32> to vector<16xi32>
    %get3A_1789 = arith.constant 12 : i32
    %get3A_1790 = arith.index_cast %get3A_1789 : i32 to index
    %get3A_1791 = arith.constant 32 : index
    %get3A_1792 = tpu.vector_load %arg7[%get3A_1790, %get3A_1791] {strides = array<i32>} : memref<26x128xi32, #tpu.memory_space<vmem>>, vector<1x16xi32>,
    %get3A_1793 = vector.shape_cast %get3A_1792 : vector<1x16xi32> to vector<16xi32>
    %add3A_1794 = arith.addi %get3A_1788, %get3A_1793 : vector<16xi32>
    %swap3A_1795 = arith.constant 12 : i32
    %swap3A_1796 = arith.index_cast %swap3A_1795 : i32 to index
    %swap3A_1797 = arith.constant 32 : index
    %swap3A_1798 = tpu.vector_load %arg6[%swap3A_1796, %swap3A_1797] {strides = array<i32>} : memref<26x128xi32, #tpu.memory_space<vmem>>, vector<1x16xi32>,
    %swap3A_1799 = vector.shape_cast %swap3A_1798 : vector<1x16xi32> to vector<16xi32>
    %swap3A_1800 = vector.shape_cast %add3A_1794 : vector<16xi32> to vector<1x16xi32>
    tpu.vector_store %arg6[%swap3A_1796, %swap3A_1797], %swap3A_1800 {strides = array<i32>} : memref<26x128xi32, #tpu.memory_space<vmem>>, vector<1x16xi32>,
    %get3A_1801 = arith.constant 12 : i32
    %get3A_1802 = arith.index_cast %get3A_1801 : i32 to index
    %get3A_1803 = arith.constant 48 : index
    %get3A_1804 = tpu.vector_load %arg6[%get3A_1802, %get3A_1803] {strides = array<i32>} : memref<26x128xi32, #tpu.memory_space<vmem>>, vector<1x16xi32>,
    %get3A_1805 = vector.shape_cast %get3A_1804 : vector<1x16xi32> to vector<16xi32>
    %get3A_1806 = arith.constant 12 : i32
    %get3A_1807 = arith.index_cast %get3A_1806 : i32 to index
    %get3A_1808 = arith.constant 48 : index
    %get3A_1809 = tpu.vector_load %arg7[%get3A_1807, %get3A_1808] {strides = array<i32>} : memref<26x128xi32, #tpu.memory_space<vmem>>, vector<1x16xi32>,
    %get3A_1810 = vector.shape_cast %get3A_1809 : vector<1x16xi32> to vector<16xi32>
    %add3A_1811 = arith.addi %get3A_1805, %get3A_1810 : vector<16xi32>
    %swap3A_1812 = arith.constant 12 : i32
    %swap3A_1813 = arith.index_cast %swap3A_1812 : i32 to index
    %swap3A_1814 = arith.constant 48 : index
    %swap3A_1815 = tpu.vector_load %arg6[%swap3A_1813, %swap3A_1814] {strides = array<i32>} : memref<26x128xi32, #tpu.memory_space<vmem>>, vector<1x16xi32>,
    %swap3A_1816 = vector.shape_cast %swap3A_1815 : vector<1x16xi32> to vector<16xi32>
    %swap3A_1817 = vector.shape_cast %add3A_1811 : vector<16xi32> to vector<1x16xi32>
    tpu.vector_store %arg6[%swap3A_1813, %swap3A_1814], %swap3A_1817 {strides = array<i32>} : memref<26x128xi32, #tpu.memory_space<vmem>>, vector<1x16xi32>,
    %get3A_1818 = arith.constant 12 : i32
    %get3A_1819 = arith.index_cast %get3A_1818 : i32 to index
    %get3A_1820 = arith.constant 64 : index
    %get3A_1821 = tpu.vector_load %arg6[%get3A_1819, %get3A_1820] {strides = array<i32>} : memref<26x128xi32, #tpu.memory_space<vmem>>, vector<1x16xi32>,
    %get3A_1822 = vector.shape_cast %get3A_1821 : vector<1x16xi32> to vector<16xi32>
    %get3A_1823 = arith.constant 12 : i32
    %get3A_1824 = arith.index_cast %get3A_1823 : i32 to index
    %get3A_1825 = arith.constant 64 : index
    %get3A_1826 = tpu.vector_load %arg7[%get3A_1824, %get3A_1825] {strides = array<i32>} : memref<26x128xi32, #tpu.memory_space<vmem>>, vector<1x16xi32>,
    %get3A_1827 = vector.shape_cast %get3A_1826 : vector<1x16xi32> to vector<16xi32>
    %add3A_1828 = arith.addi %get3A_1822, %get3A_1827 : vector<16xi32>
    %swap3A_1829 = arith.constant 12 : i32
    %swap3A_1830 = arith.index_cast %swap3A_1829 : i32 to index
    %swap3A_1831 = arith.constant 64 : index
    %swap3A_1832 = tpu.vector_load %arg6[%swap3A_1830, %swap3A_1831] {strides = array<i32>} : memref<26x128xi32, #tpu.memory_space<vmem>>, vector<1x16xi32>,
    %swap3A_1833 = vector.shape_cast %swap3A_1832 : vector<1x16xi32> to vector<16xi32>
    %swap3A_1834 = vector.shape_cast %add3A_1828 : vector<16xi32> to vector<1x16xi32>
    tpu.vector_store %arg6[%swap3A_1830, %swap3A_1831], %swap3A_1834 {strides = array<i32>} : memref<26x128xi32, #tpu.memory_space<vmem>>, vector<1x16xi32>,
    %get3A_1835 = arith.constant 12 : i32
    %get3A_1836 = arith.index_cast %get3A_1835 : i32 to index
    %get3A_1837 = arith.constant 80 : index
    %get3A_1838 = tpu.vector_load %arg6[%get3A_1836, %get3A_1837] {strides = array<i32>} : memref<26x128xi32, #tpu.memory_space<vmem>>, vector<1x16xi32>,
    %get3A_1839 = vector.shape_cast %get3A_1838 : vector<1x16xi32> to vector<16xi32>
    %get3A_1840 = arith.constant 12 : i32
    %get3A_1841 = arith.index_cast %get3A_1840 : i32 to index
    %get3A_1842 = arith.constant 80 : index
    %get3A_1843 = tpu.vector_load %arg7[%get3A_1841, %get3A_1842] {strides = array<i32>} : memref<26x128xi32, #tpu.memory_space<vmem>>, vector<1x16xi32>,
    %get3A_1844 = vector.shape_cast %get3A_1843 : vector<1x16xi32> to vector<16xi32>
    %add3A_1845 = arith.addi %get3A_1839, %get3A_1844 : vector<16xi32>
    %swap3A_1846 = arith.constant 12 : i32
    %swap3A_1847 = arith.index_cast %swap3A_1846 : i32 to index
    %swap3A_1848 = arith.constant 80 : index
    %swap3A_1849 = tpu.vector_load %arg6[%swap3A_1847, %swap3A_1848] {strides = array<i32>} : memref<26x128xi32, #tpu.memory_space<vmem>>, vector<1x16xi32>,
    %swap3A_1850 = vector.shape_cast %swap3A_1849 : vector<1x16xi32> to vector<16xi32>
    %swap3A_1851 = vector.shape_cast %add3A_1845 : vector<16xi32> to vector<1x16xi32>
    tpu.vector_store %arg6[%swap3A_1847, %swap3A_1848], %swap3A_1851 {strides = array<i32>} : memref<26x128xi32, #tpu.memory_space<vmem>>, vector<1x16xi32>,
    %get3A_1852 = arith.constant 12 : i32
    %get3A_1853 = arith.index_cast %get3A_1852 : i32 to index
    %get3A_1854 = arith.constant 96 : index
    %get3A_1855 = tpu.vector_load %arg6[%get3A_1853, %get3A_1854] {strides = array<i32>} : memref<26x128xi32, #tpu.memory_space<vmem>>, vector<1x16xi32>,
    %get3A_1856 = vector.shape_cast %get3A_1855 : vector<1x16xi32> to vector<16xi32>
    %get3A_1857 = arith.constant 12 : i32
    %get3A_1858 = arith.index_cast %get3A_1857 : i32 to index
    %get3A_1859 = arith.constant 96 : index
    %get3A_1860 = tpu.vector_load %arg7[%get3A_1858, %get3A_1859] {strides = array<i32>} : memref<26x128xi32, #tpu.memory_space<vmem>>, vector<1x16xi32>,
    %get3A_1861 = vector.shape_cast %get3A_1860 : vector<1x16xi32> to vector<16xi32>
    %add3A_1862 = arith.addi %get3A_1856, %get3A_1861 : vector<16xi32>
    %swap3A_1863 = arith.constant 12 : i32
    %swap3A_1864 = arith.index_cast %swap3A_1863 : i32 to index
    %swap3A_1865 = arith.constant 96 : index
    %swap3A_1866 = tpu.vector_load %arg6[%swap3A_1864, %swap3A_1865] {strides = array<i32>} : memref<26x128xi32, #tpu.memory_space<vmem>>, vector<1x16xi32>,
    %swap3A_1867 = vector.shape_cast %swap3A_1866 : vector<1x16xi32> to vector<16xi32>
    %swap3A_1868 = vector.shape_cast %add3A_1862 : vector<16xi32> to vector<1x16xi32>
    tpu.vector_store %arg6[%swap3A_1864, %swap3A_1865], %swap3A_1868 {strides = array<i32>} : memref<26x128xi32, #tpu.memory_space<vmem>>, vector<1x16xi32>,
    %get3A_1869 = arith.constant 12 : i32
    %get3A_1870 = arith.index_cast %get3A_1869 : i32 to index
    %get3A_1871 = arith.constant 112 : index
    %get3A_1872 = tpu.vector_load %arg6[%get3A_1870, %get3A_1871] {strides = array<i32>} : memref<26x128xi32, #tpu.memory_space<vmem>>, vector<1x16xi32>,
    %get3A_1873 = vector.shape_cast %get3A_1872 : vector<1x16xi32> to vector<16xi32>
    %get3A_1874 = arith.constant 12 : i32
    %get3A_1875 = arith.index_cast %get3A_1874 : i32 to index
    %get3A_1876 = arith.constant 112 : index
    %get3A_1877 = tpu.vector_load %arg7[%get3A_1875, %get3A_1876] {strides = array<i32>} : memref<26x128xi32, #tpu.memory_space<vmem>>, vector<1x16xi32>,
    %get3A_1878 = vector.shape_cast %get3A_1877 : vector<1x16xi32> to vector<16xi32>
    %add3A_1879 = arith.addi %get3A_1873, %get3A_1878 : vector<16xi32>
    %swap3A_1880 = arith.constant 12 : i32
    %swap3A_1881 = arith.index_cast %swap3A_1880 : i32 to index
    %swap3A_1882 = arith.constant 112 : index
    %swap3A_1883 = tpu.vector_load %arg6[%swap3A_1881, %swap3A_1882] {strides = array<i32>} : memref<26x128xi32, #tpu.memory_space<vmem>>, vector<1x16xi32>,
    %swap3A_1884 = vector.shape_cast %swap3A_1883 : vector<1x16xi32> to vector<16xi32>
    %swap3A_1885 = vector.shape_cast %add3A_1879 : vector<16xi32> to vector<1x16xi32>
    tpu.vector_store %arg6[%swap3A_1881, %swap3A_1882], %swap3A_1885 {strides = array<i32>} : memref<26x128xi32, #tpu.memory_space<vmem>>, vector<1x16xi32>,
    %dma_start3A_1886 = arith.constant 12 : i32
    %dma_start3A_1887 = arith.constant 1536 : i32
    %dma_start3A_1888 = arith.constant 0 : i32
    %dma_start3A_1889 = tpu.memref_slice %arg8[%dma_start3A_1887, %dma_start3A_1888] : memref<3328x32xf32, #tpu.memory_space<vmem>> -> memref<128x32xf32, #tpu.memory_space<vmem>>
    %dma_start3A_1890 = arith.constant 0 : i32
    %dma_start3A_1891 = tpu.memref_slice %arg6[%dma_start3A_1886, %dma_start3A_1890] : memref<26x128xi32, #tpu.memory_space<vmem>> -> memref<1x128xi32, #tpu.memory_space<vmem>>
    %dma_start3A_1892 = tpu.memref_squeeze %dma_start3A_1891 : memref<1x128xi32, #tpu.memory_space<vmem>> -> memref<128xi32, #tpu.memory_space<vmem>>
    %dma_start3A_1893 = arith.constant 0 : i32
    %dma_start3A_1894 = arith.constant 0 : i32
    %dma_start3A_1895 = tpu.memref_slice %arg3[%dma_start3A_1893, %dma_start3A_1894] : memref<2600000x32xf32, #tpu.memory_space<hbm>> -> memref<2600000x32xf32, #tpu.memory_space<hbm>>
    tpu.enqueue_indirect_dma source(%dma_start3A_1895 : memref<2600000x32xf32, #tpu.memory_space<hbm>>) target(%dma_start3A_1889 : memref<128x32xf32, #tpu.memory_space<vmem>>) offsets(%dma_start3A_1892 : memref<128xi32, #tpu.memory_space<vmem>>) semaphore(%arg9 : memref<!tpu.dma_semaphore, #tpu.memory_space<semaphore_mem>>)
    %get3A_1896 = arith.constant 13 : i32
    %get3A_1897 = arith.index_cast %get3A_1896 : i32 to index
    %get3A_1898 = arith.constant 0 : index
    %get3A_1899 = tpu.vector_load %arg6[%get3A_1897, %get3A_1898] {strides = array<i32>} : memref<26x128xi32, #tpu.memory_space<vmem>>, vector<1x16xi32>,
    %get3A_1900 = vector.shape_cast %get3A_1899 : vector<1x16xi32> to vector<16xi32>
    %get3A_1901 = arith.constant 13 : i32
    %get3A_1902 = arith.index_cast %get3A_1901 : i32 to index
    %get3A_1903 = arith.constant 0 : index
    %get3A_1904 = tpu.vector_load %arg7[%get3A_1902, %get3A_1903] {strides = array<i32>} : memref<26x128xi32, #tpu.memory_space<vmem>>, vector<1x16xi32>,
    %get3A_1905 = vector.shape_cast %get3A_1904 : vector<1x16xi32> to vector<16xi32>
    %add3A_1906 = arith.addi %get3A_1900, %get3A_1905 : vector<16xi32>
    %swap3A_1907 = arith.constant 13 : i32
    %swap3A_1908 = arith.index_cast %swap3A_1907 : i32 to index
    %swap3A_1909 = arith.constant 0 : index
    %swap3A_1910 = tpu.vector_load %arg6[%swap3A_1908, %swap3A_1909] {strides = array<i32>} : memref<26x128xi32, #tpu.memory_space<vmem>>, vector<1x16xi32>,
    %swap3A_1911 = vector.shape_cast %swap3A_1910 : vector<1x16xi32> to vector<16xi32>
    %swap3A_1912 = vector.shape_cast %add3A_1906 : vector<16xi32> to vector<1x16xi32>
    tpu.vector_store %arg6[%swap3A_1908, %swap3A_1909], %swap3A_1912 {strides = array<i32>} : memref<26x128xi32, #tpu.memory_space<vmem>>, vector<1x16xi32>,
    %get3A_1913 = arith.constant 13 : i32
    %get3A_1914 = arith.index_cast %get3A_1913 : i32 to index
    %get3A_1915 = arith.constant 16 : index
    %get3A_1916 = tpu.vector_load %arg6[%get3A_1914, %get3A_1915] {strides = array<i32>} : memref<26x128xi32, #tpu.memory_space<vmem>>, vector<1x16xi32>,
    %get3A_1917 = vector.shape_cast %get3A_1916 : vector<1x16xi32> to vector<16xi32>
    %get3A_1918 = arith.constant 13 : i32
    %get3A_1919 = arith.index_cast %get3A_1918 : i32 to index
    %get3A_1920 = arith.constant 16 : index
    %get3A_1921 = tpu.vector_load %arg7[%get3A_1919, %get3A_1920] {strides = array<i32>} : memref<26x128xi32, #tpu.memory_space<vmem>>, vector<1x16xi32>,
    %get3A_1922 = vector.shape_cast %get3A_1921 : vector<1x16xi32> to vector<16xi32>
    %add3A_1923 = arith.addi %get3A_1917, %get3A_1922 : vector<16xi32>
    %swap3A_1924 = arith.constant 13 : i32
    %swap3A_1925 = arith.index_cast %swap3A_1924 : i32 to index
    %swap3A_1926 = arith.constant 16 : index
    %swap3A_1927 = tpu.vector_load %arg6[%swap3A_1925, %swap3A_1926] {strides = array<i32>} : memref<26x128xi32, #tpu.memory_space<vmem>>, vector<1x16xi32>,
    %swap3A_1928 = vector.shape_cast %swap3A_1927 : vector<1x16xi32> to vector<16xi32>
    %swap3A_1929 = vector.shape_cast %add3A_1923 : vector<16xi32> to vector<1x16xi32>
    tpu.vector_store %arg6[%swap3A_1925, %swap3A_1926], %swap3A_1929 {strides = array<i32>} : memref<26x128xi32, #tpu.memory_space<vmem>>, vector<1x16xi32>,
    %get3A_1930 = arith.constant 13 : i32
    %get3A_1931 = arith.index_cast %get3A_1930 : i32 to index
    %get3A_1932 = arith.constant 32 : index
    %get3A_1933 = tpu.vector_load %arg6[%get3A_1931, %get3A_1932] {strides = array<i32>} : memref<26x128xi32, #tpu.memory_space<vmem>>, vector<1x16xi32>,
    %get3A_1934 = vector.shape_cast %get3A_1933 : vector<1x16xi32> to vector<16xi32>
    %get3A_1935 = arith.constant 13 : i32
    %get3A_1936 = arith.index_cast %get3A_1935 : i32 to index
    %get3A_1937 = arith.constant 32 : index
    %get3A_1938 = tpu.vector_load %arg7[%get3A_1936, %get3A_1937] {strides = array<i32>} : memref<26x128xi32, #tpu.memory_space<vmem>>, vector<1x16xi32>,
    %get3A_1939 = vector.shape_cast %get3A_1938 : vector<1x16xi32> to vector<16xi32>
    %add3A_1940 = arith.addi %get3A_1934, %get3A_1939 : vector<16xi32>
    %swap3A_1941 = arith.constant 13 : i32
    %swap3A_1942 = arith.index_cast %swap3A_1941 : i32 to index
    %swap3A_1943 = arith.constant 32 : index
    %swap3A_1944 = tpu.vector_load %arg6[%swap3A_1942, %swap3A_1943] {strides = array<i32>} : memref<26x128xi32, #tpu.memory_space<vmem>>, vector<1x16xi32>,
    %swap3A_1945 = vector.shape_cast %swap3A_1944 : vector<1x16xi32> to vector<16xi32>
    %swap3A_1946 = vector.shape_cast %add3A_1940 : vector<16xi32> to vector<1x16xi32>
    tpu.vector_store %arg6[%swap3A_1942, %swap3A_1943], %swap3A_1946 {strides = array<i32>} : memref<26x128xi32, #tpu.memory_space<vmem>>, vector<1x16xi32>,
    %get3A_1947 = arith.constant 13 : i32
    %get3A_1948 = arith.index_cast %get3A_1947 : i32 to index
    %get3A_1949 = arith.constant 48 : index
    %get3A_1950 = tpu.vector_load %arg6[%get3A_1948, %get3A_1949] {strides = array<i32>} : memref<26x128xi32, #tpu.memory_space<vmem>>, vector<1x16xi32>,
    %get3A_1951 = vector.shape_cast %get3A_1950 : vector<1x16xi32> to vector<16xi32>
    %get3A_1952 = arith.constant 13 : i32
    %get3A_1953 = arith.index_cast %get3A_1952 : i32 to index
    %get3A_1954 = arith.constant 48 : index
    %get3A_1955 = tpu.vector_load %arg7[%get3A_1953, %get3A_1954] {strides = array<i32>} : memref<26x128xi32, #tpu.memory_space<vmem>>, vector<1x16xi32>,
    %get3A_1956 = vector.shape_cast %get3A_1955 : vector<1x16xi32> to vector<16xi32>
    %add3A_1957 = arith.addi %get3A_1951, %get3A_1956 : vector<16xi32>
    %swap3A_1958 = arith.constant 13 : i32
    %swap3A_1959 = arith.index_cast %swap3A_1958 : i32 to index
    %swap3A_1960 = arith.constant 48 : index
    %swap3A_1961 = tpu.vector_load %arg6[%swap3A_1959, %swap3A_1960] {strides = array<i32>} : memref<26x128xi32, #tpu.memory_space<vmem>>, vector<1x16xi32>,
    %swap3A_1962 = vector.shape_cast %swap3A_1961 : vector<1x16xi32> to vector<16xi32>
    %swap3A_1963 = vector.shape_cast %add3A_1957 : vector<16xi32> to vector<1x16xi32>
    tpu.vector_store %arg6[%swap3A_1959, %swap3A_1960], %swap3A_1963 {strides = array<i32>} : memref<26x128xi32, #tpu.memory_space<vmem>>, vector<1x16xi32>,
    %get3A_1964 = arith.constant 13 : i32
    %get3A_1965 = arith.index_cast %get3A_1964 : i32 to index
    %get3A_1966 = arith.constant 64 : index
    %get3A_1967 = tpu.vector_load %arg6[%get3A_1965, %get3A_1966] {strides = array<i32>} : memref<26x128xi32, #tpu.memory_space<vmem>>, vector<1x16xi32>,
    %get3A_1968 = vector.shape_cast %get3A_1967 : vector<1x16xi32> to vector<16xi32>
    %get3A_1969 = arith.constant 13 : i32
    %get3A_1970 = arith.index_cast %get3A_1969 : i32 to index
    %get3A_1971 = arith.constant 64 : index
    %get3A_1972 = tpu.vector_load %arg7[%get3A_1970, %get3A_1971] {strides = array<i32>} : memref<26x128xi32, #tpu.memory_space<vmem>>, vector<1x16xi32>,
    %get3A_1973 = vector.shape_cast %get3A_1972 : vector<1x16xi32> to vector<16xi32>
    %add3A_1974 = arith.addi %get3A_1968, %get3A_1973 : vector<16xi32>
    %swap3A_1975 = arith.constant 13 : i32
    %swap3A_1976 = arith.index_cast %swap3A_1975 : i32 to index
    %swap3A_1977 = arith.constant 64 : index
    %swap3A_1978 = tpu.vector_load %arg6[%swap3A_1976, %swap3A_1977] {strides = array<i32>} : memref<26x128xi32, #tpu.memory_space<vmem>>, vector<1x16xi32>,
    %swap3A_1979 = vector.shape_cast %swap3A_1978 : vector<1x16xi32> to vector<16xi32>
    %swap3A_1980 = vector.shape_cast %add3A_1974 : vector<16xi32> to vector<1x16xi32>
    tpu.vector_store %arg6[%swap3A_1976, %swap3A_1977], %swap3A_1980 {strides = array<i32>} : memref<26x128xi32, #tpu.memory_space<vmem>>, vector<1x16xi32>,
    %get3A_1981 = arith.constant 13 : i32
    %get3A_1982 = arith.index_cast %get3A_1981 : i32 to index
    %get3A_1983 = arith.constant 80 : index
    %get3A_1984 = tpu.vector_load %arg6[%get3A_1982, %get3A_1983] {strides = array<i32>} : memref<26x128xi32, #tpu.memory_space<vmem>>, vector<1x16xi32>,
    %get3A_1985 = vector.shape_cast %get3A_1984 : vector<1x16xi32> to vector<16xi32>
    %get3A_1986 = arith.constant 13 : i32
    %get3A_1987 = arith.index_cast %get3A_1986 : i32 to index
    %get3A_1988 = arith.constant 80 : index
    %get3A_1989 = tpu.vector_load %arg7[%get3A_1987, %get3A_1988] {strides = array<i32>} : memref<26x128xi32, #tpu.memory_space<vmem>>, vector<1x16xi32>,
    %get3A_1990 = vector.shape_cast %get3A_1989 : vector<1x16xi32> to vector<16xi32>
    %add3A_1991 = arith.addi %get3A_1985, %get3A_1990 : vector<16xi32>
    %swap3A_1992 = arith.constant 13 : i32
    %swap3A_1993 = arith.index_cast %swap3A_1992 : i32 to index
    %swap3A_1994 = arith.constant 80 : index
    %swap3A_1995 = tpu.vector_load %arg6[%swap3A_1993, %swap3A_1994] {strides = array<i32>} : memref<26x128xi32, #tpu.memory_space<vmem>>, vector<1x16xi32>,
    %swap3A_1996 = vector.shape_cast %swap3A_1995 : vector<1x16xi32> to vector<16xi32>
    %swap3A_1997 = vector.shape_cast %add3A_1991 : vector<16xi32> to vector<1x16xi32>
    tpu.vector_store %arg6[%swap3A_1993, %swap3A_1994], %swap3A_1997 {strides = array<i32>} : memref<26x128xi32, #tpu.memory_space<vmem>>, vector<1x16xi32>,
    %get3A_1998 = arith.constant 13 : i32
    %get3A_1999 = arith.index_cast %get3A_1998 : i32 to index
    %get3A_2000 = arith.constant 96 : index
    %get3A_2001 = tpu.vector_load %arg6[%get3A_1999, %get3A_2000] {strides = array<i32>} : memref<26x128xi32, #tpu.memory_space<vmem>>, vector<1x16xi32>,
    %get3A_2002 = vector.shape_cast %get3A_2001 : vector<1x16xi32> to vector<16xi32>
    %get3A_2003 = arith.constant 13 : i32
    %get3A_2004 = arith.index_cast %get3A_2003 : i32 to index
    %get3A_2005 = arith.constant 96 : index
    %get3A_2006 = tpu.vector_load %arg7[%get3A_2004, %get3A_2005] {strides = array<i32>} : memref<26x128xi32, #tpu.memory_space<vmem>>, vector<1x16xi32>,
    %get3A_2007 = vector.shape_cast %get3A_2006 : vector<1x16xi32> to vector<16xi32>
    %add3A_2008 = arith.addi %get3A_2002, %get3A_2007 : vector<16xi32>
    %swap3A_2009 = arith.constant 13 : i32
    %swap3A_2010 = arith.index_cast %swap3A_2009 : i32 to index
    %swap3A_2011 = arith.constant 96 : index
    %swap3A_2012 = tpu.vector_load %arg6[%swap3A_2010, %swap3A_2011] {strides = array<i32>} : memref<26x128xi32, #tpu.memory_space<vmem>>, vector<1x16xi32>,
    %swap3A_2013 = vector.shape_cast %swap3A_2012 : vector<1x16xi32> to vector<16xi32>
    %swap3A_2014 = vector.shape_cast %add3A_2008 : vector<16xi32> to vector<1x16xi32>
    tpu.vector_store %arg6[%swap3A_2010, %swap3A_2011], %swap3A_2014 {strides = array<i32>} : memref<26x128xi32, #tpu.memory_space<vmem>>, vector<1x16xi32>,
    %get3A_2015 = arith.constant 13 : i32
    %get3A_2016 = arith.index_cast %get3A_2015 : i32 to index
    %get3A_2017 = arith.constant 112 : index
    %get3A_2018 = tpu.vector_load %arg6[%get3A_2016, %get3A_2017] {strides = array<i32>} : memref<26x128xi32, #tpu.memory_space<vmem>>, vector<1x16xi32>,
    %get3A_2019 = vector.shape_cast %get3A_2018 : vector<1x16xi32> to vector<16xi32>
    %get3A_2020 = arith.constant 13 : i32
    %get3A_2021 = arith.index_cast %get3A_2020 : i32 to index
    %get3A_2022 = arith.constant 112 : index
    %get3A_2023 = tpu.vector_load %arg7[%get3A_2021, %get3A_2022] {strides = array<i32>} : memref<26x128xi32, #tpu.memory_space<vmem>>, vector<1x16xi32>,
    %get3A_2024 = vector.shape_cast %get3A_2023 : vector<1x16xi32> to vector<16xi32>
    %add3A_2025 = arith.addi %get3A_2019, %get3A_2024 : vector<16xi32>
    %swap3A_2026 = arith.constant 13 : i32
    %swap3A_2027 = arith.index_cast %swap3A_2026 : i32 to index
    %swap3A_2028 = arith.constant 112 : index
    %swap3A_2029 = tpu.vector_load %arg6[%swap3A_2027, %swap3A_2028] {strides = array<i32>} : memref<26x128xi32, #tpu.memory_space<vmem>>, vector<1x16xi32>,
    %swap3A_2030 = vector.shape_cast %swap3A_2029 : vector<1x16xi32> to vector<16xi32>
    %swap3A_2031 = vector.shape_cast %add3A_2025 : vector<16xi32> to vector<1x16xi32>
    tpu.vector_store %arg6[%swap3A_2027, %swap3A_2028], %swap3A_2031 {strides = array<i32>} : memref<26x128xi32, #tpu.memory_space<vmem>>, vector<1x16xi32>,
    %dma_start3A_2032 = arith.constant 13 : i32
    %dma_start3A_2033 = arith.constant 1664 : i32
    %dma_start3A_2034 = arith.constant 0 : i32
    %dma_start3A_2035 = tpu.memref_slice %arg8[%dma_start3A_2033, %dma_start3A_2034] : memref<3328x32xf32, #tpu.memory_space<vmem>> -> memref<128x32xf32, #tpu.memory_space<vmem>>
    %dma_start3A_2036 = arith.constant 0 : i32
    %dma_start3A_2037 = tpu.memref_slice %arg6[%dma_start3A_2032, %dma_start3A_2036] : memref<26x128xi32, #tpu.memory_space<vmem>> -> memref<1x128xi32, #tpu.memory_space<vmem>>
    %dma_start3A_2038 = tpu.memref_squeeze %dma_start3A_2037 : memref<1x128xi32, #tpu.memory_space<vmem>> -> memref<128xi32, #tpu.memory_space<vmem>>
    %dma_start3A_2039 = arith.constant 0 : i32
    %dma_start3A_2040 = arith.constant 0 : i32
    %dma_start3A_2041 = tpu.memref_slice %arg3[%dma_start3A_2039, %dma_start3A_2040] : memref<2600000x32xf32, #tpu.memory_space<hbm>> -> memref<2600000x32xf32, #tpu.memory_space<hbm>>
    tpu.enqueue_indirect_dma source(%dma_start3A_2041 : memref<2600000x32xf32, #tpu.memory_space<hbm>>) target(%dma_start3A_2035 : memref<128x32xf32, #tpu.memory_space<vmem>>) offsets(%dma_start3A_2038 : memref<128xi32, #tpu.memory_space<vmem>>) semaphore(%arg9 : memref<!tpu.dma_semaphore, #tpu.memory_space<semaphore_mem>>)
    %get3A_2042 = arith.constant 14 : i32
    %get3A_2043 = arith.index_cast %get3A_2042 : i32 to index
    %get3A_2044 = arith.constant 0 : index
    %get3A_2045 = tpu.vector_load %arg6[%get3A_2043, %get3A_2044] {strides = array<i32>} : memref<26x128xi32, #tpu.memory_space<vmem>>, vector<1x16xi32>,
    %get3A_2046 = vector.shape_cast %get3A_2045 : vector<1x16xi32> to vector<16xi32>
    %get3A_2047 = arith.constant 14 : i32
    %get3A_2048 = arith.index_cast %get3A_2047 : i32 to index
    %get3A_2049 = arith.constant 0 : index
    %get3A_2050 = tpu.vector_load %arg7[%get3A_2048, %get3A_2049] {strides = array<i32>} : memref<26x128xi32, #tpu.memory_space<vmem>>, vector<1x16xi32>,
    %get3A_2051 = vector.shape_cast %get3A_2050 : vector<1x16xi32> to vector<16xi32>
    %add3A_2052 = arith.addi %get3A_2046, %get3A_2051 : vector<16xi32>
    %swap3A_2053 = arith.constant 14 : i32
    %swap3A_2054 = arith.index_cast %swap3A_2053 : i32 to index
    %swap3A_2055 = arith.constant 0 : index
    %swap3A_2056 = tpu.vector_load %arg6[%swap3A_2054, %swap3A_2055] {strides = array<i32>} : memref<26x128xi32, #tpu.memory_space<vmem>>, vector<1x16xi32>,
    %swap3A_2057 = vector.shape_cast %swap3A_2056 : vector<1x16xi32> to vector<16xi32>
    %swap3A_2058 = vector.shape_cast %add3A_2052 : vector<16xi32> to vector<1x16xi32>
    tpu.vector_store %arg6[%swap3A_2054, %swap3A_2055], %swap3A_2058 {strides = array<i32>} : memref<26x128xi32, #tpu.memory_space<vmem>>, vector<1x16xi32>,
    %get3A_2059 = arith.constant 14 : i32
    %get3A_2060 = arith.index_cast %get3A_2059 : i32 to index
    %get3A_2061 = arith.constant 16 : index
    %get3A_2062 = tpu.vector_load %arg6[%get3A_2060, %get3A_2061] {strides = array<i32>} : memref<26x128xi32, #tpu.memory_space<vmem>>, vector<1x16xi32>,
    %get3A_2063 = vector.shape_cast %get3A_2062 : vector<1x16xi32> to vector<16xi32>
    %get3A_2064 = arith.constant 14 : i32
    %get3A_2065 = arith.index_cast %get3A_2064 : i32 to index
    %get3A_2066 = arith.constant 16 : index
    %get3A_2067 = tpu.vector_load %arg7[%get3A_2065, %get3A_2066] {strides = array<i32>} : memref<26x128xi32, #tpu.memory_space<vmem>>, vector<1x16xi32>,
    %get3A_2068 = vector.shape_cast %get3A_2067 : vector<1x16xi32> to vector<16xi32>
    %add3A_2069 = arith.addi %get3A_2063, %get3A_2068 : vector<16xi32>
    %swap3A_2070 = arith.constant 14 : i32
    %swap3A_2071 = arith.index_cast %swap3A_2070 : i32 to index
    %swap3A_2072 = arith.constant 16 : index
    %swap3A_2073 = tpu.vector_load %arg6[%swap3A_2071, %swap3A_2072] {strides = array<i32>} : memref<26x128xi32, #tpu.memory_space<vmem>>, vector<1x16xi32>,
    %swap3A_2074 = vector.shape_cast %swap3A_2073 : vector<1x16xi32> to vector<16xi32>
    %swap3A_2075 = vector.shape_cast %add3A_2069 : vector<16xi32> to vector<1x16xi32>
    tpu.vector_store %arg6[%swap3A_2071, %swap3A_2072], %swap3A_2075 {strides = array<i32>} : memref<26x128xi32, #tpu.memory_space<vmem>>, vector<1x16xi32>,
    %get3A_2076 = arith.constant 14 : i32
    %get3A_2077 = arith.index_cast %get3A_2076 : i32 to index
    %get3A_2078 = arith.constant 32 : index
    %get3A_2079 = tpu.vector_load %arg6[%get3A_2077, %get3A_2078] {strides = array<i32>} : memref<26x128xi32, #tpu.memory_space<vmem>>, vector<1x16xi32>,
    %get3A_2080 = vector.shape_cast %get3A_2079 : vector<1x16xi32> to vector<16xi32>
    %get3A_2081 = arith.constant 14 : i32
    %get3A_2082 = arith.index_cast %get3A_2081 : i32 to index
    %get3A_2083 = arith.constant 32 : index
    %get3A_2084 = tpu.vector_load %arg7[%get3A_2082, %get3A_2083] {strides = array<i32>} : memref<26x128xi32, #tpu.memory_space<vmem>>, vector<1x16xi32>,
    %get3A_2085 = vector.shape_cast %get3A_2084 : vector<1x16xi32> to vector<16xi32>
    %add3A_2086 = arith.addi %get3A_2080, %get3A_2085 : vector<16xi32>
    %swap3A_2087 = arith.constant 14 : i32
    %swap3A_2088 = arith.index_cast %swap3A_2087 : i32 to index
    %swap3A_2089 = arith.constant 32 : index
    %swap3A_2090 = tpu.vector_load %arg6[%swap3A_2088, %swap3A_2089] {strides = array<i32>} : memref<26x128xi32, #tpu.memory_space<vmem>>, vector<1x16xi32>,
    %swap3A_2091 = vector.shape_cast %swap3A_2090 : vector<1x16xi32> to vector<16xi32>
    %swap3A_2092 = vector.shape_cast %add3A_2086 : vector<16xi32> to vector<1x16xi32>
    tpu.vector_store %arg6[%swap3A_2088, %swap3A_2089], %swap3A_2092 {strides = array<i32>} : memref<26x128xi32, #tpu.memory_space<vmem>>, vector<1x16xi32>,
    %get3A_2093 = arith.constant 14 : i32
    %get3A_2094 = arith.index_cast %get3A_2093 : i32 to index
    %get3A_2095 = arith.constant 48 : index
    %get3A_2096 = tpu.vector_load %arg6[%get3A_2094, %get3A_2095] {strides = array<i32>} : memref<26x128xi32, #tpu.memory_space<vmem>>, vector<1x16xi32>,
    %get3A_2097 = vector.shape_cast %get3A_2096 : vector<1x16xi32> to vector<16xi32>
    %get3A_2098 = arith.constant 14 : i32
    %get3A_2099 = arith.index_cast %get3A_2098 : i32 to index
    %get3A_2100 = arith.constant 48 : index
    %get3A_2101 = tpu.vector_load %arg7[%get3A_2099, %get3A_2100] {strides = array<i32>} : memref<26x128xi32, #tpu.memory_space<vmem>>, vector<1x16xi32>,
    %get3A_2102 = vector.shape_cast %get3A_2101 : vector<1x16xi32> to vector<16xi32>
    %add3A_2103 = arith.addi %get3A_2097, %get3A_2102 : vector<16xi32>
    %swap3A_2104 = arith.constant 14 : i32
    %swap3A_2105 = arith.index_cast %swap3A_2104 : i32 to index
    %swap3A_2106 = arith.constant 48 : index
    %swap3A_2107 = tpu.vector_load %arg6[%swap3A_2105, %swap3A_2106] {strides = array<i32>} : memref<26x128xi32, #tpu.memory_space<vmem>>, vector<1x16xi32>,
    %swap3A_2108 = vector.shape_cast %swap3A_2107 : vector<1x16xi32> to vector<16xi32>
    %swap3A_2109 = vector.shape_cast %add3A_2103 : vector<16xi32> to vector<1x16xi32>
    tpu.vector_store %arg6[%swap3A_2105, %swap3A_2106], %swap3A_2109 {strides = array<i32>} : memref<26x128xi32, #tpu.memory_space<vmem>>, vector<1x16xi32>,
    %get3A_2110 = arith.constant 14 : i32
    %get3A_2111 = arith.index_cast %get3A_2110 : i32 to index
    %get3A_2112 = arith.constant 64 : index
    %get3A_2113 = tpu.vector_load %arg6[%get3A_2111, %get3A_2112] {strides = array<i32>} : memref<26x128xi32, #tpu.memory_space<vmem>>, vector<1x16xi32>,
    %get3A_2114 = vector.shape_cast %get3A_2113 : vector<1x16xi32> to vector<16xi32>
    %get3A_2115 = arith.constant 14 : i32
    %get3A_2116 = arith.index_cast %get3A_2115 : i32 to index
    %get3A_2117 = arith.constant 64 : index
    %get3A_2118 = tpu.vector_load %arg7[%get3A_2116, %get3A_2117] {strides = array<i32>} : memref<26x128xi32, #tpu.memory_space<vmem>>, vector<1x16xi32>,
    %get3A_2119 = vector.shape_cast %get3A_2118 : vector<1x16xi32> to vector<16xi32>
    %add3A_2120 = arith.addi %get3A_2114, %get3A_2119 : vector<16xi32>
    %swap3A_2121 = arith.constant 14 : i32
    %swap3A_2122 = arith.index_cast %swap3A_2121 : i32 to index
    %swap3A_2123 = arith.constant 64 : index
    %swap3A_2124 = tpu.vector_load %arg6[%swap3A_2122, %swap3A_2123] {strides = array<i32>} : memref<26x128xi32, #tpu.memory_space<vmem>>, vector<1x16xi32>,
    %swap3A_2125 = vector.shape_cast %swap3A_2124 : vector<1x16xi32> to vector<16xi32>
    %swap3A_2126 = vector.shape_cast %add3A_2120 : vector<16xi32> to vector<1x16xi32>
    tpu.vector_store %arg6[%swap3A_2122, %swap3A_2123], %swap3A_2126 {strides = array<i32>} : memref<26x128xi32, #tpu.memory_space<vmem>>, vector<1x16xi32>,
    %get3A_2127 = arith.constant 14 : i32
    %get3A_2128 = arith.index_cast %get3A_2127 : i32 to index
    %get3A_2129 = arith.constant 80 : index
    %get3A_2130 = tpu.vector_load %arg6[%get3A_2128, %get3A_2129] {strides = array<i32>} : memref<26x128xi32, #tpu.memory_space<vmem>>, vector<1x16xi32>,
    %get3A_2131 = vector.shape_cast %get3A_2130 : vector<1x16xi32> to vector<16xi32>
    %get3A_2132 = arith.constant 14 : i32
    %get3A_2133 = arith.index_cast %get3A_2132 : i32 to index
    %get3A_2134 = arith.constant 80 : index
    %get3A_2135 = tpu.vector_load %arg7[%get3A_2133, %get3A_2134] {strides = array<i32>} : memref<26x128xi32, #tpu.memory_space<vmem>>, vector<1x16xi32>,
    %get3A_2136 = vector.shape_cast %get3A_2135 : vector<1x16xi32> to vector<16xi32>
    %add3A_2137 = arith.addi %get3A_2131, %get3A_2136 : vector<16xi32>
    %swap3A_2138 = arith.constant 14 : i32
    %swap3A_2139 = arith.index_cast %swap3A_2138 : i32 to index
    %swap3A_2140 = arith.constant 80 : index
    %swap3A_2141 = tpu.vector_load %arg6[%swap3A_2139, %swap3A_2140] {strides = array<i32>} : memref<26x128xi32, #tpu.memory_space<vmem>>, vector<1x16xi32>,
    %swap3A_2142 = vector.shape_cast %swap3A_2141 : vector<1x16xi32> to vector<16xi32>
    %swap3A_2143 = vector.shape_cast %add3A_2137 : vector<16xi32> to vector<1x16xi32>
    tpu.vector_store %arg6[%swap3A_2139, %swap3A_2140], %swap3A_2143 {strides = array<i32>} : memref<26x128xi32, #tpu.memory_space<vmem>>, vector<1x16xi32>,
    %get3A_2144 = arith.constant 14 : i32
    %get3A_2145 = arith.index_cast %get3A_2144 : i32 to index
    %get3A_2146 = arith.constant 96 : index
    %get3A_2147 = tpu.vector_load %arg6[%get3A_2145, %get3A_2146] {strides = array<i32>} : memref<26x128xi32, #tpu.memory_space<vmem>>, vector<1x16xi32>,
    %get3A_2148 = vector.shape_cast %get3A_2147 : vector<1x16xi32> to vector<16xi32>
    %get3A_2149 = arith.constant 14 : i32
    %get3A_2150 = arith.index_cast %get3A_2149 : i32 to index
    %get3A_2151 = arith.constant 96 : index
    %get3A_2152 = tpu.vector_load %arg7[%get3A_2150, %get3A_2151] {strides = array<i32>} : memref<26x128xi32, #tpu.memory_space<vmem>>, vector<1x16xi32>,
    %get3A_2153 = vector.shape_cast %get3A_2152 : vector<1x16xi32> to vector<16xi32>
    %add3A_2154 = arith.addi %get3A_2148, %get3A_2153 : vector<16xi32>
    %swap3A_2155 = arith.constant 14 : i32
    %swap3A_2156 = arith.index_cast %swap3A_2155 : i32 to index
    %swap3A_2157 = arith.constant 96 : index
    %swap3A_2158 = tpu.vector_load %arg6[%swap3A_2156, %swap3A_2157] {strides = array<i32>} : memref<26x128xi32, #tpu.memory_space<vmem>>, vector<1x16xi32>,
    %swap3A_2159 = vector.shape_cast %swap3A_2158 : vector<1x16xi32> to vector<16xi32>
    %swap3A_2160 = vector.shape_cast %add3A_2154 : vector<16xi32> to vector<1x16xi32>
    tpu.vector_store %arg6[%swap3A_2156, %swap3A_2157], %swap3A_2160 {strides = array<i32>} : memref<26x128xi32, #tpu.memory_space<vmem>>, vector<1x16xi32>,
    %get3A_2161 = arith.constant 14 : i32
    %get3A_2162 = arith.index_cast %get3A_2161 : i32 to index
    %get3A_2163 = arith.constant 112 : index
    %get3A_2164 = tpu.vector_load %arg6[%get3A_2162, %get3A_2163] {strides = array<i32>} : memref<26x128xi32, #tpu.memory_space<vmem>>, vector<1x16xi32>,
    %get3A_2165 = vector.shape_cast %get3A_2164 : vector<1x16xi32> to vector<16xi32>
    %get3A_2166 = arith.constant 14 : i32
    %get3A_2167 = arith.index_cast %get3A_2166 : i32 to index
    %get3A_2168 = arith.constant 112 : index
    %get3A_2169 = tpu.vector_load %arg7[%get3A_2167, %get3A_2168] {strides = array<i32>} : memref<26x128xi32, #tpu.memory_space<vmem>>, vector<1x16xi32>,
    %get3A_2170 = vector.shape_cast %get3A_2169 : vector<1x16xi32> to vector<16xi32>
    %add3A_2171 = arith.addi %get3A_2165, %get3A_2170 : vector<16xi32>
    %swap3A_2172 = arith.constant 14 : i32
    %swap3A_2173 = arith.index_cast %swap3A_2172 : i32 to index
    %swap3A_2174 = arith.constant 112 : index
    %swap3A_2175 = tpu.vector_load %arg6[%swap3A_2173, %swap3A_2174] {strides = array<i32>} : memref<26x128xi32, #tpu.memory_space<vmem>>, vector<1x16xi32>,
    %swap3A_2176 = vector.shape_cast %swap3A_2175 : vector<1x16xi32> to vector<16xi32>
    %swap3A_2177 = vector.shape_cast %add3A_2171 : vector<16xi32> to vector<1x16xi32>
    tpu.vector_store %arg6[%swap3A_2173, %swap3A_2174], %swap3A_2177 {strides = array<i32>} : memref<26x128xi32, #tpu.memory_space<vmem>>, vector<1x16xi32>,
    %dma_start3A_2178 = arith.constant 14 : i32
    %dma_start3A_2179 = arith.constant 1792 : i32
    %dma_start3A_2180 = arith.constant 0 : i32
    %dma_start3A_2181 = tpu.memref_slice %arg8[%dma_start3A_2179, %dma_start3A_2180] : memref<3328x32xf32, #tpu.memory_space<vmem>> -> memref<128x32xf32, #tpu.memory_space<vmem>>
    %dma_start3A_2182 = arith.constant 0 : i32
    %dma_start3A_2183 = tpu.memref_slice %arg6[%dma_start3A_2178, %dma_start3A_2182] : memref<26x128xi32, #tpu.memory_space<vmem>> -> memref<1x128xi32, #tpu.memory_space<vmem>>
    %dma_start3A_2184 = tpu.memref_squeeze %dma_start3A_2183 : memref<1x128xi32, #tpu.memory_space<vmem>> -> memref<128xi32, #tpu.memory_space<vmem>>
    %dma_start3A_2185 = arith.constant 0 : i32
    %dma_start3A_2186 = arith.constant 0 : i32
    %dma_start3A_2187 = tpu.memref_slice %arg3[%dma_start3A_2185, %dma_start3A_2186] : memref<2600000x32xf32, #tpu.memory_space<hbm>> -> memref<2600000x32xf32, #tpu.memory_space<hbm>>
    tpu.enqueue_indirect_dma source(%dma_start3A_2187 : memref<2600000x32xf32, #tpu.memory_space<hbm>>) target(%dma_start3A_2181 : memref<128x32xf32, #tpu.memory_space<vmem>>) offsets(%dma_start3A_2184 : memref<128xi32, #tpu.memory_space<vmem>>) semaphore(%arg9 : memref<!tpu.dma_semaphore, #tpu.memory_space<semaphore_mem>>)
    %get3A_2188 = arith.constant 15 : i32
    %get3A_2189 = arith.index_cast %get3A_2188 : i32 to index
    %get3A_2190 = arith.constant 0 : index
    %get3A_2191 = tpu.vector_load %arg6[%get3A_2189, %get3A_2190] {strides = array<i32>} : memref<26x128xi32, #tpu.memory_space<vmem>>, vector<1x16xi32>,
    %get3A_2192 = vector.shape_cast %get3A_2191 : vector<1x16xi32> to vector<16xi32>
    %get3A_2193 = arith.constant 15 : i32
    %get3A_2194 = arith.index_cast %get3A_2193 : i32 to index
    %get3A_2195 = arith.constant 0 : index
    %get3A_2196 = tpu.vector_load %arg7[%get3A_2194, %get3A_2195] {strides = array<i32>} : memref<26x128xi32, #tpu.memory_space<vmem>>, vector<1x16xi32>,
    %get3A_2197 = vector.shape_cast %get3A_2196 : vector<1x16xi32> to vector<16xi32>
    %add3A_2198 = arith.addi %get3A_2192, %get3A_2197 : vector<16xi32>
    %swap3A_2199 = arith.constant 15 : i32
    %swap3A_2200 = arith.index_cast %swap3A_2199 : i32 to index
    %swap3A_2201 = arith.constant 0 : index
    %swap3A_2202 = tpu.vector_load %arg6[%swap3A_2200, %swap3A_2201] {strides = array<i32>} : memref<26x128xi32, #tpu.memory_space<vmem>>, vector<1x16xi32>,
    %swap3A_2203 = vector.shape_cast %swap3A_2202 : vector<1x16xi32> to vector<16xi32>
    %swap3A_2204 = vector.shape_cast %add3A_2198 : vector<16xi32> to vector<1x16xi32>
    tpu.vector_store %arg6[%swap3A_2200, %swap3A_2201], %swap3A_2204 {strides = array<i32>} : memref<26x128xi32, #tpu.memory_space<vmem>>, vector<1x16xi32>,
    %get3A_2205 = arith.constant 15 : i32
    %get3A_2206 = arith.index_cast %get3A_2205 : i32 to index
    %get3A_2207 = arith.constant 16 : index
    %get3A_2208 = tpu.vector_load %arg6[%get3A_2206, %get3A_2207] {strides = array<i32>} : memref<26x128xi32, #tpu.memory_space<vmem>>, vector<1x16xi32>,
    %get3A_2209 = vector.shape_cast %get3A_2208 : vector<1x16xi32> to vector<16xi32>
    %get3A_2210 = arith.constant 15 : i32
    %get3A_2211 = arith.index_cast %get3A_2210 : i32 to index
    %get3A_2212 = arith.constant 16 : index
    %get3A_2213 = tpu.vector_load %arg7[%get3A_2211, %get3A_2212] {strides = array<i32>} : memref<26x128xi32, #tpu.memory_space<vmem>>, vector<1x16xi32>,
    %get3A_2214 = vector.shape_cast %get3A_2213 : vector<1x16xi32> to vector<16xi32>
    %add3A_2215 = arith.addi %get3A_2209, %get3A_2214 : vector<16xi32>
    %swap3A_2216 = arith.constant 15 : i32
    %swap3A_2217 = arith.index_cast %swap3A_2216 : i32 to index
    %swap3A_2218 = arith.constant 16 : index
    %swap3A_2219 = tpu.vector_load %arg6[%swap3A_2217, %swap3A_2218] {strides = array<i32>} : memref<26x128xi32, #tpu.memory_space<vmem>>, vector<1x16xi32>,
    %swap3A_2220 = vector.shape_cast %swap3A_2219 : vector<1x16xi32> to vector<16xi32>
    %swap3A_2221 = vector.shape_cast %add3A_2215 : vector<16xi32> to vector<1x16xi32>
    tpu.vector_store %arg6[%swap3A_2217, %swap3A_2218], %swap3A_2221 {strides = array<i32>} : memref<26x128xi32, #tpu.memory_space<vmem>>, vector<1x16xi32>,
    %get3A_2222 = arith.constant 15 : i32
    %get3A_2223 = arith.index_cast %get3A_2222 : i32 to index
    %get3A_2224 = arith.constant 32 : index
    %get3A_2225 = tpu.vector_load %arg6[%get3A_2223, %get3A_2224] {strides = array<i32>} : memref<26x128xi32, #tpu.memory_space<vmem>>, vector<1x16xi32>,
    %get3A_2226 = vector.shape_cast %get3A_2225 : vector<1x16xi32> to vector<16xi32>
    %get3A_2227 = arith.constant 15 : i32
    %get3A_2228 = arith.index_cast %get3A_2227 : i32 to index
    %get3A_2229 = arith.constant 32 : index
    %get3A_2230 = tpu.vector_load %arg7[%get3A_2228, %get3A_2229] {strides = array<i32>} : memref<26x128xi32, #tpu.memory_space<vmem>>, vector<1x16xi32>,
    %get3A_2231 = vector.shape_cast %get3A_2230 : vector<1x16xi32> to vector<16xi32>
    %add3A_2232 = arith.addi %get3A_2226, %get3A_2231 : vector<16xi32>
    %swap3A_2233 = arith.constant 15 : i32
    %swap3A_2234 = arith.index_cast %swap3A_2233 : i32 to index
    %swap3A_2235 = arith.constant 32 : index
    %swap3A_2236 = tpu.vector_load %arg6[%swap3A_2234, %swap3A_2235] {strides = array<i32>} : memref<26x128xi32, #tpu.memory_space<vmem>>, vector<1x16xi32>,
    %swap3A_2237 = vector.shape_cast %swap3A_2236 : vector<1x16xi32> to vector<16xi32>
    %swap3A_2238 = vector.shape_cast %add3A_2232 : vector<16xi32> to vector<1x16xi32>
    tpu.vector_store %arg6[%swap3A_2234, %swap3A_2235], %swap3A_2238 {strides = array<i32>} : memref<26x128xi32, #tpu.memory_space<vmem>>, vector<1x16xi32>,
    %get3A_2239 = arith.constant 15 : i32
    %get3A_2240 = arith.index_cast %get3A_2239 : i32 to index
    %get3A_2241 = arith.constant 48 : index
    %get3A_2242 = tpu.vector_load %arg6[%get3A_2240, %get3A_2241] {strides = array<i32>} : memref<26x128xi32, #tpu.memory_space<vmem>>, vector<1x16xi32>,
    %get3A_2243 = vector.shape_cast %get3A_2242 : vector<1x16xi32> to vector<16xi32>
    %get3A_2244 = arith.constant 15 : i32
    %get3A_2245 = arith.index_cast %get3A_2244 : i32 to index
    %get3A_2246 = arith.constant 48 : index
    %get3A_2247 = tpu.vector_load %arg7[%get3A_2245, %get3A_2246] {strides = array<i32>} : memref<26x128xi32, #tpu.memory_space<vmem>>, vector<1x16xi32>,
    %get3A_2248 = vector.shape_cast %get3A_2247 : vector<1x16xi32> to vector<16xi32>
    %add3A_2249 = arith.addi %get3A_2243, %get3A_2248 : vector<16xi32>
    %swap3A_2250 = arith.constant 15 : i32
    %swap3A_2251 = arith.index_cast %swap3A_2250 : i32 to index
    %swap3A_2252 = arith.constant 48 : index
    %swap3A_2253 = tpu.vector_load %arg6[%swap3A_2251, %swap3A_2252] {strides = array<i32>} : memref<26x128xi32, #tpu.memory_space<vmem>>, vector<1x16xi32>,
    %swap3A_2254 = vector.shape_cast %swap3A_2253 : vector<1x16xi32> to vector<16xi32>
    %swap3A_2255 = vector.shape_cast %add3A_2249 : vector<16xi32> to vector<1x16xi32>
    tpu.vector_store %arg6[%swap3A_2251, %swap3A_2252], %swap3A_2255 {strides = array<i32>} : memref<26x128xi32, #tpu.memory_space<vmem>>, vector<1x16xi32>,
    %get3A_2256 = arith.constant 15 : i32
    %get3A_2257 = arith.index_cast %get3A_2256 : i32 to index
    %get3A_2258 = arith.constant 64 : index
    %get3A_2259 = tpu.vector_load %arg6[%get3A_2257, %get3A_2258] {strides = array<i32>} : memref<26x128xi32, #tpu.memory_space<vmem>>, vector<1x16xi32>,
    %get3A_2260 = vector.shape_cast %get3A_2259 : vector<1x16xi32> to vector<16xi32>
    %get3A_2261 = arith.constant 15 : i32
    %get3A_2262 = arith.index_cast %get3A_2261 : i32 to index
    %get3A_2263 = arith.constant 64 : index
    %get3A_2264 = tpu.vector_load %arg7[%get3A_2262, %get3A_2263] {strides = array<i32>} : memref<26x128xi32, #tpu.memory_space<vmem>>, vector<1x16xi32>,
    %get3A_2265 = vector.shape_cast %get3A_2264 : vector<1x16xi32> to vector<16xi32>
    %add3A_2266 = arith.addi %get3A_2260, %get3A_2265 : vector<16xi32>
    %swap3A_2267 = arith.constant 15 : i32
    %swap3A_2268 = arith.index_cast %swap3A_2267 : i32 to index
    %swap3A_2269 = arith.constant 64 : index
    %swap3A_2270 = tpu.vector_load %arg6[%swap3A_2268, %swap3A_2269] {strides = array<i32>} : memref<26x128xi32, #tpu.memory_space<vmem>>, vector<1x16xi32>,
    %swap3A_2271 = vector.shape_cast %swap3A_2270 : vector<1x16xi32> to vector<16xi32>
    %swap3A_2272 = vector.shape_cast %add3A_2266 : vector<16xi32> to vector<1x16xi32>
    tpu.vector_store %arg6[%swap3A_2268, %swap3A_2269], %swap3A_2272 {strides = array<i32>} : memref<26x128xi32, #tpu.memory_space<vmem>>, vector<1x16xi32>,
    %get3A_2273 = arith.constant 15 : i32
    %get3A_2274 = arith.index_cast %get3A_2273 : i32 to index
    %get3A_2275 = arith.constant 80 : index
    %get3A_2276 = tpu.vector_load %arg6[%get3A_2274, %get3A_2275] {strides = array<i32>} : memref<26x128xi32, #tpu.memory_space<vmem>>, vector<1x16xi32>,
    %get3A_2277 = vector.shape_cast %get3A_2276 : vector<1x16xi32> to vector<16xi32>
    %get3A_2278 = arith.constant 15 : i32
    %get3A_2279 = arith.index_cast %get3A_2278 : i32 to index
    %get3A_2280 = arith.constant 80 : index
    %get3A_2281 = tpu.vector_load %arg7[%get3A_2279, %get3A_2280] {strides = array<i32>} : memref<26x128xi32, #tpu.memory_space<vmem>>, vector<1x16xi32>,
    %get3A_2282 = vector.shape_cast %get3A_2281 : vector<1x16xi32> to vector<16xi32>
    %add3A_2283 = arith.addi %get3A_2277, %get3A_2282 : vector<16xi32>
    %swap3A_2284 = arith.constant 15 : i32
    %swap3A_2285 = arith.index_cast %swap3A_2284 : i32 to index
    %swap3A_2286 = arith.constant 80 : index
    %swap3A_2287 = tpu.vector_load %arg6[%swap3A_2285, %swap3A_2286] {strides = array<i32>} : memref<26x128xi32, #tpu.memory_space<vmem>>, vector<1x16xi32>,
    %swap3A_2288 = vector.shape_cast %swap3A_2287 : vector<1x16xi32> to vector<16xi32>
    %swap3A_2289 = vector.shape_cast %add3A_2283 : vector<16xi32> to vector<1x16xi32>
    tpu.vector_store %arg6[%swap3A_2285, %swap3A_2286], %swap3A_2289 {strides = array<i32>} : memref<26x128xi32, #tpu.memory_space<vmem>>, vector<1x16xi32>,
    %get3A_2290 = arith.constant 15 : i32
    %get3A_2291 = arith.index_cast %get3A_2290 : i32 to index
    %get3A_2292 = arith.constant 96 : index
    %get3A_2293 = tpu.vector_load %arg6[%get3A_2291, %get3A_2292] {strides = array<i32>} : memref<26x128xi32, #tpu.memory_space<vmem>>, vector<1x16xi32>,
    %get3A_2294 = vector.shape_cast %get3A_2293 : vector<1x16xi32> to vector<16xi32>
    %get3A_2295 = arith.constant 15 : i32
    %get3A_2296 = arith.index_cast %get3A_2295 : i32 to index
    %get3A_2297 = arith.constant 96 : index
    %get3A_2298 = tpu.vector_load %arg7[%get3A_2296, %get3A_2297] {strides = array<i32>} : memref<26x128xi32, #tpu.memory_space<vmem>>, vector<1x16xi32>,
    %get3A_2299 = vector.shape_cast %get3A_2298 : vector<1x16xi32> to vector<16xi32>
    %add3A_2300 = arith.addi %get3A_2294, %get3A_2299 : vector<16xi32>
    %swap3A_2301 = arith.constant 15 : i32
    %swap3A_2302 = arith.index_cast %swap3A_2301 : i32 to index
    %swap3A_2303 = arith.constant 96 : index
    %swap3A_2304 = tpu.vector_load %arg6[%swap3A_2302, %swap3A_2303] {strides = array<i32>} : memref<26x128xi32, #tpu.memory_space<vmem>>, vector<1x16xi32>,
    %swap3A_2305 = vector.shape_cast %swap3A_2304 : vector<1x16xi32> to vector<16xi32>
    %swap3A_2306 = vector.shape_cast %add3A_2300 : vector<16xi32> to vector<1x16xi32>
    tpu.vector_store %arg6[%swap3A_2302, %swap3A_2303], %swap3A_2306 {strides = array<i32>} : memref<26x128xi32, #tpu.memory_space<vmem>>, vector<1x16xi32>,
    %get3A_2307 = arith.constant 15 : i32
    %get3A_2308 = arith.index_cast %get3A_2307 : i32 to index
    %get3A_2309 = arith.constant 112 : index
    %get3A_2310 = tpu.vector_load %arg6[%get3A_2308, %get3A_2309] {strides = array<i32>} : memref<26x128xi32, #tpu.memory_space<vmem>>, vector<1x16xi32>,
    %get3A_2311 = vector.shape_cast %get3A_2310 : vector<1x16xi32> to vector<16xi32>
    %get3A_2312 = arith.constant 15 : i32
    %get3A_2313 = arith.index_cast %get3A_2312 : i32 to index
    %get3A_2314 = arith.constant 112 : index
    %get3A_2315 = tpu.vector_load %arg7[%get3A_2313, %get3A_2314] {strides = array<i32>} : memref<26x128xi32, #tpu.memory_space<vmem>>, vector<1x16xi32>,
    %get3A_2316 = vector.shape_cast %get3A_2315 : vector<1x16xi32> to vector<16xi32>
    %add3A_2317 = arith.addi %get3A_2311, %get3A_2316 : vector<16xi32>
    %swap3A_2318 = arith.constant 15 : i32
    %swap3A_2319 = arith.index_cast %swap3A_2318 : i32 to index
    %swap3A_2320 = arith.constant 112 : index
    %swap3A_2321 = tpu.vector_load %arg6[%swap3A_2319, %swap3A_2320] {strides = array<i32>} : memref<26x128xi32, #tpu.memory_space<vmem>>, vector<1x16xi32>,
    %swap3A_2322 = vector.shape_cast %swap3A_2321 : vector<1x16xi32> to vector<16xi32>
    %swap3A_2323 = vector.shape_cast %add3A_2317 : vector<16xi32> to vector<1x16xi32>
    tpu.vector_store %arg6[%swap3A_2319, %swap3A_2320], %swap3A_2323 {strides = array<i32>} : memref<26x128xi32, #tpu.memory_space<vmem>>, vector<1x16xi32>,
    %dma_start3A_2324 = arith.constant 15 : i32
    %dma_start3A_2325 = arith.constant 1920 : i32
    %dma_start3A_2326 = arith.constant 0 : i32
    %dma_start3A_2327 = tpu.memref_slice %arg8[%dma_start3A_2325, %dma_start3A_2326] : memref<3328x32xf32, #tpu.memory_space<vmem>> -> memref<128x32xf32, #tpu.memory_space<vmem>>
    %dma_start3A_2328 = arith.constant 0 : i32
    %dma_start3A_2329 = tpu.memref_slice %arg6[%dma_start3A_2324, %dma_start3A_2328] : memref<26x128xi32, #tpu.memory_space<vmem>> -> memref<1x128xi32, #tpu.memory_space<vmem>>
    %dma_start3A_2330 = tpu.memref_squeeze %dma_start3A_2329 : memref<1x128xi32, #tpu.memory_space<vmem>> -> memref<128xi32, #tpu.memory_space<vmem>>
    %dma_start3A_2331 = arith.constant 0 : i32
    %dma_start3A_2332 = arith.constant 0 : i32
    %dma_start3A_2333 = tpu.memref_slice %arg3[%dma_start3A_2331, %dma_start3A_2332] : memref<2600000x32xf32, #tpu.memory_space<hbm>> -> memref<2600000x32xf32, #tpu.memory_space<hbm>>
    tpu.enqueue_indirect_dma source(%dma_start3A_2333 : memref<2600000x32xf32, #tpu.memory_space<hbm>>) target(%dma_start3A_2327 : memref<128x32xf32, #tpu.memory_space<vmem>>) offsets(%dma_start3A_2330 : memref<128xi32, #tpu.memory_space<vmem>>) semaphore(%arg9 : memref<!tpu.dma_semaphore, #tpu.memory_space<semaphore_mem>>)
    %get3A_2334 = arith.constant 16 : i32
    %get3A_2335 = arith.index_cast %get3A_2334 : i32 to index
    %get3A_2336 = arith.constant 0 : index
    %get3A_2337 = tpu.vector_load %arg6[%get3A_2335, %get3A_2336] {strides = array<i32>} : memref<26x128xi32, #tpu.memory_space<vmem>>, vector<1x16xi32>,
    %get3A_2338 = vector.shape_cast %get3A_2337 : vector<1x16xi32> to vector<16xi32>
    %get3A_2339 = arith.constant 16 : i32
    %get3A_2340 = arith.index_cast %get3A_2339 : i32 to index
    %get3A_2341 = arith.constant 0 : index
    %get3A_2342 = tpu.vector_load %arg7[%get3A_2340, %get3A_2341] {strides = array<i32>} : memref<26x128xi32, #tpu.memory_space<vmem>>, vector<1x16xi32>,
    %get3A_2343 = vector.shape_cast %get3A_2342 : vector<1x16xi32> to vector<16xi32>
    %add3A_2344 = arith.addi %get3A_2338, %get3A_2343 : vector<16xi32>
    %swap3A_2345 = arith.constant 16 : i32
    %swap3A_2346 = arith.index_cast %swap3A_2345 : i32 to index
    %swap3A_2347 = arith.constant 0 : index
    %swap3A_2348 = tpu.vector_load %arg6[%swap3A_2346, %swap3A_2347] {strides = array<i32>} : memref<26x128xi32, #tpu.memory_space<vmem>>, vector<1x16xi32>,
    %swap3A_2349 = vector.shape_cast %swap3A_2348 : vector<1x16xi32> to vector<16xi32>
    %swap3A_2350 = vector.shape_cast %add3A_2344 : vector<16xi32> to vector<1x16xi32>
    tpu.vector_store %arg6[%swap3A_2346, %swap3A_2347], %swap3A_2350 {strides = array<i32>} : memref<26x128xi32, #tpu.memory_space<vmem>>, vector<1x16xi32>,
    %get3A_2351 = arith.constant 16 : i32
    %get3A_2352 = arith.index_cast %get3A_2351 : i32 to index
    %get3A_2353 = arith.constant 16 : index
    %get3A_2354 = tpu.vector_load %arg6[%get3A_2352, %get3A_2353] {strides = array<i32>} : memref<26x128xi32, #tpu.memory_space<vmem>>, vector<1x16xi32>,
    %get3A_2355 = vector.shape_cast %get3A_2354 : vector<1x16xi32> to vector<16xi32>
    %get3A_2356 = arith.constant 16 : i32
    %get3A_2357 = arith.index_cast %get3A_2356 : i32 to index
    %get3A_2358 = arith.constant 16 : index
    %get3A_2359 = tpu.vector_load %arg7[%get3A_2357, %get3A_2358] {strides = array<i32>} : memref<26x128xi32, #tpu.memory_space<vmem>>, vector<1x16xi32>,
    %get3A_2360 = vector.shape_cast %get3A_2359 : vector<1x16xi32> to vector<16xi32>
    %add3A_2361 = arith.addi %get3A_2355, %get3A_2360 : vector<16xi32>
    %swap3A_2362 = arith.constant 16 : i32
    %swap3A_2363 = arith.index_cast %swap3A_2362 : i32 to index
    %swap3A_2364 = arith.constant 16 : index
    %swap3A_2365 = tpu.vector_load %arg6[%swap3A_2363, %swap3A_2364] {strides = array<i32>} : memref<26x128xi32, #tpu.memory_space<vmem>>, vector<1x16xi32>,
    %swap3A_2366 = vector.shape_cast %swap3A_2365 : vector<1x16xi32> to vector<16xi32>
    %swap3A_2367 = vector.shape_cast %add3A_2361 : vector<16xi32> to vector<1x16xi32>
    tpu.vector_store %arg6[%swap3A_2363, %swap3A_2364], %swap3A_2367 {strides = array<i32>} : memref<26x128xi32, #tpu.memory_space<vmem>>, vector<1x16xi32>,
    %get3A_2368 = arith.constant 16 : i32
    %get3A_2369 = arith.index_cast %get3A_2368 : i32 to index
    %get3A_2370 = arith.constant 32 : index
    %get3A_2371 = tpu.vector_load %arg6[%get3A_2369, %get3A_2370] {strides = array<i32>} : memref<26x128xi32, #tpu.memory_space<vmem>>, vector<1x16xi32>,
    %get3A_2372 = vector.shape_cast %get3A_2371 : vector<1x16xi32> to vector<16xi32>
    %get3A_2373 = arith.constant 16 : i32
    %get3A_2374 = arith.index_cast %get3A_2373 : i32 to index
    %get3A_2375 = arith.constant 32 : index
    %get3A_2376 = tpu.vector_load %arg7[%get3A_2374, %get3A_2375] {strides = array<i32>} : memref<26x128xi32, #tpu.memory_space<vmem>>, vector<1x16xi32>,
    %get3A_2377 = vector.shape_cast %get3A_2376 : vector<1x16xi32> to vector<16xi32>
    %add3A_2378 = arith.addi %get3A_2372, %get3A_2377 : vector<16xi32>
    %swap3A_2379 = arith.constant 16 : i32
    %swap3A_2380 = arith.index_cast %swap3A_2379 : i32 to index
    %swap3A_2381 = arith.constant 32 : index
    %swap3A_2382 = tpu.vector_load %arg6[%swap3A_2380, %swap3A_2381] {strides = array<i32>} : memref<26x128xi32, #tpu.memory_space<vmem>>, vector<1x16xi32>,
    %swap3A_2383 = vector.shape_cast %swap3A_2382 : vector<1x16xi32> to vector<16xi32>
    %swap3A_2384 = vector.shape_cast %add3A_2378 : vector<16xi32> to vector<1x16xi32>
    tpu.vector_store %arg6[%swap3A_2380, %swap3A_2381], %swap3A_2384 {strides = array<i32>} : memref<26x128xi32, #tpu.memory_space<vmem>>, vector<1x16xi32>,
    %get3A_2385 = arith.constant 16 : i32
    %get3A_2386 = arith.index_cast %get3A_2385 : i32 to index
    %get3A_2387 = arith.constant 48 : index
    %get3A_2388 = tpu.vector_load %arg6[%get3A_2386, %get3A_2387] {strides = array<i32>} : memref<26x128xi32, #tpu.memory_space<vmem>>, vector<1x16xi32>,
    %get3A_2389 = vector.shape_cast %get3A_2388 : vector<1x16xi32> to vector<16xi32>
    %get3A_2390 = arith.constant 16 : i32
    %get3A_2391 = arith.index_cast %get3A_2390 : i32 to index
    %get3A_2392 = arith.constant 48 : index
    %get3A_2393 = tpu.vector_load %arg7[%get3A_2391, %get3A_2392] {strides = array<i32>} : memref<26x128xi32, #tpu.memory_space<vmem>>, vector<1x16xi32>,
    %get3A_2394 = vector.shape_cast %get3A_2393 : vector<1x16xi32> to vector<16xi32>
    %add3A_2395 = arith.addi %get3A_2389, %get3A_2394 : vector<16xi32>
    %swap3A_2396 = arith.constant 16 : i32
    %swap3A_2397 = arith.index_cast %swap3A_2396 : i32 to index
    %swap3A_2398 = arith.constant 48 : index
    %swap3A_2399 = tpu.vector_load %arg6[%swap3A_2397, %swap3A_2398] {strides = array<i32>} : memref<26x128xi32, #tpu.memory_space<vmem>>, vector<1x16xi32>,
    %swap3A_2400 = vector.shape_cast %swap3A_2399 : vector<1x16xi32> to vector<16xi32>
    %swap3A_2401 = vector.shape_cast %add3A_2395 : vector<16xi32> to vector<1x16xi32>
    tpu.vector_store %arg6[%swap3A_2397, %swap3A_2398], %swap3A_2401 {strides = array<i32>} : memref<26x128xi32, #tpu.memory_space<vmem>>, vector<1x16xi32>,
    %get3A_2402 = arith.constant 16 : i32
    %get3A_2403 = arith.index_cast %get3A_2402 : i32 to index
    %get3A_2404 = arith.constant 64 : index
    %get3A_2405 = tpu.vector_load %arg6[%get3A_2403, %get3A_2404] {strides = array<i32>} : memref<26x128xi32, #tpu.memory_space<vmem>>, vector<1x16xi32>,
    %get3A_2406 = vector.shape_cast %get3A_2405 : vector<1x16xi32> to vector<16xi32>
    %get3A_2407 = arith.constant 16 : i32
    %get3A_2408 = arith.index_cast %get3A_2407 : i32 to index
    %get3A_2409 = arith.constant 64 : index
    %get3A_2410 = tpu.vector_load %arg7[%get3A_2408, %get3A_2409] {strides = array<i32>} : memref<26x128xi32, #tpu.memory_space<vmem>>, vector<1x16xi32>,
    %get3A_2411 = vector.shape_cast %get3A_2410 : vector<1x16xi32> to vector<16xi32>
    %add3A_2412 = arith.addi %get3A_2406, %get3A_2411 : vector<16xi32>
    %swap3A_2413 = arith.constant 16 : i32
    %swap3A_2414 = arith.index_cast %swap3A_2413 : i32 to index
    %swap3A_2415 = arith.constant 64 : index
    %swap3A_2416 = tpu.vector_load %arg6[%swap3A_2414, %swap3A_2415] {strides = array<i32>} : memref<26x128xi32, #tpu.memory_space<vmem>>, vector<1x16xi32>,
    %swap3A_2417 = vector.shape_cast %swap3A_2416 : vector<1x16xi32> to vector<16xi32>
    %swap3A_2418 = vector.shape_cast %add3A_2412 : vector<16xi32> to vector<1x16xi32>
    tpu.vector_store %arg6[%swap3A_2414, %swap3A_2415], %swap3A_2418 {strides = array<i32>} : memref<26x128xi32, #tpu.memory_space<vmem>>, vector<1x16xi32>,
    %get3A_2419 = arith.constant 16 : i32
    %get3A_2420 = arith.index_cast %get3A_2419 : i32 to index
    %get3A_2421 = arith.constant 80 : index
    %get3A_2422 = tpu.vector_load %arg6[%get3A_2420, %get3A_2421] {strides = array<i32>} : memref<26x128xi32, #tpu.memory_space<vmem>>, vector<1x16xi32>,
    %get3A_2423 = vector.shape_cast %get3A_2422 : vector<1x16xi32> to vector<16xi32>
    %get3A_2424 = arith.constant 16 : i32
    %get3A_2425 = arith.index_cast %get3A_2424 : i32 to index
    %get3A_2426 = arith.constant 80 : index
    %get3A_2427 = tpu.vector_load %arg7[%get3A_2425, %get3A_2426] {strides = array<i32>} : memref<26x128xi32, #tpu.memory_space<vmem>>, vector<1x16xi32>,
    %get3A_2428 = vector.shape_cast %get3A_2427 : vector<1x16xi32> to vector<16xi32>
    %add3A_2429 = arith.addi %get3A_2423, %get3A_2428 : vector<16xi32>
    %swap3A_2430 = arith.constant 16 : i32
    %swap3A_2431 = arith.index_cast %swap3A_2430 : i32 to index
    %swap3A_2432 = arith.constant 80 : index
    %swap3A_2433 = tpu.vector_load %arg6[%swap3A_2431, %swap3A_2432] {strides = array<i32>} : memref<26x128xi32, #tpu.memory_space<vmem>>, vector<1x16xi32>,
    %swap3A_2434 = vector.shape_cast %swap3A_2433 : vector<1x16xi32> to vector<16xi32>
    %swap3A_2435 = vector.shape_cast %add3A_2429 : vector<16xi32> to vector<1x16xi32>
    tpu.vector_store %arg6[%swap3A_2431, %swap3A_2432], %swap3A_2435 {strides = array<i32>} : memref<26x128xi32, #tpu.memory_space<vmem>>, vector<1x16xi32>,
    %get3A_2436 = arith.constant 16 : i32
    %get3A_2437 = arith.index_cast %get3A_2436 : i32 to index
    %get3A_2438 = arith.constant 96 : index
    %get3A_2439 = tpu.vector_load %arg6[%get3A_2437, %get3A_2438] {strides = array<i32>} : memref<26x128xi32, #tpu.memory_space<vmem>>, vector<1x16xi32>,
    %get3A_2440 = vector.shape_cast %get3A_2439 : vector<1x16xi32> to vector<16xi32>
    %get3A_2441 = arith.constant 16 : i32
    %get3A_2442 = arith.index_cast %get3A_2441 : i32 to index
    %get3A_2443 = arith.constant 96 : index
    %get3A_2444 = tpu.vector_load %arg7[%get3A_2442, %get3A_2443] {strides = array<i32>} : memref<26x128xi32, #tpu.memory_space<vmem>>, vector<1x16xi32>,
    %get3A_2445 = vector.shape_cast %get3A_2444 : vector<1x16xi32> to vector<16xi32>
    %add3A_2446 = arith.addi %get3A_2440, %get3A_2445 : vector<16xi32>
    %swap3A_2447 = arith.constant 16 : i32
    %swap3A_2448 = arith.index_cast %swap3A_2447 : i32 to index
    %swap3A_2449 = arith.constant 96 : index
    %swap3A_2450 = tpu.vector_load %arg6[%swap3A_2448, %swap3A_2449] {strides = array<i32>} : memref<26x128xi32, #tpu.memory_space<vmem>>, vector<1x16xi32>,
    %swap3A_2451 = vector.shape_cast %swap3A_2450 : vector<1x16xi32> to vector<16xi32>
    %swap3A_2452 = vector.shape_cast %add3A_2446 : vector<16xi32> to vector<1x16xi32>
    tpu.vector_store %arg6[%swap3A_2448, %swap3A_2449], %swap3A_2452 {strides = array<i32>} : memref<26x128xi32, #tpu.memory_space<vmem>>, vector<1x16xi32>,
    %get3A_2453 = arith.constant 16 : i32
    %get3A_2454 = arith.index_cast %get3A_2453 : i32 to index
    %get3A_2455 = arith.constant 112 : index
    %get3A_2456 = tpu.vector_load %arg6[%get3A_2454, %get3A_2455] {strides = array<i32>} : memref<26x128xi32, #tpu.memory_space<vmem>>, vector<1x16xi32>,
    %get3A_2457 = vector.shape_cast %get3A_2456 : vector<1x16xi32> to vector<16xi32>
    %get3A_2458 = arith.constant 16 : i32
    %get3A_2459 = arith.index_cast %get3A_2458 : i32 to index
    %get3A_2460 = arith.constant 112 : index
    %get3A_2461 = tpu.vector_load %arg7[%get3A_2459, %get3A_2460] {strides = array<i32>} : memref<26x128xi32, #tpu.memory_space<vmem>>, vector<1x16xi32>,
    %get3A_2462 = vector.shape_cast %get3A_2461 : vector<1x16xi32> to vector<16xi32>
    %add3A_2463 = arith.addi %get3A_2457, %get3A_2462 : vector<16xi32>
    %swap3A_2464 = arith.constant 16 : i32
    %swap3A_2465 = arith.index_cast %swap3A_2464 : i32 to index
    %swap3A_2466 = arith.constant 112 : index
    %swap3A_2467 = tpu.vector_load %arg6[%swap3A_2465, %swap3A_2466] {strides = array<i32>} : memref<26x128xi32, #tpu.memory_space<vmem>>, vector<1x16xi32>,
    %swap3A_2468 = vector.shape_cast %swap3A_2467 : vector<1x16xi32> to vector<16xi32>
    %swap3A_2469 = vector.shape_cast %add3A_2463 : vector<16xi32> to vector<1x16xi32>
    tpu.vector_store %arg6[%swap3A_2465, %swap3A_2466], %swap3A_2469 {strides = array<i32>} : memref<26x128xi32, #tpu.memory_space<vmem>>, vector<1x16xi32>,
    %dma_start3A_2470 = arith.constant 16 : i32
    %dma_start3A_2471 = arith.constant 2048 : i32
    %dma_start3A_2472 = arith.constant 0 : i32
    %dma_start3A_2473 = tpu.memref_slice %arg8[%dma_start3A_2471, %dma_start3A_2472] : memref<3328x32xf32, #tpu.memory_space<vmem>> -> memref<128x32xf32, #tpu.memory_space<vmem>>
    %dma_start3A_2474 = arith.constant 0 : i32
    %dma_start3A_2475 = tpu.memref_slice %arg6[%dma_start3A_2470, %dma_start3A_2474] : memref<26x128xi32, #tpu.memory_space<vmem>> -> memref<1x128xi32, #tpu.memory_space<vmem>>
    %dma_start3A_2476 = tpu.memref_squeeze %dma_start3A_2475 : memref<1x128xi32, #tpu.memory_space<vmem>> -> memref<128xi32, #tpu.memory_space<vmem>>
    %dma_start3A_2477 = arith.constant 0 : i32
    %dma_start3A_2478 = arith.constant 0 : i32
    %dma_start3A_2479 = tpu.memref_slice %arg3[%dma_start3A_2477, %dma_start3A_2478] : memref<2600000x32xf32, #tpu.memory_space<hbm>> -> memref<2600000x32xf32, #tpu.memory_space<hbm>>
    tpu.enqueue_indirect_dma source(%dma_start3A_2479 : memref<2600000x32xf32, #tpu.memory_space<hbm>>) target(%dma_start3A_2473 : memref<128x32xf32, #tpu.memory_space<vmem>>) offsets(%dma_start3A_2476 : memref<128xi32, #tpu.memory_space<vmem>>) semaphore(%arg9 : memref<!tpu.dma_semaphore, #tpu.memory_space<semaphore_mem>>)
    %get3A_2480 = arith.constant 17 : i32
    %get3A_2481 = arith.index_cast %get3A_2480 : i32 to index
    %get3A_2482 = arith.constant 0 : index
    %get3A_2483 = tpu.vector_load %arg6[%get3A_2481, %get3A_2482] {strides = array<i32>} : memref<26x128xi32, #tpu.memory_space<vmem>>, vector<1x16xi32>,
    %get3A_2484 = vector.shape_cast %get3A_2483 : vector<1x16xi32> to vector<16xi32>
    %get3A_2485 = arith.constant 17 : i32
    %get3A_2486 = arith.index_cast %get3A_2485 : i32 to index
    %get3A_2487 = arith.constant 0 : index
    %get3A_2488 = tpu.vector_load %arg7[%get3A_2486, %get3A_2487] {strides = array<i32>} : memref<26x128xi32, #tpu.memory_space<vmem>>, vector<1x16xi32>,
    %get3A_2489 = vector.shape_cast %get3A_2488 : vector<1x16xi32> to vector<16xi32>
    %add3A_2490 = arith.addi %get3A_2484, %get3A_2489 : vector<16xi32>
    %swap3A_2491 = arith.constant 17 : i32
    %swap3A_2492 = arith.index_cast %swap3A_2491 : i32 to index
    %swap3A_2493 = arith.constant 0 : index
    %swap3A_2494 = tpu.vector_load %arg6[%swap3A_2492, %swap3A_2493] {strides = array<i32>} : memref<26x128xi32, #tpu.memory_space<vmem>>, vector<1x16xi32>,
    %swap3A_2495 = vector.shape_cast %swap3A_2494 : vector<1x16xi32> to vector<16xi32>
    %swap3A_2496 = vector.shape_cast %add3A_2490 : vector<16xi32> to vector<1x16xi32>
    tpu.vector_store %arg6[%swap3A_2492, %swap3A_2493], %swap3A_2496 {strides = array<i32>} : memref<26x128xi32, #tpu.memory_space<vmem>>, vector<1x16xi32>,
    %get3A_2497 = arith.constant 17 : i32
    %get3A_2498 = arith.index_cast %get3A_2497 : i32 to index
    %get3A_2499 = arith.constant 16 : index
    %get3A_2500 = tpu.vector_load %arg6[%get3A_2498, %get3A_2499] {strides = array<i32>} : memref<26x128xi32, #tpu.memory_space<vmem>>, vector<1x16xi32>,
    %get3A_2501 = vector.shape_cast %get3A_2500 : vector<1x16xi32> to vector<16xi32>
    %get3A_2502 = arith.constant 17 : i32
    %get3A_2503 = arith.index_cast %get3A_2502 : i32 to index
    %get3A_2504 = arith.constant 16 : index
    %get3A_2505 = tpu.vector_load %arg7[%get3A_2503, %get3A_2504] {strides = array<i32>} : memref<26x128xi32, #tpu.memory_space<vmem>>, vector<1x16xi32>,
    %get3A_2506 = vector.shape_cast %get3A_2505 : vector<1x16xi32> to vector<16xi32>
    %add3A_2507 = arith.addi %get3A_2501, %get3A_2506 : vector<16xi32>
    %swap3A_2508 = arith.constant 17 : i32
    %swap3A_2509 = arith.index_cast %swap3A_2508 : i32 to index
    %swap3A_2510 = arith.constant 16 : index
    %swap3A_2511 = tpu.vector_load %arg6[%swap3A_2509, %swap3A_2510] {strides = array<i32>} : memref<26x128xi32, #tpu.memory_space<vmem>>, vector<1x16xi32>,
    %swap3A_2512 = vector.shape_cast %swap3A_2511 : vector<1x16xi32> to vector<16xi32>
    %swap3A_2513 = vector.shape_cast %add3A_2507 : vector<16xi32> to vector<1x16xi32>
    tpu.vector_store %arg6[%swap3A_2509, %swap3A_2510], %swap3A_2513 {strides = array<i32>} : memref<26x128xi32, #tpu.memory_space<vmem>>, vector<1x16xi32>,
    %get3A_2514 = arith.constant 17 : i32
    %get3A_2515 = arith.index_cast %get3A_2514 : i32 to index
    %get3A_2516 = arith.constant 32 : index
    %get3A_2517 = tpu.vector_load %arg6[%get3A_2515, %get3A_2516] {strides = array<i32>} : memref<26x128xi32, #tpu.memory_space<vmem>>, vector<1x16xi32>,
    %get3A_2518 = vector.shape_cast %get3A_2517 : vector<1x16xi32> to vector<16xi32>
    %get3A_2519 = arith.constant 17 : i32
    %get3A_2520 = arith.index_cast %get3A_2519 : i32 to index
    %get3A_2521 = arith.constant 32 : index
    %get3A_2522 = tpu.vector_load %arg7[%get3A_2520, %get3A_2521] {strides = array<i32>} : memref<26x128xi32, #tpu.memory_space<vmem>>, vector<1x16xi32>,
    %get3A_2523 = vector.shape_cast %get3A_2522 : vector<1x16xi32> to vector<16xi32>
    %add3A_2524 = arith.addi %get3A_2518, %get3A_2523 : vector<16xi32>
    %swap3A_2525 = arith.constant 17 : i32
    %swap3A_2526 = arith.index_cast %swap3A_2525 : i32 to index
    %swap3A_2527 = arith.constant 32 : index
    %swap3A_2528 = tpu.vector_load %arg6[%swap3A_2526, %swap3A_2527] {strides = array<i32>} : memref<26x128xi32, #tpu.memory_space<vmem>>, vector<1x16xi32>,
    %swap3A_2529 = vector.shape_cast %swap3A_2528 : vector<1x16xi32> to vector<16xi32>
    %swap3A_2530 = vector.shape_cast %add3A_2524 : vector<16xi32> to vector<1x16xi32>
    tpu.vector_store %arg6[%swap3A_2526, %swap3A_2527], %swap3A_2530 {strides = array<i32>} : memref<26x128xi32, #tpu.memory_space<vmem>>, vector<1x16xi32>,
    %get3A_2531 = arith.constant 17 : i32
    %get3A_2532 = arith.index_cast %get3A_2531 : i32 to index
    %get3A_2533 = arith.constant 48 : index
    %get3A_2534 = tpu.vector_load %arg6[%get3A_2532, %get3A_2533] {strides = array<i32>} : memref<26x128xi32, #tpu.memory_space<vmem>>, vector<1x16xi32>,
    %get3A_2535 = vector.shape_cast %get3A_2534 : vector<1x16xi32> to vector<16xi32>
    %get3A_2536 = arith.constant 17 : i32
    %get3A_2537 = arith.index_cast %get3A_2536 : i32 to index
    %get3A_2538 = arith.constant 48 : index
    %get3A_2539 = tpu.vector_load %arg7[%get3A_2537, %get3A_2538] {strides = array<i32>} : memref<26x128xi32, #tpu.memory_space<vmem>>, vector<1x16xi32>,
    %get3A_2540 = vector.shape_cast %get3A_2539 : vector<1x16xi32> to vector<16xi32>
    %add3A_2541 = arith.addi %get3A_2535, %get3A_2540 : vector<16xi32>
    %swap3A_2542 = arith.constant 17 : i32
    %swap3A_2543 = arith.index_cast %swap3A_2542 : i32 to index
    %swap3A_2544 = arith.constant 48 : index
    %swap3A_2545 = tpu.vector_load %arg6[%swap3A_2543, %swap3A_2544] {strides = array<i32>} : memref<26x128xi32, #tpu.memory_space<vmem>>, vector<1x16xi32>,
    %swap3A_2546 = vector.shape_cast %swap3A_2545 : vector<1x16xi32> to vector<16xi32>
    %swap3A_2547 = vector.shape_cast %add3A_2541 : vector<16xi32> to vector<1x16xi32>
    tpu.vector_store %arg6[%swap3A_2543, %swap3A_2544], %swap3A_2547 {strides = array<i32>} : memref<26x128xi32, #tpu.memory_space<vmem>>, vector<1x16xi32>,
    %get3A_2548 = arith.constant 17 : i32
    %get3A_2549 = arith.index_cast %get3A_2548 : i32 to index
    %get3A_2550 = arith.constant 64 : index
    %get3A_2551 = tpu.vector_load %arg6[%get3A_2549, %get3A_2550] {strides = array<i32>} : memref<26x128xi32, #tpu.memory_space<vmem>>, vector<1x16xi32>,
    %get3A_2552 = vector.shape_cast %get3A_2551 : vector<1x16xi32> to vector<16xi32>
    %get3A_2553 = arith.constant 17 : i32
    %get3A_2554 = arith.index_cast %get3A_2553 : i32 to index
    %get3A_2555 = arith.constant 64 : index
    %get3A_2556 = tpu.vector_load %arg7[%get3A_2554, %get3A_2555] {strides = array<i32>} : memref<26x128xi32, #tpu.memory_space<vmem>>, vector<1x16xi32>,
    %get3A_2557 = vector.shape_cast %get3A_2556 : vector<1x16xi32> to vector<16xi32>
    %add3A_2558 = arith.addi %get3A_2552, %get3A_2557 : vector<16xi32>
    %swap3A_2559 = arith.constant 17 : i32
    %swap3A_2560 = arith.index_cast %swap3A_2559 : i32 to index
    %swap3A_2561 = arith.constant 64 : index
    %swap3A_2562 = tpu.vector_load %arg6[%swap3A_2560, %swap3A_2561] {strides = array<i32>} : memref<26x128xi32, #tpu.memory_space<vmem>>, vector<1x16xi32>,
    %swap3A_2563 = vector.shape_cast %swap3A_2562 : vector<1x16xi32> to vector<16xi32>
    %swap3A_2564 = vector.shape_cast %add3A_2558 : vector<16xi32> to vector<1x16xi32>
    tpu.vector_store %arg6[%swap3A_2560, %swap3A_2561], %swap3A_2564 {strides = array<i32>} : memref<26x128xi32, #tpu.memory_space<vmem>>, vector<1x16xi32>,
    %get3A_2565 = arith.constant 17 : i32
    %get3A_2566 = arith.index_cast %get3A_2565 : i32 to index
    %get3A_2567 = arith.constant 80 : index
    %get3A_2568 = tpu.vector_load %arg6[%get3A_2566, %get3A_2567] {strides = array<i32>} : memref<26x128xi32, #tpu.memory_space<vmem>>, vector<1x16xi32>,
    %get3A_2569 = vector.shape_cast %get3A_2568 : vector<1x16xi32> to vector<16xi32>
    %get3A_2570 = arith.constant 17 : i32
    %get3A_2571 = arith.index_cast %get3A_2570 : i32 to index
    %get3A_2572 = arith.constant 80 : index
    %get3A_2573 = tpu.vector_load %arg7[%get3A_2571, %get3A_2572] {strides = array<i32>} : memref<26x128xi32, #tpu.memory_space<vmem>>, vector<1x16xi32>,
    %get3A_2574 = vector.shape_cast %get3A_2573 : vector<1x16xi32> to vector<16xi32>
    %add3A_2575 = arith.addi %get3A_2569, %get3A_2574 : vector<16xi32>
    %swap3A_2576 = arith.constant 17 : i32
    %swap3A_2577 = arith.index_cast %swap3A_2576 : i32 to index
    %swap3A_2578 = arith.constant 80 : index
    %swap3A_2579 = tpu.vector_load %arg6[%swap3A_2577, %swap3A_2578] {strides = array<i32>} : memref<26x128xi32, #tpu.memory_space<vmem>>, vector<1x16xi32>,
    %swap3A_2580 = vector.shape_cast %swap3A_2579 : vector<1x16xi32> to vector<16xi32>
    %swap3A_2581 = vector.shape_cast %add3A_2575 : vector<16xi32> to vector<1x16xi32>
    tpu.vector_store %arg6[%swap3A_2577, %swap3A_2578], %swap3A_2581 {strides = array<i32>} : memref<26x128xi32, #tpu.memory_space<vmem>>, vector<1x16xi32>,
    %get3A_2582 = arith.constant 17 : i32
    %get3A_2583 = arith.index_cast %get3A_2582 : i32 to index
    %get3A_2584 = arith.constant 96 : index
    %get3A_2585 = tpu.vector_load %arg6[%get3A_2583, %get3A_2584] {strides = array<i32>} : memref<26x128xi32, #tpu.memory_space<vmem>>, vector<1x16xi32>,
    %get3A_2586 = vector.shape_cast %get3A_2585 : vector<1x16xi32> to vector<16xi32>
    %get3A_2587 = arith.constant 17 : i32
    %get3A_2588 = arith.index_cast %get3A_2587 : i32 to index
    %get3A_2589 = arith.constant 96 : index
    %get3A_2590 = tpu.vector_load %arg7[%get3A_2588, %get3A_2589] {strides = array<i32>} : memref<26x128xi32, #tpu.memory_space<vmem>>, vector<1x16xi32>,
    %get3A_2591 = vector.shape_cast %get3A_2590 : vector<1x16xi32> to vector<16xi32>
    %add3A_2592 = arith.addi %get3A_2586, %get3A_2591 : vector<16xi32>
    %swap3A_2593 = arith.constant 17 : i32
    %swap3A_2594 = arith.index_cast %swap3A_2593 : i32 to index
    %swap3A_2595 = arith.constant 96 : index
    %swap3A_2596 = tpu.vector_load %arg6[%swap3A_2594, %swap3A_2595] {strides = array<i32>} : memref<26x128xi32, #tpu.memory_space<vmem>>, vector<1x16xi32>,
    %swap3A_2597 = vector.shape_cast %swap3A_2596 : vector<1x16xi32> to vector<16xi32>
    %swap3A_2598 = vector.shape_cast %add3A_2592 : vector<16xi32> to vector<1x16xi32>
    tpu.vector_store %arg6[%swap3A_2594, %swap3A_2595], %swap3A_2598 {strides = array<i32>} : memref<26x128xi32, #tpu.memory_space<vmem>>, vector<1x16xi32>,
    %get3A_2599 = arith.constant 17 : i32
    %get3A_2600 = arith.index_cast %get3A_2599 : i32 to index
    %get3A_2601 = arith.constant 112 : index
    %get3A_2602 = tpu.vector_load %arg6[%get3A_2600, %get3A_2601] {strides = array<i32>} : memref<26x128xi32, #tpu.memory_space<vmem>>, vector<1x16xi32>,
    %get3A_2603 = vector.shape_cast %get3A_2602 : vector<1x16xi32> to vector<16xi32>
    %get3A_2604 = arith.constant 17 : i32
    %get3A_2605 = arith.index_cast %get3A_2604 : i32 to index
    %get3A_2606 = arith.constant 112 : index
    %get3A_2607 = tpu.vector_load %arg7[%get3A_2605, %get3A_2606] {strides = array<i32>} : memref<26x128xi32, #tpu.memory_space<vmem>>, vector<1x16xi32>,
    %get3A_2608 = vector.shape_cast %get3A_2607 : vector<1x16xi32> to vector<16xi32>
    %add3A_2609 = arith.addi %get3A_2603, %get3A_2608 : vector<16xi32>
    %swap3A_2610 = arith.constant 17 : i32
    %swap3A_2611 = arith.index_cast %swap3A_2610 : i32 to index
    %swap3A_2612 = arith.constant 112 : index
    %swap3A_2613 = tpu.vector_load %arg6[%swap3A_2611, %swap3A_2612] {strides = array<i32>} : memref<26x128xi32, #tpu.memory_space<vmem>>, vector<1x16xi32>,
    %swap3A_2614 = vector.shape_cast %swap3A_2613 : vector<1x16xi32> to vector<16xi32>
    %swap3A_2615 = vector.shape_cast %add3A_2609 : vector<16xi32> to vector<1x16xi32>
    tpu.vector_store %arg6[%swap3A_2611, %swap3A_2612], %swap3A_2615 {strides = array<i32>} : memref<26x128xi32, #tpu.memory_space<vmem>>, vector<1x16xi32>,
    %dma_start3A_2616 = arith.constant 17 : i32
    %dma_start3A_2617 = arith.constant 2176 : i32
    %dma_start3A_2618 = arith.constant 0 : i32
    %dma_start3A_2619 = tpu.memref_slice %arg8[%dma_start3A_2617, %dma_start3A_2618] : memref<3328x32xf32, #tpu.memory_space<vmem>> -> memref<128x32xf32, #tpu.memory_space<vmem>>
    %dma_start3A_2620 = arith.constant 0 : i32
    %dma_start3A_2621 = tpu.memref_slice %arg6[%dma_start3A_2616, %dma_start3A_2620] : memref<26x128xi32, #tpu.memory_space<vmem>> -> memref<1x128xi32, #tpu.memory_space<vmem>>
    %dma_start3A_2622 = tpu.memref_squeeze %dma_start3A_2621 : memref<1x128xi32, #tpu.memory_space<vmem>> -> memref<128xi32, #tpu.memory_space<vmem>>
    %dma_start3A_2623 = arith.constant 0 : i32
    %dma_start3A_2624 = arith.constant 0 : i32
    %dma_start3A_2625 = tpu.memref_slice %arg3[%dma_start3A_2623, %dma_start3A_2624] : memref<2600000x32xf32, #tpu.memory_space<hbm>> -> memref<2600000x32xf32, #tpu.memory_space<hbm>>
    tpu.enqueue_indirect_dma source(%dma_start3A_2625 : memref<2600000x32xf32, #tpu.memory_space<hbm>>) target(%dma_start3A_2619 : memref<128x32xf32, #tpu.memory_space<vmem>>) offsets(%dma_start3A_2622 : memref<128xi32, #tpu.memory_space<vmem>>) semaphore(%arg9 : memref<!tpu.dma_semaphore, #tpu.memory_space<semaphore_mem>>)
    %get3A_2626 = arith.constant 18 : i32
    %get3A_2627 = arith.index_cast %get3A_2626 : i32 to index
    %get3A_2628 = arith.constant 0 : index
    %get3A_2629 = tpu.vector_load %arg6[%get3A_2627, %get3A_2628] {strides = array<i32>} : memref<26x128xi32, #tpu.memory_space<vmem>>, vector<1x16xi32>,
    %get3A_2630 = vector.shape_cast %get3A_2629 : vector<1x16xi32> to vector<16xi32>
    %get3A_2631 = arith.constant 18 : i32
    %get3A_2632 = arith.index_cast %get3A_2631 : i32 to index
    %get3A_2633 = arith.constant 0 : index
    %get3A_2634 = tpu.vector_load %arg7[%get3A_2632, %get3A_2633] {strides = array<i32>} : memref<26x128xi32, #tpu.memory_space<vmem>>, vector<1x16xi32>,
    %get3A_2635 = vector.shape_cast %get3A_2634 : vector<1x16xi32> to vector<16xi32>
    %add3A_2636 = arith.addi %get3A_2630, %get3A_2635 : vector<16xi32>
    %swap3A_2637 = arith.constant 18 : i32
    %swap3A_2638 = arith.index_cast %swap3A_2637 : i32 to index
    %swap3A_2639 = arith.constant 0 : index
    %swap3A_2640 = tpu.vector_load %arg6[%swap3A_2638, %swap3A_2639] {strides = array<i32>} : memref<26x128xi32, #tpu.memory_space<vmem>>, vector<1x16xi32>,
    %swap3A_2641 = vector.shape_cast %swap3A_2640 : vector<1x16xi32> to vector<16xi32>
    %swap3A_2642 = vector.shape_cast %add3A_2636 : vector<16xi32> to vector<1x16xi32>
    tpu.vector_store %arg6[%swap3A_2638, %swap3A_2639], %swap3A_2642 {strides = array<i32>} : memref<26x128xi32, #tpu.memory_space<vmem>>, vector<1x16xi32>,
    %get3A_2643 = arith.constant 18 : i32
    %get3A_2644 = arith.index_cast %get3A_2643 : i32 to index
    %get3A_2645 = arith.constant 16 : index
    %get3A_2646 = tpu.vector_load %arg6[%get3A_2644, %get3A_2645] {strides = array<i32>} : memref<26x128xi32, #tpu.memory_space<vmem>>, vector<1x16xi32>,
    %get3A_2647 = vector.shape_cast %get3A_2646 : vector<1x16xi32> to vector<16xi32>
    %get3A_2648 = arith.constant 18 : i32
    %get3A_2649 = arith.index_cast %get3A_2648 : i32 to index
    %get3A_2650 = arith.constant 16 : index
    %get3A_2651 = tpu.vector_load %arg7[%get3A_2649, %get3A_2650] {strides = array<i32>} : memref<26x128xi32, #tpu.memory_space<vmem>>, vector<1x16xi32>,
    %get3A_2652 = vector.shape_cast %get3A_2651 : vector<1x16xi32> to vector<16xi32>
    %add3A_2653 = arith.addi %get3A_2647, %get3A_2652 : vector<16xi32>
    %swap3A_2654 = arith.constant 18 : i32
    %swap3A_2655 = arith.index_cast %swap3A_2654 : i32 to index
    %swap3A_2656 = arith.constant 16 : index
    %swap3A_2657 = tpu.vector_load %arg6[%swap3A_2655, %swap3A_2656] {strides = array<i32>} : memref<26x128xi32, #tpu.memory_space<vmem>>, vector<1x16xi32>,
    %swap3A_2658 = vector.shape_cast %swap3A_2657 : vector<1x16xi32> to vector<16xi32>
    %swap3A_2659 = vector.shape_cast %add3A_2653 : vector<16xi32> to vector<1x16xi32>
    tpu.vector_store %arg6[%swap3A_2655, %swap3A_2656], %swap3A_2659 {strides = array<i32>} : memref<26x128xi32, #tpu.memory_space<vmem>>, vector<1x16xi32>,
    %get3A_2660 = arith.constant 18 : i32
    %get3A_2661 = arith.index_cast %get3A_2660 : i32 to index
    %get3A_2662 = arith.constant 32 : index
    %get3A_2663 = tpu.vector_load %arg6[%get3A_2661, %get3A_2662] {strides = array<i32>} : memref<26x128xi32, #tpu.memory_space<vmem>>, vector<1x16xi32>,
    %get3A_2664 = vector.shape_cast %get3A_2663 : vector<1x16xi32> to vector<16xi32>
    %get3A_2665 = arith.constant 18 : i32
    %get3A_2666 = arith.index_cast %get3A_2665 : i32 to index
    %get3A_2667 = arith.constant 32 : index
    %get3A_2668 = tpu.vector_load %arg7[%get3A_2666, %get3A_2667] {strides = array<i32>} : memref<26x128xi32, #tpu.memory_space<vmem>>, vector<1x16xi32>,
    %get3A_2669 = vector.shape_cast %get3A_2668 : vector<1x16xi32> to vector<16xi32>
    %add3A_2670 = arith.addi %get3A_2664, %get3A_2669 : vector<16xi32>
    %swap3A_2671 = arith.constant 18 : i32
    %swap3A_2672 = arith.index_cast %swap3A_2671 : i32 to index
    %swap3A_2673 = arith.constant 32 : index
    %swap3A_2674 = tpu.vector_load %arg6[%swap3A_2672, %swap3A_2673] {strides = array<i32>} : memref<26x128xi32, #tpu.memory_space<vmem>>, vector<1x16xi32>,
    %swap3A_2675 = vector.shape_cast %swap3A_2674 : vector<1x16xi32> to vector<16xi32>
    %swap3A_2676 = vector.shape_cast %add3A_2670 : vector<16xi32> to vector<1x16xi32>
    tpu.vector_store %arg6[%swap3A_2672, %swap3A_2673], %swap3A_2676 {strides = array<i32>} : memref<26x128xi32, #tpu.memory_space<vmem>>, vector<1x16xi32>,
    %get3A_2677 = arith.constant 18 : i32
    %get3A_2678 = arith.index_cast %get3A_2677 : i32 to index
    %get3A_2679 = arith.constant 48 : index
    %get3A_2680 = tpu.vector_load %arg6[%get3A_2678, %get3A_2679] {strides = array<i32>} : memref<26x128xi32, #tpu.memory_space<vmem>>, vector<1x16xi32>,
    %get3A_2681 = vector.shape_cast %get3A_2680 : vector<1x16xi32> to vector<16xi32>
    %get3A_2682 = arith.constant 18 : i32
    %get3A_2683 = arith.index_cast %get3A_2682 : i32 to index
    %get3A_2684 = arith.constant 48 : index
    %get3A_2685 = tpu.vector_load %arg7[%get3A_2683, %get3A_2684] {strides = array<i32>} : memref<26x128xi32, #tpu.memory_space<vmem>>, vector<1x16xi32>,
    %get3A_2686 = vector.shape_cast %get3A_2685 : vector<1x16xi32> to vector<16xi32>
    %add3A_2687 = arith.addi %get3A_2681, %get3A_2686 : vector<16xi32>
    %swap3A_2688 = arith.constant 18 : i32
    %swap3A_2689 = arith.index_cast %swap3A_2688 : i32 to index
    %swap3A_2690 = arith.constant 48 : index
    %swap3A_2691 = tpu.vector_load %arg6[%swap3A_2689, %swap3A_2690] {strides = array<i32>} : memref<26x128xi32, #tpu.memory_space<vmem>>, vector<1x16xi32>,
    %swap3A_2692 = vector.shape_cast %swap3A_2691 : vector<1x16xi32> to vector<16xi32>
    %swap3A_2693 = vector.shape_cast %add3A_2687 : vector<16xi32> to vector<1x16xi32>
    tpu.vector_store %arg6[%swap3A_2689, %swap3A_2690], %swap3A_2693 {strides = array<i32>} : memref<26x128xi32, #tpu.memory_space<vmem>>, vector<1x16xi32>,
    %get3A_2694 = arith.constant 18 : i32
    %get3A_2695 = arith.index_cast %get3A_2694 : i32 to index
    %get3A_2696 = arith.constant 64 : index
    %get3A_2697 = tpu.vector_load %arg6[%get3A_2695, %get3A_2696] {strides = array<i32>} : memref<26x128xi32, #tpu.memory_space<vmem>>, vector<1x16xi32>,
    %get3A_2698 = vector.shape_cast %get3A_2697 : vector<1x16xi32> to vector<16xi32>
    %get3A_2699 = arith.constant 18 : i32
    %get3A_2700 = arith.index_cast %get3A_2699 : i32 to index
    %get3A_2701 = arith.constant 64 : index
    %get3A_2702 = tpu.vector_load %arg7[%get3A_2700, %get3A_2701] {strides = array<i32>} : memref<26x128xi32, #tpu.memory_space<vmem>>, vector<1x16xi32>,
    %get3A_2703 = vector.shape_cast %get3A_2702 : vector<1x16xi32> to vector<16xi32>
    %add3A_2704 = arith.addi %get3A_2698, %get3A_2703 : vector<16xi32>
    %swap3A_2705 = arith.constant 18 : i32
    %swap3A_2706 = arith.index_cast %swap3A_2705 : i32 to index
    %swap3A_2707 = arith.constant 64 : index
    %swap3A_2708 = tpu.vector_load %arg6[%swap3A_2706, %swap3A_2707] {strides = array<i32>} : memref<26x128xi32, #tpu.memory_space<vmem>>, vector<1x16xi32>,
    %swap3A_2709 = vector.shape_cast %swap3A_2708 : vector<1x16xi32> to vector<16xi32>
    %swap3A_2710 = vector.shape_cast %add3A_2704 : vector<16xi32> to vector<1x16xi32>
    tpu.vector_store %arg6[%swap3A_2706, %swap3A_2707], %swap3A_2710 {strides = array<i32>} : memref<26x128xi32, #tpu.memory_space<vmem>>, vector<1x16xi32>,
    %get3A_2711 = arith.constant 18 : i32
    %get3A_2712 = arith.index_cast %get3A_2711 : i32 to index
    %get3A_2713 = arith.constant 80 : index
    %get3A_2714 = tpu.vector_load %arg6[%get3A_2712, %get3A_2713] {strides = array<i32>} : memref<26x128xi32, #tpu.memory_space<vmem>>, vector<1x16xi32>,
    %get3A_2715 = vector.shape_cast %get3A_2714 : vector<1x16xi32> to vector<16xi32>
    %get3A_2716 = arith.constant 18 : i32
    %get3A_2717 = arith.index_cast %get3A_2716 : i32 to index
    %get3A_2718 = arith.constant 80 : index
    %get3A_2719 = tpu.vector_load %arg7[%get3A_2717, %get3A_2718] {strides = array<i32>} : memref<26x128xi32, #tpu.memory_space<vmem>>, vector<1x16xi32>,
    %get3A_2720 = vector.shape_cast %get3A_2719 : vector<1x16xi32> to vector<16xi32>
    %add3A_2721 = arith.addi %get3A_2715, %get3A_2720 : vector<16xi32>
    %swap3A_2722 = arith.constant 18 : i32
    %swap3A_2723 = arith.index_cast %swap3A_2722 : i32 to index
    %swap3A_2724 = arith.constant 80 : index
    %swap3A_2725 = tpu.vector_load %arg6[%swap3A_2723, %swap3A_2724] {strides = array<i32>} : memref<26x128xi32, #tpu.memory_space<vmem>>, vector<1x16xi32>,
    %swap3A_2726 = vector.shape_cast %swap3A_2725 : vector<1x16xi32> to vector<16xi32>
    %swap3A_2727 = vector.shape_cast %add3A_2721 : vector<16xi32> to vector<1x16xi32>
    tpu.vector_store %arg6[%swap3A_2723, %swap3A_2724], %swap3A_2727 {strides = array<i32>} : memref<26x128xi32, #tpu.memory_space<vmem>>, vector<1x16xi32>,
    %get3A_2728 = arith.constant 18 : i32
    %get3A_2729 = arith.index_cast %get3A_2728 : i32 to index
    %get3A_2730 = arith.constant 96 : index
    %get3A_2731 = tpu.vector_load %arg6[%get3A_2729, %get3A_2730] {strides = array<i32>} : memref<26x128xi32, #tpu.memory_space<vmem>>, vector<1x16xi32>,
    %get3A_2732 = vector.shape_cast %get3A_2731 : vector<1x16xi32> to vector<16xi32>
    %get3A_2733 = arith.constant 18 : i32
    %get3A_2734 = arith.index_cast %get3A_2733 : i32 to index
    %get3A_2735 = arith.constant 96 : index
    %get3A_2736 = tpu.vector_load %arg7[%get3A_2734, %get3A_2735] {strides = array<i32>} : memref<26x128xi32, #tpu.memory_space<vmem>>, vector<1x16xi32>,
    %get3A_2737 = vector.shape_cast %get3A_2736 : vector<1x16xi32> to vector<16xi32>
    %add3A_2738 = arith.addi %get3A_2732, %get3A_2737 : vector<16xi32>
    %swap3A_2739 = arith.constant 18 : i32
    %swap3A_2740 = arith.index_cast %swap3A_2739 : i32 to index
    %swap3A_2741 = arith.constant 96 : index
    %swap3A_2742 = tpu.vector_load %arg6[%swap3A_2740, %swap3A_2741] {strides = array<i32>} : memref<26x128xi32, #tpu.memory_space<vmem>>, vector<1x16xi32>,
    %swap3A_2743 = vector.shape_cast %swap3A_2742 : vector<1x16xi32> to vector<16xi32>
    %swap3A_2744 = vector.shape_cast %add3A_2738 : vector<16xi32> to vector<1x16xi32>
    tpu.vector_store %arg6[%swap3A_2740, %swap3A_2741], %swap3A_2744 {strides = array<i32>} : memref<26x128xi32, #tpu.memory_space<vmem>>, vector<1x16xi32>,
    %get3A_2745 = arith.constant 18 : i32
    %get3A_2746 = arith.index_cast %get3A_2745 : i32 to index
    %get3A_2747 = arith.constant 112 : index
    %get3A_2748 = tpu.vector_load %arg6[%get3A_2746, %get3A_2747] {strides = array<i32>} : memref<26x128xi32, #tpu.memory_space<vmem>>, vector<1x16xi32>,
    %get3A_2749 = vector.shape_cast %get3A_2748 : vector<1x16xi32> to vector<16xi32>
    %get3A_2750 = arith.constant 18 : i32
    %get3A_2751 = arith.index_cast %get3A_2750 : i32 to index
    %get3A_2752 = arith.constant 112 : index
    %get3A_2753 = tpu.vector_load %arg7[%get3A_2751, %get3A_2752] {strides = array<i32>} : memref<26x128xi32, #tpu.memory_space<vmem>>, vector<1x16xi32>,
    %get3A_2754 = vector.shape_cast %get3A_2753 : vector<1x16xi32> to vector<16xi32>
    %add3A_2755 = arith.addi %get3A_2749, %get3A_2754 : vector<16xi32>
    %swap3A_2756 = arith.constant 18 : i32
    %swap3A_2757 = arith.index_cast %swap3A_2756 : i32 to index
    %swap3A_2758 = arith.constant 112 : index
    %swap3A_2759 = tpu.vector_load %arg6[%swap3A_2757, %swap3A_2758] {strides = array<i32>} : memref<26x128xi32, #tpu.memory_space<vmem>>, vector<1x16xi32>,
    %swap3A_2760 = vector.shape_cast %swap3A_2759 : vector<1x16xi32> to vector<16xi32>
    %swap3A_2761 = vector.shape_cast %add3A_2755 : vector<16xi32> to vector<1x16xi32>
    tpu.vector_store %arg6[%swap3A_2757, %swap3A_2758], %swap3A_2761 {strides = array<i32>} : memref<26x128xi32, #tpu.memory_space<vmem>>, vector<1x16xi32>,
    %dma_start3A_2762 = arith.constant 18 : i32
    %dma_start3A_2763 = arith.constant 2304 : i32
    %dma_start3A_2764 = arith.constant 0 : i32
    %dma_start3A_2765 = tpu.memref_slice %arg8[%dma_start3A_2763, %dma_start3A_2764] : memref<3328x32xf32, #tpu.memory_space<vmem>> -> memref<128x32xf32, #tpu.memory_space<vmem>>
    %dma_start3A_2766 = arith.constant 0 : i32
    %dma_start3A_2767 = tpu.memref_slice %arg6[%dma_start3A_2762, %dma_start3A_2766] : memref<26x128xi32, #tpu.memory_space<vmem>> -> memref<1x128xi32, #tpu.memory_space<vmem>>
    %dma_start3A_2768 = tpu.memref_squeeze %dma_start3A_2767 : memref<1x128xi32, #tpu.memory_space<vmem>> -> memref<128xi32, #tpu.memory_space<vmem>>
    %dma_start3A_2769 = arith.constant 0 : i32
    %dma_start3A_2770 = arith.constant 0 : i32
    %dma_start3A_2771 = tpu.memref_slice %arg3[%dma_start3A_2769, %dma_start3A_2770] : memref<2600000x32xf32, #tpu.memory_space<hbm>> -> memref<2600000x32xf32, #tpu.memory_space<hbm>>
    tpu.enqueue_indirect_dma source(%dma_start3A_2771 : memref<2600000x32xf32, #tpu.memory_space<hbm>>) target(%dma_start3A_2765 : memref<128x32xf32, #tpu.memory_space<vmem>>) offsets(%dma_start3A_2768 : memref<128xi32, #tpu.memory_space<vmem>>) semaphore(%arg9 : memref<!tpu.dma_semaphore, #tpu.memory_space<semaphore_mem>>)
    %get3A_2772 = arith.constant 19 : i32
    %get3A_2773 = arith.index_cast %get3A_2772 : i32 to index
    %get3A_2774 = arith.constant 0 : index
    %get3A_2775 = tpu.vector_load %arg6[%get3A_2773, %get3A_2774] {strides = array<i32>} : memref<26x128xi32, #tpu.memory_space<vmem>>, vector<1x16xi32>,
    %get3A_2776 = vector.shape_cast %get3A_2775 : vector<1x16xi32> to vector<16xi32>
    %get3A_2777 = arith.constant 19 : i32
    %get3A_2778 = arith.index_cast %get3A_2777 : i32 to index
    %get3A_2779 = arith.constant 0 : index
    %get3A_2780 = tpu.vector_load %arg7[%get3A_2778, %get3A_2779] {strides = array<i32>} : memref<26x128xi32, #tpu.memory_space<vmem>>, vector<1x16xi32>,
    %get3A_2781 = vector.shape_cast %get3A_2780 : vector<1x16xi32> to vector<16xi32>
    %add3A_2782 = arith.addi %get3A_2776, %get3A_2781 : vector<16xi32>
    %swap3A_2783 = arith.constant 19 : i32
    %swap3A_2784 = arith.index_cast %swap3A_2783 : i32 to index
    %swap3A_2785 = arith.constant 0 : index
    %swap3A_2786 = tpu.vector_load %arg6[%swap3A_2784, %swap3A_2785] {strides = array<i32>} : memref<26x128xi32, #tpu.memory_space<vmem>>, vector<1x16xi32>,
    %swap3A_2787 = vector.shape_cast %swap3A_2786 : vector<1x16xi32> to vector<16xi32>
    %swap3A_2788 = vector.shape_cast %add3A_2782 : vector<16xi32> to vector<1x16xi32>
    tpu.vector_store %arg6[%swap3A_2784, %swap3A_2785], %swap3A_2788 {strides = array<i32>} : memref<26x128xi32, #tpu.memory_space<vmem>>, vector<1x16xi32>,
    %get3A_2789 = arith.constant 19 : i32
    %get3A_2790 = arith.index_cast %get3A_2789 : i32 to index
    %get3A_2791 = arith.constant 16 : index
    %get3A_2792 = tpu.vector_load %arg6[%get3A_2790, %get3A_2791] {strides = array<i32>} : memref<26x128xi32, #tpu.memory_space<vmem>>, vector<1x16xi32>,
    %get3A_2793 = vector.shape_cast %get3A_2792 : vector<1x16xi32> to vector<16xi32>
    %get3A_2794 = arith.constant 19 : i32
    %get3A_2795 = arith.index_cast %get3A_2794 : i32 to index
    %get3A_2796 = arith.constant 16 : index
    %get3A_2797 = tpu.vector_load %arg7[%get3A_2795, %get3A_2796] {strides = array<i32>} : memref<26x128xi32, #tpu.memory_space<vmem>>, vector<1x16xi32>,
    %get3A_2798 = vector.shape_cast %get3A_2797 : vector<1x16xi32> to vector<16xi32>
    %add3A_2799 = arith.addi %get3A_2793, %get3A_2798 : vector<16xi32>
    %swap3A_2800 = arith.constant 19 : i32
    %swap3A_2801 = arith.index_cast %swap3A_2800 : i32 to index
    %swap3A_2802 = arith.constant 16 : index
    %swap3A_2803 = tpu.vector_load %arg6[%swap3A_2801, %swap3A_2802] {strides = array<i32>} : memref<26x128xi32, #tpu.memory_space<vmem>>, vector<1x16xi32>,
    %swap3A_2804 = vector.shape_cast %swap3A_2803 : vector<1x16xi32> to vector<16xi32>
    %swap3A_2805 = vector.shape_cast %add3A_2799 : vector<16xi32> to vector<1x16xi32>
    tpu.vector_store %arg6[%swap3A_2801, %swap3A_2802], %swap3A_2805 {strides = array<i32>} : memref<26x128xi32, #tpu.memory_space<vmem>>, vector<1x16xi32>,
    %get3A_2806 = arith.constant 19 : i32
    %get3A_2807 = arith.index_cast %get3A_2806 : i32 to index
    %get3A_2808 = arith.constant 32 : index
    %get3A_2809 = tpu.vector_load %arg6[%get3A_2807, %get3A_2808] {strides = array<i32>} : memref<26x128xi32, #tpu.memory_space<vmem>>, vector<1x16xi32>,
    %get3A_2810 = vector.shape_cast %get3A_2809 : vector<1x16xi32> to vector<16xi32>
    %get3A_2811 = arith.constant 19 : i32
    %get3A_2812 = arith.index_cast %get3A_2811 : i32 to index
    %get3A_2813 = arith.constant 32 : index
    %get3A_2814 = tpu.vector_load %arg7[%get3A_2812, %get3A_2813] {strides = array<i32>} : memref<26x128xi32, #tpu.memory_space<vmem>>, vector<1x16xi32>,
    %get3A_2815 = vector.shape_cast %get3A_2814 : vector<1x16xi32> to vector<16xi32>
    %add3A_2816 = arith.addi %get3A_2810, %get3A_2815 : vector<16xi32>
    %swap3A_2817 = arith.constant 19 : i32
    %swap3A_2818 = arith.index_cast %swap3A_2817 : i32 to index
    %swap3A_2819 = arith.constant 32 : index
    %swap3A_2820 = tpu.vector_load %arg6[%swap3A_2818, %swap3A_2819] {strides = array<i32>} : memref<26x128xi32, #tpu.memory_space<vmem>>, vector<1x16xi32>,
    %swap3A_2821 = vector.shape_cast %swap3A_2820 : vector<1x16xi32> to vector<16xi32>
    %swap3A_2822 = vector.shape_cast %add3A_2816 : vector<16xi32> to vector<1x16xi32>
    tpu.vector_store %arg6[%swap3A_2818, %swap3A_2819], %swap3A_2822 {strides = array<i32>} : memref<26x128xi32, #tpu.memory_space<vmem>>, vector<1x16xi32>,
    %get3A_2823 = arith.constant 19 : i32
    %get3A_2824 = arith.index_cast %get3A_2823 : i32 to index
    %get3A_2825 = arith.constant 48 : index
    %get3A_2826 = tpu.vector_load %arg6[%get3A_2824, %get3A_2825] {strides = array<i32>} : memref<26x128xi32, #tpu.memory_space<vmem>>, vector<1x16xi32>,
    %get3A_2827 = vector.shape_cast %get3A_2826 : vector<1x16xi32> to vector<16xi32>
    %get3A_2828 = arith.constant 19 : i32
    %get3A_2829 = arith.index_cast %get3A_2828 : i32 to index
    %get3A_2830 = arith.constant 48 : index
    %get3A_2831 = tpu.vector_load %arg7[%get3A_2829, %get3A_2830] {strides = array<i32>} : memref<26x128xi32, #tpu.memory_space<vmem>>, vector<1x16xi32>,
    %get3A_2832 = vector.shape_cast %get3A_2831 : vector<1x16xi32> to vector<16xi32>
    %add3A_2833 = arith.addi %get3A_2827, %get3A_2832 : vector<16xi32>
    %swap3A_2834 = arith.constant 19 : i32
    %swap3A_2835 = arith.index_cast %swap3A_2834 : i32 to index
    %swap3A_2836 = arith.constant 48 : index
    %swap3A_2837 = tpu.vector_load %arg6[%swap3A_2835, %swap3A_2836] {strides = array<i32>} : memref<26x128xi32, #tpu.memory_space<vmem>>, vector<1x16xi32>,
    %swap3A_2838 = vector.shape_cast %swap3A_2837 : vector<1x16xi32> to vector<16xi32>
    %swap3A_2839 = vector.shape_cast %add3A_2833 : vector<16xi32> to vector<1x16xi32>
    tpu.vector_store %arg6[%swap3A_2835, %swap3A_2836], %swap3A_2839 {strides = array<i32>} : memref<26x128xi32, #tpu.memory_space<vmem>>, vector<1x16xi32>,
    %get3A_2840 = arith.constant 19 : i32
    %get3A_2841 = arith.index_cast %get3A_2840 : i32 to index
    %get3A_2842 = arith.constant 64 : index
    %get3A_2843 = tpu.vector_load %arg6[%get3A_2841, %get3A_2842] {strides = array<i32>} : memref<26x128xi32, #tpu.memory_space<vmem>>, vector<1x16xi32>,
    %get3A_2844 = vector.shape_cast %get3A_2843 : vector<1x16xi32> to vector<16xi32>
    %get3A_2845 = arith.constant 19 : i32
    %get3A_2846 = arith.index_cast %get3A_2845 : i32 to index
    %get3A_2847 = arith.constant 64 : index
    %get3A_2848 = tpu.vector_load %arg7[%get3A_2846, %get3A_2847] {strides = array<i32>} : memref<26x128xi32, #tpu.memory_space<vmem>>, vector<1x16xi32>,
    %get3A_2849 = vector.shape_cast %get3A_2848 : vector<1x16xi32> to vector<16xi32>
    %add3A_2850 = arith.addi %get3A_2844, %get3A_2849 : vector<16xi32>
    %swap3A_2851 = arith.constant 19 : i32
    %swap3A_2852 = arith.index_cast %swap3A_2851 : i32 to index
    %swap3A_2853 = arith.constant 64 : index
    %swap3A_2854 = tpu.vector_load %arg6[%swap3A_2852, %swap3A_2853] {strides = array<i32>} : memref<26x128xi32, #tpu.memory_space<vmem>>, vector<1x16xi32>,
    %swap3A_2855 = vector.shape_cast %swap3A_2854 : vector<1x16xi32> to vector<16xi32>
    %swap3A_2856 = vector.shape_cast %add3A_2850 : vector<16xi32> to vector<1x16xi32>
    tpu.vector_store %arg6[%swap3A_2852, %swap3A_2853], %swap3A_2856 {strides = array<i32>} : memref<26x128xi32, #tpu.memory_space<vmem>>, vector<1x16xi32>,
    %get3A_2857 = arith.constant 19 : i32
    %get3A_2858 = arith.index_cast %get3A_2857 : i32 to index
    %get3A_2859 = arith.constant 80 : index
    %get3A_2860 = tpu.vector_load %arg6[%get3A_2858, %get3A_2859] {strides = array<i32>} : memref<26x128xi32, #tpu.memory_space<vmem>>, vector<1x16xi32>,
    %get3A_2861 = vector.shape_cast %get3A_2860 : vector<1x16xi32> to vector<16xi32>
    %get3A_2862 = arith.constant 19 : i32
    %get3A_2863 = arith.index_cast %get3A_2862 : i32 to index
    %get3A_2864 = arith.constant 80 : index
    %get3A_2865 = tpu.vector_load %arg7[%get3A_2863, %get3A_2864] {strides = array<i32>} : memref<26x128xi32, #tpu.memory_space<vmem>>, vector<1x16xi32>,
    %get3A_2866 = vector.shape_cast %get3A_2865 : vector<1x16xi32> to vector<16xi32>
    %add3A_2867 = arith.addi %get3A_2861, %get3A_2866 : vector<16xi32>
    %swap3A_2868 = arith.constant 19 : i32
    %swap3A_2869 = arith.index_cast %swap3A_2868 : i32 to index
    %swap3A_2870 = arith.constant 80 : index
    %swap3A_2871 = tpu.vector_load %arg6[%swap3A_2869, %swap3A_2870] {strides = array<i32>} : memref<26x128xi32, #tpu.memory_space<vmem>>, vector<1x16xi32>,
    %swap3A_2872 = vector.shape_cast %swap3A_2871 : vector<1x16xi32> to vector<16xi32>
    %swap3A_2873 = vector.shape_cast %add3A_2867 : vector<16xi32> to vector<1x16xi32>
    tpu.vector_store %arg6[%swap3A_2869, %swap3A_2870], %swap3A_2873 {strides = array<i32>} : memref<26x128xi32, #tpu.memory_space<vmem>>, vector<1x16xi32>,
    %get3A_2874 = arith.constant 19 : i32
    %get3A_2875 = arith.index_cast %get3A_2874 : i32 to index
    %get3A_2876 = arith.constant 96 : index
    %get3A_2877 = tpu.vector_load %arg6[%get3A_2875, %get3A_2876] {strides = array<i32>} : memref<26x128xi32, #tpu.memory_space<vmem>>, vector<1x16xi32>,
    %get3A_2878 = vector.shape_cast %get3A_2877 : vector<1x16xi32> to vector<16xi32>
    %get3A_2879 = arith.constant 19 : i32
    %get3A_2880 = arith.index_cast %get3A_2879 : i32 to index
    %get3A_2881 = arith.constant 96 : index
    %get3A_2882 = tpu.vector_load %arg7[%get3A_2880, %get3A_2881] {strides = array<i32>} : memref<26x128xi32, #tpu.memory_space<vmem>>, vector<1x16xi32>,
    %get3A_2883 = vector.shape_cast %get3A_2882 : vector<1x16xi32> to vector<16xi32>
    %add3A_2884 = arith.addi %get3A_2878, %get3A_2883 : vector<16xi32>
    %swap3A_2885 = arith.constant 19 : i32
    %swap3A_2886 = arith.index_cast %swap3A_2885 : i32 to index
    %swap3A_2887 = arith.constant 96 : index
    %swap3A_2888 = tpu.vector_load %arg6[%swap3A_2886, %swap3A_2887] {strides = array<i32>} : memref<26x128xi32, #tpu.memory_space<vmem>>, vector<1x16xi32>,
    %swap3A_2889 = vector.shape_cast %swap3A_2888 : vector<1x16xi32> to vector<16xi32>
    %swap3A_2890 = vector.shape_cast %add3A_2884 : vector<16xi32> to vector<1x16xi32>
    tpu.vector_store %arg6[%swap3A_2886, %swap3A_2887], %swap3A_2890 {strides = array<i32>} : memref<26x128xi32, #tpu.memory_space<vmem>>, vector<1x16xi32>,
    %get3A_2891 = arith.constant 19 : i32
    %get3A_2892 = arith.index_cast %get3A_2891 : i32 to index
    %get3A_2893 = arith.constant 112 : index
    %get3A_2894 = tpu.vector_load %arg6[%get3A_2892, %get3A_2893] {strides = array<i32>} : memref<26x128xi32, #tpu.memory_space<vmem>>, vector<1x16xi32>,
    %get3A_2895 = vector.shape_cast %get3A_2894 : vector<1x16xi32> to vector<16xi32>
    %get3A_2896 = arith.constant 19 : i32
    %get3A_2897 = arith.index_cast %get3A_2896 : i32 to index
    %get3A_2898 = arith.constant 112 : index
    %get3A_2899 = tpu.vector_load %arg7[%get3A_2897, %get3A_2898] {strides = array<i32>} : memref<26x128xi32, #tpu.memory_space<vmem>>, vector<1x16xi32>,
    %get3A_2900 = vector.shape_cast %get3A_2899 : vector<1x16xi32> to vector<16xi32>
    %add3A_2901 = arith.addi %get3A_2895, %get3A_2900 : vector<16xi32>
    %swap3A_2902 = arith.constant 19 : i32
    %swap3A_2903 = arith.index_cast %swap3A_2902 : i32 to index
    %swap3A_2904 = arith.constant 112 : index
    %swap3A_2905 = tpu.vector_load %arg6[%swap3A_2903, %swap3A_2904] {strides = array<i32>} : memref<26x128xi32, #tpu.memory_space<vmem>>, vector<1x16xi32>,
    %swap3A_2906 = vector.shape_cast %swap3A_2905 : vector<1x16xi32> to vector<16xi32>
    %swap3A_2907 = vector.shape_cast %add3A_2901 : vector<16xi32> to vector<1x16xi32>
    tpu.vector_store %arg6[%swap3A_2903, %swap3A_2904], %swap3A_2907 {strides = array<i32>} : memref<26x128xi32, #tpu.memory_space<vmem>>, vector<1x16xi32>,
    %dma_start3A_2908 = arith.constant 19 : i32
    %dma_start3A_2909 = arith.constant 2432 : i32
    %dma_start3A_2910 = arith.constant 0 : i32
    %dma_start3A_2911 = tpu.memref_slice %arg8[%dma_start3A_2909, %dma_start3A_2910] : memref<3328x32xf32, #tpu.memory_space<vmem>> -> memref<128x32xf32, #tpu.memory_space<vmem>>
    %dma_start3A_2912 = arith.constant 0 : i32
    %dma_start3A_2913 = tpu.memref_slice %arg6[%dma_start3A_2908, %dma_start3A_2912] : memref<26x128xi32, #tpu.memory_space<vmem>> -> memref<1x128xi32, #tpu.memory_space<vmem>>
    %dma_start3A_2914 = tpu.memref_squeeze %dma_start3A_2913 : memref<1x128xi32, #tpu.memory_space<vmem>> -> memref<128xi32, #tpu.memory_space<vmem>>
    %dma_start3A_2915 = arith.constant 0 : i32
    %dma_start3A_2916 = arith.constant 0 : i32
    %dma_start3A_2917 = tpu.memref_slice %arg3[%dma_start3A_2915, %dma_start3A_2916] : memref<2600000x32xf32, #tpu.memory_space<hbm>> -> memref<2600000x32xf32, #tpu.memory_space<hbm>>
    tpu.enqueue_indirect_dma source(%dma_start3A_2917 : memref<2600000x32xf32, #tpu.memory_space<hbm>>) target(%dma_start3A_2911 : memref<128x32xf32, #tpu.memory_space<vmem>>) offsets(%dma_start3A_2914 : memref<128xi32, #tpu.memory_space<vmem>>) semaphore(%arg9 : memref<!tpu.dma_semaphore, #tpu.memory_space<semaphore_mem>>)
    %get3A_2918 = arith.constant 20 : i32
    %get3A_2919 = arith.index_cast %get3A_2918 : i32 to index
    %get3A_2920 = arith.constant 0 : index
    %get3A_2921 = tpu.vector_load %arg6[%get3A_2919, %get3A_2920] {strides = array<i32>} : memref<26x128xi32, #tpu.memory_space<vmem>>, vector<1x16xi32>,
    %get3A_2922 = vector.shape_cast %get3A_2921 : vector<1x16xi32> to vector<16xi32>
    %get3A_2923 = arith.constant 20 : i32
    %get3A_2924 = arith.index_cast %get3A_2923 : i32 to index
    %get3A_2925 = arith.constant 0 : index
    %get3A_2926 = tpu.vector_load %arg7[%get3A_2924, %get3A_2925] {strides = array<i32>} : memref<26x128xi32, #tpu.memory_space<vmem>>, vector<1x16xi32>,
    %get3A_2927 = vector.shape_cast %get3A_2926 : vector<1x16xi32> to vector<16xi32>
    %add3A_2928 = arith.addi %get3A_2922, %get3A_2927 : vector<16xi32>
    %swap3A_2929 = arith.constant 20 : i32
    %swap3A_2930 = arith.index_cast %swap3A_2929 : i32 to index
    %swap3A_2931 = arith.constant 0 : index
    %swap3A_2932 = tpu.vector_load %arg6[%swap3A_2930, %swap3A_2931] {strides = array<i32>} : memref<26x128xi32, #tpu.memory_space<vmem>>, vector<1x16xi32>,
    %swap3A_2933 = vector.shape_cast %swap3A_2932 : vector<1x16xi32> to vector<16xi32>
    %swap3A_2934 = vector.shape_cast %add3A_2928 : vector<16xi32> to vector<1x16xi32>
    tpu.vector_store %arg6[%swap3A_2930, %swap3A_2931], %swap3A_2934 {strides = array<i32>} : memref<26x128xi32, #tpu.memory_space<vmem>>, vector<1x16xi32>,
    %get3A_2935 = arith.constant 20 : i32
    %get3A_2936 = arith.index_cast %get3A_2935 : i32 to index
    %get3A_2937 = arith.constant 16 : index
    %get3A_2938 = tpu.vector_load %arg6[%get3A_2936, %get3A_2937] {strides = array<i32>} : memref<26x128xi32, #tpu.memory_space<vmem>>, vector<1x16xi32>,
    %get3A_2939 = vector.shape_cast %get3A_2938 : vector<1x16xi32> to vector<16xi32>
    %get3A_2940 = arith.constant 20 : i32
    %get3A_2941 = arith.index_cast %get3A_2940 : i32 to index
    %get3A_2942 = arith.constant 16 : index
    %get3A_2943 = tpu.vector_load %arg7[%get3A_2941, %get3A_2942] {strides = array<i32>} : memref<26x128xi32, #tpu.memory_space<vmem>>, vector<1x16xi32>,
    %get3A_2944 = vector.shape_cast %get3A_2943 : vector<1x16xi32> to vector<16xi32>
    %add3A_2945 = arith.addi %get3A_2939, %get3A_2944 : vector<16xi32>
    %swap3A_2946 = arith.constant 20 : i32
    %swap3A_2947 = arith.index_cast %swap3A_2946 : i32 to index
    %swap3A_2948 = arith.constant 16 : index
    %swap3A_2949 = tpu.vector_load %arg6[%swap3A_2947, %swap3A_2948] {strides = array<i32>} : memref<26x128xi32, #tpu.memory_space<vmem>>, vector<1x16xi32>,
    %swap3A_2950 = vector.shape_cast %swap3A_2949 : vector<1x16xi32> to vector<16xi32>
    %swap3A_2951 = vector.shape_cast %add3A_2945 : vector<16xi32> to vector<1x16xi32>
    tpu.vector_store %arg6[%swap3A_2947, %swap3A_2948], %swap3A_2951 {strides = array<i32>} : memref<26x128xi32, #tpu.memory_space<vmem>>, vector<1x16xi32>,
    %get3A_2952 = arith.constant 20 : i32
    %get3A_2953 = arith.index_cast %get3A_2952 : i32 to index
    %get3A_2954 = arith.constant 32 : index
    %get3A_2955 = tpu.vector_load %arg6[%get3A_2953, %get3A_2954] {strides = array<i32>} : memref<26x128xi32, #tpu.memory_space<vmem>>, vector<1x16xi32>,
    %get3A_2956 = vector.shape_cast %get3A_2955 : vector<1x16xi32> to vector<16xi32>
    %get3A_2957 = arith.constant 20 : i32
    %get3A_2958 = arith.index_cast %get3A_2957 : i32 to index
    %get3A_2959 = arith.constant 32 : index
    %get3A_2960 = tpu.vector_load %arg7[%get3A_2958, %get3A_2959] {strides = array<i32>} : memref<26x128xi32, #tpu.memory_space<vmem>>, vector<1x16xi32>,
    %get3A_2961 = vector.shape_cast %get3A_2960 : vector<1x16xi32> to vector<16xi32>
    %add3A_2962 = arith.addi %get3A_2956, %get3A_2961 : vector<16xi32>
    %swap3A_2963 = arith.constant 20 : i32
    %swap3A_2964 = arith.index_cast %swap3A_2963 : i32 to index
    %swap3A_2965 = arith.constant 32 : index
    %swap3A_2966 = tpu.vector_load %arg6[%swap3A_2964, %swap3A_2965] {strides = array<i32>} : memref<26x128xi32, #tpu.memory_space<vmem>>, vector<1x16xi32>,
    %swap3A_2967 = vector.shape_cast %swap3A_2966 : vector<1x16xi32> to vector<16xi32>
    %swap3A_2968 = vector.shape_cast %add3A_2962 : vector<16xi32> to vector<1x16xi32>
    tpu.vector_store %arg6[%swap3A_2964, %swap3A_2965], %swap3A_2968 {strides = array<i32>} : memref<26x128xi32, #tpu.memory_space<vmem>>, vector<1x16xi32>,
    %get3A_2969 = arith.constant 20 : i32
    %get3A_2970 = arith.index_cast %get3A_2969 : i32 to index
    %get3A_2971 = arith.constant 48 : index
    %get3A_2972 = tpu.vector_load %arg6[%get3A_2970, %get3A_2971] {strides = array<i32>} : memref<26x128xi32, #tpu.memory_space<vmem>>, vector<1x16xi32>,
    %get3A_2973 = vector.shape_cast %get3A_2972 : vector<1x16xi32> to vector<16xi32>
    %get3A_2974 = arith.constant 20 : i32
    %get3A_2975 = arith.index_cast %get3A_2974 : i32 to index
    %get3A_2976 = arith.constant 48 : index
    %get3A_2977 = tpu.vector_load %arg7[%get3A_2975, %get3A_2976] {strides = array<i32>} : memref<26x128xi32, #tpu.memory_space<vmem>>, vector<1x16xi32>,
    %get3A_2978 = vector.shape_cast %get3A_2977 : vector<1x16xi32> to vector<16xi32>
    %add3A_2979 = arith.addi %get3A_2973, %get3A_2978 : vector<16xi32>
    %swap3A_2980 = arith.constant 20 : i32
    %swap3A_2981 = arith.index_cast %swap3A_2980 : i32 to index
    %swap3A_2982 = arith.constant 48 : index
    %swap3A_2983 = tpu.vector_load %arg6[%swap3A_2981, %swap3A_2982] {strides = array<i32>} : memref<26x128xi32, #tpu.memory_space<vmem>>, vector<1x16xi32>,
    %swap3A_2984 = vector.shape_cast %swap3A_2983 : vector<1x16xi32> to vector<16xi32>
    %swap3A_2985 = vector.shape_cast %add3A_2979 : vector<16xi32> to vector<1x16xi32>
    tpu.vector_store %arg6[%swap3A_2981, %swap3A_2982], %swap3A_2985 {strides = array<i32>} : memref<26x128xi32, #tpu.memory_space<vmem>>, vector<1x16xi32>,
    %get3A_2986 = arith.constant 20 : i32
    %get3A_2987 = arith.index_cast %get3A_2986 : i32 to index
    %get3A_2988 = arith.constant 64 : index
    %get3A_2989 = tpu.vector_load %arg6[%get3A_2987, %get3A_2988] {strides = array<i32>} : memref<26x128xi32, #tpu.memory_space<vmem>>, vector<1x16xi32>,
    %get3A_2990 = vector.shape_cast %get3A_2989 : vector<1x16xi32> to vector<16xi32>
    %get3A_2991 = arith.constant 20 : i32
    %get3A_2992 = arith.index_cast %get3A_2991 : i32 to index
    %get3A_2993 = arith.constant 64 : index
    %get3A_2994 = tpu.vector_load %arg7[%get3A_2992, %get3A_2993] {strides = array<i32>} : memref<26x128xi32, #tpu.memory_space<vmem>>, vector<1x16xi32>,
    %get3A_2995 = vector.shape_cast %get3A_2994 : vector<1x16xi32> to vector<16xi32>
    %add3A_2996 = arith.addi %get3A_2990, %get3A_2995 : vector<16xi32>
    %swap3A_2997 = arith.constant 20 : i32
    %swap3A_2998 = arith.index_cast %swap3A_2997 : i32 to index
    %swap3A_2999 = arith.constant 64 : index
    %swap3A_3000 = tpu.vector_load %arg6[%swap3A_2998, %swap3A_2999] {strides = array<i32>} : memref<26x128xi32, #tpu.memory_space<vmem>>, vector<1x16xi32>,
    %swap3A_3001 = vector.shape_cast %swap3A_3000 : vector<1x16xi32> to vector<16xi32>
    %swap3A_3002 = vector.shape_cast %add3A_2996 : vector<16xi32> to vector<1x16xi32>
    tpu.vector_store %arg6[%swap3A_2998, %swap3A_2999], %swap3A_3002 {strides = array<i32>} : memref<26x128xi32, #tpu.memory_space<vmem>>, vector<1x16xi32>,
    %get3A_3003 = arith.constant 20 : i32
    %get3A_3004 = arith.index_cast %get3A_3003 : i32 to index
    %get3A_3005 = arith.constant 80 : index
    %get3A_3006 = tpu.vector_load %arg6[%get3A_3004, %get3A_3005] {strides = array<i32>} : memref<26x128xi32, #tpu.memory_space<vmem>>, vector<1x16xi32>,
    %get3A_3007 = vector.shape_cast %get3A_3006 : vector<1x16xi32> to vector<16xi32>
    %get3A_3008 = arith.constant 20 : i32
    %get3A_3009 = arith.index_cast %get3A_3008 : i32 to index
    %get3A_3010 = arith.constant 80 : index
    %get3A_3011 = tpu.vector_load %arg7[%get3A_3009, %get3A_3010] {strides = array<i32>} : memref<26x128xi32, #tpu.memory_space<vmem>>, vector<1x16xi32>,
    %get3A_3012 = vector.shape_cast %get3A_3011 : vector<1x16xi32> to vector<16xi32>
    %add3A_3013 = arith.addi %get3A_3007, %get3A_3012 : vector<16xi32>
    %swap3A_3014 = arith.constant 20 : i32
    %swap3A_3015 = arith.index_cast %swap3A_3014 : i32 to index
    %swap3A_3016 = arith.constant 80 : index
    %swap3A_3017 = tpu.vector_load %arg6[%swap3A_3015, %swap3A_3016] {strides = array<i32>} : memref<26x128xi32, #tpu.memory_space<vmem>>, vector<1x16xi32>,
    %swap3A_3018 = vector.shape_cast %swap3A_3017 : vector<1x16xi32> to vector<16xi32>
    %swap3A_3019 = vector.shape_cast %add3A_3013 : vector<16xi32> to vector<1x16xi32>
    tpu.vector_store %arg6[%swap3A_3015, %swap3A_3016], %swap3A_3019 {strides = array<i32>} : memref<26x128xi32, #tpu.memory_space<vmem>>, vector<1x16xi32>,
    %get3A_3020 = arith.constant 20 : i32
    %get3A_3021 = arith.index_cast %get3A_3020 : i32 to index
    %get3A_3022 = arith.constant 96 : index
    %get3A_3023 = tpu.vector_load %arg6[%get3A_3021, %get3A_3022] {strides = array<i32>} : memref<26x128xi32, #tpu.memory_space<vmem>>, vector<1x16xi32>,
    %get3A_3024 = vector.shape_cast %get3A_3023 : vector<1x16xi32> to vector<16xi32>
    %get3A_3025 = arith.constant 20 : i32
    %get3A_3026 = arith.index_cast %get3A_3025 : i32 to index
    %get3A_3027 = arith.constant 96 : index
    %get3A_3028 = tpu.vector_load %arg7[%get3A_3026, %get3A_3027] {strides = array<i32>} : memref<26x128xi32, #tpu.memory_space<vmem>>, vector<1x16xi32>,
    %get3A_3029 = vector.shape_cast %get3A_3028 : vector<1x16xi32> to vector<16xi32>
    %add3A_3030 = arith.addi %get3A_3024, %get3A_3029 : vector<16xi32>
    %swap3A_3031 = arith.constant 20 : i32
    %swap3A_3032 = arith.index_cast %swap3A_3031 : i32 to index
    %swap3A_3033 = arith.constant 96 : index
    %swap3A_3034 = tpu.vector_load %arg6[%swap3A_3032, %swap3A_3033] {strides = array<i32>} : memref<26x128xi32, #tpu.memory_space<vmem>>, vector<1x16xi32>,
    %swap3A_3035 = vector.shape_cast %swap3A_3034 : vector<1x16xi32> to vector<16xi32>
    %swap3A_3036 = vector.shape_cast %add3A_3030 : vector<16xi32> to vector<1x16xi32>
    tpu.vector_store %arg6[%swap3A_3032, %swap3A_3033], %swap3A_3036 {strides = array<i32>} : memref<26x128xi32, #tpu.memory_space<vmem>>, vector<1x16xi32>,
    %get3A_3037 = arith.constant 20 : i32
    %get3A_3038 = arith.index_cast %get3A_3037 : i32 to index
    %get3A_3039 = arith.constant 112 : index
    %get3A_3040 = tpu.vector_load %arg6[%get3A_3038, %get3A_3039] {strides = array<i32>} : memref<26x128xi32, #tpu.memory_space<vmem>>, vector<1x16xi32>,
    %get3A_3041 = vector.shape_cast %get3A_3040 : vector<1x16xi32> to vector<16xi32>
    %get3A_3042 = arith.constant 20 : i32
    %get3A_3043 = arith.index_cast %get3A_3042 : i32 to index
    %get3A_3044 = arith.constant 112 : index
    %get3A_3045 = tpu.vector_load %arg7[%get3A_3043, %get3A_3044] {strides = array<i32>} : memref<26x128xi32, #tpu.memory_space<vmem>>, vector<1x16xi32>,
    %get3A_3046 = vector.shape_cast %get3A_3045 : vector<1x16xi32> to vector<16xi32>
    %add3A_3047 = arith.addi %get3A_3041, %get3A_3046 : vector<16xi32>
    %swap3A_3048 = arith.constant 20 : i32
    %swap3A_3049 = arith.index_cast %swap3A_3048 : i32 to index
    %swap3A_3050 = arith.constant 112 : index
    %swap3A_3051 = tpu.vector_load %arg6[%swap3A_3049, %swap3A_3050] {strides = array<i32>} : memref<26x128xi32, #tpu.memory_space<vmem>>, vector<1x16xi32>,
    %swap3A_3052 = vector.shape_cast %swap3A_3051 : vector<1x16xi32> to vector<16xi32>
    %swap3A_3053 = vector.shape_cast %add3A_3047 : vector<16xi32> to vector<1x16xi32>
    tpu.vector_store %arg6[%swap3A_3049, %swap3A_3050], %swap3A_3053 {strides = array<i32>} : memref<26x128xi32, #tpu.memory_space<vmem>>, vector<1x16xi32>,
    %dma_start3A_3054 = arith.constant 20 : i32
    %dma_start3A_3055 = arith.constant 2560 : i32
    %dma_start3A_3056 = arith.constant 0 : i32
    %dma_start3A_3057 = tpu.memref_slice %arg8[%dma_start3A_3055, %dma_start3A_3056] : memref<3328x32xf32, #tpu.memory_space<vmem>> -> memref<128x32xf32, #tpu.memory_space<vmem>>
    %dma_start3A_3058 = arith.constant 0 : i32
    %dma_start3A_3059 = tpu.memref_slice %arg6[%dma_start3A_3054, %dma_start3A_3058] : memref<26x128xi32, #tpu.memory_space<vmem>> -> memref<1x128xi32, #tpu.memory_space<vmem>>
    %dma_start3A_3060 = tpu.memref_squeeze %dma_start3A_3059 : memref<1x128xi32, #tpu.memory_space<vmem>> -> memref<128xi32, #tpu.memory_space<vmem>>
    %dma_start3A_3061 = arith.constant 0 : i32
    %dma_start3A_3062 = arith.constant 0 : i32
    %dma_start3A_3063 = tpu.memref_slice %arg3[%dma_start3A_3061, %dma_start3A_3062] : memref<2600000x32xf32, #tpu.memory_space<hbm>> -> memref<2600000x32xf32, #tpu.memory_space<hbm>>
    tpu.enqueue_indirect_dma source(%dma_start3A_3063 : memref<2600000x32xf32, #tpu.memory_space<hbm>>) target(%dma_start3A_3057 : memref<128x32xf32, #tpu.memory_space<vmem>>) offsets(%dma_start3A_3060 : memref<128xi32, #tpu.memory_space<vmem>>) semaphore(%arg9 : memref<!tpu.dma_semaphore, #tpu.memory_space<semaphore_mem>>)
    %get3A_3064 = arith.constant 21 : i32
    %get3A_3065 = arith.index_cast %get3A_3064 : i32 to index
    %get3A_3066 = arith.constant 0 : index
    %get3A_3067 = tpu.vector_load %arg6[%get3A_3065, %get3A_3066] {strides = array<i32>} : memref<26x128xi32, #tpu.memory_space<vmem>>, vector<1x16xi32>,
    %get3A_3068 = vector.shape_cast %get3A_3067 : vector<1x16xi32> to vector<16xi32>
    %get3A_3069 = arith.constant 21 : i32
    %get3A_3070 = arith.index_cast %get3A_3069 : i32 to index
    %get3A_3071 = arith.constant 0 : index
    %get3A_3072 = tpu.vector_load %arg7[%get3A_3070, %get3A_3071] {strides = array<i32>} : memref<26x128xi32, #tpu.memory_space<vmem>>, vector<1x16xi32>,
    %get3A_3073 = vector.shape_cast %get3A_3072 : vector<1x16xi32> to vector<16xi32>
    %add3A_3074 = arith.addi %get3A_3068, %get3A_3073 : vector<16xi32>
    %swap3A_3075 = arith.constant 21 : i32
    %swap3A_3076 = arith.index_cast %swap3A_3075 : i32 to index
    %swap3A_3077 = arith.constant 0 : index
    %swap3A_3078 = tpu.vector_load %arg6[%swap3A_3076, %swap3A_3077] {strides = array<i32>} : memref<26x128xi32, #tpu.memory_space<vmem>>, vector<1x16xi32>,
    %swap3A_3079 = vector.shape_cast %swap3A_3078 : vector<1x16xi32> to vector<16xi32>
    %swap3A_3080 = vector.shape_cast %add3A_3074 : vector<16xi32> to vector<1x16xi32>
    tpu.vector_store %arg6[%swap3A_3076, %swap3A_3077], %swap3A_3080 {strides = array<i32>} : memref<26x128xi32, #tpu.memory_space<vmem>>, vector<1x16xi32>,
    %get3A_3081 = arith.constant 21 : i32
    %get3A_3082 = arith.index_cast %get3A_3081 : i32 to index
    %get3A_3083 = arith.constant 16 : index
    %get3A_3084 = tpu.vector_load %arg6[%get3A_3082, %get3A_3083] {strides = array<i32>} : memref<26x128xi32, #tpu.memory_space<vmem>>, vector<1x16xi32>,
    %get3A_3085 = vector.shape_cast %get3A_3084 : vector<1x16xi32> to vector<16xi32>
    %get3A_3086 = arith.constant 21 : i32
    %get3A_3087 = arith.index_cast %get3A_3086 : i32 to index
    %get3A_3088 = arith.constant 16 : index
    %get3A_3089 = tpu.vector_load %arg7[%get3A_3087, %get3A_3088] {strides = array<i32>} : memref<26x128xi32, #tpu.memory_space<vmem>>, vector<1x16xi32>,
    %get3A_3090 = vector.shape_cast %get3A_3089 : vector<1x16xi32> to vector<16xi32>
    %add3A_3091 = arith.addi %get3A_3085, %get3A_3090 : vector<16xi32>
    %swap3A_3092 = arith.constant 21 : i32
    %swap3A_3093 = arith.index_cast %swap3A_3092 : i32 to index
    %swap3A_3094 = arith.constant 16 : index
    %swap3A_3095 = tpu.vector_load %arg6[%swap3A_3093, %swap3A_3094] {strides = array<i32>} : memref<26x128xi32, #tpu.memory_space<vmem>>, vector<1x16xi32>,
    %swap3A_3096 = vector.shape_cast %swap3A_3095 : vector<1x16xi32> to vector<16xi32>
    %swap3A_3097 = vector.shape_cast %add3A_3091 : vector<16xi32> to vector<1x16xi32>
    tpu.vector_store %arg6[%swap3A_3093, %swap3A_3094], %swap3A_3097 {strides = array<i32>} : memref<26x128xi32, #tpu.memory_space<vmem>>, vector<1x16xi32>,
    %get3A_3098 = arith.constant 21 : i32
    %get3A_3099 = arith.index_cast %get3A_3098 : i32 to index
    %get3A_3100 = arith.constant 32 : index
    %get3A_3101 = tpu.vector_load %arg6[%get3A_3099, %get3A_3100] {strides = array<i32>} : memref<26x128xi32, #tpu.memory_space<vmem>>, vector<1x16xi32>,
    %get3A_3102 = vector.shape_cast %get3A_3101 : vector<1x16xi32> to vector<16xi32>
    %get3A_3103 = arith.constant 21 : i32
    %get3A_3104 = arith.index_cast %get3A_3103 : i32 to index
    %get3A_3105 = arith.constant 32 : index
    %get3A_3106 = tpu.vector_load %arg7[%get3A_3104, %get3A_3105] {strides = array<i32>} : memref<26x128xi32, #tpu.memory_space<vmem>>, vector<1x16xi32>,
    %get3A_3107 = vector.shape_cast %get3A_3106 : vector<1x16xi32> to vector<16xi32>
    %add3A_3108 = arith.addi %get3A_3102, %get3A_3107 : vector<16xi32>
    %swap3A_3109 = arith.constant 21 : i32
    %swap3A_3110 = arith.index_cast %swap3A_3109 : i32 to index
    %swap3A_3111 = arith.constant 32 : index
    %swap3A_3112 = tpu.vector_load %arg6[%swap3A_3110, %swap3A_3111] {strides = array<i32>} : memref<26x128xi32, #tpu.memory_space<vmem>>, vector<1x16xi32>,
    %swap3A_3113 = vector.shape_cast %swap3A_3112 : vector<1x16xi32> to vector<16xi32>
    %swap3A_3114 = vector.shape_cast %add3A_3108 : vector<16xi32> to vector<1x16xi32>
    tpu.vector_store %arg6[%swap3A_3110, %swap3A_3111], %swap3A_3114 {strides = array<i32>} : memref<26x128xi32, #tpu.memory_space<vmem>>, vector<1x16xi32>,
    %get3A_3115 = arith.constant 21 : i32
    %get3A_3116 = arith.index_cast %get3A_3115 : i32 to index
    %get3A_3117 = arith.constant 48 : index
    %get3A_3118 = tpu.vector_load %arg6[%get3A_3116, %get3A_3117] {strides = array<i32>} : memref<26x128xi32, #tpu.memory_space<vmem>>, vector<1x16xi32>,
    %get3A_3119 = vector.shape_cast %get3A_3118 : vector<1x16xi32> to vector<16xi32>
    %get3A_3120 = arith.constant 21 : i32
    %get3A_3121 = arith.index_cast %get3A_3120 : i32 to index
    %get3A_3122 = arith.constant 48 : index
    %get3A_3123 = tpu.vector_load %arg7[%get3A_3121, %get3A_3122] {strides = array<i32>} : memref<26x128xi32, #tpu.memory_space<vmem>>, vector<1x16xi32>,
    %get3A_3124 = vector.shape_cast %get3A_3123 : vector<1x16xi32> to vector<16xi32>
    %add3A_3125 = arith.addi %get3A_3119, %get3A_3124 : vector<16xi32>
    %swap3A_3126 = arith.constant 21 : i32
    %swap3A_3127 = arith.index_cast %swap3A_3126 : i32 to index
    %swap3A_3128 = arith.constant 48 : index
    %swap3A_3129 = tpu.vector_load %arg6[%swap3A_3127, %swap3A_3128] {strides = array<i32>} : memref<26x128xi32, #tpu.memory_space<vmem>>, vector<1x16xi32>,
    %swap3A_3130 = vector.shape_cast %swap3A_3129 : vector<1x16xi32> to vector<16xi32>
    %swap3A_3131 = vector.shape_cast %add3A_3125 : vector<16xi32> to vector<1x16xi32>
    tpu.vector_store %arg6[%swap3A_3127, %swap3A_3128], %swap3A_3131 {strides = array<i32>} : memref<26x128xi32, #tpu.memory_space<vmem>>, vector<1x16xi32>,
    %get3A_3132 = arith.constant 21 : i32
    %get3A_3133 = arith.index_cast %get3A_3132 : i32 to index
    %get3A_3134 = arith.constant 64 : index
    %get3A_3135 = tpu.vector_load %arg6[%get3A_3133, %get3A_3134] {strides = array<i32>} : memref<26x128xi32, #tpu.memory_space<vmem>>, vector<1x16xi32>,
    %get3A_3136 = vector.shape_cast %get3A_3135 : vector<1x16xi32> to vector<16xi32>
    %get3A_3137 = arith.constant 21 : i32
    %get3A_3138 = arith.index_cast %get3A_3137 : i32 to index
    %get3A_3139 = arith.constant 64 : index
    %get3A_3140 = tpu.vector_load %arg7[%get3A_3138, %get3A_3139] {strides = array<i32>} : memref<26x128xi32, #tpu.memory_space<vmem>>, vector<1x16xi32>,
    %get3A_3141 = vector.shape_cast %get3A_3140 : vector<1x16xi32> to vector<16xi32>
    %add3A_3142 = arith.addi %get3A_3136, %get3A_3141 : vector<16xi32>
    %swap3A_3143 = arith.constant 21 : i32
    %swap3A_3144 = arith.index_cast %swap3A_3143 : i32 to index
    %swap3A_3145 = arith.constant 64 : index
    %swap3A_3146 = tpu.vector_load %arg6[%swap3A_3144, %swap3A_3145] {strides = array<i32>} : memref<26x128xi32, #tpu.memory_space<vmem>>, vector<1x16xi32>,
    %swap3A_3147 = vector.shape_cast %swap3A_3146 : vector<1x16xi32> to vector<16xi32>
    %swap3A_3148 = vector.shape_cast %add3A_3142 : vector<16xi32> to vector<1x16xi32>
    tpu.vector_store %arg6[%swap3A_3144, %swap3A_3145], %swap3A_3148 {strides = array<i32>} : memref<26x128xi32, #tpu.memory_space<vmem>>, vector<1x16xi32>,
    %get3A_3149 = arith.constant 21 : i32
    %get3A_3150 = arith.index_cast %get3A_3149 : i32 to index
    %get3A_3151 = arith.constant 80 : index
    %get3A_3152 = tpu.vector_load %arg6[%get3A_3150, %get3A_3151] {strides = array<i32>} : memref<26x128xi32, #tpu.memory_space<vmem>>, vector<1x16xi32>,
    %get3A_3153 = vector.shape_cast %get3A_3152 : vector<1x16xi32> to vector<16xi32>
    %get3A_3154 = arith.constant 21 : i32
    %get3A_3155 = arith.index_cast %get3A_3154 : i32 to index
    %get3A_3156 = arith.constant 80 : index
    %get3A_3157 = tpu.vector_load %arg7[%get3A_3155, %get3A_3156] {strides = array<i32>} : memref<26x128xi32, #tpu.memory_space<vmem>>, vector<1x16xi32>,
    %get3A_3158 = vector.shape_cast %get3A_3157 : vector<1x16xi32> to vector<16xi32>
    %add3A_3159 = arith.addi %get3A_3153, %get3A_3158 : vector<16xi32>
    %swap3A_3160 = arith.constant 21 : i32
    %swap3A_3161 = arith.index_cast %swap3A_3160 : i32 to index
    %swap3A_3162 = arith.constant 80 : index
    %swap3A_3163 = tpu.vector_load %arg6[%swap3A_3161, %swap3A_3162] {strides = array<i32>} : memref<26x128xi32, #tpu.memory_space<vmem>>, vector<1x16xi32>,
    %swap3A_3164 = vector.shape_cast %swap3A_3163 : vector<1x16xi32> to vector<16xi32>
    %swap3A_3165 = vector.shape_cast %add3A_3159 : vector<16xi32> to vector<1x16xi32>
    tpu.vector_store %arg6[%swap3A_3161, %swap3A_3162], %swap3A_3165 {strides = array<i32>} : memref<26x128xi32, #tpu.memory_space<vmem>>, vector<1x16xi32>,
    %get3A_3166 = arith.constant 21 : i32
    %get3A_3167 = arith.index_cast %get3A_3166 : i32 to index
    %get3A_3168 = arith.constant 96 : index
    %get3A_3169 = tpu.vector_load %arg6[%get3A_3167, %get3A_3168] {strides = array<i32>} : memref<26x128xi32, #tpu.memory_space<vmem>>, vector<1x16xi32>,
    %get3A_3170 = vector.shape_cast %get3A_3169 : vector<1x16xi32> to vector<16xi32>
    %get3A_3171 = arith.constant 21 : i32
    %get3A_3172 = arith.index_cast %get3A_3171 : i32 to index
    %get3A_3173 = arith.constant 96 : index
    %get3A_3174 = tpu.vector_load %arg7[%get3A_3172, %get3A_3173] {strides = array<i32>} : memref<26x128xi32, #tpu.memory_space<vmem>>, vector<1x16xi32>,
    %get3A_3175 = vector.shape_cast %get3A_3174 : vector<1x16xi32> to vector<16xi32>
    %add3A_3176 = arith.addi %get3A_3170, %get3A_3175 : vector<16xi32>
    %swap3A_3177 = arith.constant 21 : i32
    %swap3A_3178 = arith.index_cast %swap3A_3177 : i32 to index
    %swap3A_3179 = arith.constant 96 : index
    %swap3A_3180 = tpu.vector_load %arg6[%swap3A_3178, %swap3A_3179] {strides = array<i32>} : memref<26x128xi32, #tpu.memory_space<vmem>>, vector<1x16xi32>,
    %swap3A_3181 = vector.shape_cast %swap3A_3180 : vector<1x16xi32> to vector<16xi32>
    %swap3A_3182 = vector.shape_cast %add3A_3176 : vector<16xi32> to vector<1x16xi32>
    tpu.vector_store %arg6[%swap3A_3178, %swap3A_3179], %swap3A_3182 {strides = array<i32>} : memref<26x128xi32, #tpu.memory_space<vmem>>, vector<1x16xi32>,
    %get3A_3183 = arith.constant 21 : i32
    %get3A_3184 = arith.index_cast %get3A_3183 : i32 to index
    %get3A_3185 = arith.constant 112 : index
    %get3A_3186 = tpu.vector_load %arg6[%get3A_3184, %get3A_3185] {strides = array<i32>} : memref<26x128xi32, #tpu.memory_space<vmem>>, vector<1x16xi32>,
    %get3A_3187 = vector.shape_cast %get3A_3186 : vector<1x16xi32> to vector<16xi32>
    %get3A_3188 = arith.constant 21 : i32
    %get3A_3189 = arith.index_cast %get3A_3188 : i32 to index
    %get3A_3190 = arith.constant 112 : index
    %get3A_3191 = tpu.vector_load %arg7[%get3A_3189, %get3A_3190] {strides = array<i32>} : memref<26x128xi32, #tpu.memory_space<vmem>>, vector<1x16xi32>,
    %get3A_3192 = vector.shape_cast %get3A_3191 : vector<1x16xi32> to vector<16xi32>
    %add3A_3193 = arith.addi %get3A_3187, %get3A_3192 : vector<16xi32>
    %swap3A_3194 = arith.constant 21 : i32
    %swap3A_3195 = arith.index_cast %swap3A_3194 : i32 to index
    %swap3A_3196 = arith.constant 112 : index
    %swap3A_3197 = tpu.vector_load %arg6[%swap3A_3195, %swap3A_3196] {strides = array<i32>} : memref<26x128xi32, #tpu.memory_space<vmem>>, vector<1x16xi32>,
    %swap3A_3198 = vector.shape_cast %swap3A_3197 : vector<1x16xi32> to vector<16xi32>
    %swap3A_3199 = vector.shape_cast %add3A_3193 : vector<16xi32> to vector<1x16xi32>
    tpu.vector_store %arg6[%swap3A_3195, %swap3A_3196], %swap3A_3199 {strides = array<i32>} : memref<26x128xi32, #tpu.memory_space<vmem>>, vector<1x16xi32>,
    %dma_start3A_3200 = arith.constant 21 : i32
    %dma_start3A_3201 = arith.constant 2688 : i32
    %dma_start3A_3202 = arith.constant 0 : i32
    %dma_start3A_3203 = tpu.memref_slice %arg8[%dma_start3A_3201, %dma_start3A_3202] : memref<3328x32xf32, #tpu.memory_space<vmem>> -> memref<128x32xf32, #tpu.memory_space<vmem>>
    %dma_start3A_3204 = arith.constant 0 : i32
    %dma_start3A_3205 = tpu.memref_slice %arg6[%dma_start3A_3200, %dma_start3A_3204] : memref<26x128xi32, #tpu.memory_space<vmem>> -> memref<1x128xi32, #tpu.memory_space<vmem>>
    %dma_start3A_3206 = tpu.memref_squeeze %dma_start3A_3205 : memref<1x128xi32, #tpu.memory_space<vmem>> -> memref<128xi32, #tpu.memory_space<vmem>>
    %dma_start3A_3207 = arith.constant 0 : i32
    %dma_start3A_3208 = arith.constant 0 : i32
    %dma_start3A_3209 = tpu.memref_slice %arg3[%dma_start3A_3207, %dma_start3A_3208] : memref<2600000x32xf32, #tpu.memory_space<hbm>> -> memref<2600000x32xf32, #tpu.memory_space<hbm>>
    tpu.enqueue_indirect_dma source(%dma_start3A_3209 : memref<2600000x32xf32, #tpu.memory_space<hbm>>) target(%dma_start3A_3203 : memref<128x32xf32, #tpu.memory_space<vmem>>) offsets(%dma_start3A_3206 : memref<128xi32, #tpu.memory_space<vmem>>) semaphore(%arg9 : memref<!tpu.dma_semaphore, #tpu.memory_space<semaphore_mem>>)
    %get3A_3210 = arith.constant 22 : i32
    %get3A_3211 = arith.index_cast %get3A_3210 : i32 to index
    %get3A_3212 = arith.constant 0 : index
    %get3A_3213 = tpu.vector_load %arg6[%get3A_3211, %get3A_3212] {strides = array<i32>} : memref<26x128xi32, #tpu.memory_space<vmem>>, vector<1x16xi32>,
    %get3A_3214 = vector.shape_cast %get3A_3213 : vector<1x16xi32> to vector<16xi32>
    %get3A_3215 = arith.constant 22 : i32
    %get3A_3216 = arith.index_cast %get3A_3215 : i32 to index
    %get3A_3217 = arith.constant 0 : index
    %get3A_3218 = tpu.vector_load %arg7[%get3A_3216, %get3A_3217] {strides = array<i32>} : memref<26x128xi32, #tpu.memory_space<vmem>>, vector<1x16xi32>,
    %get3A_3219 = vector.shape_cast %get3A_3218 : vector<1x16xi32> to vector<16xi32>
    %add3A_3220 = arith.addi %get3A_3214, %get3A_3219 : vector<16xi32>
    %swap3A_3221 = arith.constant 22 : i32
    %swap3A_3222 = arith.index_cast %swap3A_3221 : i32 to index
    %swap3A_3223 = arith.constant 0 : index
    %swap3A_3224 = tpu.vector_load %arg6[%swap3A_3222, %swap3A_3223] {strides = array<i32>} : memref<26x128xi32, #tpu.memory_space<vmem>>, vector<1x16xi32>,
    %swap3A_3225 = vector.shape_cast %swap3A_3224 : vector<1x16xi32> to vector<16xi32>
    %swap3A_3226 = vector.shape_cast %add3A_3220 : vector<16xi32> to vector<1x16xi32>
    tpu.vector_store %arg6[%swap3A_3222, %swap3A_3223], %swap3A_3226 {strides = array<i32>} : memref<26x128xi32, #tpu.memory_space<vmem>>, vector<1x16xi32>,
    %get3A_3227 = arith.constant 22 : i32
    %get3A_3228 = arith.index_cast %get3A_3227 : i32 to index
    %get3A_3229 = arith.constant 16 : index
    %get3A_3230 = tpu.vector_load %arg6[%get3A_3228, %get3A_3229] {strides = array<i32>} : memref<26x128xi32, #tpu.memory_space<vmem>>, vector<1x16xi32>,
    %get3A_3231 = vector.shape_cast %get3A_3230 : vector<1x16xi32> to vector<16xi32>
    %get3A_3232 = arith.constant 22 : i32
    %get3A_3233 = arith.index_cast %get3A_3232 : i32 to index
    %get3A_3234 = arith.constant 16 : index
    %get3A_3235 = tpu.vector_load %arg7[%get3A_3233, %get3A_3234] {strides = array<i32>} : memref<26x128xi32, #tpu.memory_space<vmem>>, vector<1x16xi32>,
    %get3A_3236 = vector.shape_cast %get3A_3235 : vector<1x16xi32> to vector<16xi32>
    %add3A_3237 = arith.addi %get3A_3231, %get3A_3236 : vector<16xi32>
    %swap3A_3238 = arith.constant 22 : i32
    %swap3A_3239 = arith.index_cast %swap3A_3238 : i32 to index
    %swap3A_3240 = arith.constant 16 : index
    %swap3A_3241 = tpu.vector_load %arg6[%swap3A_3239, %swap3A_3240] {strides = array<i32>} : memref<26x128xi32, #tpu.memory_space<vmem>>, vector<1x16xi32>,
    %swap3A_3242 = vector.shape_cast %swap3A_3241 : vector<1x16xi32> to vector<16xi32>
    %swap3A_3243 = vector.shape_cast %add3A_3237 : vector<16xi32> to vector<1x16xi32>
    tpu.vector_store %arg6[%swap3A_3239, %swap3A_3240], %swap3A_3243 {strides = array<i32>} : memref<26x128xi32, #tpu.memory_space<vmem>>, vector<1x16xi32>,
    %get3A_3244 = arith.constant 22 : i32
    %get3A_3245 = arith.index_cast %get3A_3244 : i32 to index
    %get3A_3246 = arith.constant 32 : index
    %get3A_3247 = tpu.vector_load %arg6[%get3A_3245, %get3A_3246] {strides = array<i32>} : memref<26x128xi32, #tpu.memory_space<vmem>>, vector<1x16xi32>,
    %get3A_3248 = vector.shape_cast %get3A_3247 : vector<1x16xi32> to vector<16xi32>
    %get3A_3249 = arith.constant 22 : i32
    %get3A_3250 = arith.index_cast %get3A_3249 : i32 to index
    %get3A_3251 = arith.constant 32 : index
    %get3A_3252 = tpu.vector_load %arg7[%get3A_3250, %get3A_3251] {strides = array<i32>} : memref<26x128xi32, #tpu.memory_space<vmem>>, vector<1x16xi32>,
    %get3A_3253 = vector.shape_cast %get3A_3252 : vector<1x16xi32> to vector<16xi32>
    %add3A_3254 = arith.addi %get3A_3248, %get3A_3253 : vector<16xi32>
    %swap3A_3255 = arith.constant 22 : i32
    %swap3A_3256 = arith.index_cast %swap3A_3255 : i32 to index
    %swap3A_3257 = arith.constant 32 : index
    %swap3A_3258 = tpu.vector_load %arg6[%swap3A_3256, %swap3A_3257] {strides = array<i32>} : memref<26x128xi32, #tpu.memory_space<vmem>>, vector<1x16xi32>,
    %swap3A_3259 = vector.shape_cast %swap3A_3258 : vector<1x16xi32> to vector<16xi32>
    %swap3A_3260 = vector.shape_cast %add3A_3254 : vector<16xi32> to vector<1x16xi32>
    tpu.vector_store %arg6[%swap3A_3256, %swap3A_3257], %swap3A_3260 {strides = array<i32>} : memref<26x128xi32, #tpu.memory_space<vmem>>, vector<1x16xi32>,
    %get3A_3261 = arith.constant 22 : i32
    %get3A_3262 = arith.index_cast %get3A_3261 : i32 to index
    %get3A_3263 = arith.constant 48 : index
    %get3A_3264 = tpu.vector_load %arg6[%get3A_3262, %get3A_3263] {strides = array<i32>} : memref<26x128xi32, #tpu.memory_space<vmem>>, vector<1x16xi32>,
    %get3A_3265 = vector.shape_cast %get3A_3264 : vector<1x16xi32> to vector<16xi32>
    %get3A_3266 = arith.constant 22 : i32
    %get3A_3267 = arith.index_cast %get3A_3266 : i32 to index
    %get3A_3268 = arith.constant 48 : index
    %get3A_3269 = tpu.vector_load %arg7[%get3A_3267, %get3A_3268] {strides = array<i32>} : memref<26x128xi32, #tpu.memory_space<vmem>>, vector<1x16xi32>,
    %get3A_3270 = vector.shape_cast %get3A_3269 : vector<1x16xi32> to vector<16xi32>
    %add3A_3271 = arith.addi %get3A_3265, %get3A_3270 : vector<16xi32>
    %swap3A_3272 = arith.constant 22 : i32
    %swap3A_3273 = arith.index_cast %swap3A_3272 : i32 to index
    %swap3A_3274 = arith.constant 48 : index
    %swap3A_3275 = tpu.vector_load %arg6[%swap3A_3273, %swap3A_3274] {strides = array<i32>} : memref<26x128xi32, #tpu.memory_space<vmem>>, vector<1x16xi32>,
    %swap3A_3276 = vector.shape_cast %swap3A_3275 : vector<1x16xi32> to vector<16xi32>
    %swap3A_3277 = vector.shape_cast %add3A_3271 : vector<16xi32> to vector<1x16xi32>
    tpu.vector_store %arg6[%swap3A_3273, %swap3A_3274], %swap3A_3277 {strides = array<i32>} : memref<26x128xi32, #tpu.memory_space<vmem>>, vector<1x16xi32>,
    %get3A_3278 = arith.constant 22 : i32
    %get3A_3279 = arith.index_cast %get3A_3278 : i32 to index
    %get3A_3280 = arith.constant 64 : index
    %get3A_3281 = tpu.vector_load %arg6[%get3A_3279, %get3A_3280] {strides = array<i32>} : memref<26x128xi32, #tpu.memory_space<vmem>>, vector<1x16xi32>,
    %get3A_3282 = vector.shape_cast %get3A_3281 : vector<1x16xi32> to vector<16xi32>
    %get3A_3283 = arith.constant 22 : i32
    %get3A_3284 = arith.index_cast %get3A_3283 : i32 to index
    %get3A_3285 = arith.constant 64 : index
    %get3A_3286 = tpu.vector_load %arg7[%get3A_3284, %get3A_3285] {strides = array<i32>} : memref<26x128xi32, #tpu.memory_space<vmem>>, vector<1x16xi32>,
    %get3A_3287 = vector.shape_cast %get3A_3286 : vector<1x16xi32> to vector<16xi32>
    %add3A_3288 = arith.addi %get3A_3282, %get3A_3287 : vector<16xi32>
    %swap3A_3289 = arith.constant 22 : i32
    %swap3A_3290 = arith.index_cast %swap3A_3289 : i32 to index
    %swap3A_3291 = arith.constant 64 : index
    %swap3A_3292 = tpu.vector_load %arg6[%swap3A_3290, %swap3A_3291] {strides = array<i32>} : memref<26x128xi32, #tpu.memory_space<vmem>>, vector<1x16xi32>,
    %swap3A_3293 = vector.shape_cast %swap3A_3292 : vector<1x16xi32> to vector<16xi32>
    %swap3A_3294 = vector.shape_cast %add3A_3288 : vector<16xi32> to vector<1x16xi32>
    tpu.vector_store %arg6[%swap3A_3290, %swap3A_3291], %swap3A_3294 {strides = array<i32>} : memref<26x128xi32, #tpu.memory_space<vmem>>, vector<1x16xi32>,
    %get3A_3295 = arith.constant 22 : i32
    %get3A_3296 = arith.index_cast %get3A_3295 : i32 to index
    %get3A_3297 = arith.constant 80 : index
    %get3A_3298 = tpu.vector_load %arg6[%get3A_3296, %get3A_3297] {strides = array<i32>} : memref<26x128xi32, #tpu.memory_space<vmem>>, vector<1x16xi32>,
    %get3A_3299 = vector.shape_cast %get3A_3298 : vector<1x16xi32> to vector<16xi32>
    %get3A_3300 = arith.constant 22 : i32
    %get3A_3301 = arith.index_cast %get3A_3300 : i32 to index
    %get3A_3302 = arith.constant 80 : index
    %get3A_3303 = tpu.vector_load %arg7[%get3A_3301, %get3A_3302] {strides = array<i32>} : memref<26x128xi32, #tpu.memory_space<vmem>>, vector<1x16xi32>,
    %get3A_3304 = vector.shape_cast %get3A_3303 : vector<1x16xi32> to vector<16xi32>
    %add3A_3305 = arith.addi %get3A_3299, %get3A_3304 : vector<16xi32>
    %swap3A_3306 = arith.constant 22 : i32
    %swap3A_3307 = arith.index_cast %swap3A_3306 : i32 to index
    %swap3A_3308 = arith.constant 80 : index
    %swap3A_3309 = tpu.vector_load %arg6[%swap3A_3307, %swap3A_3308] {strides = array<i32>} : memref<26x128xi32, #tpu.memory_space<vmem>>, vector<1x16xi32>,
    %swap3A_3310 = vector.shape_cast %swap3A_3309 : vector<1x16xi32> to vector<16xi32>
    %swap3A_3311 = vector.shape_cast %add3A_3305 : vector<16xi32> to vector<1x16xi32>
    tpu.vector_store %arg6[%swap3A_3307, %swap3A_3308], %swap3A_3311 {strides = array<i32>} : memref<26x128xi32, #tpu.memory_space<vmem>>, vector<1x16xi32>,
    %get3A_3312 = arith.constant 22 : i32
    %get3A_3313 = arith.index_cast %get3A_3312 : i32 to index
    %get3A_3314 = arith.constant 96 : index
    %get3A_3315 = tpu.vector_load %arg6[%get3A_3313, %get3A_3314] {strides = array<i32>} : memref<26x128xi32, #tpu.memory_space<vmem>>, vector<1x16xi32>,
    %get3A_3316 = vector.shape_cast %get3A_3315 : vector<1x16xi32> to vector<16xi32>
    %get3A_3317 = arith.constant 22 : i32
    %get3A_3318 = arith.index_cast %get3A_3317 : i32 to index
    %get3A_3319 = arith.constant 96 : index
    %get3A_3320 = tpu.vector_load %arg7[%get3A_3318, %get3A_3319] {strides = array<i32>} : memref<26x128xi32, #tpu.memory_space<vmem>>, vector<1x16xi32>,
    %get3A_3321 = vector.shape_cast %get3A_3320 : vector<1x16xi32> to vector<16xi32>
    %add3A_3322 = arith.addi %get3A_3316, %get3A_3321 : vector<16xi32>
    %swap3A_3323 = arith.constant 22 : i32
    %swap3A_3324 = arith.index_cast %swap3A_3323 : i32 to index
    %swap3A_3325 = arith.constant 96 : index
    %swap3A_3326 = tpu.vector_load %arg6[%swap3A_3324, %swap3A_3325] {strides = array<i32>} : memref<26x128xi32, #tpu.memory_space<vmem>>, vector<1x16xi32>,
    %swap3A_3327 = vector.shape_cast %swap3A_3326 : vector<1x16xi32> to vector<16xi32>
    %swap3A_3328 = vector.shape_cast %add3A_3322 : vector<16xi32> to vector<1x16xi32>
    tpu.vector_store %arg6[%swap3A_3324, %swap3A_3325], %swap3A_3328 {strides = array<i32>} : memref<26x128xi32, #tpu.memory_space<vmem>>, vector<1x16xi32>,
    %get3A_3329 = arith.constant 22 : i32
    %get3A_3330 = arith.index_cast %get3A_3329 : i32 to index
    %get3A_3331 = arith.constant 112 : index
    %get3A_3332 = tpu.vector_load %arg6[%get3A_3330, %get3A_3331] {strides = array<i32>} : memref<26x128xi32, #tpu.memory_space<vmem>>, vector<1x16xi32>,
    %get3A_3333 = vector.shape_cast %get3A_3332 : vector<1x16xi32> to vector<16xi32>
    %get3A_3334 = arith.constant 22 : i32
    %get3A_3335 = arith.index_cast %get3A_3334 : i32 to index
    %get3A_3336 = arith.constant 112 : index
    %get3A_3337 = tpu.vector_load %arg7[%get3A_3335, %get3A_3336] {strides = array<i32>} : memref<26x128xi32, #tpu.memory_space<vmem>>, vector<1x16xi32>,
    %get3A_3338 = vector.shape_cast %get3A_3337 : vector<1x16xi32> to vector<16xi32>
    %add3A_3339 = arith.addi %get3A_3333, %get3A_3338 : vector<16xi32>
    %swap3A_3340 = arith.constant 22 : i32
    %swap3A_3341 = arith.index_cast %swap3A_3340 : i32 to index
    %swap3A_3342 = arith.constant 112 : index
    %swap3A_3343 = tpu.vector_load %arg6[%swap3A_3341, %swap3A_3342] {strides = array<i32>} : memref<26x128xi32, #tpu.memory_space<vmem>>, vector<1x16xi32>,
    %swap3A_3344 = vector.shape_cast %swap3A_3343 : vector<1x16xi32> to vector<16xi32>
    %swap3A_3345 = vector.shape_cast %add3A_3339 : vector<16xi32> to vector<1x16xi32>
    tpu.vector_store %arg6[%swap3A_3341, %swap3A_3342], %swap3A_3345 {strides = array<i32>} : memref<26x128xi32, #tpu.memory_space<vmem>>, vector<1x16xi32>,
    %dma_start3A_3346 = arith.constant 22 : i32
    %dma_start3A_3347 = arith.constant 2816 : i32
    %dma_start3A_3348 = arith.constant 0 : i32
    %dma_start3A_3349 = tpu.memref_slice %arg8[%dma_start3A_3347, %dma_start3A_3348] : memref<3328x32xf32, #tpu.memory_space<vmem>> -> memref<128x32xf32, #tpu.memory_space<vmem>>
    %dma_start3A_3350 = arith.constant 0 : i32
    %dma_start3A_3351 = tpu.memref_slice %arg6[%dma_start3A_3346, %dma_start3A_3350] : memref<26x128xi32, #tpu.memory_space<vmem>> -> memref<1x128xi32, #tpu.memory_space<vmem>>
    %dma_start3A_3352 = tpu.memref_squeeze %dma_start3A_3351 : memref<1x128xi32, #tpu.memory_space<vmem>> -> memref<128xi32, #tpu.memory_space<vmem>>
    %dma_start3A_3353 = arith.constant 0 : i32
    %dma_start3A_3354 = arith.constant 0 : i32
    %dma_start3A_3355 = tpu.memref_slice %arg3[%dma_start3A_3353, %dma_start3A_3354] : memref<2600000x32xf32, #tpu.memory_space<hbm>> -> memref<2600000x32xf32, #tpu.memory_space<hbm>>
    tpu.enqueue_indirect_dma source(%dma_start3A_3355 : memref<2600000x32xf32, #tpu.memory_space<hbm>>) target(%dma_start3A_3349 : memref<128x32xf32, #tpu.memory_space<vmem>>) offsets(%dma_start3A_3352 : memref<128xi32, #tpu.memory_space<vmem>>) semaphore(%arg9 : memref<!tpu.dma_semaphore, #tpu.memory_space<semaphore_mem>>)
    %get3A_3356 = arith.constant 23 : i32
    %get3A_3357 = arith.index_cast %get3A_3356 : i32 to index
    %get3A_3358 = arith.constant 0 : index
    %get3A_3359 = tpu.vector_load %arg6[%get3A_3357, %get3A_3358] {strides = array<i32>} : memref<26x128xi32, #tpu.memory_space<vmem>>, vector<1x16xi32>,
    %get3A_3360 = vector.shape_cast %get3A_3359 : vector<1x16xi32> to vector<16xi32>
    %get3A_3361 = arith.constant 23 : i32
    %get3A_3362 = arith.index_cast %get3A_3361 : i32 to index
    %get3A_3363 = arith.constant 0 : index
    %get3A_3364 = tpu.vector_load %arg7[%get3A_3362, %get3A_3363] {strides = array<i32>} : memref<26x128xi32, #tpu.memory_space<vmem>>, vector<1x16xi32>,
    %get3A_3365 = vector.shape_cast %get3A_3364 : vector<1x16xi32> to vector<16xi32>
    %add3A_3366 = arith.addi %get3A_3360, %get3A_3365 : vector<16xi32>
    %swap3A_3367 = arith.constant 23 : i32
    %swap3A_3368 = arith.index_cast %swap3A_3367 : i32 to index
    %swap3A_3369 = arith.constant 0 : index
    %swap3A_3370 = tpu.vector_load %arg6[%swap3A_3368, %swap3A_3369] {strides = array<i32>} : memref<26x128xi32, #tpu.memory_space<vmem>>, vector<1x16xi32>,
    %swap3A_3371 = vector.shape_cast %swap3A_3370 : vector<1x16xi32> to vector<16xi32>
    %swap3A_3372 = vector.shape_cast %add3A_3366 : vector<16xi32> to vector<1x16xi32>
    tpu.vector_store %arg6[%swap3A_3368, %swap3A_3369], %swap3A_3372 {strides = array<i32>} : memref<26x128xi32, #tpu.memory_space<vmem>>, vector<1x16xi32>,
    %get3A_3373 = arith.constant 23 : i32
    %get3A_3374 = arith.index_cast %get3A_3373 : i32 to index
    %get3A_3375 = arith.constant 16 : index
    %get3A_3376 = tpu.vector_load %arg6[%get3A_3374, %get3A_3375] {strides = array<i32>} : memref<26x128xi32, #tpu.memory_space<vmem>>, vector<1x16xi32>,
    %get3A_3377 = vector.shape_cast %get3A_3376 : vector<1x16xi32> to vector<16xi32>
    %get3A_3378 = arith.constant 23 : i32
    %get3A_3379 = arith.index_cast %get3A_3378 : i32 to index
    %get3A_3380 = arith.constant 16 : index
    %get3A_3381 = tpu.vector_load %arg7[%get3A_3379, %get3A_3380] {strides = array<i32>} : memref<26x128xi32, #tpu.memory_space<vmem>>, vector<1x16xi32>,
    %get3A_3382 = vector.shape_cast %get3A_3381 : vector<1x16xi32> to vector<16xi32>
    %add3A_3383 = arith.addi %get3A_3377, %get3A_3382 : vector<16xi32>
    %swap3A_3384 = arith.constant 23 : i32
    %swap3A_3385 = arith.index_cast %swap3A_3384 : i32 to index
    %swap3A_3386 = arith.constant 16 : index
    %swap3A_3387 = tpu.vector_load %arg6[%swap3A_3385, %swap3A_3386] {strides = array<i32>} : memref<26x128xi32, #tpu.memory_space<vmem>>, vector<1x16xi32>,
    %swap3A_3388 = vector.shape_cast %swap3A_3387 : vector<1x16xi32> to vector<16xi32>
    %swap3A_3389 = vector.shape_cast %add3A_3383 : vector<16xi32> to vector<1x16xi32>
    tpu.vector_store %arg6[%swap3A_3385, %swap3A_3386], %swap3A_3389 {strides = array<i32>} : memref<26x128xi32, #tpu.memory_space<vmem>>, vector<1x16xi32>,
    %get3A_3390 = arith.constant 23 : i32
    %get3A_3391 = arith.index_cast %get3A_3390 : i32 to index
    %get3A_3392 = arith.constant 32 : index
    %get3A_3393 = tpu.vector_load %arg6[%get3A_3391, %get3A_3392] {strides = array<i32>} : memref<26x128xi32, #tpu.memory_space<vmem>>, vector<1x16xi32>,
    %get3A_3394 = vector.shape_cast %get3A_3393 : vector<1x16xi32> to vector<16xi32>
    %get3A_3395 = arith.constant 23 : i32
    %get3A_3396 = arith.index_cast %get3A_3395 : i32 to index
    %get3A_3397 = arith.constant 32 : index
    %get3A_3398 = tpu.vector_load %arg7[%get3A_3396, %get3A_3397] {strides = array<i32>} : memref<26x128xi32, #tpu.memory_space<vmem>>, vector<1x16xi32>,
    %get3A_3399 = vector.shape_cast %get3A_3398 : vector<1x16xi32> to vector<16xi32>
    %add3A_3400 = arith.addi %get3A_3394, %get3A_3399 : vector<16xi32>
    %swap3A_3401 = arith.constant 23 : i32
    %swap3A_3402 = arith.index_cast %swap3A_3401 : i32 to index
    %swap3A_3403 = arith.constant 32 : index
    %swap3A_3404 = tpu.vector_load %arg6[%swap3A_3402, %swap3A_3403] {strides = array<i32>} : memref<26x128xi32, #tpu.memory_space<vmem>>, vector<1x16xi32>,
    %swap3A_3405 = vector.shape_cast %swap3A_3404 : vector<1x16xi32> to vector<16xi32>
    %swap3A_3406 = vector.shape_cast %add3A_3400 : vector<16xi32> to vector<1x16xi32>
    tpu.vector_store %arg6[%swap3A_3402, %swap3A_3403], %swap3A_3406 {strides = array<i32>} : memref<26x128xi32, #tpu.memory_space<vmem>>, vector<1x16xi32>,
    %get3A_3407 = arith.constant 23 : i32
    %get3A_3408 = arith.index_cast %get3A_3407 : i32 to index
    %get3A_3409 = arith.constant 48 : index
    %get3A_3410 = tpu.vector_load %arg6[%get3A_3408, %get3A_3409] {strides = array<i32>} : memref<26x128xi32, #tpu.memory_space<vmem>>, vector<1x16xi32>,
    %get3A_3411 = vector.shape_cast %get3A_3410 : vector<1x16xi32> to vector<16xi32>
    %get3A_3412 = arith.constant 23 : i32
    %get3A_3413 = arith.index_cast %get3A_3412 : i32 to index
    %get3A_3414 = arith.constant 48 : index
    %get3A_3415 = tpu.vector_load %arg7[%get3A_3413, %get3A_3414] {strides = array<i32>} : memref<26x128xi32, #tpu.memory_space<vmem>>, vector<1x16xi32>,
    %get3A_3416 = vector.shape_cast %get3A_3415 : vector<1x16xi32> to vector<16xi32>
    %add3A_3417 = arith.addi %get3A_3411, %get3A_3416 : vector<16xi32>
    %swap3A_3418 = arith.constant 23 : i32
    %swap3A_3419 = arith.index_cast %swap3A_3418 : i32 to index
    %swap3A_3420 = arith.constant 48 : index
    %swap3A_3421 = tpu.vector_load %arg6[%swap3A_3419, %swap3A_3420] {strides = array<i32>} : memref<26x128xi32, #tpu.memory_space<vmem>>, vector<1x16xi32>,
    %swap3A_3422 = vector.shape_cast %swap3A_3421 : vector<1x16xi32> to vector<16xi32>
    %swap3A_3423 = vector.shape_cast %add3A_3417 : vector<16xi32> to vector<1x16xi32>
    tpu.vector_store %arg6[%swap3A_3419, %swap3A_3420], %swap3A_3423 {strides = array<i32>} : memref<26x128xi32, #tpu.memory_space<vmem>>, vector<1x16xi32>,
    %get3A_3424 = arith.constant 23 : i32
    %get3A_3425 = arith.index_cast %get3A_3424 : i32 to index
    %get3A_3426 = arith.constant 64 : index
    %get3A_3427 = tpu.vector_load %arg6[%get3A_3425, %get3A_3426] {strides = array<i32>} : memref<26x128xi32, #tpu.memory_space<vmem>>, vector<1x16xi32>,
    %get3A_3428 = vector.shape_cast %get3A_3427 : vector<1x16xi32> to vector<16xi32>
    %get3A_3429 = arith.constant 23 : i32
    %get3A_3430 = arith.index_cast %get3A_3429 : i32 to index
    %get3A_3431 = arith.constant 64 : index
    %get3A_3432 = tpu.vector_load %arg7[%get3A_3430, %get3A_3431] {strides = array<i32>} : memref<26x128xi32, #tpu.memory_space<vmem>>, vector<1x16xi32>,
    %get3A_3433 = vector.shape_cast %get3A_3432 : vector<1x16xi32> to vector<16xi32>
    %add3A_3434 = arith.addi %get3A_3428, %get3A_3433 : vector<16xi32>
    %swap3A_3435 = arith.constant 23 : i32
    %swap3A_3436 = arith.index_cast %swap3A_3435 : i32 to index
    %swap3A_3437 = arith.constant 64 : index
    %swap3A_3438 = tpu.vector_load %arg6[%swap3A_3436, %swap3A_3437] {strides = array<i32>} : memref<26x128xi32, #tpu.memory_space<vmem>>, vector<1x16xi32>,
    %swap3A_3439 = vector.shape_cast %swap3A_3438 : vector<1x16xi32> to vector<16xi32>
    %swap3A_3440 = vector.shape_cast %add3A_3434 : vector<16xi32> to vector<1x16xi32>
    tpu.vector_store %arg6[%swap3A_3436, %swap3A_3437], %swap3A_3440 {strides = array<i32>} : memref<26x128xi32, #tpu.memory_space<vmem>>, vector<1x16xi32>,
    %get3A_3441 = arith.constant 23 : i32
    %get3A_3442 = arith.index_cast %get3A_3441 : i32 to index
    %get3A_3443 = arith.constant 80 : index
    %get3A_3444 = tpu.vector_load %arg6[%get3A_3442, %get3A_3443] {strides = array<i32>} : memref<26x128xi32, #tpu.memory_space<vmem>>, vector<1x16xi32>,
    %get3A_3445 = vector.shape_cast %get3A_3444 : vector<1x16xi32> to vector<16xi32>
    %get3A_3446 = arith.constant 23 : i32
    %get3A_3447 = arith.index_cast %get3A_3446 : i32 to index
    %get3A_3448 = arith.constant 80 : index
    %get3A_3449 = tpu.vector_load %arg7[%get3A_3447, %get3A_3448] {strides = array<i32>} : memref<26x128xi32, #tpu.memory_space<vmem>>, vector<1x16xi32>,
    %get3A_3450 = vector.shape_cast %get3A_3449 : vector<1x16xi32> to vector<16xi32>
    %add3A_3451 = arith.addi %get3A_3445, %get3A_3450 : vector<16xi32>
    %swap3A_3452 = arith.constant 23 : i32
    %swap3A_3453 = arith.index_cast %swap3A_3452 : i32 to index
    %swap3A_3454 = arith.constant 80 : index
    %swap3A_3455 = tpu.vector_load %arg6[%swap3A_3453, %swap3A_3454] {strides = array<i32>} : memref<26x128xi32, #tpu.memory_space<vmem>>, vector<1x16xi32>,
    %swap3A_3456 = vector.shape_cast %swap3A_3455 : vector<1x16xi32> to vector<16xi32>
    %swap3A_3457 = vector.shape_cast %add3A_3451 : vector<16xi32> to vector<1x16xi32>
    tpu.vector_store %arg6[%swap3A_3453, %swap3A_3454], %swap3A_3457 {strides = array<i32>} : memref<26x128xi32, #tpu.memory_space<vmem>>, vector<1x16xi32>,
    %get3A_3458 = arith.constant 23 : i32
    %get3A_3459 = arith.index_cast %get3A_3458 : i32 to index
    %get3A_3460 = arith.constant 96 : index
    %get3A_3461 = tpu.vector_load %arg6[%get3A_3459, %get3A_3460] {strides = array<i32>} : memref<26x128xi32, #tpu.memory_space<vmem>>, vector<1x16xi32>,
    %get3A_3462 = vector.shape_cast %get3A_3461 : vector<1x16xi32> to vector<16xi32>
    %get3A_3463 = arith.constant 23 : i32
    %get3A_3464 = arith.index_cast %get3A_3463 : i32 to index
    %get3A_3465 = arith.constant 96 : index
    %get3A_3466 = tpu.vector_load %arg7[%get3A_3464, %get3A_3465] {strides = array<i32>} : memref<26x128xi32, #tpu.memory_space<vmem>>, vector<1x16xi32>,
    %get3A_3467 = vector.shape_cast %get3A_3466 : vector<1x16xi32> to vector<16xi32>
    %add3A_3468 = arith.addi %get3A_3462, %get3A_3467 : vector<16xi32>
    %swap3A_3469 = arith.constant 23 : i32
    %swap3A_3470 = arith.index_cast %swap3A_3469 : i32 to index
    %swap3A_3471 = arith.constant 96 : index
    %swap3A_3472 = tpu.vector_load %arg6[%swap3A_3470, %swap3A_3471] {strides = array<i32>} : memref<26x128xi32, #tpu.memory_space<vmem>>, vector<1x16xi32>,
    %swap3A_3473 = vector.shape_cast %swap3A_3472 : vector<1x16xi32> to vector<16xi32>
    %swap3A_3474 = vector.shape_cast %add3A_3468 : vector<16xi32> to vector<1x16xi32>
    tpu.vector_store %arg6[%swap3A_3470, %swap3A_3471], %swap3A_3474 {strides = array<i32>} : memref<26x128xi32, #tpu.memory_space<vmem>>, vector<1x16xi32>,
    %get3A_3475 = arith.constant 23 : i32
    %get3A_3476 = arith.index_cast %get3A_3475 : i32 to index
    %get3A_3477 = arith.constant 112 : index
    %get3A_3478 = tpu.vector_load %arg6[%get3A_3476, %get3A_3477] {strides = array<i32>} : memref<26x128xi32, #tpu.memory_space<vmem>>, vector<1x16xi32>,
    %get3A_3479 = vector.shape_cast %get3A_3478 : vector<1x16xi32> to vector<16xi32>
    %get3A_3480 = arith.constant 23 : i32
    %get3A_3481 = arith.index_cast %get3A_3480 : i32 to index
    %get3A_3482 = arith.constant 112 : index
    %get3A_3483 = tpu.vector_load %arg7[%get3A_3481, %get3A_3482] {strides = array<i32>} : memref<26x128xi32, #tpu.memory_space<vmem>>, vector<1x16xi32>,
    %get3A_3484 = vector.shape_cast %get3A_3483 : vector<1x16xi32> to vector<16xi32>
    %add3A_3485 = arith.addi %get3A_3479, %get3A_3484 : vector<16xi32>
    %swap3A_3486 = arith.constant 23 : i32
    %swap3A_3487 = arith.index_cast %swap3A_3486 : i32 to index
    %swap3A_3488 = arith.constant 112 : index
    %swap3A_3489 = tpu.vector_load %arg6[%swap3A_3487, %swap3A_3488] {strides = array<i32>} : memref<26x128xi32, #tpu.memory_space<vmem>>, vector<1x16xi32>,
    %swap3A_3490 = vector.shape_cast %swap3A_3489 : vector<1x16xi32> to vector<16xi32>
    %swap3A_3491 = vector.shape_cast %add3A_3485 : vector<16xi32> to vector<1x16xi32>
    tpu.vector_store %arg6[%swap3A_3487, %swap3A_3488], %swap3A_3491 {strides = array<i32>} : memref<26x128xi32, #tpu.memory_space<vmem>>, vector<1x16xi32>,
    %dma_start3A_3492 = arith.constant 23 : i32
    %dma_start3A_3493 = arith.constant 2944 : i32
    %dma_start3A_3494 = arith.constant 0 : i32
    %dma_start3A_3495 = tpu.memref_slice %arg8[%dma_start3A_3493, %dma_start3A_3494] : memref<3328x32xf32, #tpu.memory_space<vmem>> -> memref<128x32xf32, #tpu.memory_space<vmem>>
    %dma_start3A_3496 = arith.constant 0 : i32
    %dma_start3A_3497 = tpu.memref_slice %arg6[%dma_start3A_3492, %dma_start3A_3496] : memref<26x128xi32, #tpu.memory_space<vmem>> -> memref<1x128xi32, #tpu.memory_space<vmem>>
    %dma_start3A_3498 = tpu.memref_squeeze %dma_start3A_3497 : memref<1x128xi32, #tpu.memory_space<vmem>> -> memref<128xi32, #tpu.memory_space<vmem>>
    %dma_start3A_3499 = arith.constant 0 : i32
    %dma_start3A_3500 = arith.constant 0 : i32
    %dma_start3A_3501 = tpu.memref_slice %arg3[%dma_start3A_3499, %dma_start3A_3500] : memref<2600000x32xf32, #tpu.memory_space<hbm>> -> memref<2600000x32xf32, #tpu.memory_space<hbm>>
    tpu.enqueue_indirect_dma source(%dma_start3A_3501 : memref<2600000x32xf32, #tpu.memory_space<hbm>>) target(%dma_start3A_3495 : memref<128x32xf32, #tpu.memory_space<vmem>>) offsets(%dma_start3A_3498 : memref<128xi32, #tpu.memory_space<vmem>>) semaphore(%arg9 : memref<!tpu.dma_semaphore, #tpu.memory_space<semaphore_mem>>)
    %get3A_3502 = arith.constant 24 : i32
    %get3A_3503 = arith.index_cast %get3A_3502 : i32 to index
    %get3A_3504 = arith.constant 0 : index
    %get3A_3505 = tpu.vector_load %arg6[%get3A_3503, %get3A_3504] {strides = array<i32>} : memref<26x128xi32, #tpu.memory_space<vmem>>, vector<1x16xi32>,
    %get3A_3506 = vector.shape_cast %get3A_3505 : vector<1x16xi32> to vector<16xi32>
    %get3A_3507 = arith.constant 24 : i32
    %get3A_3508 = arith.index_cast %get3A_3507 : i32 to index
    %get3A_3509 = arith.constant 0 : index
    %get3A_3510 = tpu.vector_load %arg7[%get3A_3508, %get3A_3509] {strides = array<i32>} : memref<26x128xi32, #tpu.memory_space<vmem>>, vector<1x16xi32>,
    %get3A_3511 = vector.shape_cast %get3A_3510 : vector<1x16xi32> to vector<16xi32>
    %add3A_3512 = arith.addi %get3A_3506, %get3A_3511 : vector<16xi32>
    %swap3A_3513 = arith.constant 24 : i32
    %swap3A_3514 = arith.index_cast %swap3A_3513 : i32 to index
    %swap3A_3515 = arith.constant 0 : index
    %swap3A_3516 = tpu.vector_load %arg6[%swap3A_3514, %swap3A_3515] {strides = array<i32>} : memref<26x128xi32, #tpu.memory_space<vmem>>, vector<1x16xi32>,
    %swap3A_3517 = vector.shape_cast %swap3A_3516 : vector<1x16xi32> to vector<16xi32>
    %swap3A_3518 = vector.shape_cast %add3A_3512 : vector<16xi32> to vector<1x16xi32>
    tpu.vector_store %arg6[%swap3A_3514, %swap3A_3515], %swap3A_3518 {strides = array<i32>} : memref<26x128xi32, #tpu.memory_space<vmem>>, vector<1x16xi32>,
    %get3A_3519 = arith.constant 24 : i32
    %get3A_3520 = arith.index_cast %get3A_3519 : i32 to index
    %get3A_3521 = arith.constant 16 : index
    %get3A_3522 = tpu.vector_load %arg6[%get3A_3520, %get3A_3521] {strides = array<i32>} : memref<26x128xi32, #tpu.memory_space<vmem>>, vector<1x16xi32>,
    %get3A_3523 = vector.shape_cast %get3A_3522 : vector<1x16xi32> to vector<16xi32>
    %get3A_3524 = arith.constant 24 : i32
    %get3A_3525 = arith.index_cast %get3A_3524 : i32 to index
    %get3A_3526 = arith.constant 16 : index
    %get3A_3527 = tpu.vector_load %arg7[%get3A_3525, %get3A_3526] {strides = array<i32>} : memref<26x128xi32, #tpu.memory_space<vmem>>, vector<1x16xi32>,
    %get3A_3528 = vector.shape_cast %get3A_3527 : vector<1x16xi32> to vector<16xi32>
    %add3A_3529 = arith.addi %get3A_3523, %get3A_3528 : vector<16xi32>
    %swap3A_3530 = arith.constant 24 : i32
    %swap3A_3531 = arith.index_cast %swap3A_3530 : i32 to index
    %swap3A_3532 = arith.constant 16 : index
    %swap3A_3533 = tpu.vector_load %arg6[%swap3A_3531, %swap3A_3532] {strides = array<i32>} : memref<26x128xi32, #tpu.memory_space<vmem>>, vector<1x16xi32>,
    %swap3A_3534 = vector.shape_cast %swap3A_3533 : vector<1x16xi32> to vector<16xi32>
    %swap3A_3535 = vector.shape_cast %add3A_3529 : vector<16xi32> to vector<1x16xi32>
    tpu.vector_store %arg6[%swap3A_3531, %swap3A_3532], %swap3A_3535 {strides = array<i32>} : memref<26x128xi32, #tpu.memory_space<vmem>>, vector<1x16xi32>,
    %get3A_3536 = arith.constant 24 : i32
    %get3A_3537 = arith.index_cast %get3A_3536 : i32 to index
    %get3A_3538 = arith.constant 32 : index
    %get3A_3539 = tpu.vector_load %arg6[%get3A_3537, %get3A_3538] {strides = array<i32>} : memref<26x128xi32, #tpu.memory_space<vmem>>, vector<1x16xi32>,
    %get3A_3540 = vector.shape_cast %get3A_3539 : vector<1x16xi32> to vector<16xi32>
    %get3A_3541 = arith.constant 24 : i32
    %get3A_3542 = arith.index_cast %get3A_3541 : i32 to index
    %get3A_3543 = arith.constant 32 : index
    %get3A_3544 = tpu.vector_load %arg7[%get3A_3542, %get3A_3543] {strides = array<i32>} : memref<26x128xi32, #tpu.memory_space<vmem>>, vector<1x16xi32>,
    %get3A_3545 = vector.shape_cast %get3A_3544 : vector<1x16xi32> to vector<16xi32>
    %add3A_3546 = arith.addi %get3A_3540, %get3A_3545 : vector<16xi32>
    %swap3A_3547 = arith.constant 24 : i32
    %swap3A_3548 = arith.index_cast %swap3A_3547 : i32 to index
    %swap3A_3549 = arith.constant 32 : index
    %swap3A_3550 = tpu.vector_load %arg6[%swap3A_3548, %swap3A_3549] {strides = array<i32>} : memref<26x128xi32, #tpu.memory_space<vmem>>, vector<1x16xi32>,
    %swap3A_3551 = vector.shape_cast %swap3A_3550 : vector<1x16xi32> to vector<16xi32>
    %swap3A_3552 = vector.shape_cast %add3A_3546 : vector<16xi32> to vector<1x16xi32>
    tpu.vector_store %arg6[%swap3A_3548, %swap3A_3549], %swap3A_3552 {strides = array<i32>} : memref<26x128xi32, #tpu.memory_space<vmem>>, vector<1x16xi32>,
    %get3A_3553 = arith.constant 24 : i32
    %get3A_3554 = arith.index_cast %get3A_3553 : i32 to index
    %get3A_3555 = arith.constant 48 : index
    %get3A_3556 = tpu.vector_load %arg6[%get3A_3554, %get3A_3555] {strides = array<i32>} : memref<26x128xi32, #tpu.memory_space<vmem>>, vector<1x16xi32>,
    %get3A_3557 = vector.shape_cast %get3A_3556 : vector<1x16xi32> to vector<16xi32>
    %get3A_3558 = arith.constant 24 : i32
    %get3A_3559 = arith.index_cast %get3A_3558 : i32 to index
    %get3A_3560 = arith.constant 48 : index
    %get3A_3561 = tpu.vector_load %arg7[%get3A_3559, %get3A_3560] {strides = array<i32>} : memref<26x128xi32, #tpu.memory_space<vmem>>, vector<1x16xi32>,
    %get3A_3562 = vector.shape_cast %get3A_3561 : vector<1x16xi32> to vector<16xi32>
    %add3A_3563 = arith.addi %get3A_3557, %get3A_3562 : vector<16xi32>
    %swap3A_3564 = arith.constant 24 : i32
    %swap3A_3565 = arith.index_cast %swap3A_3564 : i32 to index
    %swap3A_3566 = arith.constant 48 : index
    %swap3A_3567 = tpu.vector_load %arg6[%swap3A_3565, %swap3A_3566] {strides = array<i32>} : memref<26x128xi32, #tpu.memory_space<vmem>>, vector<1x16xi32>,
    %swap3A_3568 = vector.shape_cast %swap3A_3567 : vector<1x16xi32> to vector<16xi32>
    %swap3A_3569 = vector.shape_cast %add3A_3563 : vector<16xi32> to vector<1x16xi32>
    tpu.vector_store %arg6[%swap3A_3565, %swap3A_3566], %swap3A_3569 {strides = array<i32>} : memref<26x128xi32, #tpu.memory_space<vmem>>, vector<1x16xi32>,
    %get3A_3570 = arith.constant 24 : i32
    %get3A_3571 = arith.index_cast %get3A_3570 : i32 to index
    %get3A_3572 = arith.constant 64 : index
    %get3A_3573 = tpu.vector_load %arg6[%get3A_3571, %get3A_3572] {strides = array<i32>} : memref<26x128xi32, #tpu.memory_space<vmem>>, vector<1x16xi32>,
    %get3A_3574 = vector.shape_cast %get3A_3573 : vector<1x16xi32> to vector<16xi32>
    %get3A_3575 = arith.constant 24 : i32
    %get3A_3576 = arith.index_cast %get3A_3575 : i32 to index
    %get3A_3577 = arith.constant 64 : index
    %get3A_3578 = tpu.vector_load %arg7[%get3A_3576, %get3A_3577] {strides = array<i32>} : memref<26x128xi32, #tpu.memory_space<vmem>>, vector<1x16xi32>,
    %get3A_3579 = vector.shape_cast %get3A_3578 : vector<1x16xi32> to vector<16xi32>
    %add3A_3580 = arith.addi %get3A_3574, %get3A_3579 : vector<16xi32>
    %swap3A_3581 = arith.constant 24 : i32
    %swap3A_3582 = arith.index_cast %swap3A_3581 : i32 to index
    %swap3A_3583 = arith.constant 64 : index
    %swap3A_3584 = tpu.vector_load %arg6[%swap3A_3582, %swap3A_3583] {strides = array<i32>} : memref<26x128xi32, #tpu.memory_space<vmem>>, vector<1x16xi32>,
    %swap3A_3585 = vector.shape_cast %swap3A_3584 : vector<1x16xi32> to vector<16xi32>
    %swap3A_3586 = vector.shape_cast %add3A_3580 : vector<16xi32> to vector<1x16xi32>
    tpu.vector_store %arg6[%swap3A_3582, %swap3A_3583], %swap3A_3586 {strides = array<i32>} : memref<26x128xi32, #tpu.memory_space<vmem>>, vector<1x16xi32>,
    %get3A_3587 = arith.constant 24 : i32
    %get3A_3588 = arith.index_cast %get3A_3587 : i32 to index
    %get3A_3589 = arith.constant 80 : index
    %get3A_3590 = tpu.vector_load %arg6[%get3A_3588, %get3A_3589] {strides = array<i32>} : memref<26x128xi32, #tpu.memory_space<vmem>>, vector<1x16xi32>,
    %get3A_3591 = vector.shape_cast %get3A_3590 : vector<1x16xi32> to vector<16xi32>
    %get3A_3592 = arith.constant 24 : i32
    %get3A_3593 = arith.index_cast %get3A_3592 : i32 to index
    %get3A_3594 = arith.constant 80 : index
    %get3A_3595 = tpu.vector_load %arg7[%get3A_3593, %get3A_3594] {strides = array<i32>} : memref<26x128xi32, #tpu.memory_space<vmem>>, vector<1x16xi32>,
    %get3A_3596 = vector.shape_cast %get3A_3595 : vector<1x16xi32> to vector<16xi32>
    %add3A_3597 = arith.addi %get3A_3591, %get3A_3596 : vector<16xi32>
    %swap3A_3598 = arith.constant 24 : i32
    %swap3A_3599 = arith.index_cast %swap3A_3598 : i32 to index
    %swap3A_3600 = arith.constant 80 : index
    %swap3A_3601 = tpu.vector_load %arg6[%swap3A_3599, %swap3A_3600] {strides = array<i32>} : memref<26x128xi32, #tpu.memory_space<vmem>>, vector<1x16xi32>,
    %swap3A_3602 = vector.shape_cast %swap3A_3601 : vector<1x16xi32> to vector<16xi32>
    %swap3A_3603 = vector.shape_cast %add3A_3597 : vector<16xi32> to vector<1x16xi32>
    tpu.vector_store %arg6[%swap3A_3599, %swap3A_3600], %swap3A_3603 {strides = array<i32>} : memref<26x128xi32, #tpu.memory_space<vmem>>, vector<1x16xi32>,
    %get3A_3604 = arith.constant 24 : i32
    %get3A_3605 = arith.index_cast %get3A_3604 : i32 to index
    %get3A_3606 = arith.constant 96 : index
    %get3A_3607 = tpu.vector_load %arg6[%get3A_3605, %get3A_3606] {strides = array<i32>} : memref<26x128xi32, #tpu.memory_space<vmem>>, vector<1x16xi32>,
    %get3A_3608 = vector.shape_cast %get3A_3607 : vector<1x16xi32> to vector<16xi32>
    %get3A_3609 = arith.constant 24 : i32
    %get3A_3610 = arith.index_cast %get3A_3609 : i32 to index
    %get3A_3611 = arith.constant 96 : index
    %get3A_3612 = tpu.vector_load %arg7[%get3A_3610, %get3A_3611] {strides = array<i32>} : memref<26x128xi32, #tpu.memory_space<vmem>>, vector<1x16xi32>,
    %get3A_3613 = vector.shape_cast %get3A_3612 : vector<1x16xi32> to vector<16xi32>
    %add3A_3614 = arith.addi %get3A_3608, %get3A_3613 : vector<16xi32>
    %swap3A_3615 = arith.constant 24 : i32
    %swap3A_3616 = arith.index_cast %swap3A_3615 : i32 to index
    %swap3A_3617 = arith.constant 96 : index
    %swap3A_3618 = tpu.vector_load %arg6[%swap3A_3616, %swap3A_3617] {strides = array<i32>} : memref<26x128xi32, #tpu.memory_space<vmem>>, vector<1x16xi32>,
    %swap3A_3619 = vector.shape_cast %swap3A_3618 : vector<1x16xi32> to vector<16xi32>
    %swap3A_3620 = vector.shape_cast %add3A_3614 : vector<16xi32> to vector<1x16xi32>
    tpu.vector_store %arg6[%swap3A_3616, %swap3A_3617], %swap3A_3620 {strides = array<i32>} : memref<26x128xi32, #tpu.memory_space<vmem>>, vector<1x16xi32>,
    %get3A_3621 = arith.constant 24 : i32
    %get3A_3622 = arith.index_cast %get3A_3621 : i32 to index
    %get3A_3623 = arith.constant 112 : index
    %get3A_3624 = tpu.vector_load %arg6[%get3A_3622, %get3A_3623] {strides = array<i32>} : memref<26x128xi32, #tpu.memory_space<vmem>>, vector<1x16xi32>,
    %get3A_3625 = vector.shape_cast %get3A_3624 : vector<1x16xi32> to vector<16xi32>
    %get3A_3626 = arith.constant 24 : i32
    %get3A_3627 = arith.index_cast %get3A_3626 : i32 to index
    %get3A_3628 = arith.constant 112 : index
    %get3A_3629 = tpu.vector_load %arg7[%get3A_3627, %get3A_3628] {strides = array<i32>} : memref<26x128xi32, #tpu.memory_space<vmem>>, vector<1x16xi32>,
    %get3A_3630 = vector.shape_cast %get3A_3629 : vector<1x16xi32> to vector<16xi32>
    %add3A_3631 = arith.addi %get3A_3625, %get3A_3630 : vector<16xi32>
    %swap3A_3632 = arith.constant 24 : i32
    %swap3A_3633 = arith.index_cast %swap3A_3632 : i32 to index
    %swap3A_3634 = arith.constant 112 : index
    %swap3A_3635 = tpu.vector_load %arg6[%swap3A_3633, %swap3A_3634] {strides = array<i32>} : memref<26x128xi32, #tpu.memory_space<vmem>>, vector<1x16xi32>,
    %swap3A_3636 = vector.shape_cast %swap3A_3635 : vector<1x16xi32> to vector<16xi32>
    %swap3A_3637 = vector.shape_cast %add3A_3631 : vector<16xi32> to vector<1x16xi32>
    tpu.vector_store %arg6[%swap3A_3633, %swap3A_3634], %swap3A_3637 {strides = array<i32>} : memref<26x128xi32, #tpu.memory_space<vmem>>, vector<1x16xi32>,
    %dma_start3A_3638 = arith.constant 24 : i32
    %dma_start3A_3639 = arith.constant 3072 : i32
    %dma_start3A_3640 = arith.constant 0 : i32
    %dma_start3A_3641 = tpu.memref_slice %arg8[%dma_start3A_3639, %dma_start3A_3640] : memref<3328x32xf32, #tpu.memory_space<vmem>> -> memref<128x32xf32, #tpu.memory_space<vmem>>
    %dma_start3A_3642 = arith.constant 0 : i32
    %dma_start3A_3643 = tpu.memref_slice %arg6[%dma_start3A_3638, %dma_start3A_3642] : memref<26x128xi32, #tpu.memory_space<vmem>> -> memref<1x128xi32, #tpu.memory_space<vmem>>
    %dma_start3A_3644 = tpu.memref_squeeze %dma_start3A_3643 : memref<1x128xi32, #tpu.memory_space<vmem>> -> memref<128xi32, #tpu.memory_space<vmem>>
    %dma_start3A_3645 = arith.constant 0 : i32
    %dma_start3A_3646 = arith.constant 0 : i32
    %dma_start3A_3647 = tpu.memref_slice %arg3[%dma_start3A_3645, %dma_start3A_3646] : memref<2600000x32xf32, #tpu.memory_space<hbm>> -> memref<2600000x32xf32, #tpu.memory_space<hbm>>
    tpu.enqueue_indirect_dma source(%dma_start3A_3647 : memref<2600000x32xf32, #tpu.memory_space<hbm>>) target(%dma_start3A_3641 : memref<128x32xf32, #tpu.memory_space<vmem>>) offsets(%dma_start3A_3644 : memref<128xi32, #tpu.memory_space<vmem>>) semaphore(%arg9 : memref<!tpu.dma_semaphore, #tpu.memory_space<semaphore_mem>>)
    %get3A_3648 = arith.constant 25 : i32
    %get3A_3649 = arith.index_cast %get3A_3648 : i32 to index
    %get3A_3650 = arith.constant 0 : index
    %get3A_3651 = tpu.vector_load %arg6[%get3A_3649, %get3A_3650] {strides = array<i32>} : memref<26x128xi32, #tpu.memory_space<vmem>>, vector<1x16xi32>,
    %get3A_3652 = vector.shape_cast %get3A_3651 : vector<1x16xi32> to vector<16xi32>
    %get3A_3653 = arith.constant 25 : i32
    %get3A_3654 = arith.index_cast %get3A_3653 : i32 to index
    %get3A_3655 = arith.constant 0 : index
    %get3A_3656 = tpu.vector_load %arg7[%get3A_3654, %get3A_3655] {strides = array<i32>} : memref<26x128xi32, #tpu.memory_space<vmem>>, vector<1x16xi32>,
    %get3A_3657 = vector.shape_cast %get3A_3656 : vector<1x16xi32> to vector<16xi32>
    %add3A_3658 = arith.addi %get3A_3652, %get3A_3657 : vector<16xi32>
    %swap3A_3659 = arith.constant 25 : i32
    %swap3A_3660 = arith.index_cast %swap3A_3659 : i32 to index
    %swap3A_3661 = arith.constant 0 : index
    %swap3A_3662 = tpu.vector_load %arg6[%swap3A_3660, %swap3A_3661] {strides = array<i32>} : memref<26x128xi32, #tpu.memory_space<vmem>>, vector<1x16xi32>,
    %swap3A_3663 = vector.shape_cast %swap3A_3662 : vector<1x16xi32> to vector<16xi32>
    %swap3A_3664 = vector.shape_cast %add3A_3658 : vector<16xi32> to vector<1x16xi32>
    tpu.vector_store %arg6[%swap3A_3660, %swap3A_3661], %swap3A_3664 {strides = array<i32>} : memref<26x128xi32, #tpu.memory_space<vmem>>, vector<1x16xi32>,
    %get3A_3665 = arith.constant 25 : i32
    %get3A_3666 = arith.index_cast %get3A_3665 : i32 to index
    %get3A_3667 = arith.constant 16 : index
    %get3A_3668 = tpu.vector_load %arg6[%get3A_3666, %get3A_3667] {strides = array<i32>} : memref<26x128xi32, #tpu.memory_space<vmem>>, vector<1x16xi32>,
    %get3A_3669 = vector.shape_cast %get3A_3668 : vector<1x16xi32> to vector<16xi32>
    %get3A_3670 = arith.constant 25 : i32
    %get3A_3671 = arith.index_cast %get3A_3670 : i32 to index
    %get3A_3672 = arith.constant 16 : index
    %get3A_3673 = tpu.vector_load %arg7[%get3A_3671, %get3A_3672] {strides = array<i32>} : memref<26x128xi32, #tpu.memory_space<vmem>>, vector<1x16xi32>,
    %get3A_3674 = vector.shape_cast %get3A_3673 : vector<1x16xi32> to vector<16xi32>
    %add3A_3675 = arith.addi %get3A_3669, %get3A_3674 : vector<16xi32>
    %swap3A_3676 = arith.constant 25 : i32
    %swap3A_3677 = arith.index_cast %swap3A_3676 : i32 to index
    %swap3A_3678 = arith.constant 16 : index
    %swap3A_3679 = tpu.vector_load %arg6[%swap3A_3677, %swap3A_3678] {strides = array<i32>} : memref<26x128xi32, #tpu.memory_space<vmem>>, vector<1x16xi32>,
    %swap3A_3680 = vector.shape_cast %swap3A_3679 : vector<1x16xi32> to vector<16xi32>
    %swap3A_3681 = vector.shape_cast %add3A_3675 : vector<16xi32> to vector<1x16xi32>
    tpu.vector_store %arg6[%swap3A_3677, %swap3A_3678], %swap3A_3681 {strides = array<i32>} : memref<26x128xi32, #tpu.memory_space<vmem>>, vector<1x16xi32>,
    %get3A_3682 = arith.constant 25 : i32
    %get3A_3683 = arith.index_cast %get3A_3682 : i32 to index
    %get3A_3684 = arith.constant 32 : index
    %get3A_3685 = tpu.vector_load %arg6[%get3A_3683, %get3A_3684] {strides = array<i32>} : memref<26x128xi32, #tpu.memory_space<vmem>>, vector<1x16xi32>,
    %get3A_3686 = vector.shape_cast %get3A_3685 : vector<1x16xi32> to vector<16xi32>
    %get3A_3687 = arith.constant 25 : i32
    %get3A_3688 = arith.index_cast %get3A_3687 : i32 to index
    %get3A_3689 = arith.constant 32 : index
    %get3A_3690 = tpu.vector_load %arg7[%get3A_3688, %get3A_3689] {strides = array<i32>} : memref<26x128xi32, #tpu.memory_space<vmem>>, vector<1x16xi32>,
    %get3A_3691 = vector.shape_cast %get3A_3690 : vector<1x16xi32> to vector<16xi32>
    %add3A_3692 = arith.addi %get3A_3686, %get3A_3691 : vector<16xi32>
    %swap3A_3693 = arith.constant 25 : i32
    %swap3A_3694 = arith.index_cast %swap3A_3693 : i32 to index
    %swap3A_3695 = arith.constant 32 : index
    %swap3A_3696 = tpu.vector_load %arg6[%swap3A_3694, %swap3A_3695] {strides = array<i32>} : memref<26x128xi32, #tpu.memory_space<vmem>>, vector<1x16xi32>,
    %swap3A_3697 = vector.shape_cast %swap3A_3696 : vector<1x16xi32> to vector<16xi32>
    %swap3A_3698 = vector.shape_cast %add3A_3692 : vector<16xi32> to vector<1x16xi32>
    tpu.vector_store %arg6[%swap3A_3694, %swap3A_3695], %swap3A_3698 {strides = array<i32>} : memref<26x128xi32, #tpu.memory_space<vmem>>, vector<1x16xi32>,
    %get3A_3699 = arith.constant 25 : i32
    %get3A_3700 = arith.index_cast %get3A_3699 : i32 to index
    %get3A_3701 = arith.constant 48 : index
    %get3A_3702 = tpu.vector_load %arg6[%get3A_3700, %get3A_3701] {strides = array<i32>} : memref<26x128xi32, #tpu.memory_space<vmem>>, vector<1x16xi32>,
    %get3A_3703 = vector.shape_cast %get3A_3702 : vector<1x16xi32> to vector<16xi32>
    %get3A_3704 = arith.constant 25 : i32
    %get3A_3705 = arith.index_cast %get3A_3704 : i32 to index
    %get3A_3706 = arith.constant 48 : index
    %get3A_3707 = tpu.vector_load %arg7[%get3A_3705, %get3A_3706] {strides = array<i32>} : memref<26x128xi32, #tpu.memory_space<vmem>>, vector<1x16xi32>,
    %get3A_3708 = vector.shape_cast %get3A_3707 : vector<1x16xi32> to vector<16xi32>
    %add3A_3709 = arith.addi %get3A_3703, %get3A_3708 : vector<16xi32>
    %swap3A_3710 = arith.constant 25 : i32
    %swap3A_3711 = arith.index_cast %swap3A_3710 : i32 to index
    %swap3A_3712 = arith.constant 48 : index
    %swap3A_3713 = tpu.vector_load %arg6[%swap3A_3711, %swap3A_3712] {strides = array<i32>} : memref<26x128xi32, #tpu.memory_space<vmem>>, vector<1x16xi32>,
    %swap3A_3714 = vector.shape_cast %swap3A_3713 : vector<1x16xi32> to vector<16xi32>
    %swap3A_3715 = vector.shape_cast %add3A_3709 : vector<16xi32> to vector<1x16xi32>
    tpu.vector_store %arg6[%swap3A_3711, %swap3A_3712], %swap3A_3715 {strides = array<i32>} : memref<26x128xi32, #tpu.memory_space<vmem>>, vector<1x16xi32>,
    %get3A_3716 = arith.constant 25 : i32
    %get3A_3717 = arith.index_cast %get3A_3716 : i32 to index
    %get3A_3718 = arith.constant 64 : index
    %get3A_3719 = tpu.vector_load %arg6[%get3A_3717, %get3A_3718] {strides = array<i32>} : memref<26x128xi32, #tpu.memory_space<vmem>>, vector<1x16xi32>,
    %get3A_3720 = vector.shape_cast %get3A_3719 : vector<1x16xi32> to vector<16xi32>
    %get3A_3721 = arith.constant 25 : i32
    %get3A_3722 = arith.index_cast %get3A_3721 : i32 to index
    %get3A_3723 = arith.constant 64 : index
    %get3A_3724 = tpu.vector_load %arg7[%get3A_3722, %get3A_3723] {strides = array<i32>} : memref<26x128xi32, #tpu.memory_space<vmem>>, vector<1x16xi32>,
    %get3A_3725 = vector.shape_cast %get3A_3724 : vector<1x16xi32> to vector<16xi32>
    %add3A_3726 = arith.addi %get3A_3720, %get3A_3725 : vector<16xi32>
    %swap3A_3727 = arith.constant 25 : i32
    %swap3A_3728 = arith.index_cast %swap3A_3727 : i32 to index
    %swap3A_3729 = arith.constant 64 : index
    %swap3A_3730 = tpu.vector_load %arg6[%swap3A_3728, %swap3A_3729] {strides = array<i32>} : memref<26x128xi32, #tpu.memory_space<vmem>>, vector<1x16xi32>,
    %swap3A_3731 = vector.shape_cast %swap3A_3730 : vector<1x16xi32> to vector<16xi32>
    %swap3A_3732 = vector.shape_cast %add3A_3726 : vector<16xi32> to vector<1x16xi32>
    tpu.vector_store %arg6[%swap3A_3728, %swap3A_3729], %swap3A_3732 {strides = array<i32>} : memref<26x128xi32, #tpu.memory_space<vmem>>, vector<1x16xi32>,
    %get3A_3733 = arith.constant 25 : i32
    %get3A_3734 = arith.index_cast %get3A_3733 : i32 to index
    %get3A_3735 = arith.constant 80 : index
    %get3A_3736 = tpu.vector_load %arg6[%get3A_3734, %get3A_3735] {strides = array<i32>} : memref<26x128xi32, #tpu.memory_space<vmem>>, vector<1x16xi32>,
    %get3A_3737 = vector.shape_cast %get3A_3736 : vector<1x16xi32> to vector<16xi32>
    %get3A_3738 = arith.constant 25 : i32
    %get3A_3739 = arith.index_cast %get3A_3738 : i32 to index
    %get3A_3740 = arith.constant 80 : index
    %get3A_3741 = tpu.vector_load %arg7[%get3A_3739, %get3A_3740] {strides = array<i32>} : memref<26x128xi32, #tpu.memory_space<vmem>>, vector<1x16xi32>,
    %get3A_3742 = vector.shape_cast %get3A_3741 : vector<1x16xi32> to vector<16xi32>
    %add3A_3743 = arith.addi %get3A_3737, %get3A_3742 : vector<16xi32>
    %swap3A_3744 = arith.constant 25 : i32
    %swap3A_3745 = arith.index_cast %swap3A_3744 : i32 to index
    %swap3A_3746 = arith.constant 80 : index
    %swap3A_3747 = tpu.vector_load %arg6[%swap3A_3745, %swap3A_3746] {strides = array<i32>} : memref<26x128xi32, #tpu.memory_space<vmem>>, vector<1x16xi32>,
    %swap3A_3748 = vector.shape_cast %swap3A_3747 : vector<1x16xi32> to vector<16xi32>
    %swap3A_3749 = vector.shape_cast %add3A_3743 : vector<16xi32> to vector<1x16xi32>
    tpu.vector_store %arg6[%swap3A_3745, %swap3A_3746], %swap3A_3749 {strides = array<i32>} : memref<26x128xi32, #tpu.memory_space<vmem>>, vector<1x16xi32>,
    %get3A_3750 = arith.constant 25 : i32
    %get3A_3751 = arith.index_cast %get3A_3750 : i32 to index
    %get3A_3752 = arith.constant 96 : index
    %get3A_3753 = tpu.vector_load %arg6[%get3A_3751, %get3A_3752] {strides = array<i32>} : memref<26x128xi32, #tpu.memory_space<vmem>>, vector<1x16xi32>,
    %get3A_3754 = vector.shape_cast %get3A_3753 : vector<1x16xi32> to vector<16xi32>
    %get3A_3755 = arith.constant 25 : i32
    %get3A_3756 = arith.index_cast %get3A_3755 : i32 to index
    %get3A_3757 = arith.constant 96 : index
    %get3A_3758 = tpu.vector_load %arg7[%get3A_3756, %get3A_3757] {strides = array<i32>} : memref<26x128xi32, #tpu.memory_space<vmem>>, vector<1x16xi32>,
    %get3A_3759 = vector.shape_cast %get3A_3758 : vector<1x16xi32> to vector<16xi32>
    %add3A_3760 = arith.addi %get3A_3754, %get3A_3759 : vector<16xi32>
    %swap3A_3761 = arith.constant 25 : i32
    %swap3A_3762 = arith.index_cast %swap3A_3761 : i32 to index
    %swap3A_3763 = arith.constant 96 : index
    %swap3A_3764 = tpu.vector_load %arg6[%swap3A_3762, %swap3A_3763] {strides = array<i32>} : memref<26x128xi32, #tpu.memory_space<vmem>>, vector<1x16xi32>,
    %swap3A_3765 = vector.shape_cast %swap3A_3764 : vector<1x16xi32> to vector<16xi32>
    %swap3A_3766 = vector.shape_cast %add3A_3760 : vector<16xi32> to vector<1x16xi32>
    tpu.vector_store %arg6[%swap3A_3762, %swap3A_3763], %swap3A_3766 {strides = array<i32>} : memref<26x128xi32, #tpu.memory_space<vmem>>, vector<1x16xi32>,
    %get3A_3767 = arith.constant 25 : i32
    %get3A_3768 = arith.index_cast %get3A_3767 : i32 to index
    %get3A_3769 = arith.constant 112 : index
    %get3A_3770 = tpu.vector_load %arg6[%get3A_3768, %get3A_3769] {strides = array<i32>} : memref<26x128xi32, #tpu.memory_space<vmem>>, vector<1x16xi32>,
    %get3A_3771 = vector.shape_cast %get3A_3770 : vector<1x16xi32> to vector<16xi32>
    %get3A_3772 = arith.constant 25 : i32
    %get3A_3773 = arith.index_cast %get3A_3772 : i32 to index
    %get3A_3774 = arith.constant 112 : index
    %get3A_3775 = tpu.vector_load %arg7[%get3A_3773, %get3A_3774] {strides = array<i32>} : memref<26x128xi32, #tpu.memory_space<vmem>>, vector<1x16xi32>,
    %get3A_3776 = vector.shape_cast %get3A_3775 : vector<1x16xi32> to vector<16xi32>
    %add3A_3777 = arith.addi %get3A_3771, %get3A_3776 : vector<16xi32>
    %swap3A_3778 = arith.constant 25 : i32
    %swap3A_3779 = arith.index_cast %swap3A_3778 : i32 to index
    %swap3A_3780 = arith.constant 112 : index
    %swap3A_3781 = tpu.vector_load %arg6[%swap3A_3779, %swap3A_3780] {strides = array<i32>} : memref<26x128xi32, #tpu.memory_space<vmem>>, vector<1x16xi32>,
    %swap3A_3782 = vector.shape_cast %swap3A_3781 : vector<1x16xi32> to vector<16xi32>
    %swap3A_3783 = vector.shape_cast %add3A_3777 : vector<16xi32> to vector<1x16xi32>
    tpu.vector_store %arg6[%swap3A_3779, %swap3A_3780], %swap3A_3783 {strides = array<i32>} : memref<26x128xi32, #tpu.memory_space<vmem>>, vector<1x16xi32>,
    %dma_start3A_3784 = arith.constant 25 : i32
    %dma_start3A_3785 = arith.constant 3200 : i32
    %dma_start3A_3786 = arith.constant 0 : i32
    %dma_start3A_3787 = tpu.memref_slice %arg8[%dma_start3A_3785, %dma_start3A_3786] : memref<3328x32xf32, #tpu.memory_space<vmem>> -> memref<128x32xf32, #tpu.memory_space<vmem>>
    %dma_start3A_3788 = arith.constant 0 : i32
    %dma_start3A_3789 = tpu.memref_slice %arg6[%dma_start3A_3784, %dma_start3A_3788] : memref<26x128xi32, #tpu.memory_space<vmem>> -> memref<1x128xi32, #tpu.memory_space<vmem>>
    %dma_start3A_3790 = tpu.memref_squeeze %dma_start3A_3789 : memref<1x128xi32, #tpu.memory_space<vmem>> -> memref<128xi32, #tpu.memory_space<vmem>>
    %dma_start3A_3791 = arith.constant 0 : i32
    %dma_start3A_3792 = arith.constant 0 : i32
    %dma_start3A_3793 = tpu.memref_slice %arg3[%dma_start3A_3791, %dma_start3A_3792] : memref<2600000x32xf32, #tpu.memory_space<hbm>> -> memref<2600000x32xf32, #tpu.memory_space<hbm>>
    tpu.enqueue_indirect_dma source(%dma_start3A_3793 : memref<2600000x32xf32, #tpu.memory_space<hbm>>) target(%dma_start3A_3787 : memref<128x32xf32, #tpu.memory_space<vmem>>) offsets(%dma_start3A_3790 : memref<128xi32, #tpu.memory_space<vmem>>) semaphore(%arg9 : memref<!tpu.dma_semaphore, #tpu.memory_space<semaphore_mem>>)
    %dma_wait3A = arith.constant 0 : i32
    %dma_wait3A_3794 = arith.constant 0 : i32
    %dma_wait3A_3795 = arith.constant 0 : i32
    %dma_wait3A_3796 = tpu.memref_slice %arg8[%dma_wait3A_3794, %dma_wait3A_3795] : memref<3328x32xf32, #tpu.memory_space<vmem>> -> memref<128x32xf32, #tpu.memory_space<vmem>>
    %dma_wait3A_3797 = arith.constant 0 : i32
    %dma_wait3A_3798 = tpu.memref_slice %arg6[%dma_wait3A, %dma_wait3A_3797] : memref<26x128xi32, #tpu.memory_space<vmem>> -> memref<1x128xi32, #tpu.memory_space<vmem>>
    %dma_wait3A_3799 = tpu.memref_squeeze %dma_wait3A_3798 : memref<1x128xi32, #tpu.memory_space<vmem>> -> memref<128xi32, #tpu.memory_space<vmem>>
    %dma_wait3A_3800 = arith.constant 0 : i32
    %dma_wait3A_3801 = arith.constant 0 : i32
    %dma_wait3A_3802 = tpu.memref_slice %arg3[%dma_wait3A_3800, %dma_wait3A_3801] : memref<2600000x32xf32, #tpu.memory_space<hbm>> -> memref<2600000x32xf32, #tpu.memory_space<hbm>>
    tpu.wait_indirect_dma semaphore(%arg9 : memref<!tpu.dma_semaphore, #tpu.memory_space<semaphore_mem>>) src(%dma_wait3A_3802 : memref<2600000x32xf32, #tpu.memory_space<hbm>>) dst(%dma_wait3A_3796 : memref<128x32xf32, #tpu.memory_space<vmem>>)
    %dma_wait3A_3803 = arith.constant 1 : i32
    %dma_wait3A_3804 = arith.constant 128 : i32
    %dma_wait3A_3805 = arith.constant 0 : i32
    %dma_wait3A_3806 = tpu.memref_slice %arg8[%dma_wait3A_3804, %dma_wait3A_3805] : memref<3328x32xf32, #tpu.memory_space<vmem>> -> memref<128x32xf32, #tpu.memory_space<vmem>>
    %dma_wait3A_3807 = arith.constant 0 : i32
    %dma_wait3A_3808 = tpu.memref_slice %arg6[%dma_wait3A_3803, %dma_wait3A_3807] : memref<26x128xi32, #tpu.memory_space<vmem>> -> memref<1x128xi32, #tpu.memory_space<vmem>>
    %dma_wait3A_3809 = tpu.memref_squeeze %dma_wait3A_3808 : memref<1x128xi32, #tpu.memory_space<vmem>> -> memref<128xi32, #tpu.memory_space<vmem>>
    %dma_wait3A_3810 = arith.constant 0 : i32
    %dma_wait3A_3811 = arith.constant 0 : i32
    %dma_wait3A_3812 = tpu.memref_slice %arg3[%dma_wait3A_3810, %dma_wait3A_3811] : memref<2600000x32xf32, #tpu.memory_space<hbm>> -> memref<2600000x32xf32, #tpu.memory_space<hbm>>
    tpu.wait_indirect_dma semaphore(%arg9 : memref<!tpu.dma_semaphore, #tpu.memory_space<semaphore_mem>>) src(%dma_wait3A_3812 : memref<2600000x32xf32, #tpu.memory_space<hbm>>) dst(%dma_wait3A_3806 : memref<128x32xf32, #tpu.memory_space<vmem>>)
    %dma_wait3A_3813 = arith.constant 2 : i32
    %dma_wait3A_3814 = arith.constant 256 : i32
    %dma_wait3A_3815 = arith.constant 0 : i32
    %dma_wait3A_3816 = tpu.memref_slice %arg8[%dma_wait3A_3814, %dma_wait3A_3815] : memref<3328x32xf32, #tpu.memory_space<vmem>> -> memref<128x32xf32, #tpu.memory_space<vmem>>
    %dma_wait3A_3817 = arith.constant 0 : i32
    %dma_wait3A_3818 = tpu.memref_slice %arg6[%dma_wait3A_3813, %dma_wait3A_3817] : memref<26x128xi32, #tpu.memory_space<vmem>> -> memref<1x128xi32, #tpu.memory_space<vmem>>
    %dma_wait3A_3819 = tpu.memref_squeeze %dma_wait3A_3818 : memref<1x128xi32, #tpu.memory_space<vmem>> -> memref<128xi32, #tpu.memory_space<vmem>>
    %dma_wait3A_3820 = arith.constant 0 : i32
    %dma_wait3A_3821 = arith.constant 0 : i32
    %dma_wait3A_3822 = tpu.memref_slice %arg3[%dma_wait3A_3820, %dma_wait3A_3821] : memref<2600000x32xf32, #tpu.memory_space<hbm>> -> memref<2600000x32xf32, #tpu.memory_space<hbm>>
    tpu.wait_indirect_dma semaphore(%arg9 : memref<!tpu.dma_semaphore, #tpu.memory_space<semaphore_mem>>) src(%dma_wait3A_3822 : memref<2600000x32xf32, #tpu.memory_space<hbm>>) dst(%dma_wait3A_3816 : memref<128x32xf32, #tpu.memory_space<vmem>>)
    %dma_wait3A_3823 = arith.constant 3 : i32
    %dma_wait3A_3824 = arith.constant 384 : i32
    %dma_wait3A_3825 = arith.constant 0 : i32
    %dma_wait3A_3826 = tpu.memref_slice %arg8[%dma_wait3A_3824, %dma_wait3A_3825] : memref<3328x32xf32, #tpu.memory_space<vmem>> -> memref<128x32xf32, #tpu.memory_space<vmem>>
    %dma_wait3A_3827 = arith.constant 0 : i32
    %dma_wait3A_3828 = tpu.memref_slice %arg6[%dma_wait3A_3823, %dma_wait3A_3827] : memref<26x128xi32, #tpu.memory_space<vmem>> -> memref<1x128xi32, #tpu.memory_space<vmem>>
    %dma_wait3A_3829 = tpu.memref_squeeze %dma_wait3A_3828 : memref<1x128xi32, #tpu.memory_space<vmem>> -> memref<128xi32, #tpu.memory_space<vmem>>
    %dma_wait3A_3830 = arith.constant 0 : i32
    %dma_wait3A_3831 = arith.constant 0 : i32
    %dma_wait3A_3832 = tpu.memref_slice %arg3[%dma_wait3A_3830, %dma_wait3A_3831] : memref<2600000x32xf32, #tpu.memory_space<hbm>> -> memref<2600000x32xf32, #tpu.memory_space<hbm>>
    tpu.wait_indirect_dma semaphore(%arg9 : memref<!tpu.dma_semaphore, #tpu.memory_space<semaphore_mem>>) src(%dma_wait3A_3832 : memref<2600000x32xf32, #tpu.memory_space<hbm>>) dst(%dma_wait3A_3826 : memref<128x32xf32, #tpu.memory_space<vmem>>)
    %dma_wait3A_3833 = arith.constant 4 : i32
    %dma_wait3A_3834 = arith.constant 512 : i32
    %dma_wait3A_3835 = arith.constant 0 : i32
    %dma_wait3A_3836 = tpu.memref_slice %arg8[%dma_wait3A_3834, %dma_wait3A_3835] : memref<3328x32xf32, #tpu.memory_space<vmem>> -> memref<128x32xf32, #tpu.memory_space<vmem>>
    %dma_wait3A_3837 = arith.constant 0 : i32
    %dma_wait3A_3838 = tpu.memref_slice %arg6[%dma_wait3A_3833, %dma_wait3A_3837] : memref<26x128xi32, #tpu.memory_space<vmem>> -> memref<1x128xi32, #tpu.memory_space<vmem>>
    %dma_wait3A_3839 = tpu.memref_squeeze %dma_wait3A_3838 : memref<1x128xi32, #tpu.memory_space<vmem>> -> memref<128xi32, #tpu.memory_space<vmem>>
    %dma_wait3A_3840 = arith.constant 0 : i32
    %dma_wait3A_3841 = arith.constant 0 : i32
    %dma_wait3A_3842 = tpu.memref_slice %arg3[%dma_wait3A_3840, %dma_wait3A_3841] : memref<2600000x32xf32, #tpu.memory_space<hbm>> -> memref<2600000x32xf32, #tpu.memory_space<hbm>>
    tpu.wait_indirect_dma semaphore(%arg9 : memref<!tpu.dma_semaphore, #tpu.memory_space<semaphore_mem>>) src(%dma_wait3A_3842 : memref<2600000x32xf32, #tpu.memory_space<hbm>>) dst(%dma_wait3A_3836 : memref<128x32xf32, #tpu.memory_space<vmem>>)
    %dma_wait3A_3843 = arith.constant 5 : i32
    %dma_wait3A_3844 = arith.constant 640 : i32
    %dma_wait3A_3845 = arith.constant 0 : i32
    %dma_wait3A_3846 = tpu.memref_slice %arg8[%dma_wait3A_3844, %dma_wait3A_3845] : memref<3328x32xf32, #tpu.memory_space<vmem>> -> memref<128x32xf32, #tpu.memory_space<vmem>>
    %dma_wait3A_3847 = arith.constant 0 : i32
    %dma_wait3A_3848 = tpu.memref_slice %arg6[%dma_wait3A_3843, %dma_wait3A_3847] : memref<26x128xi32, #tpu.memory_space<vmem>> -> memref<1x128xi32, #tpu.memory_space<vmem>>
    %dma_wait3A_3849 = tpu.memref_squeeze %dma_wait3A_3848 : memref<1x128xi32, #tpu.memory_space<vmem>> -> memref<128xi32, #tpu.memory_space<vmem>>
    %dma_wait3A_3850 = arith.constant 0 : i32
    %dma_wait3A_3851 = arith.constant 0 : i32
    %dma_wait3A_3852 = tpu.memref_slice %arg3[%dma_wait3A_3850, %dma_wait3A_3851] : memref<2600000x32xf32, #tpu.memory_space<hbm>> -> memref<2600000x32xf32, #tpu.memory_space<hbm>>
    tpu.wait_indirect_dma semaphore(%arg9 : memref<!tpu.dma_semaphore, #tpu.memory_space<semaphore_mem>>) src(%dma_wait3A_3852 : memref<2600000x32xf32, #tpu.memory_space<hbm>>) dst(%dma_wait3A_3846 : memref<128x32xf32, #tpu.memory_space<vmem>>)
    %dma_wait3A_3853 = arith.constant 6 : i32
    %dma_wait3A_3854 = arith.constant 768 : i32
    %dma_wait3A_3855 = arith.constant 0 : i32
    %dma_wait3A_3856 = tpu.memref_slice %arg8[%dma_wait3A_3854, %dma_wait3A_3855] : memref<3328x32xf32, #tpu.memory_space<vmem>> -> memref<128x32xf32, #tpu.memory_space<vmem>>
    %dma_wait3A_3857 = arith.constant 0 : i32
    %dma_wait3A_3858 = tpu.memref_slice %arg6[%dma_wait3A_3853, %dma_wait3A_3857] : memref<26x128xi32, #tpu.memory_space<vmem>> -> memref<1x128xi32, #tpu.memory_space<vmem>>
    %dma_wait3A_3859 = tpu.memref_squeeze %dma_wait3A_3858 : memref<1x128xi32, #tpu.memory_space<vmem>> -> memref<128xi32, #tpu.memory_space<vmem>>
    %dma_wait3A_3860 = arith.constant 0 : i32
    %dma_wait3A_3861 = arith.constant 0 : i32
    %dma_wait3A_3862 = tpu.memref_slice %arg3[%dma_wait3A_3860, %dma_wait3A_3861] : memref<2600000x32xf32, #tpu.memory_space<hbm>> -> memref<2600000x32xf32, #tpu.memory_space<hbm>>
    tpu.wait_indirect_dma semaphore(%arg9 : memref<!tpu.dma_semaphore, #tpu.memory_space<semaphore_mem>>) src(%dma_wait3A_3862 : memref<2600000x32xf32, #tpu.memory_space<hbm>>) dst(%dma_wait3A_3856 : memref<128x32xf32, #tpu.memory_space<vmem>>)
    %dma_wait3A_3863 = arith.constant 7 : i32
    %dma_wait3A_3864 = arith.constant 896 : i32
    %dma_wait3A_3865 = arith.constant 0 : i32
    %dma_wait3A_3866 = tpu.memref_slice %arg8[%dma_wait3A_3864, %dma_wait3A_3865] : memref<3328x32xf32, #tpu.memory_space<vmem>> -> memref<128x32xf32, #tpu.memory_space<vmem>>
    %dma_wait3A_3867 = arith.constant 0 : i32
    %dma_wait3A_3868 = tpu.memref_slice %arg6[%dma_wait3A_3863, %dma_wait3A_3867] : memref<26x128xi32, #tpu.memory_space<vmem>> -> memref<1x128xi32, #tpu.memory_space<vmem>>
    %dma_wait3A_3869 = tpu.memref_squeeze %dma_wait3A_3868 : memref<1x128xi32, #tpu.memory_space<vmem>> -> memref<128xi32, #tpu.memory_space<vmem>>
    %dma_wait3A_3870 = arith.constant 0 : i32
    %dma_wait3A_3871 = arith.constant 0 : i32
    %dma_wait3A_3872 = tpu.memref_slice %arg3[%dma_wait3A_3870, %dma_wait3A_3871] : memref<2600000x32xf32, #tpu.memory_space<hbm>> -> memref<2600000x32xf32, #tpu.memory_space<hbm>>
    tpu.wait_indirect_dma semaphore(%arg9 : memref<!tpu.dma_semaphore, #tpu.memory_space<semaphore_mem>>) src(%dma_wait3A_3872 : memref<2600000x32xf32, #tpu.memory_space<hbm>>) dst(%dma_wait3A_3866 : memref<128x32xf32, #tpu.memory_space<vmem>>)
    %dma_wait3A_3873 = arith.constant 8 : i32
    %dma_wait3A_3874 = arith.constant 1024 : i32
    %dma_wait3A_3875 = arith.constant 0 : i32
    %dma_wait3A_3876 = tpu.memref_slice %arg8[%dma_wait3A_3874, %dma_wait3A_3875] : memref<3328x32xf32, #tpu.memory_space<vmem>> -> memref<128x32xf32, #tpu.memory_space<vmem>>
    %dma_wait3A_3877 = arith.constant 0 : i32
    %dma_wait3A_3878 = tpu.memref_slice %arg6[%dma_wait3A_3873, %dma_wait3A_3877] : memref<26x128xi32, #tpu.memory_space<vmem>> -> memref<1x128xi32, #tpu.memory_space<vmem>>
    %dma_wait3A_3879 = tpu.memref_squeeze %dma_wait3A_3878 : memref<1x128xi32, #tpu.memory_space<vmem>> -> memref<128xi32, #tpu.memory_space<vmem>>
    %dma_wait3A_3880 = arith.constant 0 : i32
    %dma_wait3A_3881 = arith.constant 0 : i32
    %dma_wait3A_3882 = tpu.memref_slice %arg3[%dma_wait3A_3880, %dma_wait3A_3881] : memref<2600000x32xf32, #tpu.memory_space<hbm>> -> memref<2600000x32xf32, #tpu.memory_space<hbm>>
    tpu.wait_indirect_dma semaphore(%arg9 : memref<!tpu.dma_semaphore, #tpu.memory_space<semaphore_mem>>) src(%dma_wait3A_3882 : memref<2600000x32xf32, #tpu.memory_space<hbm>>) dst(%dma_wait3A_3876 : memref<128x32xf32, #tpu.memory_space<vmem>>)
    %dma_wait3A_3883 = arith.constant 9 : i32
    %dma_wait3A_3884 = arith.constant 1152 : i32
    %dma_wait3A_3885 = arith.constant 0 : i32
    %dma_wait3A_3886 = tpu.memref_slice %arg8[%dma_wait3A_3884, %dma_wait3A_3885] : memref<3328x32xf32, #tpu.memory_space<vmem>> -> memref<128x32xf32, #tpu.memory_space<vmem>>
    %dma_wait3A_3887 = arith.constant 0 : i32
    %dma_wait3A_3888 = tpu.memref_slice %arg6[%dma_wait3A_3883, %dma_wait3A_3887] : memref<26x128xi32, #tpu.memory_space<vmem>> -> memref<1x128xi32, #tpu.memory_space<vmem>>
    %dma_wait3A_3889 = tpu.memref_squeeze %dma_wait3A_3888 : memref<1x128xi32, #tpu.memory_space<vmem>> -> memref<128xi32, #tpu.memory_space<vmem>>
    %dma_wait3A_3890 = arith.constant 0 : i32
    %dma_wait3A_3891 = arith.constant 0 : i32
    %dma_wait3A_3892 = tpu.memref_slice %arg3[%dma_wait3A_3890, %dma_wait3A_3891] : memref<2600000x32xf32, #tpu.memory_space<hbm>> -> memref<2600000x32xf32, #tpu.memory_space<hbm>>
    tpu.wait_indirect_dma semaphore(%arg9 : memref<!tpu.dma_semaphore, #tpu.memory_space<semaphore_mem>>) src(%dma_wait3A_3892 : memref<2600000x32xf32, #tpu.memory_space<hbm>>) dst(%dma_wait3A_3886 : memref<128x32xf32, #tpu.memory_space<vmem>>)
    %dma_wait3A_3893 = arith.constant 10 : i32
    %dma_wait3A_3894 = arith.constant 1280 : i32
    %dma_wait3A_3895 = arith.constant 0 : i32
    %dma_wait3A_3896 = tpu.memref_slice %arg8[%dma_wait3A_3894, %dma_wait3A_3895] : memref<3328x32xf32, #tpu.memory_space<vmem>> -> memref<128x32xf32, #tpu.memory_space<vmem>>
    %dma_wait3A_3897 = arith.constant 0 : i32
    %dma_wait3A_3898 = tpu.memref_slice %arg6[%dma_wait3A_3893, %dma_wait3A_3897] : memref<26x128xi32, #tpu.memory_space<vmem>> -> memref<1x128xi32, #tpu.memory_space<vmem>>
    %dma_wait3A_3899 = tpu.memref_squeeze %dma_wait3A_3898 : memref<1x128xi32, #tpu.memory_space<vmem>> -> memref<128xi32, #tpu.memory_space<vmem>>
    %dma_wait3A_3900 = arith.constant 0 : i32
    %dma_wait3A_3901 = arith.constant 0 : i32
    %dma_wait3A_3902 = tpu.memref_slice %arg3[%dma_wait3A_3900, %dma_wait3A_3901] : memref<2600000x32xf32, #tpu.memory_space<hbm>> -> memref<2600000x32xf32, #tpu.memory_space<hbm>>
    tpu.wait_indirect_dma semaphore(%arg9 : memref<!tpu.dma_semaphore, #tpu.memory_space<semaphore_mem>>) src(%dma_wait3A_3902 : memref<2600000x32xf32, #tpu.memory_space<hbm>>) dst(%dma_wait3A_3896 : memref<128x32xf32, #tpu.memory_space<vmem>>)
    %dma_wait3A_3903 = arith.constant 11 : i32
    %dma_wait3A_3904 = arith.constant 1408 : i32
    %dma_wait3A_3905 = arith.constant 0 : i32
    %dma_wait3A_3906 = tpu.memref_slice %arg8[%dma_wait3A_3904, %dma_wait3A_3905] : memref<3328x32xf32, #tpu.memory_space<vmem>> -> memref<128x32xf32, #tpu.memory_space<vmem>>
    %dma_wait3A_3907 = arith.constant 0 : i32
    %dma_wait3A_3908 = tpu.memref_slice %arg6[%dma_wait3A_3903, %dma_wait3A_3907] : memref<26x128xi32, #tpu.memory_space<vmem>> -> memref<1x128xi32, #tpu.memory_space<vmem>>
    %dma_wait3A_3909 = tpu.memref_squeeze %dma_wait3A_3908 : memref<1x128xi32, #tpu.memory_space<vmem>> -> memref<128xi32, #tpu.memory_space<vmem>>
    %dma_wait3A_3910 = arith.constant 0 : i32
    %dma_wait3A_3911 = arith.constant 0 : i32
    %dma_wait3A_3912 = tpu.memref_slice %arg3[%dma_wait3A_3910, %dma_wait3A_3911] : memref<2600000x32xf32, #tpu.memory_space<hbm>> -> memref<2600000x32xf32, #tpu.memory_space<hbm>>
    tpu.wait_indirect_dma semaphore(%arg9 : memref<!tpu.dma_semaphore, #tpu.memory_space<semaphore_mem>>) src(%dma_wait3A_3912 : memref<2600000x32xf32, #tpu.memory_space<hbm>>) dst(%dma_wait3A_3906 : memref<128x32xf32, #tpu.memory_space<vmem>>)
    %dma_wait3A_3913 = arith.constant 12 : i32
    %dma_wait3A_3914 = arith.constant 1536 : i32
    %dma_wait3A_3915 = arith.constant 0 : i32
    %dma_wait3A_3916 = tpu.memref_slice %arg8[%dma_wait3A_3914, %dma_wait3A_3915] : memref<3328x32xf32, #tpu.memory_space<vmem>> -> memref<128x32xf32, #tpu.memory_space<vmem>>
    %dma_wait3A_3917 = arith.constant 0 : i32
    %dma_wait3A_3918 = tpu.memref_slice %arg6[%dma_wait3A_3913, %dma_wait3A_3917] : memref<26x128xi32, #tpu.memory_space<vmem>> -> memref<1x128xi32, #tpu.memory_space<vmem>>
    %dma_wait3A_3919 = tpu.memref_squeeze %dma_wait3A_3918 : memref<1x128xi32, #tpu.memory_space<vmem>> -> memref<128xi32, #tpu.memory_space<vmem>>
    %dma_wait3A_3920 = arith.constant 0 : i32
    %dma_wait3A_3921 = arith.constant 0 : i32
    %dma_wait3A_3922 = tpu.memref_slice %arg3[%dma_wait3A_3920, %dma_wait3A_3921] : memref<2600000x32xf32, #tpu.memory_space<hbm>> -> memref<2600000x32xf32, #tpu.memory_space<hbm>>
    tpu.wait_indirect_dma semaphore(%arg9 : memref<!tpu.dma_semaphore, #tpu.memory_space<semaphore_mem>>) src(%dma_wait3A_3922 : memref<2600000x32xf32, #tpu.memory_space<hbm>>) dst(%dma_wait3A_3916 : memref<128x32xf32, #tpu.memory_space<vmem>>)
    %dma_wait3A_3923 = arith.constant 13 : i32
    %dma_wait3A_3924 = arith.constant 1664 : i32
    %dma_wait3A_3925 = arith.constant 0 : i32
    %dma_wait3A_3926 = tpu.memref_slice %arg8[%dma_wait3A_3924, %dma_wait3A_3925] : memref<3328x32xf32, #tpu.memory_space<vmem>> -> memref<128x32xf32, #tpu.memory_space<vmem>>
    %dma_wait3A_3927 = arith.constant 0 : i32
    %dma_wait3A_3928 = tpu.memref_slice %arg6[%dma_wait3A_3923, %dma_wait3A_3927] : memref<26x128xi32, #tpu.memory_space<vmem>> -> memref<1x128xi32, #tpu.memory_space<vmem>>
    %dma_wait3A_3929 = tpu.memref_squeeze %dma_wait3A_3928 : memref<1x128xi32, #tpu.memory_space<vmem>> -> memref<128xi32, #tpu.memory_space<vmem>>
    %dma_wait3A_3930 = arith.constant 0 : i32
    %dma_wait3A_3931 = arith.constant 0 : i32
    %dma_wait3A_3932 = tpu.memref_slice %arg3[%dma_wait3A_3930, %dma_wait3A_3931] : memref<2600000x32xf32, #tpu.memory_space<hbm>> -> memref<2600000x32xf32, #tpu.memory_space<hbm>>
    tpu.wait_indirect_dma semaphore(%arg9 : memref<!tpu.dma_semaphore, #tpu.memory_space<semaphore_mem>>) src(%dma_wait3A_3932 : memref<2600000x32xf32, #tpu.memory_space<hbm>>) dst(%dma_wait3A_3926 : memref<128x32xf32, #tpu.memory_space<vmem>>)
    %dma_wait3A_3933 = arith.constant 14 : i32
    %dma_wait3A_3934 = arith.constant 1792 : i32
    %dma_wait3A_3935 = arith.constant 0 : i32
    %dma_wait3A_3936 = tpu.memref_slice %arg8[%dma_wait3A_3934, %dma_wait3A_3935] : memref<3328x32xf32, #tpu.memory_space<vmem>> -> memref<128x32xf32, #tpu.memory_space<vmem>>
    %dma_wait3A_3937 = arith.constant 0 : i32
    %dma_wait3A_3938 = tpu.memref_slice %arg6[%dma_wait3A_3933, %dma_wait3A_3937] : memref<26x128xi32, #tpu.memory_space<vmem>> -> memref<1x128xi32, #tpu.memory_space<vmem>>
    %dma_wait3A_3939 = tpu.memref_squeeze %dma_wait3A_3938 : memref<1x128xi32, #tpu.memory_space<vmem>> -> memref<128xi32, #tpu.memory_space<vmem>>
    %dma_wait3A_3940 = arith.constant 0 : i32
    %dma_wait3A_3941 = arith.constant 0 : i32
    %dma_wait3A_3942 = tpu.memref_slice %arg3[%dma_wait3A_3940, %dma_wait3A_3941] : memref<2600000x32xf32, #tpu.memory_space<hbm>> -> memref<2600000x32xf32, #tpu.memory_space<hbm>>
    tpu.wait_indirect_dma semaphore(%arg9 : memref<!tpu.dma_semaphore, #tpu.memory_space<semaphore_mem>>) src(%dma_wait3A_3942 : memref<2600000x32xf32, #tpu.memory_space<hbm>>) dst(%dma_wait3A_3936 : memref<128x32xf32, #tpu.memory_space<vmem>>)
    %dma_wait3A_3943 = arith.constant 15 : i32
    %dma_wait3A_3944 = arith.constant 1920 : i32
    %dma_wait3A_3945 = arith.constant 0 : i32
    %dma_wait3A_3946 = tpu.memref_slice %arg8[%dma_wait3A_3944, %dma_wait3A_3945] : memref<3328x32xf32, #tpu.memory_space<vmem>> -> memref<128x32xf32, #tpu.memory_space<vmem>>
    %dma_wait3A_3947 = arith.constant 0 : i32
    %dma_wait3A_3948 = tpu.memref_slice %arg6[%dma_wait3A_3943, %dma_wait3A_3947] : memref<26x128xi32, #tpu.memory_space<vmem>> -> memref<1x128xi32, #tpu.memory_space<vmem>>
    %dma_wait3A_3949 = tpu.memref_squeeze %dma_wait3A_3948 : memref<1x128xi32, #tpu.memory_space<vmem>> -> memref<128xi32, #tpu.memory_space<vmem>>
    %dma_wait3A_3950 = arith.constant 0 : i32
    %dma_wait3A_3951 = arith.constant 0 : i32
    %dma_wait3A_3952 = tpu.memref_slice %arg3[%dma_wait3A_3950, %dma_wait3A_3951] : memref<2600000x32xf32, #tpu.memory_space<hbm>> -> memref<2600000x32xf32, #tpu.memory_space<hbm>>
    tpu.wait_indirect_dma semaphore(%arg9 : memref<!tpu.dma_semaphore, #tpu.memory_space<semaphore_mem>>) src(%dma_wait3A_3952 : memref<2600000x32xf32, #tpu.memory_space<hbm>>) dst(%dma_wait3A_3946 : memref<128x32xf32, #tpu.memory_space<vmem>>)
    %dma_wait3A_3953 = arith.constant 16 : i32
    %dma_wait3A_3954 = arith.constant 2048 : i32
    %dma_wait3A_3955 = arith.constant 0 : i32
    %dma_wait3A_3956 = tpu.memref_slice %arg8[%dma_wait3A_3954, %dma_wait3A_3955] : memref<3328x32xf32, #tpu.memory_space<vmem>> -> memref<128x32xf32, #tpu.memory_space<vmem>>
    %dma_wait3A_3957 = arith.constant 0 : i32
    %dma_wait3A_3958 = tpu.memref_slice %arg6[%dma_wait3A_3953, %dma_wait3A_3957] : memref<26x128xi32, #tpu.memory_space<vmem>> -> memref<1x128xi32, #tpu.memory_space<vmem>>
    %dma_wait3A_3959 = tpu.memref_squeeze %dma_wait3A_3958 : memref<1x128xi32, #tpu.memory_space<vmem>> -> memref<128xi32, #tpu.memory_space<vmem>>
    %dma_wait3A_3960 = arith.constant 0 : i32
    %dma_wait3A_3961 = arith.constant 0 : i32
    %dma_wait3A_3962 = tpu.memref_slice %arg3[%dma_wait3A_3960, %dma_wait3A_3961] : memref<2600000x32xf32, #tpu.memory_space<hbm>> -> memref<2600000x32xf32, #tpu.memory_space<hbm>>
    tpu.wait_indirect_dma semaphore(%arg9 : memref<!tpu.dma_semaphore, #tpu.memory_space<semaphore_mem>>) src(%dma_wait3A_3962 : memref<2600000x32xf32, #tpu.memory_space<hbm>>) dst(%dma_wait3A_3956 : memref<128x32xf32, #tpu.memory_space<vmem>>)
    %dma_wait3A_3963 = arith.constant 17 : i32
    %dma_wait3A_3964 = arith.constant 2176 : i32
    %dma_wait3A_3965 = arith.constant 0 : i32
    %dma_wait3A_3966 = tpu.memref_slice %arg8[%dma_wait3A_3964, %dma_wait3A_3965] : memref<3328x32xf32, #tpu.memory_space<vmem>> -> memref<128x32xf32, #tpu.memory_space<vmem>>
    %dma_wait3A_3967 = arith.constant 0 : i32
    %dma_wait3A_3968 = tpu.memref_slice %arg6[%dma_wait3A_3963, %dma_wait3A_3967] : memref<26x128xi32, #tpu.memory_space<vmem>> -> memref<1x128xi32, #tpu.memory_space<vmem>>
    %dma_wait3A_3969 = tpu.memref_squeeze %dma_wait3A_3968 : memref<1x128xi32, #tpu.memory_space<vmem>> -> memref<128xi32, #tpu.memory_space<vmem>>
    %dma_wait3A_3970 = arith.constant 0 : i32
    %dma_wait3A_3971 = arith.constant 0 : i32
    %dma_wait3A_3972 = tpu.memref_slice %arg3[%dma_wait3A_3970, %dma_wait3A_3971] : memref<2600000x32xf32, #tpu.memory_space<hbm>> -> memref<2600000x32xf32, #tpu.memory_space<hbm>>
    tpu.wait_indirect_dma semaphore(%arg9 : memref<!tpu.dma_semaphore, #tpu.memory_space<semaphore_mem>>) src(%dma_wait3A_3972 : memref<2600000x32xf32, #tpu.memory_space<hbm>>) dst(%dma_wait3A_3966 : memref<128x32xf32, #tpu.memory_space<vmem>>)
    %dma_wait3A_3973 = arith.constant 18 : i32
    %dma_wait3A_3974 = arith.constant 2304 : i32
    %dma_wait3A_3975 = arith.constant 0 : i32
    %dma_wait3A_3976 = tpu.memref_slice %arg8[%dma_wait3A_3974, %dma_wait3A_3975] : memref<3328x32xf32, #tpu.memory_space<vmem>> -> memref<128x32xf32, #tpu.memory_space<vmem>>
    %dma_wait3A_3977 = arith.constant 0 : i32
    %dma_wait3A_3978 = tpu.memref_slice %arg6[%dma_wait3A_3973, %dma_wait3A_3977] : memref<26x128xi32, #tpu.memory_space<vmem>> -> memref<1x128xi32, #tpu.memory_space<vmem>>
    %dma_wait3A_3979 = tpu.memref_squeeze %dma_wait3A_3978 : memref<1x128xi32, #tpu.memory_space<vmem>> -> memref<128xi32, #tpu.memory_space<vmem>>
    %dma_wait3A_3980 = arith.constant 0 : i32
    %dma_wait3A_3981 = arith.constant 0 : i32
    %dma_wait3A_3982 = tpu.memref_slice %arg3[%dma_wait3A_3980, %dma_wait3A_3981] : memref<2600000x32xf32, #tpu.memory_space<hbm>> -> memref<2600000x32xf32, #tpu.memory_space<hbm>>
    tpu.wait_indirect_dma semaphore(%arg9 : memref<!tpu.dma_semaphore, #tpu.memory_space<semaphore_mem>>) src(%dma_wait3A_3982 : memref<2600000x32xf32, #tpu.memory_space<hbm>>) dst(%dma_wait3A_3976 : memref<128x32xf32, #tpu.memory_space<vmem>>)
    %dma_wait3A_3983 = arith.constant 19 : i32
    %dma_wait3A_3984 = arith.constant 2432 : i32
    %dma_wait3A_3985 = arith.constant 0 : i32
    %dma_wait3A_3986 = tpu.memref_slice %arg8[%dma_wait3A_3984, %dma_wait3A_3985] : memref<3328x32xf32, #tpu.memory_space<vmem>> -> memref<128x32xf32, #tpu.memory_space<vmem>>
    %dma_wait3A_3987 = arith.constant 0 : i32
    %dma_wait3A_3988 = tpu.memref_slice %arg6[%dma_wait3A_3983, %dma_wait3A_3987] : memref<26x128xi32, #tpu.memory_space<vmem>> -> memref<1x128xi32, #tpu.memory_space<vmem>>
    %dma_wait3A_3989 = tpu.memref_squeeze %dma_wait3A_3988 : memref<1x128xi32, #tpu.memory_space<vmem>> -> memref<128xi32, #tpu.memory_space<vmem>>
    %dma_wait3A_3990 = arith.constant 0 : i32
    %dma_wait3A_3991 = arith.constant 0 : i32
    %dma_wait3A_3992 = tpu.memref_slice %arg3[%dma_wait3A_3990, %dma_wait3A_3991] : memref<2600000x32xf32, #tpu.memory_space<hbm>> -> memref<2600000x32xf32, #tpu.memory_space<hbm>>
    tpu.wait_indirect_dma semaphore(%arg9 : memref<!tpu.dma_semaphore, #tpu.memory_space<semaphore_mem>>) src(%dma_wait3A_3992 : memref<2600000x32xf32, #tpu.memory_space<hbm>>) dst(%dma_wait3A_3986 : memref<128x32xf32, #tpu.memory_space<vmem>>)
    %dma_wait3A_3993 = arith.constant 20 : i32
    %dma_wait3A_3994 = arith.constant 2560 : i32
    %dma_wait3A_3995 = arith.constant 0 : i32
    %dma_wait3A_3996 = tpu.memref_slice %arg8[%dma_wait3A_3994, %dma_wait3A_3995] : memref<3328x32xf32, #tpu.memory_space<vmem>> -> memref<128x32xf32, #tpu.memory_space<vmem>>
    %dma_wait3A_3997 = arith.constant 0 : i32
    %dma_wait3A_3998 = tpu.memref_slice %arg6[%dma_wait3A_3993, %dma_wait3A_3997] : memref<26x128xi32, #tpu.memory_space<vmem>> -> memref<1x128xi32, #tpu.memory_space<vmem>>
    %dma_wait3A_3999 = tpu.memref_squeeze %dma_wait3A_3998 : memref<1x128xi32, #tpu.memory_space<vmem>> -> memref<128xi32, #tpu.memory_space<vmem>>
    %dma_wait3A_4000 = arith.constant 0 : i32
    %dma_wait3A_4001 = arith.constant 0 : i32
    %dma_wait3A_4002 = tpu.memref_slice %arg3[%dma_wait3A_4000, %dma_wait3A_4001] : memref<2600000x32xf32, #tpu.memory_space<hbm>> -> memref<2600000x32xf32, #tpu.memory_space<hbm>>
    tpu.wait_indirect_dma semaphore(%arg9 : memref<!tpu.dma_semaphore, #tpu.memory_space<semaphore_mem>>) src(%dma_wait3A_4002 : memref<2600000x32xf32, #tpu.memory_space<hbm>>) dst(%dma_wait3A_3996 : memref<128x32xf32, #tpu.memory_space<vmem>>)
    %dma_wait3A_4003 = arith.constant 21 : i32
    %dma_wait3A_4004 = arith.constant 2688 : i32
    %dma_wait3A_4005 = arith.constant 0 : i32
    %dma_wait3A_4006 = tpu.memref_slice %arg8[%dma_wait3A_4004, %dma_wait3A_4005] : memref<3328x32xf32, #tpu.memory_space<vmem>> -> memref<128x32xf32, #tpu.memory_space<vmem>>
    %dma_wait3A_4007 = arith.constant 0 : i32
    %dma_wait3A_4008 = tpu.memref_slice %arg6[%dma_wait3A_4003, %dma_wait3A_4007] : memref<26x128xi32, #tpu.memory_space<vmem>> -> memref<1x128xi32, #tpu.memory_space<vmem>>
    %dma_wait3A_4009 = tpu.memref_squeeze %dma_wait3A_4008 : memref<1x128xi32, #tpu.memory_space<vmem>> -> memref<128xi32, #tpu.memory_space<vmem>>
    %dma_wait3A_4010 = arith.constant 0 : i32
    %dma_wait3A_4011 = arith.constant 0 : i32
    %dma_wait3A_4012 = tpu.memref_slice %arg3[%dma_wait3A_4010, %dma_wait3A_4011] : memref<2600000x32xf32, #tpu.memory_space<hbm>> -> memref<2600000x32xf32, #tpu.memory_space<hbm>>
    tpu.wait_indirect_dma semaphore(%arg9 : memref<!tpu.dma_semaphore, #tpu.memory_space<semaphore_mem>>) src(%dma_wait3A_4012 : memref<2600000x32xf32, #tpu.memory_space<hbm>>) dst(%dma_wait3A_4006 : memref<128x32xf32, #tpu.memory_space<vmem>>)
    %dma_wait3A_4013 = arith.constant 22 : i32
    %dma_wait3A_4014 = arith.constant 2816 : i32
    %dma_wait3A_4015 = arith.constant 0 : i32
    %dma_wait3A_4016 = tpu.memref_slice %arg8[%dma_wait3A_4014, %dma_wait3A_4015] : memref<3328x32xf32, #tpu.memory_space<vmem>> -> memref<128x32xf32, #tpu.memory_space<vmem>>
    %dma_wait3A_4017 = arith.constant 0 : i32
    %dma_wait3A_4018 = tpu.memref_slice %arg6[%dma_wait3A_4013, %dma_wait3A_4017] : memref<26x128xi32, #tpu.memory_space<vmem>> -> memref<1x128xi32, #tpu.memory_space<vmem>>
    %dma_wait3A_4019 = tpu.memref_squeeze %dma_wait3A_4018 : memref<1x128xi32, #tpu.memory_space<vmem>> -> memref<128xi32, #tpu.memory_space<vmem>>
    %dma_wait3A_4020 = arith.constant 0 : i32
    %dma_wait3A_4021 = arith.constant 0 : i32
    %dma_wait3A_4022 = tpu.memref_slice %arg3[%dma_wait3A_4020, %dma_wait3A_4021] : memref<2600000x32xf32, #tpu.memory_space<hbm>> -> memref<2600000x32xf32, #tpu.memory_space<hbm>>
    tpu.wait_indirect_dma semaphore(%arg9 : memref<!tpu.dma_semaphore, #tpu.memory_space<semaphore_mem>>) src(%dma_wait3A_4022 : memref<2600000x32xf32, #tpu.memory_space<hbm>>) dst(%dma_wait3A_4016 : memref<128x32xf32, #tpu.memory_space<vmem>>)
    %dma_wait3A_4023 = arith.constant 23 : i32
    %dma_wait3A_4024 = arith.constant 2944 : i32
    %dma_wait3A_4025 = arith.constant 0 : i32
    %dma_wait3A_4026 = tpu.memref_slice %arg8[%dma_wait3A_4024, %dma_wait3A_4025] : memref<3328x32xf32, #tpu.memory_space<vmem>> -> memref<128x32xf32, #tpu.memory_space<vmem>>
    %dma_wait3A_4027 = arith.constant 0 : i32
    %dma_wait3A_4028 = tpu.memref_slice %arg6[%dma_wait3A_4023, %dma_wait3A_4027] : memref<26x128xi32, #tpu.memory_space<vmem>> -> memref<1x128xi32, #tpu.memory_space<vmem>>
    %dma_wait3A_4029 = tpu.memref_squeeze %dma_wait3A_4028 : memref<1x128xi32, #tpu.memory_space<vmem>> -> memref<128xi32, #tpu.memory_space<vmem>>
    %dma_wait3A_4030 = arith.constant 0 : i32
    %dma_wait3A_4031 = arith.constant 0 : i32
    %dma_wait3A_4032 = tpu.memref_slice %arg3[%dma_wait3A_4030, %dma_wait3A_4031] : memref<2600000x32xf32, #tpu.memory_space<hbm>> -> memref<2600000x32xf32, #tpu.memory_space<hbm>>
    tpu.wait_indirect_dma semaphore(%arg9 : memref<!tpu.dma_semaphore, #tpu.memory_space<semaphore_mem>>) src(%dma_wait3A_4032 : memref<2600000x32xf32, #tpu.memory_space<hbm>>) dst(%dma_wait3A_4026 : memref<128x32xf32, #tpu.memory_space<vmem>>)
    %dma_wait3A_4033 = arith.constant 24 : i32
    %dma_wait3A_4034 = arith.constant 3072 : i32
    %dma_wait3A_4035 = arith.constant 0 : i32
    %dma_wait3A_4036 = tpu.memref_slice %arg8[%dma_wait3A_4034, %dma_wait3A_4035] : memref<3328x32xf32, #tpu.memory_space<vmem>> -> memref<128x32xf32, #tpu.memory_space<vmem>>
    %dma_wait3A_4037 = arith.constant 0 : i32
    %dma_wait3A_4038 = tpu.memref_slice %arg6[%dma_wait3A_4033, %dma_wait3A_4037] : memref<26x128xi32, #tpu.memory_space<vmem>> -> memref<1x128xi32, #tpu.memory_space<vmem>>
    %dma_wait3A_4039 = tpu.memref_squeeze %dma_wait3A_4038 : memref<1x128xi32, #tpu.memory_space<vmem>> -> memref<128xi32, #tpu.memory_space<vmem>>
    %dma_wait3A_4040 = arith.constant 0 : i32
    %dma_wait3A_4041 = arith.constant 0 : i32
    %dma_wait3A_4042 = tpu.memref_slice %arg3[%dma_wait3A_4040, %dma_wait3A_4041] : memref<2600000x32xf32, #tpu.memory_space<hbm>> -> memref<2600000x32xf32, #tpu.memory_space<hbm>>
    tpu.wait_indirect_dma semaphore(%arg9 : memref<!tpu.dma_semaphore, #tpu.memory_space<semaphore_mem>>) src(%dma_wait3A_4042 : memref<2600000x32xf32, #tpu.memory_space<hbm>>) dst(%dma_wait3A_4036 : memref<128x32xf32, #tpu.memory_space<vmem>>)
    %dma_wait3A_4043 = arith.constant 25 : i32
    %dma_wait3A_4044 = arith.constant 3200 : i32
    %dma_wait3A_4045 = arith.constant 0 : i32
    %dma_wait3A_4046 = tpu.memref_slice %arg8[%dma_wait3A_4044, %dma_wait3A_4045] : memref<3328x32xf32, #tpu.memory_space<vmem>> -> memref<128x32xf32, #tpu.memory_space<vmem>>
    %dma_wait3A_4047 = arith.constant 0 : i32
    %dma_wait3A_4048 = tpu.memref_slice %arg6[%dma_wait3A_4043, %dma_wait3A_4047] : memref<26x128xi32, #tpu.memory_space<vmem>> -> memref<1x128xi32, #tpu.memory_space<vmem>>
    %dma_wait3A_4049 = tpu.memref_squeeze %dma_wait3A_4048 : memref<1x128xi32, #tpu.memory_space<vmem>> -> memref<128xi32, #tpu.memory_space<vmem>>
    %dma_wait3A_4050 = arith.constant 0 : i32
    %dma_wait3A_4051 = arith.constant 0 : i32
    %dma_wait3A_4052 = tpu.memref_slice %arg3[%dma_wait3A_4050, %dma_wait3A_4051] : memref<2600000x32xf32, #tpu.memory_space<hbm>> -> memref<2600000x32xf32, #tpu.memory_space<hbm>>
    tpu.wait_indirect_dma semaphore(%arg9 : memref<!tpu.dma_semaphore, #tpu.memory_space<semaphore_mem>>) src(%dma_wait3A_4052 : memref<2600000x32xf32, #tpu.memory_space<hbm>>) dst(%dma_wait3A_4046 : memref<128x32xf32, #tpu.memory_space<vmem>>)
    %mul3A_4053 = arith.constant 3328 : i32
    %mul3A_4054 = arith.muli %add3A, %mul3A_4053 : i32
    "tpu.region"() ({
      %run_scoped3A = tpu.sem_alloc : memref<!tpu.dma_semaphore, #tpu.memory_space<semaphore_mem>>
      %dma_start3A_4055 = arith.constant 0 : i32
      %dma_start3A_4056 = tpu.memref_slice %arg5[%mul3A_4054, %dma_start3A_4055] : memref<106496x32xf32, #tpu.memory_space<hbm>> -> memref<3328x32xf32, #tpu.memory_space<hbm>>
      %dma_start3A_4057 = arith.constant 0 : i32
      %dma_start3A_4058 = tpu.memref_slice %arg5[%mul3A_4054, %dma_start3A_4057] : memref<106496x32xf32, #tpu.memory_space<hbm>> -> memref<3328x32xf32, #tpu.memory_space<hbm>>
      tpu.enqueue_dma source(%arg8 : memref<3328x32xf32, #tpu.memory_space<vmem>>) target(%dma_start3A_4058 : memref<3328x32xf32, #tpu.memory_space<hbm>>) target_semaphore(%run_scoped3A : memref<!tpu.dma_semaphore, #tpu.memory_space<semaphore_mem>>)
      %dma_wait3A_4059 = arith.constant 0 : i32
      %dma_wait3A_4060 = tpu.memref_slice %arg5[%mul3A_4054, %dma_wait3A_4059] : memref<106496x32xf32, #tpu.memory_space<hbm>> -> memref<3328x32xf32, #tpu.memory_space<hbm>>
      %dma_wait3A_4061 = arith.constant 0 : i32
      %dma_wait3A_4062 = tpu.memref_slice %arg5[%mul3A_4054, %dma_wait3A_4061] : memref<106496x32xf32, #tpu.memory_space<hbm>> -> memref<3328x32xf32, #tpu.memory_space<hbm>>
      tpu.wait_dma2 semaphore(%run_scoped3A : memref<!tpu.dma_semaphore, #tpu.memory_space<semaphore_mem>>) src(%arg8 : memref<3328x32xf32, #tpu.memory_space<vmem>>) dst(%dma_wait3A_4062 : memref<3328x32xf32, #tpu.memory_space<hbm>>)
      tpu.yield
    }) : () -> ()
    return
  }
}

</mosaic_0001>

<sc_bundles>
// kernel: kernel.3.cloned.1.call-start
scs
__scs_entry_jumppad:
0x0: {  	(pc) =	sbr.rel $0x88, $3  }
0x1: {  	(tag) =	ssettag $0x0;
	lr =	simm.s32 $0x1  }
0x2: {  	[smem:$0x3F9E] =	sst lr;
	_ =	strace $0xD0000000  }
0x3: {  	_ = 	snop  }
0x4: {  	_ = 	snop  }
0x5: {  	_ = 	snop  }
0x6: {  	_ = 	snop  }
0x7: {  	_ = 	snop  }
__scs_overlays_trampoline_lowered:
0x8: {  	[smem:$0x3FAD] =	sst s0  }
0x9: {  	[smem:$0x3FAE] =	sst s1  }
0xa: {  	[smem:$0x3FAF] =	sst s2  }
0xb: {  	[smem:$0x3FB0] =	sst s3  }
0xc: {  	[smem:$0x3FB1] =	sst s4  }
0xd: {  	[smem:$0x3FB2] =	sst s5  }
0xe: {  	[smem:$0x3FB3] =	sst s6  }
0xf: {  	[smem:$0x3FB4] =	sst s7  }
0x10: {  	[smem:$0x3FB5] =	sst s8  }
0x11: {  	[smem:$0x3FB6] =	sst s9;
	s0 =	simm.s32 @!p0 $0x0  }
0x12: {  	s1 =	sld [smem:$0x3F9C];
	s0 =	simm.s32 @p0 $0x1  }
0x13: {  	[smem:$0x3FB7] =	sst s0;
	s0 =	simm.s32 @!p1 $0x0  }
0x14: {  	s2 =	sld [smem:$0x3F9B];
	s0 =	simm.s32 @p1 $0x1  }
0x15: {  	[smem:$0x3FB8] =	sst s0;
	s0 =	simm.s32 @!p2 $0x0  }
0x16: {  	s3 =	sld [smem:$0x3FDB];
	s0 =	simm.s32 @p2 $0x1  }
0x17: {  	s4 =	simm.s32 $0x1BF5;
	[smem:$0x3FBA] =	sst s0  }
0x18: {  	s0 =	sld [smem:$0x3F9D];
	_ =	swait.ge [sflag:s4], $0x0  }
0x19: {  	s7 =	sld [smem:$0x3F9E]  }
0x1a: {  	s8 =	sadd.s32 $0xFFFFE003, lr  }
0x1b: {  	s9 =	sadd.s32 $0xFFFFFEF7, lr;
	s5 =	simm.s32 $0xFFFFFFFF;
	p2 =	slt.u32 s8, $0xFFFFF086  }
0x1c: {  	p1 =	slt.u32 s9, $0xF7A;
	s5 =	simm.s32 @!p2 $0x0  }
0x1d: {  	s5 =	simm.s32 @p1 $0x1;
	p0 =	seq.s32 s7, s2  }
0x1e: {  	s7 =	smul.u32 @!p0 $0xF7A, s2;
	p2 =	seq.s32 @!p0 s5, $0x0  }
0x1f: {  	s9 =	smul.u32 $0xF7A, s1;
	s8 =	simm.s32 @!p0 $0x1BF5;
	p2 =	por !p2, p0  }
0x20: {  	[sflag:s8] =	ssyncset.s32 @!p0 $0xFFFFF086;
	s6 =	sadd.s32 @!p0 s3, s7;
	s7 =	simm.s32 @!p0 $0x108  }
0x21: {  	s3 =	sadd.s32 s3, s9;
	s6 =	sadd.s32 @!p0 $0x88, s6;
	s7 =	simm.s32 @p2 $0x1082  }
0x22: {  	[simem:s7], [sflag:s8] =	dma.local @!p0 [hbm:s6], $0xF7A  }
0x23: {  	s9 =	sor.u32 $0xD0000000, s2;
	s6 =	simm.s32 $0x108;
	_ =	swait.ge @!p0 [sflag:s8], $0x0  }
0x24: {  	s3 =	sadd.s32 $0x88, s3;
	s6 =	simm.s32 @!p1 $0x1082;
	[sflag:s4] =	ssyncset.s32 $0xFFFFF086  }
0x25: {  	[simem:s6], [sflag:s4] =	dma.local [hbm:s3], $0xF7A  }
0x26: {  	[smem:$0x3F9E] =	sst s1;
	(tag) =	ssettag s2;
	_ =	strace s9  }
0x27: {  	s1 =	sld [smem:$0x3FAE]  }
0x28: {  	s2 =	sld [smem:$0x3FAF]  }
0x29: {  	s4 =	sld [smem:$0x3FB1]  }
0x2a: {  	p0 =	seq.s32 s5, $0x0;
	s5 =	sld [smem:$0x3FB2]  }
0x2b: {  	s6 =	sld [smem:$0x3FB3]  }
0x2c: {  	s7 =	sld [smem:$0x3FB4]  }
0x2d: {  	s3 =	simm.s32 $0x108;
	s8 =	sld [smem:$0x3FB5]  }
0x2e: {  	s3 =	simm.s32 @!p0 $0x1082;
	s9 =	sld [smem:$0x3FB6]  }
0x2f: {  	lr =	sadd.s32 s0, s3;
	s0 =	sld [smem:$0x3FAD]  }
0x30: {  	s3 =	sld [smem:$0x3FB0]  }
0x31: {  	[smem:$0x3FB9] =	sst s10  }
0x32: {  	s10 =	sld [smem:$0x3FB7];
	_ =	sdelay $0x3  }
0x33: {  	p0 =	seq.s32 s10, $0x1;
	s10 =	sld [smem:$0x3FB9];
	_ =	sdelay $0x3  }
0x34: {  	[smem:$0x3FB9] =	sst s10  }
0x35: {  	s10 =	sld [smem:$0x3FB8];
	_ =	sdelay $0x3  }
0x36: {  	p1 =	seq.s32 s10, $0x1;
	s10 =	sld [smem:$0x3FB9];
	_ =	sdelay $0x3  }
0x37: {  	[smem:$0x3FB9] =	sst s10  }
0x38: {  	s10 =	sld [smem:$0x3FBA]  }
0x39: {  	_ = 	snop;
	(pc) =	sbr.ind lr, $3  }
0x3a: {  	_ = 	snop  }
0x3b: {  	_ = 	snop  }
0x3c: {  	p2 =	seq.s32 s10, $0x1;
	s10 =	sld [smem:$0x3FB9]  }
0x3d: {  	_ =	shalt  }
0x3e: {  	_ =	shalt  }
0x3f: {  	_ =	shalt  }
0x40: {  	_ =	shalt  }
0x41: {  	_ =	shalt  }
0x42: {  	_ =	shalt  }
0x43: {  	_ =	shalt  }
0x44: {  	_ =	shalt  }
0x45: {  	_ =	shalt  }
0x46: {  	_ =	shalt  }
0x47: {  	_ =	shalt  }
0x48: {  	_ =	shalt  }
0x49: {  	_ =	shalt  }
0x4a: {  	_ =	shalt  }
0x4b: {  	_ =	shalt  }
0x4c: {  	_ =	shalt  }
0x4d: {  	_ =	shalt  }
0x4e: {  	_ =	shalt  }
0x4f: {  	_ =	shalt  }
0x50: {  	_ =	shalt  }
0x51: {  	_ =	shalt  }
0x52: {  	_ =	shalt  }
0x53: {  	_ =	shalt  }
0x54: {  	_ =	shalt  }
0x55: {  	_ =	shalt  }
0x56: {  	_ =	shalt  }
0x57: {  	_ =	shalt  }
0x58: {  	_ =	shalt  }
0x59: {  	_ =	shalt  }
0x5a: {  	_ =	shalt  }
0x5b: {  	_ =	shalt  }
0x5c: {  	_ =	shalt  }
0x5d: {  	_ =	shalt  }
0x5e: {  	_ =	shalt  }
0x5f: {  	_ =	shalt  }
0x60: {  	_ =	shalt  }
0x61: {  	_ =	shalt  }
0x62: {  	_ =	shalt  }
0x63: {  	_ =	shalt  }
0x64: {  	_ =	shalt  }
0x65: {  	_ =	shalt  }
0x66: {  	_ =	shalt  }
0x67: {  	_ =	shalt  }
0x68: {  	_ =	shalt  }
0x69: {  	_ =	shalt  }
0x6a: {  	_ =	shalt  }
0x6b: {  	_ =	shalt  }
0x6c: {  	_ =	shalt  }
0x6d: {  	_ =	shalt  }
0x6e: {  	_ =	shalt  }
0x6f: {  	_ =	shalt  }
0x70: {  	_ =	shalt  }
0x71: {  	_ =	shalt  }
0x72: {  	_ =	shalt  }
0x73: {  	_ =	shalt  }
0x74: {  	_ =	shalt  }
0x75: {  	_ =	shalt  }
0x76: {  	_ =	shalt  }
0x77: {  	_ =	shalt  }
0x78: {  	_ =	shalt  }
0x79: {  	_ =	shalt  }
0x7a: {  	_ =	shalt  }
0x7b: {  	_ =	shalt  }
0x7c: {  	_ =	shalt  }
0x7d: {  	_ =	shalt  }
0x7e: {  	_ =	shalt  }
0x7f: {  	_ =	shalt  }
0x80: {  	_ =	shalt  }
0x81: {  	_ =	shalt  }
0x82: {  	_ =	shalt  }
0x83: {  	_ =	shalt  }
0x84: {  	_ =	shalt  }
0x85: {  	_ =	shalt  }
0x86: {  	_ =	shalt  }
0x87: {  	_ =	shalt  }
.Lfunc_end0:
.L_simem_size_0:
called_computation_lowered:
.L_overlay_start_0:
0x88: {  	s2 =	sld [smem:$0x3FD9]  }
0x89: {  	s3 =	sld [smem:$0x3FFE];
	_ =	sdelay $0x1  }
0x8a: {  	s1 =	srdreg.scid  }
0x8b: {  	s0 =	sand.u32 $0x1, s1  }
0x8c: {  	s17 =	sshll.u32 s0, $0xA;
	s2 =	sadd.s32 s3, s2  }
0x8d: {  	s2 =	sadd.s32 s2, s17  }
0x8e: {  	[smem:$0x3FC5] =	sst s2  }
0x8f: {  	_ = 	snop  }
0x90: {  	s2 =	sld [smem:$0x3FD0];
	(tm) =	ssettm $0x1  }
0x91: {  	s18 =	sld [smem:$0x3FFB];
	_ =	sdelay $0x3  }
0x92: {  	_ =	strace s18  }
0x93: {  	s3 =	sld [smem:$0x3FFC];
	_ =	sdelay $0x3  }
0x94: {  	_ =	strace s3  }
0x95: {  	s3 =	sld [smem:$0x3FFD];
	_ =	sdelay $0x3  }
0x96: {  	_ =	strace s3  }
0x97: {  	_ =	strace $0x8FFFFFFF  }
0x98: {  	s19 =	sld [smem:$0x3FDB];
	_ =	sdelay $0x1  }
0x99: {  	s4 =	simm.s32 $_scs_section_size  }
0x9a: {  	s5 =	simm.s32 $_size__tile_overlayer_lowered;
	s6 =	simm.s32 $_tile_overlayer_lowered  }
0x9b: {  	s22 =	simm.s32 $0x1BFF;
	s21 =	sshll.u32 s6, $0x1;
	s3 =	sadd.s32 s4, s19  }
0x9c: {  	s7 =	simm.s32 $0x0;
	s20 =	sshll.u32 s5, $0x1;
	s5 =	sadd.s32 s21, s3  }
0x9d: {  	[timem:s7], [sflag:s22] =	dma.local [hbm:s5], s20  }
0x9e: {  	_ =	swait.ge [sflag:s22], s20  }
0x9f: {  	s4 =	ssub.s32 $0x0, s20;
	[sflag:s22] =	ssyncset.done $0x0  }
0xa0: {  	[sflag:s22] =	ssyncadd.s32 s4;
	_ =	sdelay $0x1  }
0xa1: {  	s23 =	simm.s32 $0x1B8B  }
0xa2: {  	_ =	swait.ge [sflag:s23], $0x1  }
0xa3: {  	[sflag:s23] =	ssyncset.done $0x0  }
0xa4: {  	s25 =	simm.s32 $0x1B8E;
	s24 =	sld [smem:$0x3FFE];
	[sflag:s23] =	ssyncadd.s32 $0xFFFFFFFF  }
0xa5: {  	s26 =	simm.s32 $execute0_lowered;
	[smem:$0x3FD2] =	sst s25  }
0xa6: {  	s5 =	sshll.u32 s26, $0x1;
	_ =	strace $0x80000046;
	[dreg:$0x1] =	wrdreg $0xFFFFFFFF  }
0xa7: {  	s28 =	simm.s32 $_size_execute0_lowered;
	s3 =	sadd.s32 s3, s5;
	[dreg:$0x0] =	wrdreg $0x0  }
0xa8: {  	s5 =	sshll.u32 s28, $0x1;
	[dreg:$0x2] =	wrdreg s3  }
0xa9: {  	[dreg:$0x3] =	wrdreg s5  }
0xaa: {  	[dreg:$0x4] =	wrdreg $0xC0  }
0xab: {  	_ =	task [dreg:s7], $0x5FFFF  }
0xac: {  	[dreg:$0x1] =	wrdreg $0xFFFFFFFF  }
0xad: {  	[dreg:$0x0] =	wrdreg $0x60  }
0xae: {  	[dreg:$0x2] =	wrdreg s24  }
0xaf: {  	[dreg:$0x3] =	wrdreg s2  }
0xb0: {  	[dreg:$0x4] =	wrdreg $0x9  }
0xb1: {  	_ =	task.clear_ibuf [dreg:s7], $0x5FFFF;
	_ =	strace $0x90000046  }
0xb2: {  	s29 =	simm.s32 $0x9;
	_ =	strace $0x80000048  }
0xb3: {  	_ =	swait.ge [sflag:s29], $0x1  }
0xb4: {  	[sflag:s29] =	ssyncadd.s32 $0xFFFFFFFF  }
0xb5: {  	_ =	strace $0x90000048  }
0xb6: {  	_ =	sfence  }
0xb7: {  	s30 =	sld [smem:$0x0];
	_ =	sdelay $0x2  }
0xb8: {  	s31 =	sshll.u32 s1, $0xD;
	s1 =	sshrl.u32 s1, $0x2  }
0xb9: {  	s3 =	sand.u32 $0x4000, s31;
	s1 =	sadd.s32 s1, s30  }
0xba: {  	s0 =	sor.u32 s3, s0;
	s1 =	sshll.u32 s1, $0x11  }
0xbb: {  	s0 =	sor.u32 s1, s0  }
0xbc: {  	s0 =	sadd.s32 $0x8F2B, s0  }
0xbd: {  	[sflag:s0] =	ssyncadd.remote.s32 $0x1  }
0xbe: {  	_ =	sfence.sel $0xFFFF  }
0xbf: {  	[dreg:$0x0] =	wrdreg $0xFFFFFFFF;
	(pc) =	sbr.abs _section_cstart, $3  }
0xc0: {  	[dreg:$0x1] =	wrdreg $0xFFFFFFFF  }
0xc1: {  	_ =	task.clear_ibuf [dreg:s7], $0x2FFFF;
	_ =	strace $0x9FFFFFFF  }
0xc2: {  	(tm) =	ssettm $0x7FFFFFFF  }
0xc3: {  	_ =	shalt  }
tec
execute0_lowered:
.L_overlay_start_1:
0x0: {  	(tag) =	ssettag $0x1  }
0x1: {  	s1 =	rddreg [dreg:$0x0];
	s2 =	srdreg.scid  }
0x2: {  	s3 =	rddreg [dreg:$0x1];
	s4 =	sand.u32 $0x1, s2;
	s2 =	simm.s32 $0x0  }
0x3: {  	s7 =	sadd.s32 $0x3C00, s1;
	[smem:$0x7FF] =	sst s2  }
0x4: {  	s22 =	simm.s32 $0xD00;
	_ =	strace $0x80000047;
	[dreg:$0x3] =	wrdreg s7  }
0x5: {  	s23 =	simm.s32 $0x2A00;
	[dreg:$0x6] =	wrdreg s22  }
0x6: {  	s24 =	simm.s32 $0x100;
	[dreg:$0x7] =	wrdreg s23  }
0x7: {  	s25 =	simm.s32 $0x3A00;
	[dreg:$0x8] =	wrdreg s24  }
0x8: {  	s0 =	stileid.u32;
	s26 =	simm.s32 $0x180;
	[dreg:$0x9] =	wrdreg s25  }
0x9: {  	s5 =	sshll.u32 s0, $0x1;
	s0 =	simm.s32 $0x4A00;
	[dreg:$0xa] =	wrdreg s26  }
0xa: {  	s8 =	simm.s32 $0x6A00;
	[dreg:$0xb] =	wrdreg s0  }
0xb: {  	s9 =	simm.s32 $0x300;
	[dreg:$0xf] =	wrdreg s8  }
0xc: {  	s10 =	simm.s32 $0x7A00;
	[dreg:$0x10] =	wrdreg s9  }
0xd: {  	s11 =	simm.s32 $0x380;
	[dreg:$0x11] =	wrdreg s10  }
0xe: {  	s12 =	simm.s32 $0x8A00;
	[dreg:$0x12] =	wrdreg s11  }
0xf: {  	s13 =	simm.s32 $0x400;
	s14 =	simm.s32 $0x9A00;
	[dreg:$0x13] =	wrdreg s12  }
0x10: {  	s15 =	simm.s32 $0x480;
	s16 =	simm.s32 $0xAA00;
	[dreg:$0x14] =	wrdreg s13  }
0x11: {  	s17 =	simm.s32 $0x500;
	s18 =	simm.s32 $0xBA00;
	[dreg:$0x15] =	wrdreg s14  }
0x12: {  	s19 =	simm.s32 $0x580;
	s20 =	simm.s32 $0xCA00;
	[dreg:$0x16] =	wrdreg s15  }
0x13: {  	s21 =	simm.s32 $0x600;
	s28 =	simm.s32 $0xC00;
	[dreg:$0x17] =	wrdreg s16  }
0x14: {  	s29 =	simm.s32 $0x19A00;
	s30 =	simm.s32 $0xC80;
	[dreg:$0x18] =	wrdreg s17  }
0x15: {  	s31 =	simm.s32 $0x1AA00;
	s5 =	sor.u32 s4, s5;
	[dreg:$0x19] =	wrdreg s18  }
0x16: {  	s4 =	ssub.s32 $0x2, s4;
	s6 =	smul.u32 $0x1A0, s5;
	[dreg:$0x1a] =	wrdreg s19  }
0x17: {  	s5 =	smul.u32 $0x3400, s5;
	s7 =	simm.s32 $0x280;
	[dreg:$0x1b] =	wrdreg s20  }
0x18: {  	s22 =	sshrl.u32 s4, $0x1;
	[dreg:$0x1c] =	wrdreg s21;
	s23 =	simm.s32 $0xDA00  }
0x19: {  	s24 =	simm.s32 $0x680;
	s25 =	simm.s32 $0xEA00;
	s26 =	simm.s32 $0x700  }
0x1a: {  	s9 =	simm.s32 $0x780;
	s10 =	simm.s32 $0x10A00;
	s11 =	simm.s32 $0x800  }
0x1b: {  	s12 =	simm.s32 $0x11A00;
	s13 =	simm.s32 $0x880;
	s14 =	simm.s32 $0x12A00  }
0x1c: {  	s15 =	simm.s32 $0x900;
	s16 =	simm.s32 $0x13A00;
	[dreg:$0xe] =	wrdreg s7  }
0x1d: {  	s17 =	simm.s32 $0x980;
	s18 =	simm.s32 $0x14A00;
	[dreg:$0x1d] =	wrdreg s23  }
0x1e: {  	s19 =	simm.s32 $0xA00;
	s20 =	simm.s32 $0x15A00;
	[dreg:$0x1e] =	wrdreg s24  }
0x1f: {  	s21 =	simm.s32 $0xA80;
	s4 =	ssub.s32 s4, s22;
	[dreg:$0x1f] =	wrdreg s25  }
0x20: {  	s7 =	simm.s32 $0x1A00;
	[smem:$0x7FD] =	sst s26;
	s22 =	simm.s32 $0x16A00  }
0x21: {  	s23 =	simm.s32 $0xB00;
	s24 =	simm.s32 $0x17A00;
	s25 =	simm.s32 $0xB80  }
0x22: {  	s26 =	simm.s32 $0x18A00;
	s6 =	sadd.s32 s6, s1;
	s3 =	sadd.s32 s3, s5  }
0x23: {  	s5 =	simm.s32 $0x200;
	s4 =	smax.u32 s4, $0x1;
	[dreg:$0x5] =	wrdreg s3  }
0x24: {  	s6 =	sadd.s32 $0x800, s6;
	[dreg:$0xc] =	wrdreg s5;
	s3 =	sadd.s32 $0x27ACC00, s1  }
0x25: {  	s5 =	simm.s32 $0x2;
	[dreg:$0x4] =	wrdreg s6;
	s6 =	simm.s32 $0x5A00  }
0x26: {  	s1 =	simm.s32 $0x1;
	[dreg:$0xd] =	wrdreg s6;
	s6 =	simm.s32 $0x80  }
.LBB2_1:
0x27: {  	s0 =	rddreg [dreg:$0x4]  }
0x28: {  	[tilespmem:s2], [sflag:$0x2] =	stream.linear.gather [hbm4b:s0+s2], $0xD00, $0x38;
	[tilespmem:$0x1BA00] =	vst v63  }
0x29: {  	_ =	swait.ge [sflag:s5], $0xD00  }
0x2a: {  	s0 =	rddreg [dreg:$0x3];
	[sflag:s5] =	ssyncset.done $0x0  }
0x2b: {  	s8 =	rddreg [dreg:$0x6];
	[sflag:s5] =	ssyncadd.s32 $0xFFFFF300  }
0x2c: {  	[tilespmem:s8], [sflag:$0x2] =	stream.linear.gather [hbm4b:s0+s2], $0xD00, $0x38;
	[tilespmem:$0x1BA00] =	vst v63  }
0x2d: {  	_ =	swait.ge [sflag:s5], $0xD00  }
0x2e: {  	[sflag:s5] =	ssyncset.done $0x0  }
0x2f: {  	[sflag:s5] =	ssyncadd.s32 $0xFFFFF300  }
0x30: {  	v0 =	vld [tilespmem:$0x0]  }
0x31: {  	v1 =	vld [tilespmem:$0xD00]  }
0x32: {  	v2 =	vld [tilespmem:$0x10]  }
0x33: {  	v3 =	vld [tilespmem:$0xD10]  }
0x34: {  	v4 =	vld [tilespmem:$0x20]  }
0x35: {  	v5 =	vld [tilespmem:$0xD20]  }
0x36: {  	v6 =	vld [tilespmem:$0x30]  }
0x37: {  	v7 =	vld [tilespmem:$0xD30]  }
0x38: {  	v8 =	vld [tilespmem:$0x40]  }
0x39: {  	v9 =	vld [tilespmem:$0xD40]  }
0x3a: {  	v10 =	vld [tilespmem:$0x50]  }
0x3b: {  	v11 =	vld [tilespmem:$0xD50]  }
0x3c: {  	v12 =	vld [tilespmem:$0x60]  }
0x3d: {  	v20 =	vld [tilespmem:$0xD60];
	v0 =	vadd.s32 v0, v1  }
0x3e: {  	v22 =	vld [tilespmem:$0x70];
	v21 =	vadd.s32 v2, v3;
	[tilespmem:$0x0] =	vst v0  }
0x3f: {  	v24 =	vld [tilespmem:$0xD70];
	v23 =	vadd.s32 v4, v5;
	[tilespmem:$0x10] =	vst v21  }
0x40: {  	v25 =	vadd.s32 v6, v7;
	[tilespmem:$0x20] =	vst v23  }
0x41: {  	v26 =	vadd.s32 v8, v9;
	[tilespmem:$0x30] =	vst v25  }
0x42: {  	v27 =	vadd.s32 v10, v11;
	[tilespmem:$0x40] =	vst v26  }
0x43: {  	v28 =	vadd.s32 v12, v20;
	[tilespmem:$0x50] =	vst v27  }
0x44: {  	v29 =	vadd.s32 v22, v24;
	[tilespmem:$0x60] =	vst v28  }
0x45: {  	[tilespmem:$0x70] =	vst v29  }
0x46: {  	[tilespmem:s7], [sflag:$0x1] =	stream.indirect.gather [hbm4b:s3+s6], $0x20, s2, s6, $0xb8;
	[tilespmem:$0x1BA00] =	vst v63  }
0x47: {  	v30 =	vld [tilespmem:$0x80]  }
0x48: {  	v31 =	vld [tilespmem:$0xD80]  }
0x49: {  	v32 =	vld [tilespmem:$0x90]  }
0x4a: {  	v33 =	vld [tilespmem:$0xD90]  }
0x4b: {  	v34 =	vld [tilespmem:$0xA0]  }
0x4c: {  	v35 =	vld [tilespmem:$0xDA0]  }
0x4d: {  	v36 =	vld [tilespmem:$0xB0]  }
0x4e: {  	v37 =	vld [tilespmem:$0xDB0]  }
0x4f: {  	v38 =	vld [tilespmem:$0xC0]  }
0x50: {  	v39 =	vld [tilespmem:$0xDC0]  }
0x51: {  	v40 =	vld [tilespmem:$0xD0]  }
0x52: {  	v41 =	vld [tilespmem:$0xDD0]  }
0x53: {  	v42 =	vld [tilespmem:$0xE0]  }
0x54: {  	v43 =	vld [tilespmem:$0xDE0];
	v0 =	vadd.s32 v30, v31  }
0x55: {  	v45 =	vld [tilespmem:$0xF0];
	v44 =	vadd.s32 v32, v33;
	[tilespmem:$0x80] =	vst v0  }
0x56: {  	v47 =	vld [tilespmem:$0xDF0];
	v46 =	vadd.s32 v34, v35;
	[tilespmem:$0x90] =	vst v44  }
0x57: {  	v48 =	vadd.s32 v36, v37;
	[tilespmem:$0xA0] =	vst v46  }
0x58: {  	v49 =	vadd.s32 v38, v39;
	[tilespmem:$0xB0] =	vst v48  }
0x59: {  	v50 =	vadd.s32 v40, v41;
	[tilespmem:$0xC0] =	vst v49  }
0x5a: {  	v51 =	vadd.s32 v42, v43;
	[tilespmem:$0xD0] =	vst v50  }
0x5b: {  	v52 =	vadd.s32 v45, v47;
	[tilespmem:$0xE0] =	vst v51  }
0x5c: {  	s8 =	rddreg [dreg:$0x7];
	[tilespmem:$0xF0] =	vst v52  }
0x5d: {  	[tilespmem:s8], [sflag:$0x1] =	stream.indirect.gather [hbm4b:s3+s6], $0x20, s6, s6, $0xb8;
	[tilespmem:$0x1BA00] =	vst v63  }
0x5e: {  	v53 =	vld [tilespmem:$0x100]  }
0x5f: {  	v54 =	vld [tilespmem:$0xE00]  }
0x60: {  	v55 =	vld [tilespmem:$0x110]  }
0x61: {  	v56 =	vld [tilespmem:$0xE10]  }
0x62: {  	v57 =	vld [tilespmem:$0x120]  }
0x63: {  	v58 =	vld [tilespmem:$0xE20]  }
0x64: {  	v59 =	vld [tilespmem:$0x130]  }
0x65: {  	v60 =	vld [tilespmem:$0xE30]  }
0x66: {  	v61 =	vld [tilespmem:$0x140]  }
0x67: {  	v62 =	vld [tilespmem:$0xE40]  }
0x68: {  	v63 =	vld [tilespmem:$0x150]  }
0x69: {  	v16 =	vld [tilespmem:$0xE50]  }
0x6a: {  	v17 =	vld [tilespmem:$0x160]  }
0x6b: {  	v18 =	vld [tilespmem:$0xE60];
	v0 =	vadd.s32 v53, v54  }
0x6c: {  	v20 =	vld [tilespmem:$0x170];
	v19 =	vadd.s32 v55, v56;
	[tilespmem:$0x100] =	vst v0  }
0x6d: {  	v22 =	vld [tilespmem:$0xE70];
	v21 =	vadd.s32 v57, v58;
	[tilespmem:$0x110] =	vst v19  }
0x6e: {  	v23 =	vadd.s32 v59, v60;
	[tilespmem:$0x120] =	vst v21  }
0x6f: {  	v24 =	vadd.s32 v61, v62;
	[tilespmem:$0x130] =	vst v23  }
0x70: {  	v25 =	vadd.s32 v63, v16;
	[tilespmem:$0x140] =	vst v24  }
0x71: {  	v26 =	vadd.s32 v17, v18;
	[tilespmem:$0x150] =	vst v25  }
0x72: {  	s0 =	rddreg [dreg:$0x8];
	v27 =	vadd.s32 v20, v22;
	[tilespmem:$0x160] =	vst v26  }
0x73: {  	s8 =	rddreg [dreg:$0x9];
	[tilespmem:$0x170] =	vst v27  }
0x74: {  	[tilespmem:s8], [sflag:$0x1] =	stream.indirect.gather [hbm4b:s3+s6], $0x20, s0, s6, $0xb8;
	[tilespmem:$0x1BA00] =	vst v63  }
0x75: {  	v28 =	vld [tilespmem:$0x180]  }
0x76: {  	v29 =	vld [tilespmem:$0xE80]  }
0x77: {  	v30 =	vld [tilespmem:$0x190]  }
0x78: {  	v31 =	vld [tilespmem:$0xE90]  }
0x79: {  	v32 =	vld [tilespmem:$0x1A0]  }
0x7a: {  	v33 =	vld [tilespmem:$0xEA0]  }
0x7b: {  	v34 =	vld [tilespmem:$0x1B0]  }
0x7c: {  	v35 =	vld [tilespmem:$0xEB0]  }
0x7d: {  	v36 =	vld [tilespmem:$0x1C0]  }
0x7e: {  	v37 =	vld [tilespmem:$0xEC0]  }
0x7f: {  	v38 =	vld [tilespmem:$0x1D0]  }
0x80: {  	v39 =	vld [tilespmem:$0xED0]  }
0x81: {  	v40 =	vld [tilespmem:$0x1E0]  }
0x82: {  	v41 =	vld [tilespmem:$0xEE0];
	v0 =	vadd.s32 v28, v29  }
0x83: {  	v43 =	vld [tilespmem:$0x1F0];
	v42 =	vadd.s32 v30, v31;
	[tilespmem:$0x180] =	vst v0  }
0x84: {  	v45 =	vld [tilespmem:$0xEF0];
	v44 =	vadd.s32 v32, v33;
	[tilespmem:$0x190] =	vst v42  }
0x85: {  	v46 =	vadd.s32 v34, v35;
	[tilespmem:$0x1A0] =	vst v44  }
0x86: {  	v47 =	vadd.s32 v36, v37;
	[tilespmem:$0x1B0] =	vst v46  }
0x87: {  	v48 =	vadd.s32 v38, v39;
	[tilespmem:$0x1C0] =	vst v47  }
0x88: {  	v49 =	vadd.s32 v40, v41;
	[tilespmem:$0x1D0] =	vst v48  }
0x89: {  	s0 =	rddreg [dreg:$0xa];
	v50 =	vadd.s32 v43, v45;
	[tilespmem:$0x1E0] =	vst v49  }
0x8a: {  	s8 =	rddreg [dreg:$0xb];
	[tilespmem:$0x1F0] =	vst v50  }
0x8b: {  	[tilespmem:s8], [sflag:$0x1] =	stream.indirect.gather [hbm4b:s3+s6], $0x20, s0, s6, $0xb8;
	[tilespmem:$0x1BA00] =	vst v63  }
0x8c: {  	v51 =	vld [tilespmem:$0x200]  }
0x8d: {  	v52 =	vld [tilespmem:$0xF00]  }
0x8e: {  	v53 =	vld [tilespmem:$0x210]  }
0x8f: {  	v54 =	vld [tilespmem:$0xF10]  }
0x90: {  	v55 =	vld [tilespmem:$0x220]  }
0x91: {  	v56 =	vld [tilespmem:$0xF20]  }
0x92: {  	v57 =	vld [tilespmem:$0x230]  }
0x93: {  	v58 =	vld [tilespmem:$0xF30]  }
0x94: {  	v59 =	vld [tilespmem:$0x240]  }
0x95: {  	v60 =	vld [tilespmem:$0xF40]  }
0x96: {  	v61 =	vld [tilespmem:$0x250]  }
0x97: {  	v62 =	vld [tilespmem:$0xF50]  }
0x98: {  	v63 =	vld [tilespmem:$0x260]  }
0x99: {  	v13 =	vld [tilespmem:$0xF60];
	v0 =	vadd.s32 v51, v52  }
0x9a: {  	v15 =	vld [tilespmem:$0x270];
	v14 =	vadd.s32 v53, v54;
	[tilespmem:$0x200] =	vst v0  }
0x9b: {  	v17 =	vld [tilespmem:$0xF70];
	v16 =	vadd.s32 v55, v56;
	[tilespmem:$0x210] =	vst v14  }
0x9c: {  	v18 =	vadd.s32 v57, v58;
	[tilespmem:$0x220] =	vst v16  }
0x9d: {  	v19 =	vadd.s32 v59, v60;
	[tilespmem:$0x230] =	vst v18  }
0x9e: {  	v20 =	vadd.s32 v61, v62;
	[tilespmem:$0x240] =	vst v19  }
0x9f: {  	v21 =	vadd.s32 v63, v13;
	[tilespmem:$0x250] =	vst v20  }
0xa0: {  	s0 =	rddreg [dreg:$0xc];
	v22 =	vadd.s32 v15, v17;
	[tilespmem:$0x260] =	vst v21  }
0xa1: {  	s8 =	rddreg [dreg:$0xd];
	[tilespmem:$0x270] =	vst v22  }
0xa2: {  	[tilespmem:s8], [sflag:$0x1] =	stream.indirect.gather [hbm4b:s3+s6], $0x20, s0, s6, $0xb8;
	[tilespmem:$0x1BA00] =	vst v63  }
0xa3: {  	v23 =	vld [tilespmem:$0x280]  }
0xa4: {  	v24 =	vld [tilespmem:$0xF80]  }
0xa5: {  	v25 =	vld [tilespmem:$0x290]  }
0xa6: {  	v26 =	vld [tilespmem:$0xF90]  }
0xa7: {  	v27 =	vld [tilespmem:$0x2A0]  }
0xa8: {  	v28 =	vld [tilespmem:$0xFA0]  }
0xa9: {  	v29 =	vld [tilespmem:$0x2B0]  }
0xaa: {  	v30 =	vld [tilespmem:$0xFB0]  }
0xab: {  	v31 =	vld [tilespmem:$0x2C0]  }
0xac: {  	v32 =	vld [tilespmem:$0xFC0]  }
0xad: {  	v33 =	vld [tilespmem:$0x2D0]  }
0xae: {  	v34 =	vld [tilespmem:$0xFD0]  }
0xaf: {  	v35 =	vld [tilespmem:$0x2E0]  }
0xb0: {  	v36 =	vld [tilespmem:$0xFE0];
	v0 =	vadd.s32 v23, v24  }
0xb1: {  	v38 =	vld [tilespmem:$0x2F0];
	v37 =	vadd.s32 v25, v26;
	[tilespmem:$0x280] =	vst v0  }
0xb2: {  	v40 =	vld [tilespmem:$0xFF0];
	v39 =	vadd.s32 v27, v28;
	[tilespmem:$0x290] =	vst v37  }
0xb3: {  	v41 =	vadd.s32 v29, v30;
	[tilespmem:$0x2A0] =	vst v39  }
0xb4: {  	v42 =	vadd.s32 v31, v32;
	[tilespmem:$0x2B0] =	vst v41  }
0xb5: {  	v43 =	vadd.s32 v33, v34;
	[tilespmem:$0x2C0] =	vst v42  }
0xb6: {  	v44 =	vadd.s32 v35, v36;
	[tilespmem:$0x2D0] =	vst v43  }
0xb7: {  	s0 =	rddreg [dreg:$0xe];
	v45 =	vadd.s32 v38, v40;
	[tilespmem:$0x2E0] =	vst v44  }
0xb8: {  	s8 =	rddreg [dreg:$0xf];
	[tilespmem:$0x2F0] =	vst v45  }
0xb9: {  	[tilespmem:s8], [sflag:$0x1] =	stream.indirect.gather [hbm4b:s3+s6], $0x20, s0, s6, $0xb8;
	[tilespmem:$0x1BA00] =	vst v63  }
0xba: {  	v46 =	vld [tilespmem:$0x300]  }
0xbb: {  	v47 =	vld [tilespmem:$0x1000]  }
0xbc: {  	v48 =	vld [tilespmem:$0x310]  }
0xbd: {  	v49 =	vld [tilespmem:$0x1010]  }
0xbe: {  	v50 =	vld [tilespmem:$0x320]  }
0xbf: {  	v51 =	vld [tilespmem:$0x1020]  }
0xc0: {  	v52 =	vld [tilespmem:$0x330]  }
0xc1: {  	v53 =	vld [tilespmem:$0x1030]  }
0xc2: {  	v54 =	vld [tilespmem:$0x340]  }
0xc3: {  	v55 =	vld [tilespmem:$0x1040]  }
0xc4: {  	v56 =	vld [tilespmem:$0x350]  }
0xc5: {  	v57 =	vld [tilespmem:$0x1050]  }
0xc6: {  	v58 =	vld [tilespmem:$0x360]  }
0xc7: {  	v59 =	vld [tilespmem:$0x1060];
	v0 =	vadd.s32 v46, v47  }
0xc8: {  	v61 =	vld [tilespmem:$0x370];
	v60 =	vadd.s32 v48, v49;
	[tilespmem:$0x300] =	vst v0  }
0xc9: {  	v63 =	vld [tilespmem:$0x1070];
	v62 =	vadd.s32 v50, v51;
	[tilespmem:$0x310] =	vst v60  }
0xca: {  	v13 =	vadd.s32 v52, v53;
	[tilespmem:$0x320] =	vst v62  }
0xcb: {  	v14 =	vadd.s32 v54, v55;
	[tilespmem:$0x330] =	vst v13  }
0xcc: {  	v15 =	vadd.s32 v56, v57;
	[tilespmem:$0x340] =	vst v14  }
0xcd: {  	v16 =	vadd.s32 v58, v59;
	[tilespmem:$0x350] =	vst v15  }
0xce: {  	s0 =	rddreg [dreg:$0x10];
	v17 =	vadd.s32 v61, v63;
	[tilespmem:$0x360] =	vst v16  }
0xcf: {  	s8 =	rddreg [dreg:$0x11];
	[tilespmem:$0x370] =	vst v17  }
0xd0: {  	[tilespmem:s8], [sflag:$0x1] =	stream.indirect.gather [hbm4b:s3+s6], $0x20, s0, s6, $0xb8;
	[tilespmem:$0x1BA00] =	vst v63  }
0xd1: {  	v18 =	vld [tilespmem:$0x380]  }
0xd2: {  	v19 =	vld [tilespmem:$0x1080]  }
0xd3: {  	v20 =	vld [tilespmem:$0x390]  }
0xd4: {  	v21 =	vld [tilespmem:$0x1090]  }
0xd5: {  	v22 =	vld [tilespmem:$0x3A0]  }
0xd6: {  	v23 =	vld [tilespmem:$0x10A0]  }
0xd7: {  	v24 =	vld [tilespmem:$0x3B0]  }
0xd8: {  	v25 =	vld [tilespmem:$0x10B0]  }
0xd9: {  	v26 =	vld [tilespmem:$0x3C0]  }
0xda: {  	v27 =	vld [tilespmem:$0x10C0]  }
0xdb: {  	v28 =	vld [tilespmem:$0x3D0]  }
0xdc: {  	v29 =	vld [tilespmem:$0x10D0]  }
0xdd: {  	v30 =	vld [tilespmem:$0x3E0]  }
0xde: {  	v31 =	vld [tilespmem:$0x10E0];
	v0 =	vadd.s32 v18, v19  }
0xdf: {  	v33 =	vld [tilespmem:$0x3F0];
	v32 =	vadd.s32 v20, v21;
	[tilespmem:$0x380] =	vst v0  }
0xe0: {  	v35 =	vld [tilespmem:$0x10F0];
	v34 =	vadd.s32 v22, v23;
	[tilespmem:$0x390] =	vst v32  }
0xe1: {  	v36 =	vadd.s32 v24, v25;
	[tilespmem:$0x3A0] =	vst v34  }
0xe2: {  	v37 =	vadd.s32 v26, v27;
	[tilespmem:$0x3B0] =	vst v36  }
0xe3: {  	v38 =	vadd.s32 v28, v29;
	[tilespmem:$0x3C0] =	vst v37  }
0xe4: {  	v39 =	vadd.s32 v30, v31;
	[tilespmem:$0x3D0] =	vst v38  }
0xe5: {  	s0 =	rddreg [dreg:$0x12];
	v40 =	vadd.s32 v33, v35;
	[tilespmem:$0x3E0] =	vst v39  }
0xe6: {  	s8 =	rddreg [dreg:$0x13];
	[tilespmem:$0x3F0] =	vst v40  }
0xe7: {  	[tilespmem:s8], [sflag:$0x1] =	stream.indirect.gather [hbm4b:s3+s6], $0x20, s0, s6, $0xb8;
	[tilespmem:$0x1BA00] =	vst v63  }
0xe8: {  	v41 =	vld [tilespmem:$0x400]  }
0xe9: {  	v42 =	vld [tilespmem:$0x1100]  }
0xea: {  	v43 =	vld [tilespmem:$0x410]  }
0xeb: {  	v44 =	vld [tilespmem:$0x1110]  }
0xec: {  	v45 =	vld [tilespmem:$0x420]  }
0xed: {  	v46 =	vld [tilespmem:$0x1120]  }
0xee: {  	v47 =	vld [tilespmem:$0x430]  }
0xef: {  	v48 =	vld [tilespmem:$0x1130]  }
0xf0: {  	v49 =	vld [tilespmem:$0x440]  }
0xf1: {  	v50 =	vld [tilespmem:$0x1140]  }
0xf2: {  	v51 =	vld [tilespmem:$0x450]  }
0xf3: {  	v52 =	vld [tilespmem:$0x1150];
	v0 =	vadd.s32 v41, v42  }
0xf4: {  	v53 =	vadd.s32 v43, v44;
	[tilespmem:$0x400] =	vst v0  }
0xf5: {  	v54 =	vadd.s32 v45, v46;
	[tilespmem:$0x410] =	vst v53  }
0xf6: {  	v55 =	vadd.s32 v47, v48;
	[tilespmem:$0x420] =	vst v54  }
0xf7: {  	v56 =	vadd.s32 v49, v50;
	[tilespmem:$0x430] =	vst v55  }
0xf8: {  	v57 =	vadd.s32 v51, v52;
	[tilespmem:$0x440] =	vst v56  }
0xf9: {  	v58 =	vld [tilespmem:$0x460];
	[tilespmem:$0x450] =	vst v57  }
0xfa: {  	v59 =	vld [tilespmem:$0x1160]  }
0xfb: {  	v60 =	vld [tilespmem:$0x470]  }
0xfc: {  	v61 =	vld [tilespmem:$0x1170];
	_ =	sdelay $0x3  }
0xfd: {  	v0 =	vadd.s32 v58, v59  }
0xfe: {  	s0 =	rddreg [dreg:$0x14];
	v62 =	vadd.s32 v60, v61;
	[tilespmem:$0x460] =	vst v0  }
0xff: {  	s8 =	rddreg [dreg:$0x15];
	[tilespmem:$0x470] =	vst v62  }
0x100: {  	[tilespmem:s8], [sflag:$0x1] =	stream.indirect.gather [hbm4b:s3+s6], $0x20, s0, s6, $0xb8;
	[tilespmem:$0x1BA00] =	vst v63  }
0x101: {  	v63 =	vld [tilespmem:$0x480]  }
0x102: {  	v16 =	vld [tilespmem:$0x1180]  }
0x103: {  	v17 =	vld [tilespmem:$0x490]  }
0x104: {  	v18 =	vld [tilespmem:$0x1190]  }
0x105: {  	v19 =	vld [tilespmem:$0x4A0]  }
0x106: {  	v20 =	vld [tilespmem:$0x11A0]  }
0x107: {  	v21 =	vld [tilespmem:$0x4B0]  }
0x108: {  	v22 =	vld [tilespmem:$0x11B0]  }
0x109: {  	v23 =	vld [tilespmem:$0x4C0]  }
0x10a: {  	v24 =	vld [tilespmem:$0x11C0]  }
0x10b: {  	v25 =	vld [tilespmem:$0x4D0]  }
0x10c: {  	v26 =	vld [tilespmem:$0x11D0]  }
0x10d: {  	v27 =	vld [tilespmem:$0x4E0]  }
0x10e: {  	v28 =	vld [tilespmem:$0x11E0];
	v0 =	vadd.s32 v63, v16  }
0x10f: {  	v30 =	vld [tilespmem:$0x4F0];
	v29 =	vadd.s32 v17, v18;
	[tilespmem:$0x480] =	vst v0  }
0x110: {  	v32 =	vld [tilespmem:$0x11F0];
	v31 =	vadd.s32 v19, v20;
	[tilespmem:$0x490] =	vst v29  }
0x111: {  	v33 =	vadd.s32 v21, v22;
	[tilespmem:$0x4A0] =	vst v31  }
0x112: {  	v34 =	vadd.s32 v23, v24;
	[tilespmem:$0x4B0] =	vst v33  }
0x113: {  	v35 =	vadd.s32 v25, v26;
	[tilespmem:$0x4C0] =	vst v34  }
0x114: {  	v36 =	vadd.s32 v27, v28;
	[tilespmem:$0x4D0] =	vst v35  }
0x115: {  	s0 =	rddreg [dreg:$0x16];
	v37 =	vadd.s32 v30, v32;
	[tilespmem:$0x4E0] =	vst v36  }
0x116: {  	s8 =	rddreg [dreg:$0x17];
	[tilespmem:$0x4F0] =	vst v37  }
0x117: {  	[tilespmem:s8], [sflag:$0x1] =	stream.indirect.gather [hbm4b:s3+s6], $0x20, s0, s6, $0xb8;
	[tilespmem:$0x1BA00] =	vst v63  }
0x118: {  	v38 =	vld [tilespmem:$0x500]  }
0x119: {  	v39 =	vld [tilespmem:$0x1200]  }
0x11a: {  	v40 =	vld [tilespmem:$0x510]  }
0x11b: {  	v41 =	vld [tilespmem:$0x1210]  }
0x11c: {  	v42 =	vld [tilespmem:$0x520]  }
0x11d: {  	v43 =	vld [tilespmem:$0x1220]  }
0x11e: {  	v44 =	vld [tilespmem:$0x530]  }
0x11f: {  	v45 =	vld [tilespmem:$0x1230]  }
0x120: {  	v46 =	vld [tilespmem:$0x540]  }
0x121: {  	v47 =	vld [tilespmem:$0x1240]  }
0x122: {  	v48 =	vld [tilespmem:$0x550]  }
0x123: {  	v49 =	vld [tilespmem:$0x1250]  }
0x124: {  	v50 =	vld [tilespmem:$0x560]  }
0x125: {  	v51 =	vld [tilespmem:$0x1260];
	v0 =	vadd.s32 v38, v39  }
0x126: {  	v53 =	vld [tilespmem:$0x570];
	v52 =	vadd.s32 v40, v41;
	[tilespmem:$0x500] =	vst v0  }
0x127: {  	v55 =	vld [tilespmem:$0x1270];
	v54 =	vadd.s32 v42, v43;
	[tilespmem:$0x510] =	vst v52  }
0x128: {  	v56 =	vadd.s32 v44, v45;
	[tilespmem:$0x520] =	vst v54  }
0x129: {  	v57 =	vadd.s32 v46, v47;
	[tilespmem:$0x530] =	vst v56  }
0x12a: {  	v58 =	vadd.s32 v48, v49;
	[tilespmem:$0x540] =	vst v57  }
0x12b: {  	v59 =	vadd.s32 v50, v51;
	[tilespmem:$0x550] =	vst v58  }
0x12c: {  	s0 =	rddreg [dreg:$0x18];
	v60 =	vadd.s32 v53, v55;
	[tilespmem:$0x560] =	vst v59  }
0x12d: {  	s8 =	rddreg [dreg:$0x19];
	[tilespmem:$0x570] =	vst v60  }
0x12e: {  	[tilespmem:s8], [sflag:$0x1] =	stream.indirect.gather [hbm4b:s3+s6], $0x20, s0, s6, $0xb8;
	[tilespmem:$0x1BA00] =	vst v63  }
0x12f: {  	v61 =	vld [tilespmem:$0x580]  }
0x130: {  	v62 =	vld [tilespmem:$0x1280]  }
0x131: {  	v63 =	vld [tilespmem:$0x590]  }
0x132: {  	v16 =	vld [tilespmem:$0x1290]  }
0x133: {  	v17 =	vld [tilespmem:$0x5A0]  }
0x134: {  	v18 =	vld [tilespmem:$0x12A0]  }
0x135: {  	v19 =	vld [tilespmem:$0x5B0]  }
0x136: {  	v20 =	vld [tilespmem:$0x12B0]  }
0x137: {  	v21 =	vld [tilespmem:$0x5C0]  }
0x138: {  	v22 =	vld [tilespmem:$0x12C0]  }
0x139: {  	v23 =	vld [tilespmem:$0x5D0]  }
0x13a: {  	v24 =	vld [tilespmem:$0x12D0]  }
0x13b: {  	v25 =	vld [tilespmem:$0x5E0]  }
0x13c: {  	v26 =	vld [tilespmem:$0x12E0];
	v0 =	vadd.s32 v61, v62  }
0x13d: {  	v28 =	vld [tilespmem:$0x5F0];
	v27 =	vadd.s32 v63, v16;
	[tilespmem:$0x580] =	vst v0  }
0x13e: {  	v30 =	vld [tilespmem:$0x12F0];
	v29 =	vadd.s32 v17, v18;
	[tilespmem:$0x590] =	vst v27  }
0x13f: {  	v31 =	vadd.s32 v19, v20;
	[tilespmem:$0x5A0] =	vst v29  }
0x140: {  	v32 =	vadd.s32 v21, v22;
	[tilespmem:$0x5B0] =	vst v31  }
0x141: {  	v33 =	vadd.s32 v23, v24;
	[tilespmem:$0x5C0] =	vst v32  }
0x142: {  	v34 =	vadd.s32 v25, v26;
	[tilespmem:$0x5D0] =	vst v33  }
0x143: {  	s0 =	rddreg [dreg:$0x1a];
	v35 =	vadd.s32 v28, v30;
	[tilespmem:$0x5E0] =	vst v34  }
0x144: {  	s8 =	rddreg [dreg:$0x1b];
	[tilespmem:$0x5F0] =	vst v35  }
0x145: {  	[tilespmem:s8], [sflag:$0x1] =	stream.indirect.gather [hbm4b:s3+s6], $0x20, s0, s6, $0xb8;
	[tilespmem:$0x1BA00] =	vst v63  }
0x146: {  	v36 =	vld [tilespmem:$0x600]  }
0x147: {  	v37 =	vld [tilespmem:$0x1300]  }
0x148: {  	v38 =	vld [tilespmem:$0x610]  }
0x149: {  	v39 =	vld [tilespmem:$0x1310]  }
0x14a: {  	v40 =	vld [tilespmem:$0x620]  }
0x14b: {  	v41 =	vld [tilespmem:$0x1320]  }
0x14c: {  	v42 =	vld [tilespmem:$0x630]  }
0x14d: {  	v43 =	vld [tilespmem:$0x1330]  }
0x14e: {  	v44 =	vld [tilespmem:$0x640]  }
0x14f: {  	v45 =	vld [tilespmem:$0x1340]  }
0x150: {  	v46 =	vld [tilespmem:$0x650]  }
0x151: {  	v47 =	vld [tilespmem:$0x1350]  }
0x152: {  	v48 =	vld [tilespmem:$0x660]  }
0x153: {  	v49 =	vld [tilespmem:$0x1360];
	v0 =	vadd.s32 v36, v37  }
0x154: {  	v51 =	vld [tilespmem:$0x670];
	v50 =	vadd.s32 v38, v39;
	[tilespmem:$0x600] =	vst v0  }
0x155: {  	v53 =	vld [tilespmem:$0x1370];
	v52 =	vadd.s32 v40, v41;
	[tilespmem:$0x610] =	vst v50  }
0x156: {  	v54 =	vadd.s32 v42, v43;
	[tilespmem:$0x620] =	vst v52  }
0x157: {  	v55 =	vadd.s32 v44, v45;
	[tilespmem:$0x630] =	vst v54  }
0x158: {  	v56 =	vadd.s32 v46, v47;
	[tilespmem:$0x640] =	vst v55  }
0x159: {  	v57 =	vadd.s32 v48, v49;
	[tilespmem:$0x650] =	vst v56  }
0x15a: {  	s0 =	rddreg [dreg:$0x1c];
	v58 =	vadd.s32 v51, v53;
	[tilespmem:$0x660] =	vst v57  }
0x15b: {  	s8 =	rddreg [dreg:$0x1d];
	[tilespmem:$0x670] =	vst v58  }
0x15c: {  	[tilespmem:s8], [sflag:$0x1] =	stream.indirect.gather [hbm4b:s3+s6], $0x20, s0, s6, $0xb8;
	[tilespmem:$0x1BA00] =	vst v63  }
0x15d: {  	v59 =	vld [tilespmem:$0x680]  }
0x15e: {  	v60 =	vld [tilespmem:$0x1380]  }
0x15f: {  	v61 =	vld [tilespmem:$0x690]  }
0x160: {  	v62 =	vld [tilespmem:$0x1390]  }
0x161: {  	v63 =	vld [tilespmem:$0x6A0]  }
0x162: {  	v16 =	vld [tilespmem:$0x13A0]  }
0x163: {  	v17 =	vld [tilespmem:$0x6B0]  }
0x164: {  	v18 =	vld [tilespmem:$0x13B0]  }
0x165: {  	v19 =	vld [tilespmem:$0x6C0]  }
0x166: {  	v20 =	vld [tilespmem:$0x13C0]  }
0x167: {  	v21 =	vld [tilespmem:$0x6D0]  }
0x168: {  	v22 =	vld [tilespmem:$0x13D0]  }
0x169: {  	v23 =	vld [tilespmem:$0x6E0]  }
0x16a: {  	v24 =	vld [tilespmem:$0x13E0];
	v0 =	vadd.s32 v59, v60  }
0x16b: {  	v26 =	vld [tilespmem:$0x6F0];
	v25 =	vadd.s32 v61, v62;
	[tilespmem:$0x680] =	vst v0  }
0x16c: {  	v28 =	vld [tilespmem:$0x13F0];
	v27 =	vadd.s32 v63, v16;
	[tilespmem:$0x690] =	vst v25  }
0x16d: {  	v29 =	vadd.s32 v17, v18;
	[tilespmem:$0x6A0] =	vst v27  }
0x16e: {  	v30 =	vadd.s32 v19, v20;
	[tilespmem:$0x6B0] =	vst v29  }
0x16f: {  	v31 =	vadd.s32 v21, v22;
	[tilespmem:$0x6C0] =	vst v30  }
0x170: {  	v32 =	vadd.s32 v23, v24;
	[tilespmem:$0x6D0] =	vst v31  }
0x171: {  	s0 =	rddreg [dreg:$0x1e];
	v33 =	vadd.s32 v26, v28;
	[tilespmem:$0x6E0] =	vst v32  }
0x172: {  	s8 =	rddreg [dreg:$0x1f];
	[tilespmem:$0x6F0] =	vst v33  }
0x173: {  	[tilespmem:s8], [sflag:$0x1] =	stream.indirect.gather [hbm4b:s3+s6], $0x20, s0, s6, $0xb8;
	[tilespmem:$0x1BA00] =	vst v63  }
0x174: {  	v34 =	vld [tilespmem:$0x700]  }
0x175: {  	v35 =	vld [tilespmem:$0x1400]  }
0x176: {  	v36 =	vld [tilespmem:$0x710]  }
0x177: {  	v37 =	vld [tilespmem:$0x1410]  }
0x178: {  	v38 =	vld [tilespmem:$0x720]  }
0x179: {  	v39 =	vld [tilespmem:$0x1420]  }
0x17a: {  	v40 =	vld [tilespmem:$0x730]  }
0x17b: {  	v41 =	vld [tilespmem:$0x1430]  }
0x17c: {  	v42 =	vld [tilespmem:$0x740]  }
0x17d: {  	v43 =	vld [tilespmem:$0x1440]  }
0x17e: {  	v44 =	vld [tilespmem:$0x750]  }
0x17f: {  	v45 =	vld [tilespmem:$0x1450]  }
0x180: {  	v46 =	vld [tilespmem:$0x760]  }
0x181: {  	v47 =	vld [tilespmem:$0x1460];
	v0 =	vadd.s32 v34, v35  }
0x182: {  	v49 =	vld [tilespmem:$0x770];
	v48 =	vadd.s32 v36, v37;
	[tilespmem:$0x700] =	vst v0  }
0x183: {  	v51 =	vld [tilespmem:$0x1470];
	v50 =	vadd.s32 v38, v39;
	[tilespmem:$0x710] =	vst v48  }
0x184: {  	v52 =	vadd.s32 v40, v41;
	[tilespmem:$0x720] =	vst v50  }
0x185: {  	v53 =	vadd.s32 v42, v43;
	[tilespmem:$0x730] =	vst v52  }
0x186: {  	v54 =	vadd.s32 v44, v45;
	[tilespmem:$0x740] =	vst v53  }
0x187: {  	s0 =	sld [smem:$0x7FD];
	v55 =	vadd.s32 v46, v47;
	[tilespmem:$0x750] =	vst v54  }
0x188: {  	v56 =	vadd.s32 v49, v51;
	[tilespmem:$0x760] =	vst v55  }
0x189: {  	s8 =	simm.s32 $0xFA00;
	[tilespmem:$0x770] =	vst v56  }
0x18a: {  	[tilespmem:s8], [sflag:$0x1] =	stream.indirect.gather [hbm4b:s3+s6], $0x20, s0, s6, $0xb8;
	[tilespmem:$0x1BA00] =	vst v63  }
0x18b: {  	v57 =	vld [tilespmem:$0x780]  }
0x18c: {  	v58 =	vld [tilespmem:$0x1480]  }
0x18d: {  	v59 =	vld [tilespmem:$0x790]  }
0x18e: {  	v60 =	vld [tilespmem:$0x1490]  }
0x18f: {  	v61 =	vld [tilespmem:$0x7A0]  }
0x190: {  	v62 =	vld [tilespmem:$0x14A0]  }
0x191: {  	v63 =	vld [tilespmem:$0x7B0]  }
0x192: {  	v16 =	vld [tilespmem:$0x14B0]  }
0x193: {  	v17 =	vld [tilespmem:$0x7C0]  }
0x194: {  	v18 =	vld [tilespmem:$0x14C0]  }
0x195: {  	v19 =	vld [tilespmem:$0x7D0]  }
0x196: {  	v20 =	vld [tilespmem:$0x14D0]  }
0x197: {  	v21 =	vld [tilespmem:$0x7E0]  }
0x198: {  	v22 =	vld [tilespmem:$0x14E0];
	v0 =	vadd.s32 v57, v58  }
0x199: {  	v24 =	vld [tilespmem:$0x7F0];
	v23 =	vadd.s32 v59, v60;
	[tilespmem:$0x780] =	vst v0  }
0x19a: {  	v26 =	vld [tilespmem:$0x14F0];
	v25 =	vadd.s32 v61, v62;
	[tilespmem:$0x790] =	vst v23  }
0x19b: {  	v27 =	vadd.s32 v63, v16;
	[tilespmem:$0x7A0] =	vst v25  }
0x19c: {  	v28 =	vadd.s32 v17, v18;
	[tilespmem:$0x7B0] =	vst v27  }
0x19d: {  	v29 =	vadd.s32 v19, v20;
	[tilespmem:$0x7C0] =	vst v28  }
0x19e: {  	v30 =	vadd.s32 v21, v22;
	[tilespmem:$0x7D0] =	vst v29  }
0x19f: {  	v31 =	vadd.s32 v24, v26;
	[tilespmem:$0x7E0] =	vst v30  }
0x1a0: {  	[tilespmem:$0x7F0] =	vst v31  }
0x1a1: {  	[tilespmem:s10], [sflag:$0x1] =	stream.indirect.gather [hbm4b:s3+s6], $0x20, s9, s6, $0xb8;
	[tilespmem:$0x1BA00] =	vst v63  }
0x1a2: {  	v32 =	vld [tilespmem:$0x800]  }
0x1a3: {  	v33 =	vld [tilespmem:$0x1500]  }
0x1a4: {  	v34 =	vld [tilespmem:$0x810]  }
0x1a5: {  	v35 =	vld [tilespmem:$0x1510]  }
0x1a6: {  	v36 =	vld [tilespmem:$0x820]  }
0x1a7: {  	v37 =	vld [tilespmem:$0x1520]  }
0x1a8: {  	v38 =	vld [tilespmem:$0x830]  }
0x1a9: {  	v39 =	vld [tilespmem:$0x1530]  }
0x1aa: {  	v40 =	vld [tilespmem:$0x840]  }
0x1ab: {  	v41 =	vld [tilespmem:$0x1540]  }
0x1ac: {  	v42 =	vld [tilespmem:$0x850]  }
0x1ad: {  	v43 =	vld [tilespmem:$0x1550]  }
0x1ae: {  	v44 =	vld [tilespmem:$0x860]  }
0x1af: {  	v45 =	vld [tilespmem:$0x1560];
	v0 =	vadd.s32 v32, v33  }
0x1b0: {  	v47 =	vld [tilespmem:$0x870];
	v46 =	vadd.s32 v34, v35;
	[tilespmem:$0x800] =	vst v0  }
0x1b1: {  	v49 =	vld [tilespmem:$0x1570];
	v48 =	vadd.s32 v36, v37;
	[tilespmem:$0x810] =	vst v46  }
0x1b2: {  	v50 =	vadd.s32 v38, v39;
	[tilespmem:$0x820] =	vst v48  }
0x1b3: {  	v51 =	vadd.s32 v40, v41;
	[tilespmem:$0x830] =	vst v50  }
0x1b4: {  	v52 =	vadd.s32 v42, v43;
	[tilespmem:$0x840] =	vst v51  }
0x1b5: {  	v53 =	vadd.s32 v44, v45;
	[tilespmem:$0x850] =	vst v52  }
0x1b6: {  	v54 =	vadd.s32 v47, v49;
	[tilespmem:$0x860] =	vst v53  }
0x1b7: {  	[tilespmem:$0x870] =	vst v54  }
0x1b8: {  	[tilespmem:s12], [sflag:$0x1] =	stream.indirect.gather [hbm4b:s3+s6], $0x20, s11, s6, $0xb8;
	[tilespmem:$0x1BA00] =	vst v63  }
0x1b9: {  	v55 =	vld [tilespmem:$0x880]  }
0x1ba: {  	v56 =	vld [tilespmem:$0x1580]  }
0x1bb: {  	v57 =	vld [tilespmem:$0x890]  }
0x1bc: {  	v58 =	vld [tilespmem:$0x1590]  }
0x1bd: {  	v59 =	vld [tilespmem:$0x8A0]  }
0x1be: {  	v60 =	vld [tilespmem:$0x15A0]  }
0x1bf: {  	v61 =	vld [tilespmem:$0x8B0]  }
0x1c0: {  	v62 =	vld [tilespmem:$0x15B0]  }
0x1c1: {  	v63 =	vld [tilespmem:$0x8C0]  }
0x1c2: {  	v16 =	vld [tilespmem:$0x15C0]  }
0x1c3: {  	v17 =	vld [tilespmem:$0x8D0]  }
0x1c4: {  	v18 =	vld [tilespmem:$0x15D0]  }
0x1c5: {  	v19 =	vld [tilespmem:$0x8E0]  }
0x1c6: {  	v20 =	vld [tilespmem:$0x15E0];
	v0 =	vadd.s32 v55, v56  }
0x1c7: {  	v22 =	vld [tilespmem:$0x8F0];
	v21 =	vadd.s32 v57, v58;
	[tilespmem:$0x880] =	vst v0  }
0x1c8: {  	v24 =	vld [tilespmem:$0x15F0];
	v23 =	vadd.s32 v59, v60;
	[tilespmem:$0x890] =	vst v21  }
0x1c9: {  	v25 =	vadd.s32 v61, v62;
	[tilespmem:$0x8A0] =	vst v23  }
0x1ca: {  	v26 =	vadd.s32 v63, v16;
	[tilespmem:$0x8B0] =	vst v25  }
0x1cb: {  	v27 =	vadd.s32 v17, v18;
	[tilespmem:$0x8C0] =	vst v26  }
0x1cc: {  	v28 =	vadd.s32 v19, v20;
	[tilespmem:$0x8D0] =	vst v27  }
0x1cd: {  	v29 =	vadd.s32 v22, v24;
	[tilespmem:$0x8E0] =	vst v28  }
0x1ce: {  	[tilespmem:$0x8F0] =	vst v29  }
0x1cf: {  	[tilespmem:s14], [sflag:$0x1] =	stream.indirect.gather [hbm4b:s3+s6], $0x20, s13, s6, $0xb8;
	[tilespmem:$0x1BA00] =	vst v63  }
0x1d0: {  	v30 =	vld [tilespmem:$0x900]  }
0x1d1: {  	v31 =	vld [tilespmem:$0x1600]  }
0x1d2: {  	v32 =	vld [tilespmem:$0x910]  }
0x1d3: {  	v33 =	vld [tilespmem:$0x1610]  }
0x1d4: {  	v34 =	vld [tilespmem:$0x920]  }
0x1d5: {  	v35 =	vld [tilespmem:$0x1620]  }
0x1d6: {  	v36 =	vld [tilespmem:$0x930]  }
0x1d7: {  	v37 =	vld [tilespmem:$0x1630]  }
0x1d8: {  	v38 =	vld [tilespmem:$0x940]  }
0x1d9: {  	v39 =	vld [tilespmem:$0x1640]  }
0x1da: {  	v40 =	vld [tilespmem:$0x950]  }
0x1db: {  	v41 =	vld [tilespmem:$0x1650]  }
0x1dc: {  	v42 =	vld [tilespmem:$0x960]  }
0x1dd: {  	v43 =	vld [tilespmem:$0x1660];
	v0 =	vadd.s32 v30, v31  }
0x1de: {  	v45 =	vld [tilespmem:$0x970];
	v44 =	vadd.s32 v32, v33;
	[tilespmem:$0x900] =	vst v0  }
0x1df: {  	v47 =	vld [tilespmem:$0x1670];
	v46 =	vadd.s32 v34, v35;
	[tilespmem:$0x910] =	vst v44  }
0x1e0: {  	v48 =	vadd.s32 v36, v37;
	[tilespmem:$0x920] =	vst v46  }
0x1e1: {  	v49 =	vadd.s32 v38, v39;
	[tilespmem:$0x930] =	vst v48  }
0x1e2: {  	v50 =	vadd.s32 v40, v41;
	[tilespmem:$0x940] =	vst v49  }
0x1e3: {  	v51 =	vadd.s32 v42, v43;
	[tilespmem:$0x950] =	vst v50  }
0x1e4: {  	v52 =	vadd.s32 v45, v47;
	[tilespmem:$0x960] =	vst v51  }
0x1e5: {  	[tilespmem:$0x970] =	vst v52  }
0x1e6: {  	[tilespmem:s16], [sflag:$0x1] =	stream.indirect.gather [hbm4b:s3+s6], $0x20, s15, s6, $0xb8;
	[tilespmem:$0x1BA00] =	vst v63  }
0x1e7: {  	v53 =	vld [tilespmem:$0x980]  }
0x1e8: {  	v54 =	vld [tilespmem:$0x1680]  }
0x1e9: {  	v55 =	vld [tilespmem:$0x990]  }
0x1ea: {  	v56 =	vld [tilespmem:$0x1690]  }
0x1eb: {  	v57 =	vld [tilespmem:$0x9A0]  }
0x1ec: {  	v58 =	vld [tilespmem:$0x16A0]  }
0x1ed: {  	v59 =	vld [tilespmem:$0x9B0]  }
0x1ee: {  	v60 =	vld [tilespmem:$0x16B0]  }
0x1ef: {  	v61 =	vld [tilespmem:$0x9C0]  }
0x1f0: {  	v62 =	vld [tilespmem:$0x16C0]  }
0x1f1: {  	v63 =	vld [tilespmem:$0x9D0]  }
0x1f2: {  	v16 =	vld [tilespmem:$0x16D0]  }
0x1f3: {  	v17 =	vld [tilespmem:$0x9E0]  }
0x1f4: {  	v18 =	vld [tilespmem:$0x16E0];
	v0 =	vadd.s32 v53, v54  }
0x1f5: {  	v20 =	vld [tilespmem:$0x9F0];
	v19 =	vadd.s32 v55, v56;
	[tilespmem:$0x980] =	vst v0  }
0x1f6: {  	v22 =	vld [tilespmem:$0x16F0];
	v21 =	vadd.s32 v57, v58;
	[tilespmem:$0x990] =	vst v19  }
0x1f7: {  	v23 =	vadd.s32 v59, v60;
	[tilespmem:$0x9A0] =	vst v21  }
0x1f8: {  	v24 =	vadd.s32 v61, v62;
	[tilespmem:$0x9B0] =	vst v23  }
0x1f9: {  	v25 =	vadd.s32 v63, v16;
	[tilespmem:$0x9C0] =	vst v24  }
0x1fa: {  	v26 =	vadd.s32 v17, v18;
	[tilespmem:$0x9D0] =	vst v25  }
0x1fb: {  	v27 =	vadd.s32 v20, v22;
	[tilespmem:$0x9E0] =	vst v26  }
0x1fc: {  	[tilespmem:$0x9F0] =	vst v27  }
0x1fd: {  	[tilespmem:s18], [sflag:$0x1] =	stream.indirect.gather [hbm4b:s3+s6], $0x20, s17, s6, $0xb8;
	[tilespmem:$0x1BA00] =	vst v63  }
0x1fe: {  	v28 =	vld [tilespmem:$0xA00]  }
0x1ff: {  	v29 =	vld [tilespmem:$0x1700]  }
0x200: {  	v30 =	vld [tilespmem:$0xA10]  }
0x201: {  	v31 =	vld [tilespmem:$0x1710]  }
0x202: {  	v32 =	vld [tilespmem:$0xA20]  }
0x203: {  	v33 =	vld [tilespmem:$0x1720]  }
0x204: {  	v34 =	vld [tilespmem:$0xA30]  }
0x205: {  	v35 =	vld [tilespmem:$0x1730]  }
0x206: {  	v36 =	vld [tilespmem:$0xA40]  }
0x207: {  	v37 =	vld [tilespmem:$0x1740]  }
0x208: {  	v38 =	vld [tilespmem:$0xA50]  }
0x209: {  	v39 =	vld [tilespmem:$0x1750]  }
0x20a: {  	v40 =	vld [tilespmem:$0xA60]  }
0x20b: {  	v41 =	vld [tilespmem:$0x1760];
	v0 =	vadd.s32 v28, v29  }
0x20c: {  	v43 =	vld [tilespmem:$0xA70];
	v42 =	vadd.s32 v30, v31;
	[tilespmem:$0xA00] =	vst v0  }
0x20d: {  	v45 =	vld [tilespmem:$0x1770];
	v44 =	vadd.s32 v32, v33;
	[tilespmem:$0xA10] =	vst v42  }
0x20e: {  	v46 =	vadd.s32 v34, v35;
	[tilespmem:$0xA20] =	vst v44  }
0x20f: {  	v47 =	vadd.s32 v36, v37;
	[tilespmem:$0xA30] =	vst v46  }
0x210: {  	v48 =	vadd.s32 v38, v39;
	[tilespmem:$0xA40] =	vst v47  }
0x211: {  	v49 =	vadd.s32 v40, v41;
	[tilespmem:$0xA50] =	vst v48  }
0x212: {  	v50 =	vadd.s32 v43, v45;
	[tilespmem:$0xA60] =	vst v49  }
0x213: {  	[tilespmem:$0xA70] =	vst v50  }
0x214: {  	[tilespmem:s20], [sflag:$0x1] =	stream.indirect.gather [hbm4b:s3+s6], $0x20, s19, s6, $0xb8;
	[tilespmem:$0x1BA00] =	vst v63  }
0x215: {  	v51 =	vld [tilespmem:$0xA80]  }
0x216: {  	v52 =	vld [tilespmem:$0x1780]  }
0x217: {  	v53 =	vld [tilespmem:$0xA90]  }
0x218: {  	v54 =	vld [tilespmem:$0x1790]  }
0x219: {  	v55 =	vld [tilespmem:$0xAA0]  }
0x21a: {  	v56 =	vld [tilespmem:$0x17A0]  }
0x21b: {  	v57 =	vld [tilespmem:$0xAB0]  }
0x21c: {  	v58 =	vld [tilespmem:$0x17B0]  }
0x21d: {  	v59 =	vld [tilespmem:$0xAC0]  }
0x21e: {  	v60 =	vld [tilespmem:$0x17C0]  }
0x21f: {  	v61 =	vld [tilespmem:$0xAD0]  }
0x220: {  	v62 =	vld [tilespmem:$0x17D0]  }
0x221: {  	v63 =	vld [tilespmem:$0xAE0]  }
0x222: {  	v13 =	vld [tilespmem:$0x17E0];
	v0 =	vadd.s32 v51, v52  }
0x223: {  	v15 =	vld [tilespmem:$0xAF0];
	v14 =	vadd.s32 v53, v54;
	[tilespmem:$0xA80] =	vst v0  }
0x224: {  	v17 =	vld [tilespmem:$0x17F0];
	v16 =	vadd.s32 v55, v56;
	[tilespmem:$0xA90] =	vst v14  }
0x225: {  	v18 =	vadd.s32 v57, v58;
	[tilespmem:$0xAA0] =	vst v16  }
0x226: {  	v19 =	vadd.s32 v59, v60;
	[tilespmem:$0xAB0] =	vst v18  }
0x227: {  	v20 =	vadd.s32 v61, v62;
	[tilespmem:$0xAC0] =	vst v19  }
0x228: {  	v21 =	vadd.s32 v63, v13;
	[tilespmem:$0xAD0] =	vst v20  }
0x229: {  	v22 =	vadd.s32 v15, v17;
	[tilespmem:$0xAE0] =	vst v21  }
0x22a: {  	[tilespmem:$0xAF0] =	vst v22  }
0x22b: {  	[tilespmem:s22], [sflag:$0x1] =	stream.indirect.gather [hbm4b:s3+s6], $0x20, s21, s6, $0xb8;
	[tilespmem:$0x1BA00] =	vst v63  }
0x22c: {  	v23 =	vld [tilespmem:$0xB00]  }
0x22d: {  	v24 =	vld [tilespmem:$0x1800]  }
0x22e: {  	v25 =	vld [tilespmem:$0xB10]  }
0x22f: {  	v26 =	vld [tilespmem:$0x1810]  }
0x230: {  	v27 =	vld [tilespmem:$0xB20]  }
0x231: {  	v28 =	vld [tilespmem:$0x1820]  }
0x232: {  	v29 =	vld [tilespmem:$0xB30]  }
0x233: {  	v30 =	vld [tilespmem:$0x1830]  }
0x234: {  	v31 =	vld [tilespmem:$0xB40]  }
0x235: {  	v32 =	vld [tilespmem:$0x1840]  }
0x236: {  	v33 =	vld [tilespmem:$0xB50]  }
0x237: {  	v34 =	vld [tilespmem:$0x1850]  }
0x238: {  	v35 =	vld [tilespmem:$0xB60]  }
0x239: {  	v36 =	vld [tilespmem:$0x1860];
	v0 =	vadd.s32 v23, v24  }
0x23a: {  	v38 =	vld [tilespmem:$0xB70];
	v37 =	vadd.s32 v25, v26;
	[tilespmem:$0xB00] =	vst v0  }
0x23b: {  	v40 =	vld [tilespmem:$0x1870];
	v39 =	vadd.s32 v27, v28;
	[tilespmem:$0xB10] =	vst v37  }
0x23c: {  	v41 =	vadd.s32 v29, v30;
	[tilespmem:$0xB20] =	vst v39  }
0x23d: {  	v42 =	vadd.s32 v31, v32;
	[tilespmem:$0xB30] =	vst v41  }
0x23e: {  	v43 =	vadd.s32 v33, v34;
	[tilespmem:$0xB40] =	vst v42  }
0x23f: {  	v44 =	vadd.s32 v35, v36;
	[tilespmem:$0xB50] =	vst v43  }
0x240: {  	v45 =	vadd.s32 v38, v40;
	[tilespmem:$0xB60] =	vst v44  }
0x241: {  	[tilespmem:$0xB70] =	vst v45  }
0x242: {  	[tilespmem:s24], [sflag:$0x1] =	stream.indirect.gather [hbm4b:s3+s6], $0x20, s23, s6, $0xb8;
	[tilespmem:$0x1BA00] =	vst v63  }
0x243: {  	v46 =	vld [tilespmem:$0xB80]  }
0x244: {  	v47 =	vld [tilespmem:$0x1880]  }
0x245: {  	v48 =	vld [tilespmem:$0xB90]  }
0x246: {  	v49 =	vld [tilespmem:$0x1890]  }
0x247: {  	v50 =	vld [tilespmem:$0xBA0]  }
0x248: {  	v51 =	vld [tilespmem:$0x18A0]  }
0x249: {  	v52 =	vld [tilespmem:$0xBB0]  }
0x24a: {  	v53 =	vld [tilespmem:$0x18B0]  }
0x24b: {  	v54 =	vld [tilespmem:$0xBC0]  }
0x24c: {  	v55 =	vld [tilespmem:$0x18C0]  }
0x24d: {  	v56 =	vld [tilespmem:$0xBD0]  }
0x24e: {  	v57 =	vld [tilespmem:$0x18D0]  }
0x24f: {  	v58 =	vld [tilespmem:$0xBE0]  }
0x250: {  	v59 =	vld [tilespmem:$0x18E0];
	v0 =	vadd.s32 v46, v47  }
0x251: {  	v61 =	vld [tilespmem:$0xBF0];
	v60 =	vadd.s32 v48, v49;
	[tilespmem:$0xB80] =	vst v0  }
0x252: {  	v63 =	vld [tilespmem:$0x18F0];
	v62 =	vadd.s32 v50, v51;
	[tilespmem:$0xB90] =	vst v60  }
0x253: {  	v13 =	vadd.s32 v52, v53;
	[tilespmem:$0xBA0] =	vst v62  }
0x254: {  	v14 =	vadd.s32 v54, v55;
	[tilespmem:$0xBB0] =	vst v13  }
0x255: {  	v15 =	vadd.s32 v56, v57;
	[tilespmem:$0xBC0] =	vst v14  }
0x256: {  	v16 =	vadd.s32 v58, v59;
	[tilespmem:$0xBD0] =	vst v15  }
0x257: {  	v17 =	vadd.s32 v61, v63;
	[tilespmem:$0xBE0] =	vst v16  }
0x258: {  	[tilespmem:$0xBF0] =	vst v17  }
0x259: {  	[tilespmem:s26], [sflag:$0x1] =	stream.indirect.gather [hbm4b:s3+s6], $0x20, s25, s6, $0xb8;
	[tilespmem:$0x1BA00] =	vst v63  }
0x25a: {  	v18 =	vld [tilespmem:$0xC00]  }
0x25b: {  	v19 =	vld [tilespmem:$0x1900]  }
0x25c: {  	v20 =	vld [tilespmem:$0xC10]  }
0x25d: {  	v21 =	vld [tilespmem:$0x1910]  }
0x25e: {  	v22 =	vld [tilespmem:$0xC20]  }
0x25f: {  	v23 =	vld [tilespmem:$0x1920]  }
0x260: {  	v24 =	vld [tilespmem:$0xC30]  }
0x261: {  	v25 =	vld [tilespmem:$0x1930]  }
0x262: {  	v26 =	vld [tilespmem:$0xC40]  }
0x263: {  	v27 =	vld [tilespmem:$0x1940]  }
0x264: {  	v28 =	vld [tilespmem:$0xC50]  }
0x265: {  	v29 =	vld [tilespmem:$0x1950]  }
0x266: {  	v30 =	vld [tilespmem:$0xC60]  }
0x267: {  	v31 =	vld [tilespmem:$0x1960];
	v0 =	vadd.s32 v18, v19  }
0x268: {  	v33 =	vld [tilespmem:$0xC70];
	v32 =	vadd.s32 v20, v21;
	[tilespmem:$0xC00] =	vst v0  }
0x269: {  	v35 =	vld [tilespmem:$0x1970];
	v34 =	vadd.s32 v22, v23;
	[tilespmem:$0xC10] =	vst v32  }
0x26a: {  	v36 =	vadd.s32 v24, v25;
	[tilespmem:$0xC20] =	vst v34  }
0x26b: {  	v37 =	vadd.s32 v26, v27;
	[tilespmem:$0xC30] =	vst v36  }
0x26c: {  	v38 =	vadd.s32 v28, v29;
	[tilespmem:$0xC40] =	vst v37  }
0x26d: {  	v39 =	vadd.s32 v30, v31;
	[tilespmem:$0xC50] =	vst v38  }
0x26e: {  	v40 =	vadd.s32 v33, v35;
	[tilespmem:$0xC60] =	vst v39  }
0x26f: {  	[tilespmem:$0xC70] =	vst v40  }
0x270: {  	[tilespmem:s29], [sflag:$0x1] =	stream.indirect.gather [hbm4b:s3+s6], $0x20, s28, s6, $0xb8;
	[tilespmem:$0x1BA00] =	vst v63  }
0x271: {  	v41 =	vld [tilespmem:$0xC80]  }
0x272: {  	v42 =	vld [tilespmem:$0x1980]  }
0x273: {  	v43 =	vld [tilespmem:$0xC90]  }
0x274: {  	v44 =	vld [tilespmem:$0x1990]  }
0x275: {  	v45 =	vld [tilespmem:$0xCA0]  }
0x276: {  	v46 =	vld [tilespmem:$0x19A0]  }
0x277: {  	v47 =	vld [tilespmem:$0xCB0]  }
0x278: {  	v48 =	vld [tilespmem:$0x19B0]  }
0x279: {  	v49 =	vld [tilespmem:$0xCC0]  }
0x27a: {  	v50 =	vld [tilespmem:$0x19C0]  }
0x27b: {  	v51 =	vld [tilespmem:$0xCD0]  }
0x27c: {  	v52 =	vld [tilespmem:$0x19D0]  }
0x27d: {  	v53 =	vld [tilespmem:$0xCE0]  }
0x27e: {  	v54 =	vld [tilespmem:$0x19E0];
	v0 =	vadd.s32 v41, v42  }
0x27f: {  	v56 =	vld [tilespmem:$0xCF0];
	v55 =	vadd.s32 v43, v44;
	[tilespmem:$0xC80] =	vst v0  }
0x280: {  	v58 =	vld [tilespmem:$0x19F0];
	v57 =	vadd.s32 v45, v46;
	[tilespmem:$0xC90] =	vst v55  }
0x281: {  	v59 =	vadd.s32 v47, v48;
	[tilespmem:$0xCA0] =	vst v57  }
0x282: {  	v60 =	vadd.s32 v49, v50;
	[tilespmem:$0xCB0] =	vst v59  }
0x283: {  	v61 =	vadd.s32 v51, v52;
	[tilespmem:$0xCC0] =	vst v60  }
0x284: {  	v62 =	vadd.s32 v53, v54;
	[tilespmem:$0xCD0] =	vst v61  }
0x285: {  	v63 =	vadd.s32 v56, v58;
	[tilespmem:$0xCE0] =	vst v62  }
0x286: {  	[tilespmem:$0xCF0] =	vst v63  }
0x287: {  	[tilespmem:s31], [sflag:$0x1] =	stream.indirect.gather [hbm4b:s3+s6], $0x20, s30, s6, $0xb8;
	[tilespmem:$0x1BA00] =	vst v63  }
0x288: {  	_ =	swait.ge [sflag:s1], $0x1000  }
0x289: {  	[sflag:s1] =	ssyncset.done $0x0  }
0x28a: {  	[sflag:s1] =	ssyncadd.s32 $0xFFFFF000  }
0x28b: {  	_ =	swait.ge [sflag:s1], $0x1000  }
0x28c: {  	[sflag:s1] =	ssyncset.done $0x0  }
0x28d: {  	[sflag:s1] =	ssyncadd.s32 $0xFFFFF000  }
0x28e: {  	_ =	swait.ge [sflag:s1], $0x1000  }
0x28f: {  	[sflag:s1] =	ssyncset.done $0x0  }
0x290: {  	[sflag:s1] =	ssyncadd.s32 $0xFFFFF000  }
0x291: {  	_ =	swait.ge [sflag:s1], $0x1000  }
0x292: {  	[sflag:s1] =	ssyncset.done $0x0  }
0x293: {  	[sflag:s1] =	ssyncadd.s32 $0xFFFFF000  }
0x294: {  	_ =	swait.ge [sflag:s1], $0x1000  }
0x295: {  	[sflag:s1] =	ssyncset.done $0x0  }
0x296: {  	[sflag:s1] =	ssyncadd.s32 $0xFFFFF000  }
0x297: {  	_ =	swait.ge [sflag:s1], $0x1000  }
0x298: {  	[sflag:s1] =	ssyncset.done $0x0  }
0x299: {  	[sflag:s1] =	ssyncadd.s32 $0xFFFFF000  }
0x29a: {  	_ =	swait.ge [sflag:s1], $0x1000  }
0x29b: {  	[sflag:s1] =	ssyncset.done $0x0  }
0x29c: {  	[sflag:s1] =	ssyncadd.s32 $0xFFFFF000  }
0x29d: {  	_ =	swait.ge [sflag:s1], $0x1000  }
0x29e: {  	[sflag:s1] =	ssyncset.done $0x0  }
0x29f: {  	[sflag:s1] =	ssyncadd.s32 $0xFFFFF000  }
0x2a0: {  	_ =	swait.ge [sflag:s1], $0x1000  }
0x2a1: {  	[sflag:s1] =	ssyncset.done $0x0  }
0x2a2: {  	[sflag:s1] =	ssyncadd.s32 $0xFFFFF000  }
0x2a3: {  	_ =	swait.ge [sflag:s1], $0x1000  }
0x2a4: {  	[sflag:s1] =	ssyncset.done $0x0  }
0x2a5: {  	[sflag:s1] =	ssyncadd.s32 $0xFFFFF000  }
0x2a6: {  	_ =	swait.ge [sflag:s1], $0x1000  }
0x2a7: {  	[sflag:s1] =	ssyncset.done $0x0  }
0x2a8: {  	[sflag:s1] =	ssyncadd.s32 $0xFFFFF000  }
0x2a9: {  	_ =	swait.ge [sflag:s1], $0x1000  }
0x2aa: {  	[sflag:s1] =	ssyncset.done $0x0  }
0x2ab: {  	[sflag:s1] =	ssyncadd.s32 $0xFFFFF000  }
0x2ac: {  	_ =	swait.ge [sflag:s1], $0x1000  }
0x2ad: {  	[sflag:s1] =	ssyncset.done $0x0  }
0x2ae: {  	[sflag:s1] =	ssyncadd.s32 $0xFFFFF000  }
0x2af: {  	_ =	swait.ge [sflag:s1], $0x1000  }
0x2b0: {  	[sflag:s1] =	ssyncset.done $0x0  }
0x2b1: {  	[sflag:s1] =	ssyncadd.s32 $0xFFFFF000  }
0x2b2: {  	_ =	swait.ge [sflag:s1], $0x1000  }
0x2b3: {  	[sflag:s1] =	ssyncset.done $0x0  }
0x2b4: {  	[sflag:s1] =	ssyncadd.s32 $0xFFFFF000  }
0x2b5: {  	_ =	swait.ge [sflag:s1], $0x1000  }
0x2b6: {  	[sflag:s1] =	ssyncset.done $0x0  }
0x2b7: {  	[sflag:s1] =	ssyncadd.s32 $0xFFFFF000  }
0x2b8: {  	_ =	swait.ge [sflag:s1], $0x1000  }
0x2b9: {  	[sflag:s1] =	ssyncset.done $0x0  }
0x2ba: {  	[sflag:s1] =	ssyncadd.s32 $0xFFFFF000  }
0x2bb: {  	_ =	swait.ge [sflag:s1], $0x1000  }
0x2bc: {  	[sflag:s1] =	ssyncset.done $0x0  }
0x2bd: {  	[sflag:s1] =	ssyncadd.s32 $0xFFFFF000  }
0x2be: {  	_ =	swait.ge [sflag:s1], $0x1000  }
0x2bf: {  	[sflag:s1] =	ssyncset.done $0x0  }
0x2c0: {  	[sflag:s1] =	ssyncadd.s32 $0xFFFFF000  }
0x2c1: {  	_ =	swait.ge [sflag:s1], $0x1000  }
0x2c2: {  	[sflag:s1] =	ssyncset.done $0x0  }
0x2c3: {  	[sflag:s1] =	ssyncadd.s32 $0xFFFFF000  }
0x2c4: {  	_ =	swait.ge [sflag:s1], $0x1000  }
0x2c5: {  	[sflag:s1] =	ssyncset.done $0x0  }
0x2c6: {  	[sflag:s1] =	ssyncadd.s32 $0xFFFFF000  }
0x2c7: {  	_ =	swait.ge [sflag:s1], $0x1000  }
0x2c8: {  	[sflag:s1] =	ssyncset.done $0x0  }
0x2c9: {  	[sflag:s1] =	ssyncadd.s32 $0xFFFFF000  }
0x2ca: {  	_ =	swait.ge [sflag:s1], $0x1000  }
0x2cb: {  	[sflag:s1] =	ssyncset.done $0x0  }
0x2cc: {  	[sflag:s1] =	ssyncadd.s32 $0xFFFFF000  }
0x2cd: {  	_ =	swait.ge [sflag:s1], $0x1000  }
0x2ce: {  	[sflag:s1] =	ssyncset.done $0x0  }
0x2cf: {  	[sflag:s1] =	ssyncadd.s32 $0xFFFFF000  }
0x2d0: {  	_ =	swait.ge [sflag:s1], $0x1000  }
0x2d1: {  	[sflag:s1] =	ssyncset.done $0x0  }
0x2d2: {  	[sflag:s1] =	ssyncadd.s32 $0xFFFFF000  }
0x2d3: {  	_ =	swait.ge [sflag:s1], $0x1000  }
0x2d4: {  	p0 =	sne.s32 s4, $0x1;
	[sflag:s1] =	ssyncset.done $0x0  }
.Ltmp0:
0x2d5: {  	s8 =	rddreg [dreg:$0x5];
	[sflag:s1] =	ssyncadd.s32 $0xFFFFF000;
	(pc) =	sbr.rel @p0 .LBB2_1-.Ltmp0, $4  }
0x2d6: {  	[hbm4b:s8+s2] =	stream.linear.scatter [tilespmem:s7], [sflag:$0x2], $0x1A000, $0x38;
	[tilespmem:$0x1BA00] =	vst v63  }
0x2d7: {  	_ =	swait.ge [sflag:s5], $0x1A000  }
0x2d8: {  	[sflag:s5] =	ssyncset.done $0x0  }
0x2d9: {  	s4 =	sadd.s32 $0xFFFFFFFF, s4;
	[sflag:s5] =	ssyncadd.s32 $0xFFFE6000  }
0x2da: {  	_ =	sfence.sel $0x180000  }
0x2db: {  	[bflag:$0x0] =	sbarrier.arrive $0xFFFF  }
0x2dc: {  	_ =	strace $0x90000047  }
0x2dd: {  	s0 =	stileid.u32;
	[bflag:$0x2] =	sbarrier.arrive $0xFFFF  }
0x2de: {  	p0 =	sne.s32 s0, $0x0;
	s0 =	rddreg [dreg:$0x2]  }
0x2df: {  	s0 =	sadd.s32 @!p0 $0x100000, s0  }
0x2e0: {  	[sflag:s0] =	ssyncadd.tile.s32 @!p0 $0x1;
	_ =	shalt  }
.Lfunc_end2:
_tile_overlayer_lowered:
.L_overlay_start_2:
0x2e1: {  	(tag) =	ssettag $0x2  }
0x2e2: {  	s0 =	rddreg [dreg:$0x0];
	s2 =	stileid.u32  }
0x2e3: {  	s1 =	rddreg [dreg:$0x1];
	p0 =	sne.s32 s2, $0x0  }
0x2e4: {  	s3 =	rddreg [dreg:$0x2];
	[bflag:$0x3] =	sbarrier.arrive $0xFFFF;
	s2 =	simm.s32 @!p0 $0x1C02  }
0x2e5: {  	[timem:s3], [sflag:s2] =	dma.local @!p0 [hbm:s0], s1  }
0x2e6: {  	s0 =	simm.s32 @!p0 $0x2  }
0x2e7: {  	_ =	swait.ge @!p0 [sflag:s0], s1  }
0x2e8: {  	s1 =	ssub.s32 @!p0 $0x0, s1;
	[sflag:s0] =	ssyncset.done @!p0 $0x0  }
0x2e9: {  	[sflag:s0] =	ssyncadd.s32 @!p0 s1  }
0x2ea: {  	[bflag:$0x3] =	sbarrier.arrive $0xFFFF  }
0x2eb: {  	_ =	shalt  }

</sc_bundles>
